<compile_context>
chip_gen: v7x
topology: tpu7x:2x2x1
jax: 0.10.2.dev20260603
libtpu: 0.0.44.dev20260713+nightly
codegen_flags: <defaults>
</compile_context>

<pallas_src>
import functools

import jax
import jax.numpy as jnp
from jax import lax
from jax.experimental import pallas as pl
from jax.experimental.pallas import tpu as pltpu
from jax.experimental.pallas import tpu_sc as plsc

NC = 2
NS = 16
NW = NC * NS
K = 128
DH = 64

_N = 10000
_E = 320000
_NB = 80
_EPAD = NW * _NB * K
_NPAD = 10240
_ZR = _NPAD // NS
_RB = 2000


def _sc_mesh():
    return plsc.VectorSubcoreMesh(
        core_axis_name="c", subcore_axis_name="s", num_cores=NC, num_subcores=NS)



def _sc_degree_inv(dst3, ones_k, zeros1):
    @functools.partial(
        pl.kernel,
        out_type=jax.ShapeDtypeStruct((_NPAD,), jnp.float32),
        mesh=_sc_mesh(),
        scratch_types=[
            pltpu.VMEM((2, _NB, K), jnp.int32),
            pltpu.VMEM((K,), jnp.float32),
            pltpu.VMEM((_ZR,), jnp.float32),
            pltpu.VMEM((_ZR,), jnp.float32),
            pltpu.VMEM_SHARED((_NPAD,), jnp.float32),
        ],
    )
    def body(dst_hbm, ones_hbm, z1_hbm, inv_hbm, dloc, ones_v, cbuf, ibuf, cnt_sh):
        c = lax.axis_index("c")
        s = lax.axis_index("s")
        pltpu.sync_copy(z1_hbm.at[pl.ds(s * _ZR, _ZR)], cnt_sh.at[pl.ds(s * _ZR, _ZR)])
        pltpu.sync_copy(dst_hbm.at[pl.ds(2 * s, 2)], dloc)
        pltpu.sync_copy(ones_hbm, ones_v)
        plsc.subcore_barrier()

        @pl.loop(0, 2 * _NB)
        def _(i):
            pltpu.sync_copy(ones_v, cnt_sh.at[dloc.at[i // _NB, i % _NB]], add=True)

        plsc.subcore_barrier()
        pltpu.sync_copy(cnt_sh.at[pl.ds(s * _ZR, _ZR)], cbuf)
        for k in range(_ZR // 16):
            v = cbuf[pl.ds(k * 16, 16)]
            ibuf[pl.ds(k * 16, 16)] = 1.0 / jnp.maximum(v, 1.0)

        @pl.when(c == 0)
        def _():
            pltpu.sync_copy(ibuf, inv_hbm.at[pl.ds(s * _ZR, _ZR)])

    return body(dst3, ones_k, zeros1)


def _sc_segment_sum(y_halves, src3, dst3, zeros2):
    nh = len(y_halves)

    @functools.partial(
        pl.kernel,
        out_type=tuple(jax.ShapeDtypeStruct((NC, _NPAD, DH), jnp.float32)
                       for _ in range(nh)),
        mesh=_sc_mesh(),
        scratch_types=[
            pltpu.VMEM((_NB, K), jnp.int32),
            pltpu.VMEM((_NB, K), jnp.int32),
            pltpu.VMEM((2, K, DH), jnp.float32),
            pltpu.VMEM_SHARED((_NPAD, DH), jnp.float32),
            pltpu.SemaphoreType.DMA,
            pltpu.SemaphoreType.DMA,
        ],
        compiler_params=pltpu.CompilerParams(use_tc_tiling_on_sc=False),
    )
    def body(*refs):
        y_refs = refs[:nh]
        src_hbm, dst_hbm, z2_hbm = refs[nh:nh + 3]
        out_refs = refs[nh + 3:2 * nh + 3]
        sloc, dloc, rows, acc, sem0, sem1 = refs[2 * nh + 3:]
        c = lax.axis_index("c")
        s = lax.axis_index("s")
        wid = c * NS + s
        pltpu.sync_copy(src_hbm.at[wid], sloc)
        pltpu.sync_copy(dst_hbm.at[wid], dloc)

        for y_hbm, out_hbm in zip(y_refs, out_refs):
            pltpu.sync_copy(z2_hbm.at[pl.ds(s * _ZR, _ZR)], acc.at[pl.ds(s * _ZR, _ZR)])
            plsc.subcore_barrier()

            pltpu.async_copy(y_hbm.at[sloc.at[0]], rows.at[0], sem0)

            @pl.loop(0, _NB, step=2)
            def _(g):
                pltpu.async_copy(y_hbm.at[sloc.at[g + 1]], rows.at[1], sem1)
                pltpu.make_async_copy(y_hbm.at[sloc.at[g]], rows.at[0], sem0).wait()
                pltpu.sync_copy(rows.at[0], acc.at[dloc.at[g]], add=True)

                @pl.when(g + 2 < _NB)
                def _():
                    pltpu.async_copy(y_hbm.at[sloc.at[g + 2]], rows.at[0], sem0)

                pltpu.make_async_copy(y_hbm.at[sloc.at[g + 1]], rows.at[1], sem1).wait()
                pltpu.sync_copy(rows.at[1], acc.at[dloc.at[g + 1]], add=True)

            plsc.subcore_barrier()
            pltpu.sync_copy(acc.at[pl.ds(s * _ZR, _ZR)],
                            out_hbm.at[c, pl.ds(s * _ZR, _ZR)])

    out = body(*y_halves, src3, dst3, zeros2)
    return list(out) if isinstance(out, (tuple, list)) else [out]



def _vspec(d):
    return pl.BlockSpec((1, d), lambda i: (0, 0))


def _row(d):
    return pl.BlockSpec((_RB, d), lambda i: (i, 0))


def _tc_pre(x, wlt, g, rv):
    din, do = wlt.shape
    nh = do // DH

    def body(x_ref, w_ref, g_ref, rv_ref, *o_refs):
        sc = g_ref[...] * lax.rsqrt(rv_ref[...] + 1e-5)
        y = jnp.dot(x_ref[...], w_ref[...] * sc, preferred_element_type=jnp.float32)
        for h, o_ref in enumerate(o_refs):
            o_ref[...] = y[:, h * DH:(h + 1) * DH]

    return pl.pallas_call(
        body,
        grid=(_N // _RB,),
        in_specs=[_row(din), pl.BlockSpec((din, do), lambda i: (0, 0)),
                  _vspec(do), _vspec(do)],
        out_specs=tuple(_row(DH) for _ in range(nh)),
        out_shape=tuple(jax.ShapeDtypeStruct((_N, DH), jnp.float32)
                        for _ in range(nh)),
    )(x, wlt, g.reshape(1, -1), rv.reshape(1, -1))


def _tc_mid(agg_pairs, inv, xin, wrt, bl, g, b, rm, rv, res, wnt, gn, rvn):
    din, do = wrt.shape
    dn = wnt.shape[1]
    nh = len(agg_pairs)
    nyn = dn // DH
    has_res = res is not None

    def body(*refs):
        a_refs = refs[:2 * nh]
        i = 2 * nh
        ivr, xr, wr, blr, gr, br, rmr, rvr = refs[i:i + 8]
        i += 8
        if has_res:
            resr = refs[i]
            i += 1
        wnr, gnr, rvnr = refs[i:i + 3]
        hr = refs[i + 3]
        yn_refs = refs[i + 4:]
        sc = gr[...] * lax.rsqrt(rvr[...] + 1e-5)
        mh = [(a_refs[2 * h][...] + a_refs[2 * h + 1][...]) * ivr[...]
              for h in range(nh)]
        m = mh[0] if nh == 1 else jnp.concatenate(mh, axis=1)
        pre = (m + jnp.dot(xr[...], wr[...] * sc, preferred_element_type=jnp.float32)
               + (blr[...] - rmr[...]) * sc + br[...])
        h_out = jnp.maximum(pre, 0.0)
        if has_res:
            h_out = h_out + resr[...]
        hr[...] = h_out
        scn = gnr[...] * lax.rsqrt(rvnr[...] + 1e-5)
        yn = jnp.dot(h_out, wnr[...] * scn, preferred_element_type=jnp.float32)
        for h, yn_ref in enumerate(yn_refs):
            yn_ref[...] = yn[:, h * DH:(h + 1) * DH]

    in_specs = [_row(DH)] * (2 * nh)
    args = [p for pair in agg_pairs for p in pair]
    in_specs += [pl.BlockSpec((_RB, 1), lambda i: (i, 0)), _row(din),
                 pl.BlockSpec((din, do), lambda i: (0, 0)),
                 _vspec(do), _vspec(do), _vspec(do), _vspec(do), _vspec(do)]
    args += [inv, xin, wrt, bl.reshape(1, -1), g.reshape(1, -1),
             b.reshape(1, -1), rm.reshape(1, -1), rv.reshape(1, -1)]
    if has_res:
        in_specs.append(_row(do))
        args.append(res)
    in_specs += [pl.BlockSpec((do, dn), lambda i: (0, 0)), _vspec(dn), _vspec(dn)]
    args += [wnt, gn.reshape(1, -1), rvn.reshape(1, -1)]

    outs = pl.pallas_call(
        body,
        grid=(_N // _RB,),
        in_specs=in_specs,
        out_specs=(_row(do),) + tuple(_row(DH) for _ in range(nyn)),
        out_shape=((jax.ShapeDtypeStruct((_N, do), jnp.float32),)
                   + tuple(jax.ShapeDtypeStruct((_N, DH), jnp.float32)
                           for _ in range(nyn))),
    )(*args)
    return outs[0], list(outs[1:])


def _tc_fin(a0, a1, inv, xin, wrt, bl, g, b, rm, rv, wot, bo):
    din, do = wrt.shape

    def body(a0r, a1r, ivr, xr, wr, blr, gr, br, rmr, rvr, wor, bor, or_):
        sc = gr[...] * lax.rsqrt(rvr[...] + 1e-5)
        m = (a0r[...] + a1r[...]) * ivr[...]
        pre = (m + jnp.dot(xr[...], wr[...] * sc, preferred_element_type=jnp.float32)
               + (blr[...] - rmr[...]) * sc + br[...])
        h = jnp.maximum(pre, 0.0)
        or_[...] = jnp.dot(h, wor[...], preferred_element_type=jnp.float32) + bor[0, 0]

    return pl.pallas_call(
        body,
        grid=(_N // _RB,),
        in_specs=[_row(do), _row(do), pl.BlockSpec((_RB, 1), lambda i: (i, 0)),
                  _row(din), pl.BlockSpec((din, do), lambda i: (0, 0)),
                  _vspec(do), _vspec(do), _vspec(do), _vspec(do), _vspec(do),
                  pl.BlockSpec((do, 1), lambda i: (0, 0)),
                  pl.BlockSpec(memory_space=pltpu.MemorySpace.SMEM)],
        out_specs=pl.BlockSpec((_RB, 1), lambda i: (i, 0)),
        out_shape=jax.ShapeDtypeStruct((_N, 1), jnp.float32),
    )(a0, a1, inv, xin, wrt,
      bl.reshape(1, -1), g.reshape(1, -1), b.reshape(1, -1),
      rm.reshape(1, -1), rv.reshape(1, -1), wot, bo.reshape(1, 1))



def _pairs(partials):
    return [(p[0, :_N], p[1, :_N]) for p in partials]


def kernel(x, edge_index, Wl1, bl1, Wr1, g1, b1, rm1, rv1,
           Wl2, bl2, Wr2, g2, b2, rm2, rv2,
           Wl3, bl3, Wr3, g3, b3, rm3, rv3, Wo, bo):
    src = edge_index[0]
    dst = edge_index[1]
    pad = _EPAD - _E
    src3 = jnp.concatenate([src, jnp.zeros((pad,), src.dtype)]).reshape(NW, _NB, K)
    dst3 = jnp.concatenate([dst, jnp.full((pad,), _N, dst.dtype)]).reshape(NW, _NB, K)

    zeros1 = jnp.zeros((_NPAD,), jnp.float32)
    zeros2 = jnp.zeros((_NPAD, DH), jnp.float32)
    ones_k = jnp.ones((K,), jnp.float32)

    inv = _sc_degree_inv(dst3, ones_k, zeros1)
    inv_col = inv[:_N].reshape(_N, 1)

    y1h = _tc_pre(x, Wl1.T, g1, rv1)
    p1 = _sc_segment_sum(y1h, src3, dst3, zeros2)
    h1, y2h = _tc_mid(_pairs(p1), inv_col, x, Wr1.T, bl1, g1, b1, rm1, rv1,
                      None, Wl2.T, g2, rv2)
    p2 = _sc_segment_sum(y2h, src3, dst3, zeros2)
    h2, y3h = _tc_mid(_pairs(p2), inv_col, h1, Wr2.T, bl2, g2, b2, rm2, rv2,
                      h1, Wl3.T, g3, rv3)
    p3 = _sc_segment_sum(y3h, src3, dst3, zeros2)
    (a0, a1), = _pairs(p3)
    out = _tc_fin(a0, a1, inv_col, h2, Wr3.T, bl3, g3, b3, rm3, rv3, Wo.T, bo)
    return out.reshape(_N)

# --- scband reference (transcript-rebuilt; emitter-appended) ---
"""Pipeline reference for scband-advanced-fraud-gnn-47579647705318 (READ-ONLY COPY).

The authoritative reference and input builder live on the scoring server;
editing this copy changes nothing except your own understanding.
"""

import jax, jax.numpy as jnp
import numpy as np

N = 10000
E = 320000
D = 128


def _sage(x, src, dst, Wl, bl, Wr):
    # PyG SAGEConv (mean aggr): out = lin_l(mean_agg(x_j)) + lin_r(x)
    n = x.shape[0]
    agg = jax.ops.segment_sum(x[src], dst, num_segments=n)
    cnt = jax.ops.segment_sum(jnp.ones((src.shape[0],), x.dtype), dst, num_segments=n)
    mean = agg / jnp.maximum(cnt, 1.0)[:, None]
    return mean @ Wl.T + bl + x @ Wr.T


def _bn(h, g, b, rm, rv):
    # BatchNorm1d in eval mode (running stats)
    return (h - rm) / jnp.sqrt(rv + 1e-5) * g + b


def setup_inputs(seed: int = 0):
    key = jax.random.key(seed)
    ks = jax.random.split(key, 32)
    inp = {}
    inp['x'] = jax.random.normal(ks[0], (N, D), jnp.float32)
    inp['edge_index'] = jax.random.randint(ks[1], (2, E), 0, N, dtype=jnp.int32)
    dims = [(D, 128), (128, 128), (128, 64)]
    i = 2
    for li, (din, dout) in enumerate(dims, start=1):
        inp['Wl%d' % li] = 0.05 * jax.random.normal(ks[i], (dout, din), jnp.float32); i += 1
        inp['bl%d' % li] = 0.05 * jax.random.normal(ks[i], (dout,), jnp.float32); i += 1
        inp['Wr%d' % li] = 0.05 * jax.random.normal(ks[i], (dout, din), jnp.float32); i += 1
        inp['g%d' % li] = 1.0 + 0.05 * jax.random.normal(ks[i], (dout,), jnp.float32); i += 1
        inp['b%d' % li] = 0.05 * jax.random.normal(ks[i], (dout,), jnp.float32); i += 1
        inp['rm%d' % li] = 0.1 * jax.random.normal(ks[i], (dout,), jnp.float32); i += 1
        inp['rv%d' % li] = jax.random.uniform(ks[i], (dout,), jnp.float32, 0.5, 1.5); i += 1
    inp['Wo'] = 0.05 * jax.random.normal(ks[i], (1, 64), jnp.float32); i += 1
    inp['bo'] = 0.05 * jax.random.normal(ks[i], (1,), jnp.float32)
    return inp


def reference(x, edge_index, Wl1, bl1, Wr1, g1, b1, rm1, rv1, Wl2, bl2, Wr2, g2, b2, rm2, rv2, Wl3, bl3, Wr3, g3, b3, rm3, rv3, Wo, bo):
    # eval mode: dropout is identity, BN uses running stats
    src, dst = edge_index[0], edge_index[1]
    h1 = jax.nn.relu(_bn(_sage(x, src, dst, Wl1, bl1, Wr1), g1, b1, rm1, rv1))
    h2 = jax.nn.relu(_bn(_sage(h1, src, dst, Wl2, bl2, Wr2), g2, b2, rm2, rv2))
    h2 = h2 + h1
    h3 = jax.nn.relu(_bn(_sage(h2, src, dst, Wl3, bl3, Wr3), g3, b3, rm3, rv3))
    return (h3 @ Wo.T + bo).squeeze()

if __name__ == "__main__":
    import jax
    _d = setup_inputs()
    print(jax.jit(kernel)(*tuple(_d.values())))

</pallas_src>

<mosaic_0001>
#map = affine_map<(d0, d1) -> (0, 0)>
#map1 = affine_map<(d0, d1) -> (0, 0, 0)>
module attributes {stable_mosaic.version = 14 : i64} {
  func.func @body(%arg0: i32, %arg1: i32, %arg2: memref<10000x64xf32, #tpu.memory_space<hbm>>, %arg3: memref<10000x64xf32, #tpu.memory_space<hbm>>, %arg4: memref<32x80x128xi32, #tpu.memory_space<hbm>>, %arg5: memref<32x80x128xi32, #tpu.memory_space<hbm>>, %arg6: memref<10240x64xf32, #tpu.memory_space<hbm>>, %arg7: memref<2x10240x64xf32, #tpu.memory_space<hbm>>, %arg8: memref<2x10240x64xf32, #tpu.memory_space<hbm>>, %arg9: memref<80x128xi32, #tpu.memory_space<vmem>>, %arg10: memref<80x128xi32, #tpu.memory_space<vmem>>, %arg11: memref<2x128x64xf32, #tpu.memory_space<vmem>>, %arg12: memref<10240x64xf32, #tpu.memory_space<vmem_shared>>, %arg13: memref<!tpu.dma_semaphore, #tpu.memory_space<semaphore_mem>>, %arg14: memref<!tpu.dma_semaphore, #tpu.memory_space<semaphore_mem>>) attributes {dimension_semantics = [#tpu.dimension_semantics<core_parallel>, #tpu.dimension_semantics<subcore_parallel>], iteration_bounds = array<i64: 2, 16>, scalar_prefetch = 0 : i64, scratch_operands = 6 : i64, tpu.core_type = #tpu.core_type<sc_vector_subcore>, window_params = [{transform_indices = #map}, {transform_indices = #map}, {transform_indices = #map1}, {transform_indices = #map1}, {transform_indices = #map}, {transform_indices = #map1}, {transform_indices = #map1}]} {
    %mul3A = arith.constant 16 : i32
    %mul3A_0 = arith.muli %arg0, %mul3A : i32
    %add3A = arith.addi %mul3A_0, %arg1 : i32
    "tpu.region"() ({
      %run_scoped3A = tpu.sem_alloc : memref<!tpu.dma_semaphore, #tpu.memory_space<semaphore_mem>>
      %dma_start3A_52 = arith.constant 0 : i32
      %dma_start3A_53 = arith.constant 0 : i32
      %dma_start3A_54 = tpu.memref_slice %arg4[%add3A, %dma_start3A_52, %dma_start3A_53] : memref<32x80x128xi32, #tpu.memory_space<hbm>> -> memref<1x80x128xi32, #tpu.memory_space<hbm>>
      %dma_start3A_55 = tpu.memref_squeeze %dma_start3A_54 : memref<1x80x128xi32, #tpu.memory_space<hbm>> -> memref<80x128xi32, #tpu.memory_space<hbm>>
      %dma_start3A_56 = arith.constant 0 : i32
      %dma_start3A_57 = arith.constant 0 : i32
      %dma_start3A_58 = tpu.memref_slice %arg4[%add3A, %dma_start3A_56, %dma_start3A_57] : memref<32x80x128xi32, #tpu.memory_space<hbm>> -> memref<1x80x128xi32, #tpu.memory_space<hbm>>
      %dma_start3A_59 = tpu.memref_squeeze %dma_start3A_58 : memref<1x80x128xi32, #tpu.memory_space<hbm>> -> memref<80x128xi32, #tpu.memory_space<hbm>>
      tpu.enqueue_dma source(%dma_start3A_59 : memref<80x128xi32, #tpu.memory_space<hbm>>) target(%arg9 : memref<80x128xi32, #tpu.memory_space<vmem>>) target_semaphore(%run_scoped3A : memref<!tpu.dma_semaphore, #tpu.memory_space<semaphore_mem>>)
      %dma_wait3A = arith.constant 0 : i32
      %dma_wait3A_60 = arith.constant 0 : i32
      %dma_wait3A_61 = tpu.memref_slice %arg4[%add3A, %dma_wait3A, %dma_wait3A_60] : memref<32x80x128xi32, #tpu.memory_space<hbm>> -> memref<1x80x128xi32, #tpu.memory_space<hbm>>
      %dma_wait3A_62 = tpu.memref_squeeze %dma_wait3A_61 : memref<1x80x128xi32, #tpu.memory_space<hbm>> -> memref<80x128xi32, #tpu.memory_space<hbm>>
      %dma_wait3A_63 = arith.constant 0 : i32
      %dma_wait3A_64 = arith.constant 0 : i32
      %dma_wait3A_65 = tpu.memref_slice %arg4[%add3A, %dma_wait3A_63, %dma_wait3A_64] : memref<32x80x128xi32, #tpu.memory_space<hbm>> -> memref<1x80x128xi32, #tpu.memory_space<hbm>>
      %dma_wait3A_66 = tpu.memref_squeeze %dma_wait3A_65 : memref<1x80x128xi32, #tpu.memory_space<hbm>> -> memref<80x128xi32, #tpu.memory_space<hbm>>
      tpu.wait_dma2 semaphore(%run_scoped3A : memref<!tpu.dma_semaphore, #tpu.memory_space<semaphore_mem>>) src(%dma_wait3A_66 : memref<80x128xi32, #tpu.memory_space<hbm>>) dst(%arg9 : memref<80x128xi32, #tpu.memory_space<vmem>>)
      tpu.yield
    }) : () -> ()
    "tpu.region"() ({
      %run_scoped3A = tpu.sem_alloc : memref<!tpu.dma_semaphore, #tpu.memory_space<semaphore_mem>>
      %dma_start3A_52 = arith.constant 0 : i32
      %dma_start3A_53 = arith.constant 0 : i32
      %dma_start3A_54 = tpu.memref_slice %arg5[%add3A, %dma_start3A_52, %dma_start3A_53] : memref<32x80x128xi32, #tpu.memory_space<hbm>> -> memref<1x80x128xi32, #tpu.memory_space<hbm>>
      %dma_start3A_55 = tpu.memref_squeeze %dma_start3A_54 : memref<1x80x128xi32, #tpu.memory_space<hbm>> -> memref<80x128xi32, #tpu.memory_space<hbm>>
      %dma_start3A_56 = arith.constant 0 : i32
      %dma_start3A_57 = arith.constant 0 : i32
      %dma_start3A_58 = tpu.memref_slice %arg5[%add3A, %dma_start3A_56, %dma_start3A_57] : memref<32x80x128xi32, #tpu.memory_space<hbm>> -> memref<1x80x128xi32, #tpu.memory_space<hbm>>
      %dma_start3A_59 = tpu.memref_squeeze %dma_start3A_58 : memref<1x80x128xi32, #tpu.memory_space<hbm>> -> memref<80x128xi32, #tpu.memory_space<hbm>>
      tpu.enqueue_dma source(%dma_start3A_59 : memref<80x128xi32, #tpu.memory_space<hbm>>) target(%arg10 : memref<80x128xi32, #tpu.memory_space<vmem>>) target_semaphore(%run_scoped3A : memref<!tpu.dma_semaphore, #tpu.memory_space<semaphore_mem>>)
      %dma_wait3A = arith.constant 0 : i32
      %dma_wait3A_60 = arith.constant 0 : i32
      %dma_wait3A_61 = tpu.memref_slice %arg5[%add3A, %dma_wait3A, %dma_wait3A_60] : memref<32x80x128xi32, #tpu.memory_space<hbm>> -> memref<1x80x128xi32, #tpu.memory_space<hbm>>
      %dma_wait3A_62 = tpu.memref_squeeze %dma_wait3A_61 : memref<1x80x128xi32, #tpu.memory_space<hbm>> -> memref<80x128xi32, #tpu.memory_space<hbm>>
      %dma_wait3A_63 = arith.constant 0 : i32
      %dma_wait3A_64 = arith.constant 0 : i32
      %dma_wait3A_65 = tpu.memref_slice %arg5[%add3A, %dma_wait3A_63, %dma_wait3A_64] : memref<32x80x128xi32, #tpu.memory_space<hbm>> -> memref<1x80x128xi32, #tpu.memory_space<hbm>>
      %dma_wait3A_66 = tpu.memref_squeeze %dma_wait3A_65 : memref<1x80x128xi32, #tpu.memory_space<hbm>> -> memref<80x128xi32, #tpu.memory_space<hbm>>
      tpu.wait_dma2 semaphore(%run_scoped3A : memref<!tpu.dma_semaphore, #tpu.memory_space<semaphore_mem>>) src(%dma_wait3A_66 : memref<80x128xi32, #tpu.memory_space<hbm>>) dst(%arg10 : memref<80x128xi32, #tpu.memory_space<vmem>>)
      tpu.yield
    }) : () -> ()
    %mul3A_1 = arith.constant 640 : i32
    %mul3A_2 = arith.muli %arg1, %mul3A_1 : i32
    %mul3A_3 = arith.constant 640 : i32
    %mul3A_4 = arith.muli %arg1, %mul3A_3 : i32
    "tpu.region"() ({
      %run_scoped3A = tpu.sem_alloc : memref<!tpu.dma_semaphore, #tpu.memory_space<semaphore_mem>>
      %dma_start3A_52 = arith.constant 0 : i32
      %dma_start3A_53 = tpu.memref_slice %arg12[%mul3A_4, %dma_start3A_52] : memref<10240x64xf32, #tpu.memory_space<vmem_shared>> -> memref<640x64xf32, #tpu.memory_space<vmem_shared>>
      %dma_start3A_54 = arith.constant 0 : i32
      %dma_start3A_55 = tpu.memref_slice %arg6[%mul3A_2, %dma_start3A_54] : memref<10240x64xf32, #tpu.memory_space<hbm>> -> memref<640x64xf32, #tpu.memory_space<hbm>>
      tpu.enqueue_dma source(%dma_start3A_55 : memref<640x64xf32, #tpu.memory_space<hbm>>) target(%dma_start3A_53 : memref<640x64xf32, #tpu.memory_space<vmem_shared>>) target_semaphore(%run_scoped3A : memref<!tpu.dma_semaphore, #tpu.memory_space<semaphore_mem>>)
      %dma_wait3A = arith.constant 0 : i32
      %dma_wait3A_56 = tpu.memref_slice %arg12[%mul3A_4, %dma_wait3A] : memref<10240x64xf32, #tpu.memory_space<vmem_shared>> -> memref<640x64xf32, #tpu.memory_space<vmem_shared>>
      %dma_wait3A_57 = arith.constant 0 : i32
      %dma_wait3A_58 = tpu.memref_slice %arg6[%mul3A_2, %dma_wait3A_57] : memref<10240x64xf32, #tpu.memory_space<hbm>> -> memref<640x64xf32, #tpu.memory_space<hbm>>
      tpu.wait_dma2 semaphore(%run_scoped3A : memref<!tpu.dma_semaphore, #tpu.memory_space<semaphore_mem>>) src(%dma_wait3A_58 : memref<640x64xf32, #tpu.memory_space<hbm>>) dst(%dma_wait3A_56 : memref<640x64xf32, #tpu.memory_space<vmem_shared>>)
      tpu.yield
    }) : () -> ()
    %barrier3A = arith.constant 0 : index
    tpu.barrier barrier_id(%barrier3A)
    %dma_start3A = arith.constant 0 : i32
    %dma_start3A_5 = arith.constant 0 : i32
    %dma_start3A_6 = arith.constant 0 : i32
    %dma_start3A_7 = arith.constant 0 : i32
    %dma_start3A_8 = tpu.memref_slice %arg11[%dma_start3A_5, %dma_start3A_6, %dma_start3A_7] : memref<2x128x64xf32, #tpu.memory_space<vmem>> -> memref<1x128x64xf32, #tpu.memory_space<vmem>>
    %dma_start3A_9 = tpu.memref_squeeze %dma_start3A_8 : memref<1x128x64xf32, #tpu.memory_space<vmem>> -> memref<128x64xf32, #tpu.memory_space<vmem>>
    %dma_start3A_10 = arith.constant 0 : i32
    %dma_start3A_11 = tpu.memref_slice %arg9[%dma_start3A, %dma_start3A_10] : memref<80x128xi32, #tpu.memory_space<vmem>> -> memref<1x128xi32, #tpu.memory_space<vmem>>
    %dma_start3A_12 = tpu.memref_squeeze %dma_start3A_11 : memref<1x128xi32, #tpu.memory_space<vmem>> -> memref<128xi32, #tpu.memory_space<vmem>>
    %dma_start3A_13 = arith.constant 0 : i32
    %dma_start3A_14 = arith.constant 0 : i32
    %dma_start3A_15 = tpu.memref_slice %arg2[%dma_start3A_13, %dma_start3A_14] : memref<10000x64xf32, #tpu.memory_space<hbm>> -> memref<10000x64xf32, #tpu.memory_space<hbm>>
    tpu.enqueue_indirect_dma source(%dma_start3A_15 : memref<10000x64xf32, #tpu.memory_space<hbm>>) target(%dma_start3A_9 : memref<128x64xf32, #tpu.memory_space<vmem>>) offsets(%dma_start3A_12 : memref<128xi32, #tpu.memory_space<vmem>>) semaphore(%arg13 : memref<!tpu.dma_semaphore, #tpu.memory_space<semaphore_mem>>)
    %scan3A = arith.constant 0 : i32
    %scan3A_16 = arith.constant 40 : i32
    %scan3A_17 = arith.addi %scan3A, %scan3A_16 : i32
    %scan3A_18 = arith.constant 1 : i32
    scf.for %scan3A_52 = %scan3A to %scan3A_17 step %scan3A_18  : i32 {
      %mul3A_53 = arith.constant 2 : i32
      %mul3A_54 = arith.muli %scan3A_52, %mul3A_53 : i32
      %add3A_55 = arith.constant 0 : i32
      %add3A_56 = arith.addi %add3A_55, %mul3A_54 : i32
      %add3A_57 = arith.constant 1 : i32
      %add3A_58 = arith.addi %add3A_56, %add3A_57 : i32
      %dma_start3A_59 = arith.constant 1 : i32
      %dma_start3A_60 = arith.constant 0 : i32
      %dma_start3A_61 = arith.constant 0 : i32
      %dma_start3A_62 = tpu.memref_slice %arg11[%dma_start3A_59, %dma_start3A_60, %dma_start3A_61] : memref<2x128x64xf32, #tpu.memory_space<vmem>> -> memref<1x128x64xf32, #tpu.memory_space<vmem>>
      %dma_start3A_63 = tpu.memref_squeeze %dma_start3A_62 : memref<1x128x64xf32, #tpu.memory_space<vmem>> -> memref<128x64xf32, #tpu.memory_space<vmem>>
      %dma_start3A_64 = arith.constant 0 : i32
      %dma_start3A_65 = tpu.memref_slice %arg9[%add3A_58, %dma_start3A_64] : memref<80x128xi32, #tpu.memory_space<vmem>> -> memref<1x128xi32, #tpu.memory_space<vmem>>
      %dma_start3A_66 = tpu.memref_squeeze %dma_start3A_65 : memref<1x128xi32, #tpu.memory_space<vmem>> -> memref<128xi32, #tpu.memory_space<vmem>>
      %dma_start3A_67 = arith.constant 0 : i32
      %dma_start3A_68 = arith.constant 0 : i32
      %dma_start3A_69 = tpu.memref_slice %arg2[%dma_start3A_67, %dma_start3A_68] : memref<10000x64xf32, #tpu.memory_space<hbm>> -> memref<10000x64xf32, #tpu.memory_space<hbm>>
      tpu.enqueue_indirect_dma source(%dma_start3A_69 : memref<10000x64xf32, #tpu.memory_space<hbm>>) target(%dma_start3A_63 : memref<128x64xf32, #tpu.memory_space<vmem>>) offsets(%dma_start3A_66 : memref<128xi32, #tpu.memory_space<vmem>>) semaphore(%arg14 : memref<!tpu.dma_semaphore, #tpu.memory_space<semaphore_mem>>)
      %dma_wait3A = arith.constant 0 : i32
      %dma_wait3A_70 = arith.constant 0 : i32
      %dma_wait3A_71 = arith.constant 0 : i32
      %dma_wait3A_72 = tpu.memref_slice %arg11[%dma_wait3A, %dma_wait3A_70, %dma_wait3A_71] : memref<2x128x64xf32, #tpu.memory_space<vmem>> -> memref<1x128x64xf32, #tpu.memory_space<vmem>>
      %dma_wait3A_73 = tpu.memref_squeeze %dma_wait3A_72 : memref<1x128x64xf32, #tpu.memory_space<vmem>> -> memref<128x64xf32, #tpu.memory_space<vmem>>
      %dma_wait3A_74 = arith.constant 0 : i32
      %dma_wait3A_75 = tpu.memref_slice %arg9[%add3A_56, %dma_wait3A_74] : memref<80x128xi32, #tpu.memory_space<vmem>> -> memref<1x128xi32, #tpu.memory_space<vmem>>
      %dma_wait3A_76 = tpu.memref_squeeze %dma_wait3A_75 : memref<1x128xi32, #tpu.memory_space<vmem>> -> memref<128xi32, #tpu.memory_space<vmem>>
      %dma_wait3A_77 = arith.constant 0 : i32
      %dma_wait3A_78 = arith.constant 0 : i32
      %dma_wait3A_79 = tpu.memref_slice %arg2[%dma_wait3A_77, %dma_wait3A_78] : memref<10000x64xf32, #tpu.memory_space<hbm>> -> memref<10000x64xf32, #tpu.memory_space<hbm>>
      tpu.wait_indirect_dma semaphore(%arg13 : memref<!tpu.dma_semaphore, #tpu.memory_space<semaphore_mem>>) src(%dma_wait3A_79 : memref<10000x64xf32, #tpu.memory_space<hbm>>) dst(%dma_wait3A_73 : memref<128x64xf32, #tpu.memory_space<vmem>>)
      %run_scoped3A = arith.constant 0 : i32
      "tpu.region"() ({
        %run_scoped3A_100 = tpu.sem_alloc : memref<!tpu.dma_semaphore, #tpu.memory_space<semaphore_mem>>
        %dma_start3A_101 = arith.constant 0 : i32
        %dma_start3A_102 = arith.constant 0 : i32
        %dma_start3A_103 = tpu.memref_slice %arg11[%run_scoped3A, %dma_start3A_101, %dma_start3A_102] : memref<2x128x64xf32, #tpu.memory_space<vmem>> -> memref<1x128x64xf32, #tpu.memory_space<vmem>>
        %dma_start3A_104 = tpu.memref_squeeze %dma_start3A_103 : memref<1x128x64xf32, #tpu.memory_space<vmem>> -> memref<128x64xf32, #tpu.memory_space<vmem>>
        %dma_start3A_105 = arith.constant 0 : i32
        %dma_start3A_106 = tpu.memref_slice %arg10[%add3A_56, %dma_start3A_105] : memref<80x128xi32, #tpu.memory_space<vmem>> -> memref<1x128xi32, #tpu.memory_space<vmem>>
        %dma_start3A_107 = tpu.memref_squeeze %dma_start3A_106 : memref<1x128xi32, #tpu.memory_space<vmem>> -> memref<128xi32, #tpu.memory_space<vmem>>
        %dma_start3A_108 = arith.constant 0 : i32
        %dma_start3A_109 = arith.constant 0 : i32
        %dma_start3A_110 = tpu.memref_slice %arg12[%dma_start3A_108, %dma_start3A_109] : memref<10240x64xf32, #tpu.memory_space<vmem_shared>> -> memref<10240x64xf32, #tpu.memory_space<vmem_shared>>
        tpu.enqueue_indirect_dma source(%dma_start3A_104 : memref<128x64xf32, #tpu.memory_space<vmem>>) target(%dma_start3A_110 : memref<10240x64xf32, #tpu.memory_space<vmem_shared>>) offsets(%dma_start3A_107 : memref<128xi32, #tpu.memory_space<vmem>>) semaphore(%run_scoped3A_100 : memref<!tpu.dma_semaphore, #tpu.memory_space<semaphore_mem>>) {add = true}
        %dma_wait3A_111 = arith.constant 0 : i32
        %dma_wait3A_112 = arith.constant 0 : i32
        %dma_wait3A_113 = tpu.memref_slice %arg11[%run_scoped3A, %dma_wait3A_111, %dma_wait3A_112] : memref<2x128x64xf32, #tpu.memory_space<vmem>> -> memref<1x128x64xf32, #tpu.memory_space<vmem>>
        %dma_wait3A_114 = tpu.memref_squeeze %dma_wait3A_113 : memref<1x128x64xf32, #tpu.memory_space<vmem>> -> memref<128x64xf32, #tpu.memory_space<vmem>>
        %dma_wait3A_115 = arith.constant 0 : i32
        %dma_wait3A_116 = tpu.memref_slice %arg10[%add3A_56, %dma_wait3A_115] : memref<80x128xi32, #tpu.memory_space<vmem>> -> memref<1x128xi32, #tpu.memory_space<vmem>>
        %dma_wait3A_117 = tpu.memref_squeeze %dma_wait3A_116 : memref<1x128xi32, #tpu.memory_space<vmem>> -> memref<128xi32, #tpu.memory_space<vmem>>
        %dma_wait3A_118 = arith.constant 0 : i32
        %dma_wait3A_119 = arith.constant 0 : i32
        %dma_wait3A_120 = tpu.memref_slice %arg12[%dma_wait3A_118, %dma_wait3A_119] : memref<10240x64xf32, #tpu.memory_space<vmem_shared>> -> memref<10240x64xf32, #tpu.memory_space<vmem_shared>>
        tpu.wait_indirect_dma semaphore(%run_scoped3A_100 : memref<!tpu.dma_semaphore, #tpu.memory_space<semaphore_mem>>) src(%dma_wait3A_114 : memref<128x64xf32, #tpu.memory_space<vmem>>) dst(%dma_wait3A_120 : memref<10240x64xf32, #tpu.memory_space<vmem_shared>>)
        tpu.yield
      }) : () -> ()
      %add3A_80 = arith.constant 2 : i32
      %add3A_81 = arith.addi %add3A_56, %add3A_80 : i32
      %lt3A = arith.constant 80 : i32
      %lt3A_82 = arith.cmpi slt, %add3A_81, %lt3A : i32
      %convert_element_type3A = arith.extui %lt3A_82 : i1 to i32
      %cond3A = arith.constant 0 : i32
      %cond3A_83 = arith.cmpi ne, %convert_element_type3A, %cond3A : i32
      scf.if %cond3A_83 {
        %add3A_100 = arith.constant 2 : i32
        %add3A_101 = arith.addi %add3A_56, %add3A_100 : i32
        %dma_start3A_102 = arith.constant 0 : i32
        %dma_start3A_103 = arith.constant 0 : i32
        %dma_start3A_104 = arith.constant 0 : i32
        %dma_start3A_105 = tpu.memref_slice %arg11[%dma_start3A_102, %dma_start3A_103, %dma_start3A_104] : memref<2x128x64xf32, #tpu.memory_space<vmem>> -> memref<1x128x64xf32, #tpu.memory_space<vmem>>
        %dma_start3A_106 = tpu.memref_squeeze %dma_start3A_105 : memref<1x128x64xf32, #tpu.memory_space<vmem>> -> memref<128x64xf32, #tpu.memory_space<vmem>>
        %dma_start3A_107 = arith.constant 0 : i32
        %dma_start3A_108 = tpu.memref_slice %arg9[%add3A_101, %dma_start3A_107] : memref<80x128xi32, #tpu.memory_space<vmem>> -> memref<1x128xi32, #tpu.memory_space<vmem>>
        %dma_start3A_109 = tpu.memref_squeeze %dma_start3A_108 : memref<1x128xi32, #tpu.memory_space<vmem>> -> memref<128xi32, #tpu.memory_space<vmem>>
        %dma_start3A_110 = arith.constant 0 : i32
        %dma_start3A_111 = arith.constant 0 : i32
        %dma_start3A_112 = tpu.memref_slice %arg2[%dma_start3A_110, %dma_start3A_111] : memref<10000x64xf32, #tpu.memory_space<hbm>> -> memref<10000x64xf32, #tpu.memory_space<hbm>>
        tpu.enqueue_indirect_dma source(%dma_start3A_112 : memref<10000x64xf32, #tpu.memory_space<hbm>>) target(%dma_start3A_106 : memref<128x64xf32, #tpu.memory_space<vmem>>) offsets(%dma_start3A_109 : memref<128xi32, #tpu.memory_space<vmem>>) semaphore(%arg13 : memref<!tpu.dma_semaphore, #tpu.memory_space<semaphore_mem>>)
      } else {
      }
      %add3A_84 = arith.constant 1 : i32
      %add3A_85 = arith.addi %add3A_56, %add3A_84 : i32
      %dma_wait3A_86 = arith.constant 1 : i32
      %dma_wait3A_87 = arith.constant 0 : i32
      %dma_wait3A_88 = arith.constant 0 : i32
      %dma_wait3A_89 = tpu.memref_slice %arg11[%dma_wait3A_86, %dma_wait3A_87, %dma_wait3A_88] : memref<2x128x64xf32, #tpu.memory_space<vmem>> -> memref<1x128x64xf32, #tpu.memory_space<vmem>>
      %dma_wait3A_90 = tpu.memref_squeeze %dma_wait3A_89 : memref<1x128x64xf32, #tpu.memory_space<vmem>> -> memref<128x64xf32, #tpu.memory_space<vmem>>
      %dma_wait3A_91 = arith.constant 0 : i32
      %dma_wait3A_92 = tpu.memref_slice %arg9[%add3A_85, %dma_wait3A_91] : memref<80x128xi32, #tpu.memory_space<vmem>> -> memref<1x128xi32, #tpu.memory_space<vmem>>
      %dma_wait3A_93 = tpu.memref_squeeze %dma_wait3A_92 : memref<1x128xi32, #tpu.memory_space<vmem>> -> memref<128xi32, #tpu.memory_space<vmem>>
      %dma_wait3A_94 = arith.constant 0 : i32
      %dma_wait3A_95 = arith.constant 0 : i32
      %dma_wait3A_96 = tpu.memref_slice %arg2[%dma_wait3A_94, %dma_wait3A_95] : memref<10000x64xf32, #tpu.memory_space<hbm>> -> memref<10000x64xf32, #tpu.memory_space<hbm>>
      tpu.wait_indirect_dma semaphore(%arg14 : memref<!tpu.dma_semaphore, #tpu.memory_space<semaphore_mem>>) src(%dma_wait3A_96 : memref<10000x64xf32, #tpu.memory_space<hbm>>) dst(%dma_wait3A_90 : memref<128x64xf32, #tpu.memory_space<vmem>>)
      %add3A_97 = arith.constant 1 : i32
      %add3A_98 = arith.addi %add3A_56, %add3A_97 : i32
      %run_scoped3A_99 = arith.constant 1 : i32
      "tpu.region"() ({
        %run_scoped3A_100 = tpu.sem_alloc : memref<!tpu.dma_semaphore, #tpu.memory_space<semaphore_mem>>
        %dma_start3A_101 = arith.constant 0 : i32
        %dma_start3A_102 = arith.constant 0 : i32
        %dma_start3A_103 = tpu.memref_slice %arg11[%run_scoped3A_99, %dma_start3A_101, %dma_start3A_102] : memref<2x128x64xf32, #tpu.memory_space<vmem>> -> memref<1x128x64xf32, #tpu.memory_space<vmem>>
        %dma_start3A_104 = tpu.memref_squeeze %dma_start3A_103 : memref<1x128x64xf32, #tpu.memory_space<vmem>> -> memref<128x64xf32, #tpu.memory_space<vmem>>
        %dma_start3A_105 = arith.constant 0 : i32
        %dma_start3A_106 = tpu.memref_slice %arg10[%add3A_98, %dma_start3A_105] : memref<80x128xi32, #tpu.memory_space<vmem>> -> memref<1x128xi32, #tpu.memory_space<vmem>>
        %dma_start3A_107 = tpu.memref_squeeze %dma_start3A_106 : memref<1x128xi32, #tpu.memory_space<vmem>> -> memref<128xi32, #tpu.memory_space<vmem>>
        %dma_start3A_108 = arith.constant 0 : i32
        %dma_start3A_109 = arith.constant 0 : i32
        %dma_start3A_110 = tpu.memref_slice %arg12[%dma_start3A_108, %dma_start3A_109] : memref<10240x64xf32, #tpu.memory_space<vmem_shared>> -> memref<10240x64xf32, #tpu.memory_space<vmem_shared>>
        tpu.enqueue_indirect_dma source(%dma_start3A_104 : memref<128x64xf32, #tpu.memory_space<vmem>>) target(%dma_start3A_110 : memref<10240x64xf32, #tpu.memory_space<vmem_shared>>) offsets(%dma_start3A_107 : memref<128xi32, #tpu.memory_space<vmem>>) semaphore(%run_scoped3A_100 : memref<!tpu.dma_semaphore, #tpu.memory_space<semaphore_mem>>) {add = true}
        %dma_wait3A_111 = arith.constant 0 : i32
        %dma_wait3A_112 = arith.constant 0 : i32
        %dma_wait3A_113 = tpu.memref_slice %arg11[%run_scoped3A_99, %dma_wait3A_111, %dma_wait3A_112] : memref<2x128x64xf32, #tpu.memory_space<vmem>> -> memref<1x128x64xf32, #tpu.memory_space<vmem>>
        %dma_wait3A_114 = tpu.memref_squeeze %dma_wait3A_113 : memref<1x128x64xf32, #tpu.memory_space<vmem>> -> memref<128x64xf32, #tpu.memory_space<vmem>>
        %dma_wait3A_115 = arith.constant 0 : i32
        %dma_wait3A_116 = tpu.memref_slice %arg10[%add3A_98, %dma_wait3A_115] : memref<80x128xi32, #tpu.memory_space<vmem>> -> memref<1x128xi32, #tpu.memory_space<vmem>>
        %dma_wait3A_117 = tpu.memref_squeeze %dma_wait3A_116 : memref<1x128xi32, #tpu.memory_space<vmem>> -> memref<128xi32, #tpu.memory_space<vmem>>
        %dma_wait3A_118 = arith.constant 0 : i32
        %dma_wait3A_119 = arith.constant 0 : i32
        %dma_wait3A_120 = tpu.memref_slice %arg12[%dma_wait3A_118, %dma_wait3A_119] : memref<10240x64xf32, #tpu.memory_space<vmem_shared>> -> memref<10240x64xf32, #tpu.memory_space<vmem_shared>>
        tpu.wait_indirect_dma semaphore(%run_scoped3A_100 : memref<!tpu.dma_semaphore, #tpu.memory_space<semaphore_mem>>) src(%dma_wait3A_114 : memref<128x64xf32, #tpu.memory_space<vmem>>) dst(%dma_wait3A_120 : memref<10240x64xf32, #tpu.memory_space<vmem_shared>>)
        tpu.yield
      }) : () -> ()
    }
    %scan3A_19 = arith.constant 40 : i32
    %barrier3A_20 = arith.constant 0 : index
    tpu.barrier barrier_id(%barrier3A_20)
    %mul3A_21 = arith.constant 640 : i32
    %mul3A_22 = arith.muli %arg1, %mul3A_21 : i32
    %mul3A_23 = arith.constant 640 : i32
    %mul3A_24 = arith.muli %arg1, %mul3A_23 : i32
    "tpu.region"() ({
      %run_scoped3A = tpu.sem_alloc : memref<!tpu.dma_semaphore, #tpu.memory_space<semaphore_mem>>
      %dma_start3A_52 = arith.constant 0 : i32
      %dma_start3A_53 = tpu.memref_slice %arg7[%arg0, %mul3A_24, %dma_start3A_52] : memref<2x10240x64xf32, #tpu.memory_space<hbm>> -> memref<1x640x64xf32, #tpu.memory_space<hbm>>
      %dma_start3A_54 = tpu.memref_squeeze %dma_start3A_53 : memref<1x640x64xf32, #tpu.memory_space<hbm>> -> memref<640x64xf32, #tpu.memory_space<hbm>>
      %dma_start3A_55 = arith.constant 0 : i32
      %dma_start3A_56 = tpu.memref_slice %arg12[%mul3A_22, %dma_start3A_55] : memref<10240x64xf32, #tpu.memory_space<vmem_shared>> -> memref<640x64xf32, #tpu.memory_space<vmem_shared>>
      tpu.enqueue_dma source(%dma_start3A_56 : memref<640x64xf32, #tpu.memory_space<vmem_shared>>) target(%dma_start3A_54 : memref<640x64xf32, #tpu.memory_space<hbm>>) target_semaphore(%run_scoped3A : memref<!tpu.dma_semaphore, #tpu.memory_space<semaphore_mem>>)
      %dma_wait3A = arith.constant 0 : i32
      %dma_wait3A_57 = tpu.memref_slice %arg7[%arg0, %mul3A_24, %dma_wait3A] : memref<2x10240x64xf32, #tpu.memory_space<hbm>> -> memref<1x640x64xf32, #tpu.memory_space<hbm>>
      %dma_wait3A_58 = tpu.memref_squeeze %dma_wait3A_57 : memref<1x640x64xf32, #tpu.memory_space<hbm>> -> memref<640x64xf32, #tpu.memory_space<hbm>>
      %dma_wait3A_59 = arith.constant 0 : i32
      %dma_wait3A_60 = tpu.memref_slice %arg12[%mul3A_22, %dma_wait3A_59] : memref<10240x64xf32, #tpu.memory_space<vmem_shared>> -> memref<640x64xf32, #tpu.memory_space<vmem_shared>>
      tpu.wait_dma2 semaphore(%run_scoped3A : memref<!tpu.dma_semaphore, #tpu.memory_space<semaphore_mem>>) src(%dma_wait3A_60 : memref<640x64xf32, #tpu.memory_space<vmem_shared>>) dst(%dma_wait3A_58 : memref<640x64xf32, #tpu.memory_space<hbm>>)
      tpu.yield
    }) : () -> ()
    %mul3A_25 = arith.constant 640 : i32
    %mul3A_26 = arith.muli %arg1, %mul3A_25 : i32
    %mul3A_27 = arith.constant 640 : i32
    %mul3A_28 = arith.muli %arg1, %mul3A_27 : i32
    "tpu.region"() ({
      %run_scoped3A = tpu.sem_alloc : memref<!tpu.dma_semaphore, #tpu.memory_space<semaphore_mem>>
      %dma_start3A_52 = arith.constant 0 : i32
      %dma_start3A_53 = tpu.memref_slice %arg12[%mul3A_28, %dma_start3A_52] : memref<10240x64xf32, #tpu.memory_space<vmem_shared>> -> memref<640x64xf32, #tpu.memory_space<vmem_shared>>
      %dma_start3A_54 = arith.constant 0 : i32
      %dma_start3A_55 = tpu.memref_slice %arg6[%mul3A_26, %dma_start3A_54] : memref<10240x64xf32, #tpu.memory_space<hbm>> -> memref<640x64xf32, #tpu.memory_space<hbm>>
      tpu.enqueue_dma source(%dma_start3A_55 : memref<640x64xf32, #tpu.memory_space<hbm>>) target(%dma_start3A_53 : memref<640x64xf32, #tpu.memory_space<vmem_shared>>) target_semaphore(%run_scoped3A : memref<!tpu.dma_semaphore, #tpu.memory_space<semaphore_mem>>)
      %dma_wait3A = arith.constant 0 : i32
      %dma_wait3A_56 = tpu.memref_slice %arg12[%mul3A_28, %dma_wait3A] : memref<10240x64xf32, #tpu.memory_space<vmem_shared>> -> memref<640x64xf32, #tpu.memory_space<vmem_shared>>
      %dma_wait3A_57 = arith.constant 0 : i32
      %dma_wait3A_58 = tpu.memref_slice %arg6[%mul3A_26, %dma_wait3A_57] : memref<10240x64xf32, #tpu.memory_space<hbm>> -> memref<640x64xf32, #tpu.memory_space<hbm>>
      tpu.wait_dma2 semaphore(%run_scoped3A : memref<!tpu.dma_semaphore, #tpu.memory_space<semaphore_mem>>) src(%dma_wait3A_58 : memref<640x64xf32, #tpu.memory_space<hbm>>) dst(%dma_wait3A_56 : memref<640x64xf32, #tpu.memory_space<vmem_shared>>)
      tpu.yield
    }) : () -> ()
    %barrier3A_29 = arith.constant 0 : index
    tpu.barrier barrier_id(%barrier3A_29)
    %dma_start3A_30 = arith.constant 0 : i32
    %dma_start3A_31 = arith.constant 0 : i32
    %dma_start3A_32 = arith.constant 0 : i32
    %dma_start3A_33 = arith.constant 0 : i32
    %dma_start3A_34 = tpu.memref_slice %arg11[%dma_start3A_31, %dma_start3A_32, %dma_start3A_33] : memref<2x128x64xf32, #tpu.memory_space<vmem>> -> memref<1x128x64xf32, #tpu.memory_space<vmem>>
    %dma_start3A_35 = tpu.memref_squeeze %dma_start3A_34 : memref<1x128x64xf32, #tpu.memory_space<vmem>> -> memref<128x64xf32, #tpu.memory_space<vmem>>
    %dma_start3A_36 = arith.constant 0 : i32
    %dma_start3A_37 = tpu.memref_slice %arg9[%dma_start3A_30, %dma_start3A_36] : memref<80x128xi32, #tpu.memory_space<vmem>> -> memref<1x128xi32, #tpu.memory_space<vmem>>
    %dma_start3A_38 = tpu.memref_squeeze %dma_start3A_37 : memref<1x128xi32, #tpu.memory_space<vmem>> -> memref<128xi32, #tpu.memory_space<vmem>>
    %dma_start3A_39 = arith.constant 0 : i32
    %dma_start3A_40 = arith.constant 0 : i32
    %dma_start3A_41 = tpu.memref_slice %arg3[%dma_start3A_39, %dma_start3A_40] : memref<10000x64xf32, #tpu.memory_space<hbm>> -> memref<10000x64xf32, #tpu.memory_space<hbm>>
    tpu.enqueue_indirect_dma source(%dma_start3A_41 : memref<10000x64xf32, #tpu.memory_space<hbm>>) target(%dma_start3A_35 : memref<128x64xf32, #tpu.memory_space<vmem>>) offsets(%dma_start3A_38 : memref<128xi32, #tpu.memory_space<vmem>>) semaphore(%arg13 : memref<!tpu.dma_semaphore, #tpu.memory_space<semaphore_mem>>)
    %scan3A_42 = arith.constant 0 : i32
    %scan3A_43 = arith.constant 40 : i32
    %scan3A_44 = arith.addi %scan3A_42, %scan3A_43 : i32
    %scan3A_45 = arith.constant 1 : i32
    scf.for %scan3A_52 = %scan3A_42 to %scan3A_44 step %scan3A_45  : i32 {
      %mul3A_53 = arith.constant 2 : i32
      %mul3A_54 = arith.muli %scan3A_52, %mul3A_53 : i32
      %add3A_55 = arith.constant 0 : i32
      %add3A_56 = arith.addi %add3A_55, %mul3A_54 : i32
      %add3A_57 = arith.constant 1 : i32
      %add3A_58 = arith.addi %add3A_56, %add3A_57 : i32
      %dma_start3A_59 = arith.constant 1 : i32
      %dma_start3A_60 = arith.constant 0 : i32
      %dma_start3A_61 = arith.constant 0 : i32
      %dma_start3A_62 = tpu.memref_slice %arg11[%dma_start3A_59, %dma_start3A_60, %dma_start3A_61] : memref<2x128x64xf32, #tpu.memory_space<vmem>> -> memref<1x128x64xf32, #tpu.memory_space<vmem>>
      %dma_start3A_63 = tpu.memref_squeeze %dma_start3A_62 : memref<1x128x64xf32, #tpu.memory_space<vmem>> -> memref<128x64xf32, #tpu.memory_space<vmem>>
      %dma_start3A_64 = arith.constant 0 : i32
      %dma_start3A_65 = tpu.memref_slice %arg9[%add3A_58, %dma_start3A_64] : memref<80x128xi32, #tpu.memory_space<vmem>> -> memref<1x128xi32, #tpu.memory_space<vmem>>
      %dma_start3A_66 = tpu.memref_squeeze %dma_start3A_65 : memref<1x128xi32, #tpu.memory_space<vmem>> -> memref<128xi32, #tpu.memory_space<vmem>>
      %dma_start3A_67 = arith.constant 0 : i32
      %dma_start3A_68 = arith.constant 0 : i32
      %dma_start3A_69 = tpu.memref_slice %arg3[%dma_start3A_67, %dma_start3A_68] : memref<10000x64xf32, #tpu.memory_space<hbm>> -> memref<10000x64xf32, #tpu.memory_space<hbm>>
      tpu.enqueue_indirect_dma source(%dma_start3A_69 : memref<10000x64xf32, #tpu.memory_space<hbm>>) target(%dma_start3A_63 : memref<128x64xf32, #tpu.memory_space<vmem>>) offsets(%dma_start3A_66 : memref<128xi32, #tpu.memory_space<vmem>>) semaphore(%arg14 : memref<!tpu.dma_semaphore, #tpu.memory_space<semaphore_mem>>)
      %dma_wait3A = arith.constant 0 : i32
      %dma_wait3A_70 = arith.constant 0 : i32
      %dma_wait3A_71 = arith.constant 0 : i32
      %dma_wait3A_72 = tpu.memref_slice %arg11[%dma_wait3A, %dma_wait3A_70, %dma_wait3A_71] : memref<2x128x64xf32, #tpu.memory_space<vmem>> -> memref<1x128x64xf32, #tpu.memory_space<vmem>>
      %dma_wait3A_73 = tpu.memref_squeeze %dma_wait3A_72 : memref<1x128x64xf32, #tpu.memory_space<vmem>> -> memref<128x64xf32, #tpu.memory_space<vmem>>
      %dma_wait3A_74 = arith.constant 0 : i32
      %dma_wait3A_75 = tpu.memref_slice %arg9[%add3A_56, %dma_wait3A_74] : memref<80x128xi32, #tpu.memory_space<vmem>> -> memref<1x128xi32, #tpu.memory_space<vmem>>
      %dma_wait3A_76 = tpu.memref_squeeze %dma_wait3A_75 : memref<1x128xi32, #tpu.memory_space<vmem>> -> memref<128xi32, #tpu.memory_space<vmem>>
      %dma_wait3A_77 = arith.constant 0 : i32
      %dma_wait3A_78 = arith.constant 0 : i32
      %dma_wait3A_79 = tpu.memref_slice %arg3[%dma_wait3A_77, %dma_wait3A_78] : memref<10000x64xf32, #tpu.memory_space<hbm>> -> memref<10000x64xf32, #tpu.memory_space<hbm>>
      tpu.wait_indirect_dma semaphore(%arg13 : memref<!tpu.dma_semaphore, #tpu.memory_space<semaphore_mem>>) src(%dma_wait3A_79 : memref<10000x64xf32, #tpu.memory_space<hbm>>) dst(%dma_wait3A_73 : memref<128x64xf32, #tpu.memory_space<vmem>>)
      %run_scoped3A = arith.constant 0 : i32
      "tpu.region"() ({
        %run_scoped3A_100 = tpu.sem_alloc : memref<!tpu.dma_semaphore, #tpu.memory_space<semaphore_mem>>
        %dma_start3A_101 = arith.constant 0 : i32
        %dma_start3A_102 = arith.constant 0 : i32
        %dma_start3A_103 = tpu.memref_slice %arg11[%run_scoped3A, %dma_start3A_101, %dma_start3A_102] : memref<2x128x64xf32, #tpu.memory_space<vmem>> -> memref<1x128x64xf32, #tpu.memory_space<vmem>>
        %dma_start3A_104 = tpu.memref_squeeze %dma_start3A_103 : memref<1x128x64xf32, #tpu.memory_space<vmem>> -> memref<128x64xf32, #tpu.memory_space<vmem>>
        %dma_start3A_105 = arith.constant 0 : i32
        %dma_start3A_106 = tpu.memref_slice %arg10[%add3A_56, %dma_start3A_105] : memref<80x128xi32, #tpu.memory_space<vmem>> -> memref<1x128xi32, #tpu.memory_space<vmem>>
        %dma_start3A_107 = tpu.memref_squeeze %dma_start3A_106 : memref<1x128xi32, #tpu.memory_space<vmem>> -> memref<128xi32, #tpu.memory_space<vmem>>
        %dma_start3A_108 = arith.constant 0 : i32
        %dma_start3A_109 = arith.constant 0 : i32
        %dma_start3A_110 = tpu.memref_slice %arg12[%dma_start3A_108, %dma_start3A_109] : memref<10240x64xf32, #tpu.memory_space<vmem_shared>> -> memref<10240x64xf32, #tpu.memory_space<vmem_shared>>
        tpu.enqueue_indirect_dma source(%dma_start3A_104 : memref<128x64xf32, #tpu.memory_space<vmem>>) target(%dma_start3A_110 : memref<10240x64xf32, #tpu.memory_space<vmem_shared>>) offsets(%dma_start3A_107 : memref<128xi32, #tpu.memory_space<vmem>>) semaphore(%run_scoped3A_100 : memref<!tpu.dma_semaphore, #tpu.memory_space<semaphore_mem>>) {add = true}
        %dma_wait3A_111 = arith.constant 0 : i32
        %dma_wait3A_112 = arith.constant 0 : i32
        %dma_wait3A_113 = tpu.memref_slice %arg11[%run_scoped3A, %dma_wait3A_111, %dma_wait3A_112] : memref<2x128x64xf32, #tpu.memory_space<vmem>> -> memref<1x128x64xf32, #tpu.memory_space<vmem>>
        %dma_wait3A_114 = tpu.memref_squeeze %dma_wait3A_113 : memref<1x128x64xf32, #tpu.memory_space<vmem>> -> memref<128x64xf32, #tpu.memory_space<vmem>>
        %dma_wait3A_115 = arith.constant 0 : i32
        %dma_wait3A_116 = tpu.memref_slice %arg10[%add3A_56, %dma_wait3A_115] : memref<80x128xi32, #tpu.memory_space<vmem>> -> memref<1x128xi32, #tpu.memory_space<vmem>>
        %dma_wait3A_117 = tpu.memref_squeeze %dma_wait3A_116 : memref<1x128xi32, #tpu.memory_space<vmem>> -> memref<128xi32, #tpu.memory_space<vmem>>
        %dma_wait3A_118 = arith.constant 0 : i32
        %dma_wait3A_119 = arith.constant 0 : i32
        %dma_wait3A_120 = tpu.memref_slice %arg12[%dma_wait3A_118, %dma_wait3A_119] : memref<10240x64xf32, #tpu.memory_space<vmem_shared>> -> memref<10240x64xf32, #tpu.memory_space<vmem_shared>>
        tpu.wait_indirect_dma semaphore(%run_scoped3A_100 : memref<!tpu.dma_semaphore, #tpu.memory_space<semaphore_mem>>) src(%dma_wait3A_114 : memref<128x64xf32, #tpu.memory_space<vmem>>) dst(%dma_wait3A_120 : memref<10240x64xf32, #tpu.memory_space<vmem_shared>>)
        tpu.yield
      }) : () -> ()
      %add3A_80 = arith.constant 2 : i32
      %add3A_81 = arith.addi %add3A_56, %add3A_80 : i32
      %lt3A = arith.constant 80 : i32
      %lt3A_82 = arith.cmpi slt, %add3A_81, %lt3A : i32
      %convert_element_type3A = arith.extui %lt3A_82 : i1 to i32
      %cond3A = arith.constant 0 : i32
      %cond3A_83 = arith.cmpi ne, %convert_element_type3A, %cond3A : i32
      scf.if %cond3A_83 {
        %add3A_100 = arith.constant 2 : i32
        %add3A_101 = arith.addi %add3A_56, %add3A_100 : i32
        %dma_start3A_102 = arith.constant 0 : i32
        %dma_start3A_103 = arith.constant 0 : i32
        %dma_start3A_104 = arith.constant 0 : i32
        %dma_start3A_105 = tpu.memref_slice %arg11[%dma_start3A_102, %dma_start3A_103, %dma_start3A_104] : memref<2x128x64xf32, #tpu.memory_space<vmem>> -> memref<1x128x64xf32, #tpu.memory_space<vmem>>
        %dma_start3A_106 = tpu.memref_squeeze %dma_start3A_105 : memref<1x128x64xf32, #tpu.memory_space<vmem>> -> memref<128x64xf32, #tpu.memory_space<vmem>>
        %dma_start3A_107 = arith.constant 0 : i32
        %dma_start3A_108 = tpu.memref_slice %arg9[%add3A_101, %dma_start3A_107] : memref<80x128xi32, #tpu.memory_space<vmem>> -> memref<1x128xi32, #tpu.memory_space<vmem>>
        %dma_start3A_109 = tpu.memref_squeeze %dma_start3A_108 : memref<1x128xi32, #tpu.memory_space<vmem>> -> memref<128xi32, #tpu.memory_space<vmem>>
        %dma_start3A_110 = arith.constant 0 : i32
        %dma_start3A_111 = arith.constant 0 : i32
        %dma_start3A_112 = tpu.memref_slice %arg3[%dma_start3A_110, %dma_start3A_111] : memref<10000x64xf32, #tpu.memory_space<hbm>> -> memref<10000x64xf32, #tpu.memory_space<hbm>>
        tpu.enqueue_indirect_dma source(%dma_start3A_112 : memref<10000x64xf32, #tpu.memory_space<hbm>>) target(%dma_start3A_106 : memref<128x64xf32, #tpu.memory_space<vmem>>) offsets(%dma_start3A_109 : memref<128xi32, #tpu.memory_space<vmem>>) semaphore(%arg13 : memref<!tpu.dma_semaphore, #tpu.memory_space<semaphore_mem>>)
      } else {
      }
      %add3A_84 = arith.constant 1 : i32
      %add3A_85 = arith.addi %add3A_56, %add3A_84 : i32
      %dma_wait3A_86 = arith.constant 1 : i32
      %dma_wait3A_87 = arith.constant 0 : i32
      %dma_wait3A_88 = arith.constant 0 : i32
      %dma_wait3A_89 = tpu.memref_slice %arg11[%dma_wait3A_86, %dma_wait3A_87, %dma_wait3A_88] : memref<2x128x64xf32, #tpu.memory_space<vmem>> -> memref<1x128x64xf32, #tpu.memory_space<vmem>>
      %dma_wait3A_90 = tpu.memref_squeeze %dma_wait3A_89 : memref<1x128x64xf32, #tpu.memory_space<vmem>> -> memref<128x64xf32, #tpu.memory_space<vmem>>
      %dma_wait3A_91 = arith.constant 0 : i32
      %dma_wait3A_92 = tpu.memref_slice %arg9[%add3A_85, %dma_wait3A_91] : memref<80x128xi32, #tpu.memory_space<vmem>> -> memref<1x128xi32, #tpu.memory_space<vmem>>
      %dma_wait3A_93 = tpu.memref_squeeze %dma_wait3A_92 : memref<1x128xi32, #tpu.memory_space<vmem>> -> memref<128xi32, #tpu.memory_space<vmem>>
      %dma_wait3A_94 = arith.constant 0 : i32
      %dma_wait3A_95 = arith.constant 0 : i32
      %dma_wait3A_96 = tpu.memref_slice %arg3[%dma_wait3A_94, %dma_wait3A_95] : memref<10000x64xf32, #tpu.memory_space<hbm>> -> memref<10000x64xf32, #tpu.memory_space<hbm>>
      tpu.wait_indirect_dma semaphore(%arg14 : memref<!tpu.dma_semaphore, #tpu.memory_space<semaphore_mem>>) src(%dma_wait3A_96 : memref<10000x64xf32, #tpu.memory_space<hbm>>) dst(%dma_wait3A_90 : memref<128x64xf32, #tpu.memory_space<vmem>>)
      %add3A_97 = arith.constant 1 : i32
      %add3A_98 = arith.addi %add3A_56, %add3A_97 : i32
      %run_scoped3A_99 = arith.constant 1 : i32
      "tpu.region"() ({
        %run_scoped3A_100 = tpu.sem_alloc : memref<!tpu.dma_semaphore, #tpu.memory_space<semaphore_mem>>
        %dma_start3A_101 = arith.constant 0 : i32
        %dma_start3A_102 = arith.constant 0 : i32
        %dma_start3A_103 = tpu.memref_slice %arg11[%run_scoped3A_99, %dma_start3A_101, %dma_start3A_102] : memref<2x128x64xf32, #tpu.memory_space<vmem>> -> memref<1x128x64xf32, #tpu.memory_space<vmem>>
        %dma_start3A_104 = tpu.memref_squeeze %dma_start3A_103 : memref<1x128x64xf32, #tpu.memory_space<vmem>> -> memref<128x64xf32, #tpu.memory_space<vmem>>
        %dma_start3A_105 = arith.constant 0 : i32
        %dma_start3A_106 = tpu.memref_slice %arg10[%add3A_98, %dma_start3A_105] : memref<80x128xi32, #tpu.memory_space<vmem>> -> memref<1x128xi32, #tpu.memory_space<vmem>>
        %dma_start3A_107 = tpu.memref_squeeze %dma_start3A_106 : memref<1x128xi32, #tpu.memory_space<vmem>> -> memref<128xi32, #tpu.memory_space<vmem>>
        %dma_start3A_108 = arith.constant 0 : i32
        %dma_start3A_109 = arith.constant 0 : i32
        %dma_start3A_110 = tpu.memref_slice %arg12[%dma_start3A_108, %dma_start3A_109] : memref<10240x64xf32, #tpu.memory_space<vmem_shared>> -> memref<10240x64xf32, #tpu.memory_space<vmem_shared>>
        tpu.enqueue_indirect_dma source(%dma_start3A_104 : memref<128x64xf32, #tpu.memory_space<vmem>>) target(%dma_start3A_110 : memref<10240x64xf32, #tpu.memory_space<vmem_shared>>) offsets(%dma_start3A_107 : memref<128xi32, #tpu.memory_space<vmem>>) semaphore(%run_scoped3A_100 : memref<!tpu.dma_semaphore, #tpu.memory_space<semaphore_mem>>) {add = true}
        %dma_wait3A_111 = arith.constant 0 : i32
        %dma_wait3A_112 = arith.constant 0 : i32
        %dma_wait3A_113 = tpu.memref_slice %arg11[%run_scoped3A_99, %dma_wait3A_111, %dma_wait3A_112] : memref<2x128x64xf32, #tpu.memory_space<vmem>> -> memref<1x128x64xf32, #tpu.memory_space<vmem>>
        %dma_wait3A_114 = tpu.memref_squeeze %dma_wait3A_113 : memref<1x128x64xf32, #tpu.memory_space<vmem>> -> memref<128x64xf32, #tpu.memory_space<vmem>>
        %dma_wait3A_115 = arith.constant 0 : i32
        %dma_wait3A_116 = tpu.memref_slice %arg10[%add3A_98, %dma_wait3A_115] : memref<80x128xi32, #tpu.memory_space<vmem>> -> memref<1x128xi32, #tpu.memory_space<vmem>>
        %dma_wait3A_117 = tpu.memref_squeeze %dma_wait3A_116 : memref<1x128xi32, #tpu.memory_space<vmem>> -> memref<128xi32, #tpu.memory_space<vmem>>
        %dma_wait3A_118 = arith.constant 0 : i32
        %dma_wait3A_119 = arith.constant 0 : i32
        %dma_wait3A_120 = tpu.memref_slice %arg12[%dma_wait3A_118, %dma_wait3A_119] : memref<10240x64xf32, #tpu.memory_space<vmem_shared>> -> memref<10240x64xf32, #tpu.memory_space<vmem_shared>>
        tpu.wait_indirect_dma semaphore(%run_scoped3A_100 : memref<!tpu.dma_semaphore, #tpu.memory_space<semaphore_mem>>) src(%dma_wait3A_114 : memref<128x64xf32, #tpu.memory_space<vmem>>) dst(%dma_wait3A_120 : memref<10240x64xf32, #tpu.memory_space<vmem_shared>>)
        tpu.yield
      }) : () -> ()
    }
    %scan3A_46 = arith.constant 40 : i32
    %barrier3A_47 = arith.constant 0 : index
    tpu.barrier barrier_id(%barrier3A_47)
    %mul3A_48 = arith.constant 640 : i32
    %mul3A_49 = arith.muli %arg1, %mul3A_48 : i32
    %mul3A_50 = arith.constant 640 : i32
    %mul3A_51 = arith.muli %arg1, %mul3A_50 : i32
    "tpu.region"() ({
      %run_scoped3A = tpu.sem_alloc : memref<!tpu.dma_semaphore, #tpu.memory_space<semaphore_mem>>
      %dma_start3A_52 = arith.constant 0 : i32
      %dma_start3A_53 = tpu.memref_slice %arg8[%arg0, %mul3A_51, %dma_start3A_52] : memref<2x10240x64xf32, #tpu.memory_space<hbm>> -> memref<1x640x64xf32, #tpu.memory_space<hbm>>
      %dma_start3A_54 = tpu.memref_squeeze %dma_start3A_53 : memref<1x640x64xf32, #tpu.memory_space<hbm>> -> memref<640x64xf32, #tpu.memory_space<hbm>>
      %dma_start3A_55 = arith.constant 0 : i32
      %dma_start3A_56 = tpu.memref_slice %arg12[%mul3A_49, %dma_start3A_55] : memref<10240x64xf32, #tpu.memory_space<vmem_shared>> -> memref<640x64xf32, #tpu.memory_space<vmem_shared>>
      tpu.enqueue_dma source(%dma_start3A_56 : memref<640x64xf32, #tpu.memory_space<vmem_shared>>) target(%dma_start3A_54 : memref<640x64xf32, #tpu.memory_space<hbm>>) target_semaphore(%run_scoped3A : memref<!tpu.dma_semaphore, #tpu.memory_space<semaphore_mem>>)
      %dma_wait3A = arith.constant 0 : i32
      %dma_wait3A_57 = tpu.memref_slice %arg8[%arg0, %mul3A_51, %dma_wait3A] : memref<2x10240x64xf32, #tpu.memory_space<hbm>> -> memref<1x640x64xf32, #tpu.memory_space<hbm>>
      %dma_wait3A_58 = tpu.memref_squeeze %dma_wait3A_57 : memref<1x640x64xf32, #tpu.memory_space<hbm>> -> memref<640x64xf32, #tpu.memory_space<hbm>>
      %dma_wait3A_59 = arith.constant 0 : i32
      %dma_wait3A_60 = tpu.memref_slice %arg12[%mul3A_49, %dma_wait3A_59] : memref<10240x64xf32, #tpu.memory_space<vmem_shared>> -> memref<640x64xf32, #tpu.memory_space<vmem_shared>>
      tpu.wait_dma2 semaphore(%run_scoped3A : memref<!tpu.dma_semaphore, #tpu.memory_space<semaphore_mem>>) src(%dma_wait3A_60 : memref<640x64xf32, #tpu.memory_space<vmem_shared>>) dst(%dma_wait3A_58 : memref<640x64xf32, #tpu.memory_space<hbm>>)
      tpu.yield
    }) : () -> ()
    return
  }
}

#map = affine_map<(d0, d1) -> (0, 0)>
#map1 = affine_map<(d0, d1) -> (0, 0, 0)>
module attributes {stable_mosaic.version = 14 : i64} {
  func.func @body(%arg0: i32, %arg1: i32, %arg2: memref<10000x64xf32, #tpu.memory_space<hbm>>, %arg3: memref<32x80x128xi32, #tpu.memory_space<hbm>>, %arg4: memref<32x80x128xi32, #tpu.memory_space<hbm>>, %arg5: memref<10240x64xf32, #tpu.memory_space<hbm>>, %arg6: memref<2x10240x64xf32, #tpu.memory_space<hbm>>, %arg7: memref<80x128xi32, #tpu.memory_space<vmem>>, %arg8: memref<80x128xi32, #tpu.memory_space<vmem>>, %arg9: memref<2x128x64xf32, #tpu.memory_space<vmem>>, %arg10: memref<10240x64xf32, #tpu.memory_space<vmem_shared>>, %arg11: memref<!tpu.dma_semaphore, #tpu.memory_space<semaphore_mem>>, %arg12: memref<!tpu.dma_semaphore, #tpu.memory_space<semaphore_mem>>) attributes {dimension_semantics = [#tpu.dimension_semantics<core_parallel>, #tpu.dimension_semantics<subcore_parallel>], iteration_bounds = array<i64: 2, 16>, scalar_prefetch = 0 : i64, scratch_operands = 6 : i64, tpu.core_type = #tpu.core_type<sc_vector_subcore>, window_params = [{transform_indices = #map}, {transform_indices = #map1}, {transform_indices = #map1}, {transform_indices = #map}, {transform_indices = #map1}]} {
    %mul3A = arith.constant 16 : i32
    %mul3A_0 = arith.muli %arg0, %mul3A : i32
    %add3A = arith.addi %mul3A_0, %arg1 : i32
    "tpu.region"() ({
      %run_scoped3A = tpu.sem_alloc : memref<!tpu.dma_semaphore, #tpu.memory_space<semaphore_mem>>
      %dma_start3A_25 = arith.constant 0 : i32
      %dma_start3A_26 = arith.constant 0 : i32
      %dma_start3A_27 = tpu.memref_slice %arg3[%add3A, %dma_start3A_25, %dma_start3A_26] : memref<32x80x128xi32, #tpu.memory_space<hbm>> -> memref<1x80x128xi32, #tpu.memory_space<hbm>>
      %dma_start3A_28 = tpu.memref_squeeze %dma_start3A_27 : memref<1x80x128xi32, #tpu.memory_space<hbm>> -> memref<80x128xi32, #tpu.memory_space<hbm>>
      %dma_start3A_29 = arith.constant 0 : i32
      %dma_start3A_30 = arith.constant 0 : i32
      %dma_start3A_31 = tpu.memref_slice %arg3[%add3A, %dma_start3A_29, %dma_start3A_30] : memref<32x80x128xi32, #tpu.memory_space<hbm>> -> memref<1x80x128xi32, #tpu.memory_space<hbm>>
      %dma_start3A_32 = tpu.memref_squeeze %dma_start3A_31 : memref<1x80x128xi32, #tpu.memory_space<hbm>> -> memref<80x128xi32, #tpu.memory_space<hbm>>
      tpu.enqueue_dma source(%dma_start3A_32 : memref<80x128xi32, #tpu.memory_space<hbm>>) target(%arg7 : memref<80x128xi32, #tpu.memory_space<vmem>>) target_semaphore(%run_scoped3A : memref<!tpu.dma_semaphore, #tpu.memory_space<semaphore_mem>>)
      %dma_wait3A = arith.constant 0 : i32
      %dma_wait3A_33 = arith.constant 0 : i32
      %dma_wait3A_34 = tpu.memref_slice %arg3[%add3A, %dma_wait3A, %dma_wait3A_33] : memref<32x80x128xi32, #tpu.memory_space<hbm>> -> memref<1x80x128xi32, #tpu.memory_space<hbm>>
      %dma_wait3A_35 = tpu.memref_squeeze %dma_wait3A_34 : memref<1x80x128xi32, #tpu.memory_space<hbm>> -> memref<80x128xi32, #tpu.memory_space<hbm>>
      %dma_wait3A_36 = arith.constant 0 : i32
      %dma_wait3A_37 = arith.constant 0 : i32
      %dma_wait3A_38 = tpu.memref_slice %arg3[%add3A, %dma_wait3A_36, %dma_wait3A_37] : memref<32x80x128xi32, #tpu.memory_space<hbm>> -> memref<1x80x128xi32, #tpu.memory_space<hbm>>
      %dma_wait3A_39 = tpu.memref_squeeze %dma_wait3A_38 : memref<1x80x128xi32, #tpu.memory_space<hbm>> -> memref<80x128xi32, #tpu.memory_space<hbm>>
      tpu.wait_dma2 semaphore(%run_scoped3A : memref<!tpu.dma_semaphore, #tpu.memory_space<semaphore_mem>>) src(%dma_wait3A_39 : memref<80x128xi32, #tpu.memory_space<hbm>>) dst(%arg7 : memref<80x128xi32, #tpu.memory_space<vmem>>)
      tpu.yield
    }) : () -> ()
    "tpu.region"() ({
      %run_scoped3A = tpu.sem_alloc : memref<!tpu.dma_semaphore, #tpu.memory_space<semaphore_mem>>
      %dma_start3A_25 = arith.constant 0 : i32
      %dma_start3A_26 = arith.constant 0 : i32
      %dma_start3A_27 = tpu.memref_slice %arg4[%add3A, %dma_start3A_25, %dma_start3A_26] : memref<32x80x128xi32, #tpu.memory_space<hbm>> -> memref<1x80x128xi32, #tpu.memory_space<hbm>>
      %dma_start3A_28 = tpu.memref_squeeze %dma_start3A_27 : memref<1x80x128xi32, #tpu.memory_space<hbm>> -> memref<80x128xi32, #tpu.memory_space<hbm>>
      %dma_start3A_29 = arith.constant 0 : i32
      %dma_start3A_30 = arith.constant 0 : i32
      %dma_start3A_31 = tpu.memref_slice %arg4[%add3A, %dma_start3A_29, %dma_start3A_30] : memref<32x80x128xi32, #tpu.memory_space<hbm>> -> memref<1x80x128xi32, #tpu.memory_space<hbm>>
      %dma_start3A_32 = tpu.memref_squeeze %dma_start3A_31 : memref<1x80x128xi32, #tpu.memory_space<hbm>> -> memref<80x128xi32, #tpu.memory_space<hbm>>
      tpu.enqueue_dma source(%dma_start3A_32 : memref<80x128xi32, #tpu.memory_space<hbm>>) target(%arg8 : memref<80x128xi32, #tpu.memory_space<vmem>>) target_semaphore(%run_scoped3A : memref<!tpu.dma_semaphore, #tpu.memory_space<semaphore_mem>>)
      %dma_wait3A = arith.constant 0 : i32
      %dma_wait3A_33 = arith.constant 0 : i32
      %dma_wait3A_34 = tpu.memref_slice %arg4[%add3A, %dma_wait3A, %dma_wait3A_33] : memref<32x80x128xi32, #tpu.memory_space<hbm>> -> memref<1x80x128xi32, #tpu.memory_space<hbm>>
      %dma_wait3A_35 = tpu.memref_squeeze %dma_wait3A_34 : memref<1x80x128xi32, #tpu.memory_space<hbm>> -> memref<80x128xi32, #tpu.memory_space<hbm>>
      %dma_wait3A_36 = arith.constant 0 : i32
      %dma_wait3A_37 = arith.constant 0 : i32
      %dma_wait3A_38 = tpu.memref_slice %arg4[%add3A, %dma_wait3A_36, %dma_wait3A_37] : memref<32x80x128xi32, #tpu.memory_space<hbm>> -> memref<1x80x128xi32, #tpu.memory_space<hbm>>
      %dma_wait3A_39 = tpu.memref_squeeze %dma_wait3A_38 : memref<1x80x128xi32, #tpu.memory_space<hbm>> -> memref<80x128xi32, #tpu.memory_space<hbm>>
      tpu.wait_dma2 semaphore(%run_scoped3A : memref<!tpu.dma_semaphore, #tpu.memory_space<semaphore_mem>>) src(%dma_wait3A_39 : memref<80x128xi32, #tpu.memory_space<hbm>>) dst(%arg8 : memref<80x128xi32, #tpu.memory_space<vmem>>)
      tpu.yield
    }) : () -> ()
    %mul3A_1 = arith.constant 640 : i32
    %mul3A_2 = arith.muli %arg1, %mul3A_1 : i32
    %mul3A_3 = arith.constant 640 : i32
    %mul3A_4 = arith.muli %arg1, %mul3A_3 : i32
    "tpu.region"() ({
      %run_scoped3A = tpu.sem_alloc : memref<!tpu.dma_semaphore, #tpu.memory_space<semaphore_mem>>
      %dma_start3A_25 = arith.constant 0 : i32
      %dma_start3A_26 = tpu.memref_slice %arg10[%mul3A_4, %dma_start3A_25] : memref<10240x64xf32, #tpu.memory_space<vmem_shared>> -> memref<640x64xf32, #tpu.memory_space<vmem_shared>>
      %dma_start3A_27 = arith.constant 0 : i32
      %dma_start3A_28 = tpu.memref_slice %arg5[%mul3A_2, %dma_start3A_27] : memref<10240x64xf32, #tpu.memory_space<hbm>> -> memref<640x64xf32, #tpu.memory_space<hbm>>
      tpu.enqueue_dma source(%dma_start3A_28 : memref<640x64xf32, #tpu.memory_space<hbm>>) target(%dma_start3A_26 : memref<640x64xf32, #tpu.memory_space<vmem_shared>>) target_semaphore(%run_scoped3A : memref<!tpu.dma_semaphore, #tpu.memory_space<semaphore_mem>>)
      %dma_wait3A = arith.constant 0 : i32
      %dma_wait3A_29 = tpu.memref_slice %arg10[%mul3A_4, %dma_wait3A] : memref<10240x64xf32, #tpu.memory_space<vmem_shared>> -> memref<640x64xf32, #tpu.memory_space<vmem_shared>>
      %dma_wait3A_30 = arith.constant 0 : i32
      %dma_wait3A_31 = tpu.memref_slice %arg5[%mul3A_2, %dma_wait3A_30] : memref<10240x64xf32, #tpu.memory_space<hbm>> -> memref<640x64xf32, #tpu.memory_space<hbm>>
      tpu.wait_dma2 semaphore(%run_scoped3A : memref<!tpu.dma_semaphore, #tpu.memory_space<semaphore_mem>>) src(%dma_wait3A_31 : memref<640x64xf32, #tpu.memory_space<hbm>>) dst(%dma_wait3A_29 : memref<640x64xf32, #tpu.memory_space<vmem_shared>>)
      tpu.yield
    }) : () -> ()
    %barrier3A = arith.constant 0 : index
    tpu.barrier barrier_id(%barrier3A)
    %dma_start3A = arith.constant 0 : i32
    %dma_start3A_5 = arith.constant 0 : i32
    %dma_start3A_6 = arith.constant 0 : i32
    %dma_start3A_7 = arith.constant 0 : i32
    %dma_start3A_8 = tpu.memref_slice %arg9[%dma_start3A_5, %dma_start3A_6, %dma_start3A_7] : memref<2x128x64xf32, #tpu.memory_space<vmem>> -> memref<1x128x64xf32, #tpu.memory_space<vmem>>
    %dma_start3A_9 = tpu.memref_squeeze %dma_start3A_8 : memref<1x128x64xf32, #tpu.memory_space<vmem>> -> memref<128x64xf32, #tpu.memory_space<vmem>>
    %dma_start3A_10 = arith.constant 0 : i32
    %dma_start3A_11 = tpu.memref_slice %arg7[%dma_start3A, %dma_start3A_10] : memref<80x128xi32, #tpu.memory_space<vmem>> -> memref<1x128xi32, #tpu.memory_space<vmem>>
    %dma_start3A_12 = tpu.memref_squeeze %dma_start3A_11 : memref<1x128xi32, #tpu.memory_space<vmem>> -> memref<128xi32, #tpu.memory_space<vmem>>
    %dma_start3A_13 = arith.constant 0 : i32
    %dma_start3A_14 = arith.constant 0 : i32
    %dma_start3A_15 = tpu.memref_slice %arg2[%dma_start3A_13, %dma_start3A_14] : memref<10000x64xf32, #tpu.memory_space<hbm>> -> memref<10000x64xf32, #tpu.memory_space<hbm>>
    tpu.enqueue_indirect_dma source(%dma_start3A_15 : memref<10000x64xf32, #tpu.memory_space<hbm>>) target(%dma_start3A_9 : memref<128x64xf32, #tpu.memory_space<vmem>>) offsets(%dma_start3A_12 : memref<128xi32, #tpu.memory_space<vmem>>) semaphore(%arg11 : memref<!tpu.dma_semaphore, #tpu.memory_space<semaphore_mem>>)
    %scan3A = arith.constant 0 : i32
    %scan3A_16 = arith.constant 40 : i32
    %scan3A_17 = arith.addi %scan3A, %scan3A_16 : i32
    %scan3A_18 = arith.constant 1 : i32
    scf.for %scan3A_25 = %scan3A to %scan3A_17 step %scan3A_18  : i32 {
      %mul3A_26 = arith.constant 2 : i32
      %mul3A_27 = arith.muli %scan3A_25, %mul3A_26 : i32
      %add3A_28 = arith.constant 0 : i32
      %add3A_29 = arith.addi %add3A_28, %mul3A_27 : i32
      %add3A_30 = arith.constant 1 : i32
      %add3A_31 = arith.addi %add3A_29, %add3A_30 : i32
      %dma_start3A_32 = arith.constant 1 : i32
      %dma_start3A_33 = arith.constant 0 : i32
      %dma_start3A_34 = arith.constant 0 : i32
      %dma_start3A_35 = tpu.memref_slice %arg9[%dma_start3A_32, %dma_start3A_33, %dma_start3A_34] : memref<2x128x64xf32, #tpu.memory_space<vmem>> -> memref<1x128x64xf32, #tpu.memory_space<vmem>>
      %dma_start3A_36 = tpu.memref_squeeze %dma_start3A_35 : memref<1x128x64xf32, #tpu.memory_space<vmem>> -> memref<128x64xf32, #tpu.memory_space<vmem>>
      %dma_start3A_37 = arith.constant 0 : i32
      %dma_start3A_38 = tpu.memref_slice %arg7[%add3A_31, %dma_start3A_37] : memref<80x128xi32, #tpu.memory_space<vmem>> -> memref<1x128xi32, #tpu.memory_space<vmem>>
      %dma_start3A_39 = tpu.memref_squeeze %dma_start3A_38 : memref<1x128xi32, #tpu.memory_space<vmem>> -> memref<128xi32, #tpu.memory_space<vmem>>
      %dma_start3A_40 = arith.constant 0 : i32
      %dma_start3A_41 = arith.constant 0 : i32
      %dma_start3A_42 = tpu.memref_slice %arg2[%dma_start3A_40, %dma_start3A_41] : memref<10000x64xf32, #tpu.memory_space<hbm>> -> memref<10000x64xf32, #tpu.memory_space<hbm>>
      tpu.enqueue_indirect_dma source(%dma_start3A_42 : memref<10000x64xf32, #tpu.memory_space<hbm>>) target(%dma_start3A_36 : memref<128x64xf32, #tpu.memory_space<vmem>>) offsets(%dma_start3A_39 : memref<128xi32, #tpu.memory_space<vmem>>) semaphore(%arg12 : memref<!tpu.dma_semaphore, #tpu.memory_space<semaphore_mem>>)
      %dma_wait3A = arith.constant 0 : i32
      %dma_wait3A_43 = arith.constant 0 : i32
      %dma_wait3A_44 = arith.constant 0 : i32
      %dma_wait3A_45 = tpu.memref_slice %arg9[%dma_wait3A, %dma_wait3A_43, %dma_wait3A_44] : memref<2x128x64xf32, #tpu.memory_space<vmem>> -> memref<1x128x64xf32, #tpu.memory_space<vmem>>
      %dma_wait3A_46 = tpu.memref_squeeze %dma_wait3A_45 : memref<1x128x64xf32, #tpu.memory_space<vmem>> -> memref<128x64xf32, #tpu.memory_space<vmem>>
      %dma_wait3A_47 = arith.constant 0 : i32
      %dma_wait3A_48 = tpu.memref_slice %arg7[%add3A_29, %dma_wait3A_47] : memref<80x128xi32, #tpu.memory_space<vmem>> -> memref<1x128xi32, #tpu.memory_space<vmem>>
      %dma_wait3A_49 = tpu.memref_squeeze %dma_wait3A_48 : memref<1x128xi32, #tpu.memory_space<vmem>> -> memref<128xi32, #tpu.memory_space<vmem>>
      %dma_wait3A_50 = arith.constant 0 : i32
      %dma_wait3A_51 = arith.constant 0 : i32
      %dma_wait3A_52 = tpu.memref_slice %arg2[%dma_wait3A_50, %dma_wait3A_51] : memref<10000x64xf32, #tpu.memory_space<hbm>> -> memref<10000x64xf32, #tpu.memory_space<hbm>>
      tpu.wait_indirect_dma semaphore(%arg11 : memref<!tpu.dma_semaphore, #tpu.memory_space<semaphore_mem>>) src(%dma_wait3A_52 : memref<10000x64xf32, #tpu.memory_space<hbm>>) dst(%dma_wait3A_46 : memref<128x64xf32, #tpu.memory_space<vmem>>)
      %run_scoped3A = arith.constant 0 : i32
      "tpu.region"() ({
        %run_scoped3A_73 = tpu.sem_alloc : memref<!tpu.dma_semaphore, #tpu.memory_space<semaphore_mem>>
        %dma_start3A_74 = arith.constant 0 : i32
        %dma_start3A_75 = arith.constant 0 : i32
        %dma_start3A_76 = tpu.memref_slice %arg9[%run_scoped3A, %dma_start3A_74, %dma_start3A_75] : memref<2x128x64xf32, #tpu.memory_space<vmem>> -> memref<1x128x64xf32, #tpu.memory_space<vmem>>
        %dma_start3A_77 = tpu.memref_squeeze %dma_start3A_76 : memref<1x128x64xf32, #tpu.memory_space<vmem>> -> memref<128x64xf32, #tpu.memory_space<vmem>>
        %dma_start3A_78 = arith.constant 0 : i32
        %dma_start3A_79 = tpu.memref_slice %arg8[%add3A_29, %dma_start3A_78] : memref<80x128xi32, #tpu.memory_space<vmem>> -> memref<1x128xi32, #tpu.memory_space<vmem>>
        %dma_start3A_80 = tpu.memref_squeeze %dma_start3A_79 : memref<1x128xi32, #tpu.memory_space<vmem>> -> memref<128xi32, #tpu.memory_space<vmem>>
        %dma_start3A_81 = arith.constant 0 : i32
        %dma_start3A_82 = arith.constant 0 : i32
        %dma_start3A_83 = tpu.memref_slice %arg10[%dma_start3A_81, %dma_start3A_82] : memref<10240x64xf32, #tpu.memory_space<vmem_shared>> -> memref<10240x64xf32, #tpu.memory_space<vmem_shared>>
        tpu.enqueue_indirect_dma source(%dma_start3A_77 : memref<128x64xf32, #tpu.memory_space<vmem>>) target(%dma_start3A_83 : memref<10240x64xf32, #tpu.memory_space<vmem_shared>>) offsets(%dma_start3A_80 : memref<128xi32, #tpu.memory_space<vmem>>) semaphore(%run_scoped3A_73 : memref<!tpu.dma_semaphore, #tpu.memory_space<semaphore_mem>>) {add = true}
        %dma_wait3A_84 = arith.constant 0 : i32
        %dma_wait3A_85 = arith.constant 0 : i32
        %dma_wait3A_86 = tpu.memref_slice %arg9[%run_scoped3A, %dma_wait3A_84, %dma_wait3A_85] : memref<2x128x64xf32, #tpu.memory_space<vmem>> -> memref<1x128x64xf32, #tpu.memory_space<vmem>>
        %dma_wait3A_87 = tpu.memref_squeeze %dma_wait3A_86 : memref<1x128x64xf32, #tpu.memory_space<vmem>> -> memref<128x64xf32, #tpu.memory_space<vmem>>
        %dma_wait3A_88 = arith.constant 0 : i32
        %dma_wait3A_89 = tpu.memref_slice %arg8[%add3A_29, %dma_wait3A_88] : memref<80x128xi32, #tpu.memory_space<vmem>> -> memref<1x128xi32, #tpu.memory_space<vmem>>
        %dma_wait3A_90 = tpu.memref_squeeze %dma_wait3A_89 : memref<1x128xi32, #tpu.memory_space<vmem>> -> memref<128xi32, #tpu.memory_space<vmem>>
        %dma_wait3A_91 = arith.constant 0 : i32
        %dma_wait3A_92 = arith.constant 0 : i32
        %dma_wait3A_93 = tpu.memref_slice %arg10[%dma_wait3A_91, %dma_wait3A_92] : memref<10240x64xf32, #tpu.memory_space<vmem_shared>> -> memref<10240x64xf32, #tpu.memory_space<vmem_shared>>
        tpu.wait_indirect_dma semaphore(%run_scoped3A_73 : memref<!tpu.dma_semaphore, #tpu.memory_space<semaphore_mem>>) src(%dma_wait3A_87 : memref<128x64xf32, #tpu.memory_space<vmem>>) dst(%dma_wait3A_93 : memref<10240x64xf32, #tpu.memory_space<vmem_shared>>)
        tpu.yield
      }) : () -> ()
      %add3A_53 = arith.constant 2 : i32
      %add3A_54 = arith.addi %add3A_29, %add3A_53 : i32
      %lt3A = arith.constant 80 : i32
      %lt3A_55 = arith.cmpi slt, %add3A_54, %lt3A : i32
      %convert_element_type3A = arith.extui %lt3A_55 : i1 to i32
      %cond3A = arith.constant 0 : i32
      %cond3A_56 = arith.cmpi ne, %convert_element_type3A, %cond3A : i32
      scf.if %cond3A_56 {
        %add3A_73 = arith.constant 2 : i32
        %add3A_74 = arith.addi %add3A_29, %add3A_73 : i32
        %dma_start3A_75 = arith.constant 0 : i32
        %dma_start3A_76 = arith.constant 0 : i32
        %dma_start3A_77 = arith.constant 0 : i32
        %dma_start3A_78 = tpu.memref_slice %arg9[%dma_start3A_75, %dma_start3A_76, %dma_start3A_77] : memref<2x128x64xf32, #tpu.memory_space<vmem>> -> memref<1x128x64xf32, #tpu.memory_space<vmem>>
        %dma_start3A_79 = tpu.memref_squeeze %dma_start3A_78 : memref<1x128x64xf32, #tpu.memory_space<vmem>> -> memref<128x64xf32, #tpu.memory_space<vmem>>
        %dma_start3A_80 = arith.constant 0 : i32
        %dma_start3A_81 = tpu.memref_slice %arg7[%add3A_74, %dma_start3A_80] : memref<80x128xi32, #tpu.memory_space<vmem>> -> memref<1x128xi32, #tpu.memory_space<vmem>>
        %dma_start3A_82 = tpu.memref_squeeze %dma_start3A_81 : memref<1x128xi32, #tpu.memory_space<vmem>> -> memref<128xi32, #tpu.memory_space<vmem>>
        %dma_start3A_83 = arith.constant 0 : i32
        %dma_start3A_84 = arith.constant 0 : i32
        %dma_start3A_85 = tpu.memref_slice %arg2[%dma_start3A_83, %dma_start3A_84] : memref<10000x64xf32, #tpu.memory_space<hbm>> -> memref<10000x64xf32, #tpu.memory_space<hbm>>
        tpu.enqueue_indirect_dma source(%dma_start3A_85 : memref<10000x64xf32, #tpu.memory_space<hbm>>) target(%dma_start3A_79 : memref<128x64xf32, #tpu.memory_space<vmem>>) offsets(%dma_start3A_82 : memref<128xi32, #tpu.memory_space<vmem>>) semaphore(%arg11 : memref<!tpu.dma_semaphore, #tpu.memory_space<semaphore_mem>>)
      } else {
      }
      %add3A_57 = arith.constant 1 : i32
      %add3A_58 = arith.addi %add3A_29, %add3A_57 : i32
      %dma_wait3A_59 = arith.constant 1 : i32
      %dma_wait3A_60 = arith.constant 0 : i32
      %dma_wait3A_61 = arith.constant 0 : i32
      %dma_wait3A_62 = tpu.memref_slice %arg9[%dma_wait3A_59, %dma_wait3A_60, %dma_wait3A_61] : memref<2x128x64xf32, #tpu.memory_space<vmem>> -> memref<1x128x64xf32, #tpu.memory_space<vmem>>
      %dma_wait3A_63 = tpu.memref_squeeze %dma_wait3A_62 : memref<1x128x64xf32, #tpu.memory_space<vmem>> -> memref<128x64xf32, #tpu.memory_space<vmem>>
      %dma_wait3A_64 = arith.constant 0 : i32
      %dma_wait3A_65 = tpu.memref_slice %arg7[%add3A_58, %dma_wait3A_64] : memref<80x128xi32, #tpu.memory_space<vmem>> -> memref<1x128xi32, #tpu.memory_space<vmem>>
      %dma_wait3A_66 = tpu.memref_squeeze %dma_wait3A_65 : memref<1x128xi32, #tpu.memory_space<vmem>> -> memref<128xi32, #tpu.memory_space<vmem>>
      %dma_wait3A_67 = arith.constant 0 : i32
      %dma_wait3A_68 = arith.constant 0 : i32
      %dma_wait3A_69 = tpu.memref_slice %arg2[%dma_wait3A_67, %dma_wait3A_68] : memref<10000x64xf32, #tpu.memory_space<hbm>> -> memref<10000x64xf32, #tpu.memory_space<hbm>>
      tpu.wait_indirect_dma semaphore(%arg12 : memref<!tpu.dma_semaphore, #tpu.memory_space<semaphore_mem>>) src(%dma_wait3A_69 : memref<10000x64xf32, #tpu.memory_space<hbm>>) dst(%dma_wait3A_63 : memref<128x64xf32, #tpu.memory_space<vmem>>)
      %add3A_70 = arith.constant 1 : i32
      %add3A_71 = arith.addi %add3A_29, %add3A_70 : i32
      %run_scoped3A_72 = arith.constant 1 : i32
      "tpu.region"() ({
        %run_scoped3A_73 = tpu.sem_alloc : memref<!tpu.dma_semaphore, #tpu.memory_space<semaphore_mem>>
        %dma_start3A_74 = arith.constant 0 : i32
        %dma_start3A_75 = arith.constant 0 : i32
        %dma_start3A_76 = tpu.memref_slice %arg9[%run_scoped3A_72, %dma_start3A_74, %dma_start3A_75] : memref<2x128x64xf32, #tpu.memory_space<vmem>> -> memref<1x128x64xf32, #tpu.memory_space<vmem>>
        %dma_start3A_77 = tpu.memref_squeeze %dma_start3A_76 : memref<1x128x64xf32, #tpu.memory_space<vmem>> -> memref<128x64xf32, #tpu.memory_space<vmem>>
        %dma_start3A_78 = arith.constant 0 : i32
        %dma_start3A_79 = tpu.memref_slice %arg8[%add3A_71, %dma_start3A_78] : memref<80x128xi32, #tpu.memory_space<vmem>> -> memref<1x128xi32, #tpu.memory_space<vmem>>
        %dma_start3A_80 = tpu.memref_squeeze %dma_start3A_79 : memref<1x128xi32, #tpu.memory_space<vmem>> -> memref<128xi32, #tpu.memory_space<vmem>>
        %dma_start3A_81 = arith.constant 0 : i32
        %dma_start3A_82 = arith.constant 0 : i32
        %dma_start3A_83 = tpu.memref_slice %arg10[%dma_start3A_81, %dma_start3A_82] : memref<10240x64xf32, #tpu.memory_space<vmem_shared>> -> memref<10240x64xf32, #tpu.memory_space<vmem_shared>>
        tpu.enqueue_indirect_dma source(%dma_start3A_77 : memref<128x64xf32, #tpu.memory_space<vmem>>) target(%dma_start3A_83 : memref<10240x64xf32, #tpu.memory_space<vmem_shared>>) offsets(%dma_start3A_80 : memref<128xi32, #tpu.memory_space<vmem>>) semaphore(%run_scoped3A_73 : memref<!tpu.dma_semaphore, #tpu.memory_space<semaphore_mem>>) {add = true}
        %dma_wait3A_84 = arith.constant 0 : i32
        %dma_wait3A_85 = arith.constant 0 : i32
        %dma_wait3A_86 = tpu.memref_slice %arg9[%run_scoped3A_72, %dma_wait3A_84, %dma_wait3A_85] : memref<2x128x64xf32, #tpu.memory_space<vmem>> -> memref<1x128x64xf32, #tpu.memory_space<vmem>>
        %dma_wait3A_87 = tpu.memref_squeeze %dma_wait3A_86 : memref<1x128x64xf32, #tpu.memory_space<vmem>> -> memref<128x64xf32, #tpu.memory_space<vmem>>
        %dma_wait3A_88 = arith.constant 0 : i32
        %dma_wait3A_89 = tpu.memref_slice %arg8[%add3A_71, %dma_wait3A_88] : memref<80x128xi32, #tpu.memory_space<vmem>> -> memref<1x128xi32, #tpu.memory_space<vmem>>
        %dma_wait3A_90 = tpu.memref_squeeze %dma_wait3A_89 : memref<1x128xi32, #tpu.memory_space<vmem>> -> memref<128xi32, #tpu.memory_space<vmem>>
        %dma_wait3A_91 = arith.constant 0 : i32
        %dma_wait3A_92 = arith.constant 0 : i32
        %dma_wait3A_93 = tpu.memref_slice %arg10[%dma_wait3A_91, %dma_wait3A_92] : memref<10240x64xf32, #tpu.memory_space<vmem_shared>> -> memref<10240x64xf32, #tpu.memory_space<vmem_shared>>
        tpu.wait_indirect_dma semaphore(%run_scoped3A_73 : memref<!tpu.dma_semaphore, #tpu.memory_space<semaphore_mem>>) src(%dma_wait3A_87 : memref<128x64xf32, #tpu.memory_space<vmem>>) dst(%dma_wait3A_93 : memref<10240x64xf32, #tpu.memory_space<vmem_shared>>)
        tpu.yield
      }) : () -> ()
    }
    %scan3A_19 = arith.constant 40 : i32
    %barrier3A_20 = arith.constant 0 : index
    tpu.barrier barrier_id(%barrier3A_20)
    %mul3A_21 = arith.constant 640 : i32
    %mul3A_22 = arith.muli %arg1, %mul3A_21 : i32
    %mul3A_23 = arith.constant 640 : i32
    %mul3A_24 = arith.muli %arg1, %mul3A_23 : i32
    "tpu.region"() ({
      %run_scoped3A = tpu.sem_alloc : memref<!tpu.dma_semaphore, #tpu.memory_space<semaphore_mem>>
      %dma_start3A_25 = arith.constant 0 : i32
      %dma_start3A_26 = tpu.memref_slice %arg6[%arg0, %mul3A_24, %dma_start3A_25] : memref<2x10240x64xf32, #tpu.memory_space<hbm>> -> memref<1x640x64xf32, #tpu.memory_space<hbm>>
      %dma_start3A_27 = tpu.memref_squeeze %dma_start3A_26 : memref<1x640x64xf32, #tpu.memory_space<hbm>> -> memref<640x64xf32, #tpu.memory_space<hbm>>
      %dma_start3A_28 = arith.constant 0 : i32
      %dma_start3A_29 = tpu.memref_slice %arg10[%mul3A_22, %dma_start3A_28] : memref<10240x64xf32, #tpu.memory_space<vmem_shared>> -> memref<640x64xf32, #tpu.memory_space<vmem_shared>>
      tpu.enqueue_dma source(%dma_start3A_29 : memref<640x64xf32, #tpu.memory_space<vmem_shared>>) target(%dma_start3A_27 : memref<640x64xf32, #tpu.memory_space<hbm>>) target_semaphore(%run_scoped3A : memref<!tpu.dma_semaphore, #tpu.memory_space<semaphore_mem>>)
      %dma_wait3A = arith.constant 0 : i32
      %dma_wait3A_30 = tpu.memref_slice %arg6[%arg0, %mul3A_24, %dma_wait3A] : memref<2x10240x64xf32, #tpu.memory_space<hbm>> -> memref<1x640x64xf32, #tpu.memory_space<hbm>>
      %dma_wait3A_31 = tpu.memref_squeeze %dma_wait3A_30 : memref<1x640x64xf32, #tpu.memory_space<hbm>> -> memref<640x64xf32, #tpu.memory_space<hbm>>
      %dma_wait3A_32 = arith.constant 0 : i32
      %dma_wait3A_33 = tpu.memref_slice %arg10[%mul3A_22, %dma_wait3A_32] : memref<10240x64xf32, #tpu.memory_space<vmem_shared>> -> memref<640x64xf32, #tpu.memory_space<vmem_shared>>
      tpu.wait_dma2 semaphore(%run_scoped3A : memref<!tpu.dma_semaphore, #tpu.memory_space<semaphore_mem>>) src(%dma_wait3A_33 : memref<640x64xf32, #tpu.memory_space<vmem_shared>>) dst(%dma_wait3A_31 : memref<640x64xf32, #tpu.memory_space<hbm>>)
      tpu.yield
    }) : () -> ()
    return
  }
}

#map = affine_map<(d0, d1) -> (0, 0)>
#map1 = affine_map<(d0, d1) -> (0, 0, 0)>
module attributes {stable_mosaic.version = 14 : i64} {
  func.func @body(%arg0: i32, %arg1: i32, %arg2: memref<10000x64xf32, #tpu.memory_space<hbm>>, %arg3: memref<10000x64xf32, #tpu.memory_space<hbm>>, %arg4: memref<32x80x128xi32, #tpu.memory_space<hbm>>, %arg5: memref<32x80x128xi32, #tpu.memory_space<hbm>>, %arg6: memref<10240x64xf32, #tpu.memory_space<hbm>>, %arg7: memref<2x10240x64xf32, #tpu.memory_space<hbm>>, %arg8: memref<2x10240x64xf32, #tpu.memory_space<hbm>>, %arg9: memref<80x128xi32, #tpu.memory_space<vmem>>, %arg10: memref<80x128xi32, #tpu.memory_space<vmem>>, %arg11: memref<2x128x64xf32, #tpu.memory_space<vmem>>, %arg12: memref<10240x64xf32, #tpu.memory_space<vmem_shared>>, %arg13: memref<!tpu.dma_semaphore, #tpu.memory_space<semaphore_mem>>, %arg14: memref<!tpu.dma_semaphore, #tpu.memory_space<semaphore_mem>>) attributes {dimension_semantics = [#tpu.dimension_semantics<core_parallel>, #tpu.dimension_semantics<subcore_parallel>], iteration_bounds = array<i64: 2, 16>, scalar_prefetch = 0 : i64, scratch_operands = 6 : i64, tpu.core_type = #tpu.core_type<sc_vector_subcore>, window_params = [{transform_indices = #map}, {transform_indices = #map}, {transform_indices = #map1}, {transform_indices = #map1}, {transform_indices = #map}, {transform_indices = #map1}, {transform_indices = #map1}]} {
    %mul3A = arith.constant 16 : i32
    %mul3A_0 = arith.muli %arg0, %mul3A : i32
    %add3A = arith.addi %mul3A_0, %arg1 : i32
    "tpu.region"() ({
      %run_scoped3A = tpu.sem_alloc : memref<!tpu.dma_semaphore, #tpu.memory_space<semaphore_mem>>
      %dma_start3A_52 = arith.constant 0 : i32
      %dma_start3A_53 = arith.constant 0 : i32
      %dma_start3A_54 = tpu.memref_slice %arg4[%add3A, %dma_start3A_52, %dma_start3A_53] : memref<32x80x128xi32, #tpu.memory_space<hbm>> -> memref<1x80x128xi32, #tpu.memory_space<hbm>>
      %dma_start3A_55 = tpu.memref_squeeze %dma_start3A_54 : memref<1x80x128xi32, #tpu.memory_space<hbm>> -> memref<80x128xi32, #tpu.memory_space<hbm>>
      %dma_start3A_56 = arith.constant 0 : i32
      %dma_start3A_57 = arith.constant 0 : i32
      %dma_start3A_58 = tpu.memref_slice %arg4[%add3A, %dma_start3A_56, %dma_start3A_57] : memref<32x80x128xi32, #tpu.memory_space<hbm>> -> memref<1x80x128xi32, #tpu.memory_space<hbm>>
      %dma_start3A_59 = tpu.memref_squeeze %dma_start3A_58 : memref<1x80x128xi32, #tpu.memory_space<hbm>> -> memref<80x128xi32, #tpu.memory_space<hbm>>
      tpu.enqueue_dma source(%dma_start3A_59 : memref<80x128xi32, #tpu.memory_space<hbm>>) target(%arg9 : memref<80x128xi32, #tpu.memory_space<vmem>>) target_semaphore(%run_scoped3A : memref<!tpu.dma_semaphore, #tpu.memory_space<semaphore_mem>>)
      %dma_wait3A = arith.constant 0 : i32
      %dma_wait3A_60 = arith.constant 0 : i32
      %dma_wait3A_61 = tpu.memref_slice %arg4[%add3A, %dma_wait3A, %dma_wait3A_60] : memref<32x80x128xi32, #tpu.memory_space<hbm>> -> memref<1x80x128xi32, #tpu.memory_space<hbm>>
      %dma_wait3A_62 = tpu.memref_squeeze %dma_wait3A_61 : memref<1x80x128xi32, #tpu.memory_space<hbm>> -> memref<80x128xi32, #tpu.memory_space<hbm>>
      %dma_wait3A_63 = arith.constant 0 : i32
      %dma_wait3A_64 = arith.constant 0 : i32
      %dma_wait3A_65 = tpu.memref_slice %arg4[%add3A, %dma_wait3A_63, %dma_wait3A_64] : memref<32x80x128xi32, #tpu.memory_space<hbm>> -> memref<1x80x128xi32, #tpu.memory_space<hbm>>
      %dma_wait3A_66 = tpu.memref_squeeze %dma_wait3A_65 : memref<1x80x128xi32, #tpu.memory_space<hbm>> -> memref<80x128xi32, #tpu.memory_space<hbm>>
      tpu.wait_dma2 semaphore(%run_scoped3A : memref<!tpu.dma_semaphore, #tpu.memory_space<semaphore_mem>>) src(%dma_wait3A_66 : memref<80x128xi32, #tpu.memory_space<hbm>>) dst(%arg9 : memref<80x128xi32, #tpu.memory_space<vmem>>)
      tpu.yield
    }) : () -> ()
    "tpu.region"() ({
      %run_scoped3A = tpu.sem_alloc : memref<!tpu.dma_semaphore, #tpu.memory_space<semaphore_mem>>
      %dma_start3A_52 = arith.constant 0 : i32
      %dma_start3A_53 = arith.constant 0 : i32
      %dma_start3A_54 = tpu.memref_slice %arg5[%add3A, %dma_start3A_52, %dma_start3A_53] : memref<32x80x128xi32, #tpu.memory_space<hbm>> -> memref<1x80x128xi32, #tpu.memory_space<hbm>>
      %dma_start3A_55 = tpu.memref_squeeze %dma_start3A_54 : memref<1x80x128xi32, #tpu.memory_space<hbm>> -> memref<80x128xi32, #tpu.memory_space<hbm>>
      %dma_start3A_56 = arith.constant 0 : i32
      %dma_start3A_57 = arith.constant 0 : i32
      %dma_start3A_58 = tpu.memref_slice %arg5[%add3A, %dma_start3A_56, %dma_start3A_57] : memref<32x80x128xi32, #tpu.memory_space<hbm>> -> memref<1x80x128xi32, #tpu.memory_space<hbm>>
      %dma_start3A_59 = tpu.memref_squeeze %dma_start3A_58 : memref<1x80x128xi32, #tpu.memory_space<hbm>> -> memref<80x128xi32, #tpu.memory_space<hbm>>
      tpu.enqueue_dma source(%dma_start3A_59 : memref<80x128xi32, #tpu.memory_space<hbm>>) target(%arg10 : memref<80x128xi32, #tpu.memory_space<vmem>>) target_semaphore(%run_scoped3A : memref<!tpu.dma_semaphore, #tpu.memory_space<semaphore_mem>>)
      %dma_wait3A = arith.constant 0 : i32
      %dma_wait3A_60 = arith.constant 0 : i32
      %dma_wait3A_61 = tpu.memref_slice %arg5[%add3A, %dma_wait3A, %dma_wait3A_60] : memref<32x80x128xi32, #tpu.memory_space<hbm>> -> memref<1x80x128xi32, #tpu.memory_space<hbm>>
      %dma_wait3A_62 = tpu.memref_squeeze %dma_wait3A_61 : memref<1x80x128xi32, #tpu.memory_space<hbm>> -> memref<80x128xi32, #tpu.memory_space<hbm>>
      %dma_wait3A_63 = arith.constant 0 : i32
      %dma_wait3A_64 = arith.constant 0 : i32
      %dma_wait3A_65 = tpu.memref_slice %arg5[%add3A, %dma_wait3A_63, %dma_wait3A_64] : memref<32x80x128xi32, #tpu.memory_space<hbm>> -> memref<1x80x128xi32, #tpu.memory_space<hbm>>
      %dma_wait3A_66 = tpu.memref_squeeze %dma_wait3A_65 : memref<1x80x128xi32, #tpu.memory_space<hbm>> -> memref<80x128xi32, #tpu.memory_space<hbm>>
      tpu.wait_dma2 semaphore(%run_scoped3A : memref<!tpu.dma_semaphore, #tpu.memory_space<semaphore_mem>>) src(%dma_wait3A_66 : memref<80x128xi32, #tpu.memory_space<hbm>>) dst(%arg10 : memref<80x128xi32, #tpu.memory_space<vmem>>)
      tpu.yield
    }) : () -> ()
    %mul3A_1 = arith.constant 640 : i32
    %mul3A_2 = arith.muli %arg1, %mul3A_1 : i32
    %mul3A_3 = arith.constant 640 : i32
    %mul3A_4 = arith.muli %arg1, %mul3A_3 : i32
    "tpu.region"() ({
      %run_scoped3A = tpu.sem_alloc : memref<!tpu.dma_semaphore, #tpu.memory_space<semaphore_mem>>
      %dma_start3A_52 = arith.constant 0 : i32
      %dma_start3A_53 = tpu.memref_slice %arg12[%mul3A_4, %dma_start3A_52] : memref<10240x64xf32, #tpu.memory_space<vmem_shared>> -> memref<640x64xf32, #tpu.memory_space<vmem_shared>>
      %dma_start3A_54 = arith.constant 0 : i32
      %dma_start3A_55 = tpu.memref_slice %arg6[%mul3A_2, %dma_start3A_54] : memref<10240x64xf32, #tpu.memory_space<hbm>> -> memref<640x64xf32, #tpu.memory_space<hbm>>
      tpu.enqueue_dma source(%dma_start3A_55 : memref<640x64xf32, #tpu.memory_space<hbm>>) target(%dma_start3A_53 : memref<640x64xf32, #tpu.memory_space<vmem_shared>>) target_semaphore(%run_scoped3A : memref<!tpu.dma_semaphore, #tpu.memory_space<semaphore_mem>>)
      %dma_wait3A = arith.constant 0 : i32
      %dma_wait3A_56 = tpu.memref_slice %arg12[%mul3A_4, %dma_wait3A] : memref<10240x64xf32, #tpu.memory_space<vmem_shared>> -> memref<640x64xf32, #tpu.memory_space<vmem_shared>>
      %dma_wait3A_57 = arith.constant 0 : i32
      %dma_wait3A_58 = tpu.memref_slice %arg6[%mul3A_2, %dma_wait3A_57] : memref<10240x64xf32, #tpu.memory_space<hbm>> -> memref<640x64xf32, #tpu.memory_space<hbm>>
      tpu.wait_dma2 semaphore(%run_scoped3A : memref<!tpu.dma_semaphore, #tpu.memory_space<semaphore_mem>>) src(%dma_wait3A_58 : memref<640x64xf32, #tpu.memory_space<hbm>>) dst(%dma_wait3A_56 : memref<640x64xf32, #tpu.memory_space<vmem_shared>>)
      tpu.yield
    }) : () -> ()
    %barrier3A = arith.constant 0 : index
    tpu.barrier barrier_id(%barrier3A)
    %dma_start3A = arith.constant 0 : i32
    %dma_start3A_5 = arith.constant 0 : i32
    %dma_start3A_6 = arith.constant 0 : i32
    %dma_start3A_7 = arith.constant 0 : i32
    %dma_start3A_8 = tpu.memref_slice %arg11[%dma_start3A_5, %dma_start3A_6, %dma_start3A_7] : memref<2x128x64xf32, #tpu.memory_space<vmem>> -> memref<1x128x64xf32, #tpu.memory_space<vmem>>
    %dma_start3A_9 = tpu.memref_squeeze %dma_start3A_8 : memref<1x128x64xf32, #tpu.memory_space<vmem>> -> memref<128x64xf32, #tpu.memory_space<vmem>>
    %dma_start3A_10 = arith.constant 0 : i32
    %dma_start3A_11 = tpu.memref_slice %arg9[%dma_start3A, %dma_start3A_10] : memref<80x128xi32, #tpu.memory_space<vmem>> -> memref<1x128xi32, #tpu.memory_space<vmem>>
    %dma_start3A_12 = tpu.memref_squeeze %dma_start3A_11 : memref<1x128xi32, #tpu.memory_space<vmem>> -> memref<128xi32, #tpu.memory_space<vmem>>
    %dma_start3A_13 = arith.constant 0 : i32
    %dma_start3A_14 = arith.constant 0 : i32
    %dma_start3A_15 = tpu.memref_slice %arg2[%dma_start3A_13, %dma_start3A_14] : memref<10000x64xf32, #tpu.memory_space<hbm>> -> memref<10000x64xf32, #tpu.memory_space<hbm>>
    tpu.enqueue_indirect_dma source(%dma_start3A_15 : memref<10000x64xf32, #tpu.memory_space<hbm>>) target(%dma_start3A_9 : memref<128x64xf32, #tpu.memory_space<vmem>>) offsets(%dma_start3A_12 : memref<128xi32, #tpu.memory_space<vmem>>) semaphore(%arg13 : memref<!tpu.dma_semaphore, #tpu.memory_space<semaphore_mem>>)
    %scan3A = arith.constant 0 : i32
    %scan3A_16 = arith.constant 40 : i32
    %scan3A_17 = arith.addi %scan3A, %scan3A_16 : i32
    %scan3A_18 = arith.constant 1 : i32
    scf.for %scan3A_52 = %scan3A to %scan3A_17 step %scan3A_18  : i32 {
      %mul3A_53 = arith.constant 2 : i32
      %mul3A_54 = arith.muli %scan3A_52, %mul3A_53 : i32
      %add3A_55 = arith.constant 0 : i32
      %add3A_56 = arith.addi %add3A_55, %mul3A_54 : i32
      %add3A_57 = arith.constant 1 : i32
      %add3A_58 = arith.addi %add3A_56, %add3A_57 : i32
      %dma_start3A_59 = arith.constant 1 : i32
      %dma_start3A_60 = arith.constant 0 : i32
      %dma_start3A_61 = arith.constant 0 : i32
      %dma_start3A_62 = tpu.memref_slice %arg11[%dma_start3A_59, %dma_start3A_60, %dma_start3A_61] : memref<2x128x64xf32, #tpu.memory_space<vmem>> -> memref<1x128x64xf32, #tpu.memory_space<vmem>>
      %dma_start3A_63 = tpu.memref_squeeze %dma_start3A_62 : memref<1x128x64xf32, #tpu.memory_space<vmem>> -> memref<128x64xf32, #tpu.memory_space<vmem>>
      %dma_start3A_64 = arith.constant 0 : i32
      %dma_start3A_65 = tpu.memref_slice %arg9[%add3A_58, %dma_start3A_64] : memref<80x128xi32, #tpu.memory_space<vmem>> -> memref<1x128xi32, #tpu.memory_space<vmem>>
      %dma_start3A_66 = tpu.memref_squeeze %dma_start3A_65 : memref<1x128xi32, #tpu.memory_space<vmem>> -> memref<128xi32, #tpu.memory_space<vmem>>
      %dma_start3A_67 = arith.constant 0 : i32
      %dma_start3A_68 = arith.constant 0 : i32
      %dma_start3A_69 = tpu.memref_slice %arg2[%dma_start3A_67, %dma_start3A_68] : memref<10000x64xf32, #tpu.memory_space<hbm>> -> memref<10000x64xf32, #tpu.memory_space<hbm>>
      tpu.enqueue_indirect_dma source(%dma_start3A_69 : memref<10000x64xf32, #tpu.memory_space<hbm>>) target(%dma_start3A_63 : memref<128x64xf32, #tpu.memory_space<vmem>>) offsets(%dma_start3A_66 : memref<128xi32, #tpu.memory_space<vmem>>) semaphore(%arg14 : memref<!tpu.dma_semaphore, #tpu.memory_space<semaphore_mem>>)
      %dma_wait3A = arith.constant 0 : i32
      %dma_wait3A_70 = arith.constant 0 : i32
      %dma_wait3A_71 = arith.constant 0 : i32
      %dma_wait3A_72 = tpu.memref_slice %arg11[%dma_wait3A, %dma_wait3A_70, %dma_wait3A_71] : memref<2x128x64xf32, #tpu.memory_space<vmem>> -> memref<1x128x64xf32, #tpu.memory_space<vmem>>
      %dma_wait3A_73 = tpu.memref_squeeze %dma_wait3A_72 : memref<1x128x64xf32, #tpu.memory_space<vmem>> -> memref<128x64xf32, #tpu.memory_space<vmem>>
      %dma_wait3A_74 = arith.constant 0 : i32
      %dma_wait3A_75 = tpu.memref_slice %arg9[%add3A_56, %dma_wait3A_74] : memref<80x128xi32, #tpu.memory_space<vmem>> -> memref<1x128xi32, #tpu.memory_space<vmem>>
      %dma_wait3A_76 = tpu.memref_squeeze %dma_wait3A_75 : memref<1x128xi32, #tpu.memory_space<vmem>> -> memref<128xi32, #tpu.memory_space<vmem>>
      %dma_wait3A_77 = arith.constant 0 : i32
      %dma_wait3A_78 = arith.constant 0 : i32
      %dma_wait3A_79 = tpu.memref_slice %arg2[%dma_wait3A_77, %dma_wait3A_78] : memref<10000x64xf32, #tpu.memory_space<hbm>> -> memref<10000x64xf32, #tpu.memory_space<hbm>>
      tpu.wait_indirect_dma semaphore(%arg13 : memref<!tpu.dma_semaphore, #tpu.memory_space<semaphore_mem>>) src(%dma_wait3A_79 : memref<10000x64xf32, #tpu.memory_space<hbm>>) dst(%dma_wait3A_73 : memref<128x64xf32, #tpu.memory_space<vmem>>)
      %run_scoped3A = arith.constant 0 : i32
      "tpu.region"() ({
        %run_scoped3A_100 = tpu.sem_alloc : memref<!tpu.dma_semaphore, #tpu.memory_space<semaphore_mem>>
        %dma_start3A_101 = arith.constant 0 : i32
        %dma_start3A_102 = arith.constant 0 : i32
        %dma_start3A_103 = tpu.memref_slice %arg11[%run_scoped3A, %dma_start3A_101, %dma_start3A_102] : memref<2x128x64xf32, #tpu.memory_space<vmem>> -> memref<1x128x64xf32, #tpu.memory_space<vmem>>
        %dma_start3A_104 = tpu.memref_squeeze %dma_start3A_103 : memref<1x128x64xf32, #tpu.memory_space<vmem>> -> memref<128x64xf32, #tpu.memory_space<vmem>>
        %dma_start3A_105 = arith.constant 0 : i32
        %dma_start3A_106 = tpu.memref_slice %arg10[%add3A_56, %dma_start3A_105] : memref<80x128xi32, #tpu.memory_space<vmem>> -> memref<1x128xi32, #tpu.memory_space<vmem>>
        %dma_start3A_107 = tpu.memref_squeeze %dma_start3A_106 : memref<1x128xi32, #tpu.memory_space<vmem>> -> memref<128xi32, #tpu.memory_space<vmem>>
        %dma_start3A_108 = arith.constant 0 : i32
        %dma_start3A_109 = arith.constant 0 : i32
        %dma_start3A_110 = tpu.memref_slice %arg12[%dma_start3A_108, %dma_start3A_109] : memref<10240x64xf32, #tpu.memory_space<vmem_shared>> -> memref<10240x64xf32, #tpu.memory_space<vmem_shared>>
        tpu.enqueue_indirect_dma source(%dma_start3A_104 : memref<128x64xf32, #tpu.memory_space<vmem>>) target(%dma_start3A_110 : memref<10240x64xf32, #tpu.memory_space<vmem_shared>>) offsets(%dma_start3A_107 : memref<128xi32, #tpu.memory_space<vmem>>) semaphore(%run_scoped3A_100 : memref<!tpu.dma_semaphore, #tpu.memory_space<semaphore_mem>>) {add = true}
        %dma_wait3A_111 = arith.constant 0 : i32
        %dma_wait3A_112 = arith.constant 0 : i32
        %dma_wait3A_113 = tpu.memref_slice %arg11[%run_scoped3A, %dma_wait3A_111, %dma_wait3A_112] : memref<2x128x64xf32, #tpu.memory_space<vmem>> -> memref<1x128x64xf32, #tpu.memory_space<vmem>>
        %dma_wait3A_114 = tpu.memref_squeeze %dma_wait3A_113 : memref<1x128x64xf32, #tpu.memory_space<vmem>> -> memref<128x64xf32, #tpu.memory_space<vmem>>
        %dma_wait3A_115 = arith.constant 0 : i32
        %dma_wait3A_116 = tpu.memref_slice %arg10[%add3A_56, %dma_wait3A_115] : memref<80x128xi32, #tpu.memory_space<vmem>> -> memref<1x128xi32, #tpu.memory_space<vmem>>
        %dma_wait3A_117 = tpu.memref_squeeze %dma_wait3A_116 : memref<1x128xi32, #tpu.memory_space<vmem>> -> memref<128xi32, #tpu.memory_space<vmem>>
        %dma_wait3A_118 = arith.constant 0 : i32
        %dma_wait3A_119 = arith.constant 0 : i32
        %dma_wait3A_120 = tpu.memref_slice %arg12[%dma_wait3A_118, %dma_wait3A_119] : memref<10240x64xf32, #tpu.memory_space<vmem_shared>> -> memref<10240x64xf32, #tpu.memory_space<vmem_shared>>
        tpu.wait_indirect_dma semaphore(%run_scoped3A_100 : memref<!tpu.dma_semaphore, #tpu.memory_space<semaphore_mem>>) src(%dma_wait3A_114 : memref<128x64xf32, #tpu.memory_space<vmem>>) dst(%dma_wait3A_120 : memref<10240x64xf32, #tpu.memory_space<vmem_shared>>)
        tpu.yield
      }) : () -> ()
      %add3A_80 = arith.constant 2 : i32
      %add3A_81 = arith.addi %add3A_56, %add3A_80 : i32
      %lt3A = arith.constant 80 : i32
      %lt3A_82 = arith.cmpi slt, %add3A_81, %lt3A : i32
      %convert_element_type3A = arith.extui %lt3A_82 : i1 to i32
      %cond3A = arith.constant 0 : i32
      %cond3A_83 = arith.cmpi ne, %convert_element_type3A, %cond3A : i32
      scf.if %cond3A_83 {
        %add3A_100 = arith.constant 2 : i32
        %add3A_101 = arith.addi %add3A_56, %add3A_100 : i32
        %dma_start3A_102 = arith.constant 0 : i32
        %dma_start3A_103 = arith.constant 0 : i32
        %dma_start3A_104 = arith.constant 0 : i32
        %dma_start3A_105 = tpu.memref_slice %arg11[%dma_start3A_102, %dma_start3A_103, %dma_start3A_104] : memref<2x128x64xf32, #tpu.memory_space<vmem>> -> memref<1x128x64xf32, #tpu.memory_space<vmem>>
        %dma_start3A_106 = tpu.memref_squeeze %dma_start3A_105 : memref<1x128x64xf32, #tpu.memory_space<vmem>> -> memref<128x64xf32, #tpu.memory_space<vmem>>
        %dma_start3A_107 = arith.constant 0 : i32
        %dma_start3A_108 = tpu.memref_slice %arg9[%add3A_101, %dma_start3A_107] : memref<80x128xi32, #tpu.memory_space<vmem>> -> memref<1x128xi32, #tpu.memory_space<vmem>>
        %dma_start3A_109 = tpu.memref_squeeze %dma_start3A_108 : memref<1x128xi32, #tpu.memory_space<vmem>> -> memref<128xi32, #tpu.memory_space<vmem>>
        %dma_start3A_110 = arith.constant 0 : i32
        %dma_start3A_111 = arith.constant 0 : i32
        %dma_start3A_112 = tpu.memref_slice %arg2[%dma_start3A_110, %dma_start3A_111] : memref<10000x64xf32, #tpu.memory_space<hbm>> -> memref<10000x64xf32, #tpu.memory_space<hbm>>
        tpu.enqueue_indirect_dma source(%dma_start3A_112 : memref<10000x64xf32, #tpu.memory_space<hbm>>) target(%dma_start3A_106 : memref<128x64xf32, #tpu.memory_space<vmem>>) offsets(%dma_start3A_109 : memref<128xi32, #tpu.memory_space<vmem>>) semaphore(%arg13 : memref<!tpu.dma_semaphore, #tpu.memory_space<semaphore_mem>>)
      } else {
      }
      %add3A_84 = arith.constant 1 : i32
      %add3A_85 = arith.addi %add3A_56, %add3A_84 : i32
      %dma_wait3A_86 = arith.constant 1 : i32
      %dma_wait3A_87 = arith.constant 0 : i32
      %dma_wait3A_88 = arith.constant 0 : i32
      %dma_wait3A_89 = tpu.memref_slice %arg11[%dma_wait3A_86, %dma_wait3A_87, %dma_wait3A_88] : memref<2x128x64xf32, #tpu.memory_space<vmem>> -> memref<1x128x64xf32, #tpu.memory_space<vmem>>
      %dma_wait3A_90 = tpu.memref_squeeze %dma_wait3A_89 : memref<1x128x64xf32, #tpu.memory_space<vmem>> -> memref<128x64xf32, #tpu.memory_space<vmem>>
      %dma_wait3A_91 = arith.constant 0 : i32
      %dma_wait3A_92 = tpu.memref_slice %arg9[%add3A_85, %dma_wait3A_91] : memref<80x128xi32, #tpu.memory_space<vmem>> -> memref<1x128xi32, #tpu.memory_space<vmem>>
      %dma_wait3A_93 = tpu.memref_squeeze %dma_wait3A_92 : memref<1x128xi32, #tpu.memory_space<vmem>> -> memref<128xi32, #tpu.memory_space<vmem>>
      %dma_wait3A_94 = arith.constant 0 : i32
      %dma_wait3A_95 = arith.constant 0 : i32
      %dma_wait3A_96 = tpu.memref_slice %arg2[%dma_wait3A_94, %dma_wait3A_95] : memref<10000x64xf32, #tpu.memory_space<hbm>> -> memref<10000x64xf32, #tpu.memory_space<hbm>>
      tpu.wait_indirect_dma semaphore(%arg14 : memref<!tpu.dma_semaphore, #tpu.memory_space<semaphore_mem>>) src(%dma_wait3A_96 : memref<10000x64xf32, #tpu.memory_space<hbm>>) dst(%dma_wait3A_90 : memref<128x64xf32, #tpu.memory_space<vmem>>)
      %add3A_97 = arith.constant 1 : i32
      %add3A_98 = arith.addi %add3A_56, %add3A_97 : i32
      %run_scoped3A_99 = arith.constant 1 : i32
      "tpu.region"() ({
        %run_scoped3A_100 = tpu.sem_alloc : memref<!tpu.dma_semaphore, #tpu.memory_space<semaphore_mem>>
        %dma_start3A_101 = arith.constant 0 : i32
        %dma_start3A_102 = arith.constant 0 : i32
        %dma_start3A_103 = tpu.memref_slice %arg11[%run_scoped3A_99, %dma_start3A_101, %dma_start3A_102] : memref<2x128x64xf32, #tpu.memory_space<vmem>> -> memref<1x128x64xf32, #tpu.memory_space<vmem>>
        %dma_start3A_104 = tpu.memref_squeeze %dma_start3A_103 : memref<1x128x64xf32, #tpu.memory_space<vmem>> -> memref<128x64xf32, #tpu.memory_space<vmem>>
        %dma_start3A_105 = arith.constant 0 : i32
        %dma_start3A_106 = tpu.memref_slice %arg10[%add3A_98, %dma_start3A_105] : memref<80x128xi32, #tpu.memory_space<vmem>> -> memref<1x128xi32, #tpu.memory_space<vmem>>
        %dma_start3A_107 = tpu.memref_squeeze %dma_start3A_106 : memref<1x128xi32, #tpu.memory_space<vmem>> -> memref<128xi32, #tpu.memory_space<vmem>>
        %dma_start3A_108 = arith.constant 0 : i32
        %dma_start3A_109 = arith.constant 0 : i32
        %dma_start3A_110 = tpu.memref_slice %arg12[%dma_start3A_108, %dma_start3A_109] : memref<10240x64xf32, #tpu.memory_space<vmem_shared>> -> memref<10240x64xf32, #tpu.memory_space<vmem_shared>>
        tpu.enqueue_indirect_dma source(%dma_start3A_104 : memref<128x64xf32, #tpu.memory_space<vmem>>) target(%dma_start3A_110 : memref<10240x64xf32, #tpu.memory_space<vmem_shared>>) offsets(%dma_start3A_107 : memref<128xi32, #tpu.memory_space<vmem>>) semaphore(%run_scoped3A_100 : memref<!tpu.dma_semaphore, #tpu.memory_space<semaphore_mem>>) {add = true}
        %dma_wait3A_111 = arith.constant 0 : i32
        %dma_wait3A_112 = arith.constant 0 : i32
        %dma_wait3A_113 = tpu.memref_slice %arg11[%run_scoped3A_99, %dma_wait3A_111, %dma_wait3A_112] : memref<2x128x64xf32, #tpu.memory_space<vmem>> -> memref<1x128x64xf32, #tpu.memory_space<vmem>>
        %dma_wait3A_114 = tpu.memref_squeeze %dma_wait3A_113 : memref<1x128x64xf32, #tpu.memory_space<vmem>> -> memref<128x64xf32, #tpu.memory_space<vmem>>
        %dma_wait3A_115 = arith.constant 0 : i32
        %dma_wait3A_116 = tpu.memref_slice %arg10[%add3A_98, %dma_wait3A_115] : memref<80x128xi32, #tpu.memory_space<vmem>> -> memref<1x128xi32, #tpu.memory_space<vmem>>
        %dma_wait3A_117 = tpu.memref_squeeze %dma_wait3A_116 : memref<1x128xi32, #tpu.memory_space<vmem>> -> memref<128xi32, #tpu.memory_space<vmem>>
        %dma_wait3A_118 = arith.constant 0 : i32
        %dma_wait3A_119 = arith.constant 0 : i32
        %dma_wait3A_120 = tpu.memref_slice %arg12[%dma_wait3A_118, %dma_wait3A_119] : memref<10240x64xf32, #tpu.memory_space<vmem_shared>> -> memref<10240x64xf32, #tpu.memory_space<vmem_shared>>
        tpu.wait_indirect_dma semaphore(%run_scoped3A_100 : memref<!tpu.dma_semaphore, #tpu.memory_space<semaphore_mem>>) src(%dma_wait3A_114 : memref<128x64xf32, #tpu.memory_space<vmem>>) dst(%dma_wait3A_120 : memref<10240x64xf32, #tpu.memory_space<vmem_shared>>)
        tpu.yield
      }) : () -> ()
    }
    %scan3A_19 = arith.constant 40 : i32
    %barrier3A_20 = arith.constant 0 : index
    tpu.barrier barrier_id(%barrier3A_20)
    %mul3A_21 = arith.constant 640 : i32
    %mul3A_22 = arith.muli %arg1, %mul3A_21 : i32
    %mul3A_23 = arith.constant 640 : i32
    %mul3A_24 = arith.muli %arg1, %mul3A_23 : i32
    "tpu.region"() ({
      %run_scoped3A = tpu.sem_alloc : memref<!tpu.dma_semaphore, #tpu.memory_space<semaphore_mem>>
      %dma_start3A_52 = arith.constant 0 : i32
      %dma_start3A_53 = tpu.memref_slice %arg7[%arg0, %mul3A_24, %dma_start3A_52] : memref<2x10240x64xf32, #tpu.memory_space<hbm>> -> memref<1x640x64xf32, #tpu.memory_space<hbm>>
      %dma_start3A_54 = tpu.memref_squeeze %dma_start3A_53 : memref<1x640x64xf32, #tpu.memory_space<hbm>> -> memref<640x64xf32, #tpu.memory_space<hbm>>
      %dma_start3A_55 = arith.constant 0 : i32
      %dma_start3A_56 = tpu.memref_slice %arg12[%mul3A_22, %dma_start3A_55] : memref<10240x64xf32, #tpu.memory_space<vmem_shared>> -> memref<640x64xf32, #tpu.memory_space<vmem_shared>>
      tpu.enqueue_dma source(%dma_start3A_56 : memref<640x64xf32, #tpu.memory_space<vmem_shared>>) target(%dma_start3A_54 : memref<640x64xf32, #tpu.memory_space<hbm>>) target_semaphore(%run_scoped3A : memref<!tpu.dma_semaphore, #tpu.memory_space<semaphore_mem>>)
      %dma_wait3A = arith.constant 0 : i32
      %dma_wait3A_57 = tpu.memref_slice %arg7[%arg0, %mul3A_24, %dma_wait3A] : memref<2x10240x64xf32, #tpu.memory_space<hbm>> -> memref<1x640x64xf32, #tpu.memory_space<hbm>>
      %dma_wait3A_58 = tpu.memref_squeeze %dma_wait3A_57 : memref<1x640x64xf32, #tpu.memory_space<hbm>> -> memref<640x64xf32, #tpu.memory_space<hbm>>
      %dma_wait3A_59 = arith.constant 0 : i32
      %dma_wait3A_60 = tpu.memref_slice %arg12[%mul3A_22, %dma_wait3A_59] : memref<10240x64xf32, #tpu.memory_space<vmem_shared>> -> memref<640x64xf32, #tpu.memory_space<vmem_shared>>
      tpu.wait_dma2 semaphore(%run_scoped3A : memref<!tpu.dma_semaphore, #tpu.memory_space<semaphore_mem>>) src(%dma_wait3A_60 : memref<640x64xf32, #tpu.memory_space<vmem_shared>>) dst(%dma_wait3A_58 : memref<640x64xf32, #tpu.memory_space<hbm>>)
      tpu.yield
    }) : () -> ()
    %mul3A_25 = arith.constant 640 : i32
    %mul3A_26 = arith.muli %arg1, %mul3A_25 : i32
    %mul3A_27 = arith.constant 640 : i32
    %mul3A_28 = arith.muli %arg1, %mul3A_27 : i32
    "tpu.region"() ({
      %run_scoped3A = tpu.sem_alloc : memref<!tpu.dma_semaphore, #tpu.memory_space<semaphore_mem>>
      %dma_start3A_52 = arith.constant 0 : i32
      %dma_start3A_53 = tpu.memref_slice %arg12[%mul3A_28, %dma_start3A_52] : memref<10240x64xf32, #tpu.memory_space<vmem_shared>> -> memref<640x64xf32, #tpu.memory_space<vmem_shared>>
      %dma_start3A_54 = arith.constant 0 : i32
      %dma_start3A_55 = tpu.memref_slice %arg6[%mul3A_26, %dma_start3A_54] : memref<10240x64xf32, #tpu.memory_space<hbm>> -> memref<640x64xf32, #tpu.memory_space<hbm>>
      tpu.enqueue_dma source(%dma_start3A_55 : memref<640x64xf32, #tpu.memory_space<hbm>>) target(%dma_start3A_53 : memref<640x64xf32, #tpu.memory_space<vmem_shared>>) target_semaphore(%run_scoped3A : memref<!tpu.dma_semaphore, #tpu.memory_space<semaphore_mem>>)
      %dma_wait3A = arith.constant 0 : i32
      %dma_wait3A_56 = tpu.memref_slice %arg12[%mul3A_28, %dma_wait3A] : memref<10240x64xf32, #tpu.memory_space<vmem_shared>> -> memref<640x64xf32, #tpu.memory_space<vmem_shared>>
      %dma_wait3A_57 = arith.constant 0 : i32
      %dma_wait3A_58 = tpu.memref_slice %arg6[%mul3A_26, %dma_wait3A_57] : memref<10240x64xf32, #tpu.memory_space<hbm>> -> memref<640x64xf32, #tpu.memory_space<hbm>>
      tpu.wait_dma2 semaphore(%run_scoped3A : memref<!tpu.dma_semaphore, #tpu.memory_space<semaphore_mem>>) src(%dma_wait3A_58 : memref<640x64xf32, #tpu.memory_space<hbm>>) dst(%dma_wait3A_56 : memref<640x64xf32, #tpu.memory_space<vmem_shared>>)
      tpu.yield
    }) : () -> ()
    %barrier3A_29 = arith.constant 0 : index
    tpu.barrier barrier_id(%barrier3A_29)
    %dma_start3A_30 = arith.constant 0 : i32
    %dma_start3A_31 = arith.constant 0 : i32
    %dma_start3A_32 = arith.constant 0 : i32
    %dma_start3A_33 = arith.constant 0 : i32
    %dma_start3A_34 = tpu.memref_slice %arg11[%dma_start3A_31, %dma_start3A_32, %dma_start3A_33] : memref<2x128x64xf32, #tpu.memory_space<vmem>> -> memref<1x128x64xf32, #tpu.memory_space<vmem>>
    %dma_start3A_35 = tpu.memref_squeeze %dma_start3A_34 : memref<1x128x64xf32, #tpu.memory_space<vmem>> -> memref<128x64xf32, #tpu.memory_space<vmem>>
    %dma_start3A_36 = arith.constant 0 : i32
    %dma_start3A_37 = tpu.memref_slice %arg9[%dma_start3A_30, %dma_start3A_36] : memref<80x128xi32, #tpu.memory_space<vmem>> -> memref<1x128xi32, #tpu.memory_space<vmem>>
    %dma_start3A_38 = tpu.memref_squeeze %dma_start3A_37 : memref<1x128xi32, #tpu.memory_space<vmem>> -> memref<128xi32, #tpu.memory_space<vmem>>
    %dma_start3A_39 = arith.constant 0 : i32
    %dma_start3A_40 = arith.constant 0 : i32
    %dma_start3A_41 = tpu.memref_slice %arg3[%dma_start3A_39, %dma_start3A_40] : memref<10000x64xf32, #tpu.memory_space<hbm>> -> memref<10000x64xf32, #tpu.memory_space<hbm>>
    tpu.enqueue_indirect_dma source(%dma_start3A_41 : memref<10000x64xf32, #tpu.memory_space<hbm>>) target(%dma_start3A_35 : memref<128x64xf32, #tpu.memory_space<vmem>>) offsets(%dma_start3A_38 : memref<128xi32, #tpu.memory_space<vmem>>) semaphore(%arg13 : memref<!tpu.dma_semaphore, #tpu.memory_space<semaphore_mem>>)
    %scan3A_42 = arith.constant 0 : i32
    %scan3A_43 = arith.constant 40 : i32
    %scan3A_44 = arith.addi %scan3A_42, %scan3A_43 : i32
    %scan3A_45 = arith.constant 1 : i32
    scf.for %scan3A_52 = %scan3A_42 to %scan3A_44 step %scan3A_45  : i32 {
      %mul3A_53 = arith.constant 2 : i32
      %mul3A_54 = arith.muli %scan3A_52, %mul3A_53 : i32
      %add3A_55 = arith.constant 0 : i32
      %add3A_56 = arith.addi %add3A_55, %mul3A_54 : i32
      %add3A_57 = arith.constant 1 : i32
      %add3A_58 = arith.addi %add3A_56, %add3A_57 : i32
      %dma_start3A_59 = arith.constant 1 : i32
      %dma_start3A_60 = arith.constant 0 : i32
      %dma_start3A_61 = arith.constant 0 : i32
      %dma_start3A_62 = tpu.memref_slice %arg11[%dma_start3A_59, %dma_start3A_60, %dma_start3A_61] : memref<2x128x64xf32, #tpu.memory_space<vmem>> -> memref<1x128x64xf32, #tpu.memory_space<vmem>>
      %dma_start3A_63 = tpu.memref_squeeze %dma_start3A_62 : memref<1x128x64xf32, #tpu.memory_space<vmem>> -> memref<128x64xf32, #tpu.memory_space<vmem>>
      %dma_start3A_64 = arith.constant 0 : i32
      %dma_start3A_65 = tpu.memref_slice %arg9[%add3A_58, %dma_start3A_64] : memref<80x128xi32, #tpu.memory_space<vmem>> -> memref<1x128xi32, #tpu.memory_space<vmem>>
      %dma_start3A_66 = tpu.memref_squeeze %dma_start3A_65 : memref<1x128xi32, #tpu.memory_space<vmem>> -> memref<128xi32, #tpu.memory_space<vmem>>
      %dma_start3A_67 = arith.constant 0 : i32
      %dma_start3A_68 = arith.constant 0 : i32
      %dma_start3A_69 = tpu.memref_slice %arg3[%dma_start3A_67, %dma_start3A_68] : memref<10000x64xf32, #tpu.memory_space<hbm>> -> memref<10000x64xf32, #tpu.memory_space<hbm>>
      tpu.enqueue_indirect_dma source(%dma_start3A_69 : memref<10000x64xf32, #tpu.memory_space<hbm>>) target(%dma_start3A_63 : memref<128x64xf32, #tpu.memory_space<vmem>>) offsets(%dma_start3A_66 : memref<128xi32, #tpu.memory_space<vmem>>) semaphore(%arg14 : memref<!tpu.dma_semaphore, #tpu.memory_space<semaphore_mem>>)
      %dma_wait3A = arith.constant 0 : i32
      %dma_wait3A_70 = arith.constant 0 : i32
      %dma_wait3A_71 = arith.constant 0 : i32
      %dma_wait3A_72 = tpu.memref_slice %arg11[%dma_wait3A, %dma_wait3A_70, %dma_wait3A_71] : memref<2x128x64xf32, #tpu.memory_space<vmem>> -> memref<1x128x64xf32, #tpu.memory_space<vmem>>
      %dma_wait3A_73 = tpu.memref_squeeze %dma_wait3A_72 : memref<1x128x64xf32, #tpu.memory_space<vmem>> -> memref<128x64xf32, #tpu.memory_space<vmem>>
      %dma_wait3A_74 = arith.constant 0 : i32
      %dma_wait3A_75 = tpu.memref_slice %arg9[%add3A_56, %dma_wait3A_74] : memref<80x128xi32, #tpu.memory_space<vmem>> -> memref<1x128xi32, #tpu.memory_space<vmem>>
      %dma_wait3A_76 = tpu.memref_squeeze %dma_wait3A_75 : memref<1x128xi32, #tpu.memory_space<vmem>> -> memref<128xi32, #tpu.memory_space<vmem>>
      %dma_wait3A_77 = arith.constant 0 : i32
      %dma_wait3A_78 = arith.constant 0 : i32
      %dma_wait3A_79 = tpu.memref_slice %arg3[%dma_wait3A_77, %dma_wait3A_78] : memref<10000x64xf32, #tpu.memory_space<hbm>> -> memref<10000x64xf32, #tpu.memory_space<hbm>>
      tpu.wait_indirect_dma semaphore(%arg13 : memref<!tpu.dma_semaphore, #tpu.memory_space<semaphore_mem>>) src(%dma_wait3A_79 : memref<10000x64xf32, #tpu.memory_space<hbm>>) dst(%dma_wait3A_73 : memref<128x64xf32, #tpu.memory_space<vmem>>)
      %run_scoped3A = arith.constant 0 : i32
      "tpu.region"() ({
        %run_scoped3A_100 = tpu.sem_alloc : memref<!tpu.dma_semaphore, #tpu.memory_space<semaphore_mem>>
        %dma_start3A_101 = arith.constant 0 : i32
        %dma_start3A_102 = arith.constant 0 : i32
        %dma_start3A_103 = tpu.memref_slice %arg11[%run_scoped3A, %dma_start3A_101, %dma_start3A_102] : memref<2x128x64xf32, #tpu.memory_space<vmem>> -> memref<1x128x64xf32, #tpu.memory_space<vmem>>
        %dma_start3A_104 = tpu.memref_squeeze %dma_start3A_103 : memref<1x128x64xf32, #tpu.memory_space<vmem>> -> memref<128x64xf32, #tpu.memory_space<vmem>>
        %dma_start3A_105 = arith.constant 0 : i32
        %dma_start3A_106 = tpu.memref_slice %arg10[%add3A_56, %dma_start3A_105] : memref<80x128xi32, #tpu.memory_space<vmem>> -> memref<1x128xi32, #tpu.memory_space<vmem>>
        %dma_start3A_107 = tpu.memref_squeeze %dma_start3A_106 : memref<1x128xi32, #tpu.memory_space<vmem>> -> memref<128xi32, #tpu.memory_space<vmem>>
        %dma_start3A_108 = arith.constant 0 : i32
        %dma_start3A_109 = arith.constant 0 : i32
        %dma_start3A_110 = tpu.memref_slice %arg12[%dma_start3A_108, %dma_start3A_109] : memref<10240x64xf32, #tpu.memory_space<vmem_shared>> -> memref<10240x64xf32, #tpu.memory_space<vmem_shared>>
        tpu.enqueue_indirect_dma source(%dma_start3A_104 : memref<128x64xf32, #tpu.memory_space<vmem>>) target(%dma_start3A_110 : memref<10240x64xf32, #tpu.memory_space<vmem_shared>>) offsets(%dma_start3A_107 : memref<128xi32, #tpu.memory_space<vmem>>) semaphore(%run_scoped3A_100 : memref<!tpu.dma_semaphore, #tpu.memory_space<semaphore_mem>>) {add = true}
        %dma_wait3A_111 = arith.constant 0 : i32
        %dma_wait3A_112 = arith.constant 0 : i32
        %dma_wait3A_113 = tpu.memref_slice %arg11[%run_scoped3A, %dma_wait3A_111, %dma_wait3A_112] : memref<2x128x64xf32, #tpu.memory_space<vmem>> -> memref<1x128x64xf32, #tpu.memory_space<vmem>>
        %dma_wait3A_114 = tpu.memref_squeeze %dma_wait3A_113 : memref<1x128x64xf32, #tpu.memory_space<vmem>> -> memref<128x64xf32, #tpu.memory_space<vmem>>
        %dma_wait3A_115 = arith.constant 0 : i32
        %dma_wait3A_116 = tpu.memref_slice %arg10[%add3A_56, %dma_wait3A_115] : memref<80x128xi32, #tpu.memory_space<vmem>> -> memref<1x128xi32, #tpu.memory_space<vmem>>
        %dma_wait3A_117 = tpu.memref_squeeze %dma_wait3A_116 : memref<1x128xi32, #tpu.memory_space<vmem>> -> memref<128xi32, #tpu.memory_space<vmem>>
        %dma_wait3A_118 = arith.constant 0 : i32
        %dma_wait3A_119 = arith.constant 0 : i32
        %dma_wait3A_120 = tpu.memref_slice %arg12[%dma_wait3A_118, %dma_wait3A_119] : memref<10240x64xf32, #tpu.memory_space<vmem_shared>> -> memref<10240x64xf32, #tpu.memory_space<vmem_shared>>
        tpu.wait_indirect_dma semaphore(%run_scoped3A_100 : memref<!tpu.dma_semaphore, #tpu.memory_space<semaphore_mem>>) src(%dma_wait3A_114 : memref<128x64xf32, #tpu.memory_space<vmem>>) dst(%dma_wait3A_120 : memref<10240x64xf32, #tpu.memory_space<vmem_shared>>)
        tpu.yield
      }) : () -> ()
      %add3A_80 = arith.constant 2 : i32
      %add3A_81 = arith.addi %add3A_56, %add3A_80 : i32
      %lt3A = arith.constant 80 : i32
      %lt3A_82 = arith.cmpi slt, %add3A_81, %lt3A : i32
      %convert_element_type3A = arith.extui %lt3A_82 : i1 to i32
      %cond3A = arith.constant 0 : i32
      %cond3A_83 = arith.cmpi ne, %convert_element_type3A, %cond3A : i32
      scf.if %cond3A_83 {
        %add3A_100 = arith.constant 2 : i32
        %add3A_101 = arith.addi %add3A_56, %add3A_100 : i32
        %dma_start3A_102 = arith.constant 0 : i32
        %dma_start3A_103 = arith.constant 0 : i32
        %dma_start3A_104 = arith.constant 0 : i32
        %dma_start3A_105 = tpu.memref_slice %arg11[%dma_start3A_102, %dma_start3A_103, %dma_start3A_104] : memref<2x128x64xf32, #tpu.memory_space<vmem>> -> memref<1x128x64xf32, #tpu.memory_space<vmem>>
        %dma_start3A_106 = tpu.memref_squeeze %dma_start3A_105 : memref<1x128x64xf32, #tpu.memory_space<vmem>> -> memref<128x64xf32, #tpu.memory_space<vmem>>
        %dma_start3A_107 = arith.constant 0 : i32
        %dma_start3A_108 = tpu.memref_slice %arg9[%add3A_101, %dma_start3A_107] : memref<80x128xi32, #tpu.memory_space<vmem>> -> memref<1x128xi32, #tpu.memory_space<vmem>>
        %dma_start3A_109 = tpu.memref_squeeze %dma_start3A_108 : memref<1x128xi32, #tpu.memory_space<vmem>> -> memref<128xi32, #tpu.memory_space<vmem>>
        %dma_start3A_110 = arith.constant 0 : i32
        %dma_start3A_111 = arith.constant 0 : i32
        %dma_start3A_112 = tpu.memref_slice %arg3[%dma_start3A_110, %dma_start3A_111] : memref<10000x64xf32, #tpu.memory_space<hbm>> -> memref<10000x64xf32, #tpu.memory_space<hbm>>
        tpu.enqueue_indirect_dma source(%dma_start3A_112 : memref<10000x64xf32, #tpu.memory_space<hbm>>) target(%dma_start3A_106 : memref<128x64xf32, #tpu.memory_space<vmem>>) offsets(%dma_start3A_109 : memref<128xi32, #tpu.memory_space<vmem>>) semaphore(%arg13 : memref<!tpu.dma_semaphore, #tpu.memory_space<semaphore_mem>>)
      } else {
      }
      %add3A_84 = arith.constant 1 : i32
      %add3A_85 = arith.addi %add3A_56, %add3A_84 : i32
      %dma_wait3A_86 = arith.constant 1 : i32
      %dma_wait3A_87 = arith.constant 0 : i32
      %dma_wait3A_88 = arith.constant 0 : i32
      %dma_wait3A_89 = tpu.memref_slice %arg11[%dma_wait3A_86, %dma_wait3A_87, %dma_wait3A_88] : memref<2x128x64xf32, #tpu.memory_space<vmem>> -> memref<1x128x64xf32, #tpu.memory_space<vmem>>
      %dma_wait3A_90 = tpu.memref_squeeze %dma_wait3A_89 : memref<1x128x64xf32, #tpu.memory_space<vmem>> -> memref<128x64xf32, #tpu.memory_space<vmem>>
      %dma_wait3A_91 = arith.constant 0 : i32
      %dma_wait3A_92 = tpu.memref_slice %arg9[%add3A_85, %dma_wait3A_91] : memref<80x128xi32, #tpu.memory_space<vmem>> -> memref<1x128xi32, #tpu.memory_space<vmem>>
      %dma_wait3A_93 = tpu.memref_squeeze %dma_wait3A_92 : memref<1x128xi32, #tpu.memory_space<vmem>> -> memref<128xi32, #tpu.memory_space<vmem>>
      %dma_wait3A_94 = arith.constant 0 : i32
      %dma_wait3A_95 = arith.constant 0 : i32
      %dma_wait3A_96 = tpu.memref_slice %arg3[%dma_wait3A_94, %dma_wait3A_95] : memref<10000x64xf32, #tpu.memory_space<hbm>> -> memref<10000x64xf32, #tpu.memory_space<hbm>>
      tpu.wait_indirect_dma semaphore(%arg14 : memref<!tpu.dma_semaphore, #tpu.memory_space<semaphore_mem>>) src(%dma_wait3A_96 : memref<10000x64xf32, #tpu.memory_space<hbm>>) dst(%dma_wait3A_90 : memref<128x64xf32, #tpu.memory_space<vmem>>)
      %add3A_97 = arith.constant 1 : i32
      %add3A_98 = arith.addi %add3A_56, %add3A_97 : i32
      %run_scoped3A_99 = arith.constant 1 : i32
      "tpu.region"() ({
        %run_scoped3A_100 = tpu.sem_alloc : memref<!tpu.dma_semaphore, #tpu.memory_space<semaphore_mem>>
        %dma_start3A_101 = arith.constant 0 : i32
        %dma_start3A_102 = arith.constant 0 : i32
        %dma_start3A_103 = tpu.memref_slice %arg11[%run_scoped3A_99, %dma_start3A_101, %dma_start3A_102] : memref<2x128x64xf32, #tpu.memory_space<vmem>> -> memref<1x128x64xf32, #tpu.memory_space<vmem>>
        %dma_start3A_104 = tpu.memref_squeeze %dma_start3A_103 : memref<1x128x64xf32, #tpu.memory_space<vmem>> -> memref<128x64xf32, #tpu.memory_space<vmem>>
        %dma_start3A_105 = arith.constant 0 : i32
        %dma_start3A_106 = tpu.memref_slice %arg10[%add3A_98, %dma_start3A_105] : memref<80x128xi32, #tpu.memory_space<vmem>> -> memref<1x128xi32, #tpu.memory_space<vmem>>
        %dma_start3A_107 = tpu.memref_squeeze %dma_start3A_106 : memref<1x128xi32, #tpu.memory_space<vmem>> -> memref<128xi32, #tpu.memory_space<vmem>>
        %dma_start3A_108 = arith.constant 0 : i32
        %dma_start3A_109 = arith.constant 0 : i32
        %dma_start3A_110 = tpu.memref_slice %arg12[%dma_start3A_108, %dma_start3A_109] : memref<10240x64xf32, #tpu.memory_space<vmem_shared>> -> memref<10240x64xf32, #tpu.memory_space<vmem_shared>>
        tpu.enqueue_indirect_dma source(%dma_start3A_104 : memref<128x64xf32, #tpu.memory_space<vmem>>) target(%dma_start3A_110 : memref<10240x64xf32, #tpu.memory_space<vmem_shared>>) offsets(%dma_start3A_107 : memref<128xi32, #tpu.memory_space<vmem>>) semaphore(%run_scoped3A_100 : memref<!tpu.dma_semaphore, #tpu.memory_space<semaphore_mem>>) {add = true}
        %dma_wait3A_111 = arith.constant 0 : i32
        %dma_wait3A_112 = arith.constant 0 : i32
        %dma_wait3A_113 = tpu.memref_slice %arg11[%run_scoped3A_99, %dma_wait3A_111, %dma_wait3A_112] : memref<2x128x64xf32, #tpu.memory_space<vmem>> -> memref<1x128x64xf32, #tpu.memory_space<vmem>>
        %dma_wait3A_114 = tpu.memref_squeeze %dma_wait3A_113 : memref<1x128x64xf32, #tpu.memory_space<vmem>> -> memref<128x64xf32, #tpu.memory_space<vmem>>
        %dma_wait3A_115 = arith.constant 0 : i32
        %dma_wait3A_116 = tpu.memref_slice %arg10[%add3A_98, %dma_wait3A_115] : memref<80x128xi32, #tpu.memory_space<vmem>> -> memref<1x128xi32, #tpu.memory_space<vmem>>
        %dma_wait3A_117 = tpu.memref_squeeze %dma_wait3A_116 : memref<1x128xi32, #tpu.memory_space<vmem>> -> memref<128xi32, #tpu.memory_space<vmem>>
        %dma_wait3A_118 = arith.constant 0 : i32
        %dma_wait3A_119 = arith.constant 0 : i32
        %dma_wait3A_120 = tpu.memref_slice %arg12[%dma_wait3A_118, %dma_wait3A_119] : memref<10240x64xf32, #tpu.memory_space<vmem_shared>> -> memref<10240x64xf32, #tpu.memory_space<vmem_shared>>
        tpu.wait_indirect_dma semaphore(%run_scoped3A_100 : memref<!tpu.dma_semaphore, #tpu.memory_space<semaphore_mem>>) src(%dma_wait3A_114 : memref<128x64xf32, #tpu.memory_space<vmem>>) dst(%dma_wait3A_120 : memref<10240x64xf32, #tpu.memory_space<vmem_shared>>)
        tpu.yield
      }) : () -> ()
    }
    %scan3A_46 = arith.constant 40 : i32
    %barrier3A_47 = arith.constant 0 : index
    tpu.barrier barrier_id(%barrier3A_47)
    %mul3A_48 = arith.constant 640 : i32
    %mul3A_49 = arith.muli %arg1, %mul3A_48 : i32
    %mul3A_50 = arith.constant 640 : i32
    %mul3A_51 = arith.muli %arg1, %mul3A_50 : i32
    "tpu.region"() ({
      %run_scoped3A = tpu.sem_alloc : memref<!tpu.dma_semaphore, #tpu.memory_space<semaphore_mem>>
      %dma_start3A_52 = arith.constant 0 : i32
      %dma_start3A_53 = tpu.memref_slice %arg8[%arg0, %mul3A_51, %dma_start3A_52] : memref<2x10240x64xf32, #tpu.memory_space<hbm>> -> memref<1x640x64xf32, #tpu.memory_space<hbm>>
      %dma_start3A_54 = tpu.memref_squeeze %dma_start3A_53 : memref<1x640x64xf32, #tpu.memory_space<hbm>> -> memref<640x64xf32, #tpu.memory_space<hbm>>
      %dma_start3A_55 = arith.constant 0 : i32
      %dma_start3A_56 = tpu.memref_slice %arg12[%mul3A_49, %dma_start3A_55] : memref<10240x64xf32, #tpu.memory_space<vmem_shared>> -> memref<640x64xf32, #tpu.memory_space<vmem_shared>>
      tpu.enqueue_dma source(%dma_start3A_56 : memref<640x64xf32, #tpu.memory_space<vmem_shared>>) target(%dma_start3A_54 : memref<640x64xf32, #tpu.memory_space<hbm>>) target_semaphore(%run_scoped3A : memref<!tpu.dma_semaphore, #tpu.memory_space<semaphore_mem>>)
      %dma_wait3A = arith.constant 0 : i32
      %dma_wait3A_57 = tpu.memref_slice %arg8[%arg0, %mul3A_51, %dma_wait3A] : memref<2x10240x64xf32, #tpu.memory_space<hbm>> -> memref<1x640x64xf32, #tpu.memory_space<hbm>>
      %dma_wait3A_58 = tpu.memref_squeeze %dma_wait3A_57 : memref<1x640x64xf32, #tpu.memory_space<hbm>> -> memref<640x64xf32, #tpu.memory_space<hbm>>
      %dma_wait3A_59 = arith.constant 0 : i32
      %dma_wait3A_60 = tpu.memref_slice %arg12[%mul3A_49, %dma_wait3A_59] : memref<10240x64xf32, #tpu.memory_space<vmem_shared>> -> memref<640x64xf32, #tpu.memory_space<vmem_shared>>
      tpu.wait_dma2 semaphore(%run_scoped3A : memref<!tpu.dma_semaphore, #tpu.memory_space<semaphore_mem>>) src(%dma_wait3A_60 : memref<640x64xf32, #tpu.memory_space<vmem_shared>>) dst(%dma_wait3A_58 : memref<640x64xf32, #tpu.memory_space<hbm>>)
      tpu.yield
    }) : () -> ()
    return
  }
}

#map = affine_map<(d0, d1) -> (0, 0, 0)>
#map1 = affine_map<(d0, d1) -> (0)>
module attributes {stable_mosaic.version = 14 : i64} {
  func.func @body(%arg0: i32, %arg1: i32, %arg2: memref<32x80x128xi32, #tpu.memory_space<hbm>>, %arg3: memref<128xf32, #tpu.memory_space<hbm>>, %arg4: memref<10240xf32, #tpu.memory_space<hbm>>, %arg5: memref<10240xf32, #tpu.memory_space<hbm>>, %arg6: memref<2x80x128xi32, #tpu.memory_space<vmem>>, %arg7: memref<128xf32, #tpu.memory_space<vmem>>, %arg8: memref<640xf32, #tpu.memory_space<vmem>>, %arg9: memref<640xf32, #tpu.memory_space<vmem>>, %arg10: memref<10240xf32, #tpu.memory_space<vmem_shared>>) attributes {dimension_semantics = [#tpu.dimension_semantics<core_parallel>, #tpu.dimension_semantics<subcore_parallel>], iteration_bounds = array<i64: 2, 16>, scalar_prefetch = 0 : i64, scratch_operands = 5 : i64, tpu.core_type = #tpu.core_type<sc_vector_subcore>, window_params = [{transform_indices = #map}, {transform_indices = #map1}, {transform_indices = #map1}, {transform_indices = #map1}]} {
    %mul3A = arith.constant 640 : i32
    %mul3A_0 = arith.muli %arg1, %mul3A : i32
    %mul3A_1 = arith.constant 640 : i32
    %mul3A_2 = arith.muli %arg1, %mul3A_1 : i32
    "tpu.region"() ({
      %run_scoped3A = tpu.sem_alloc : memref<!tpu.dma_semaphore, #tpu.memory_space<semaphore_mem>>
      %dma_start3A = tpu.memref_slice %arg10[%mul3A_2] : memref<10240xf32, #tpu.memory_space<vmem_shared>> -> memref<640xf32, #tpu.memory_space<vmem_shared>>
      %dma_start3A_530 = tpu.memref_slice %arg4[%mul3A_0] : memref<10240xf32, #tpu.memory_space<hbm>> -> memref<640xf32, #tpu.memory_space<hbm>>
      tpu.enqueue_dma source(%dma_start3A_530 : memref<640xf32, #tpu.memory_space<hbm>>) target(%dma_start3A : memref<640xf32, #tpu.memory_space<vmem_shared>>) target_semaphore(%run_scoped3A : memref<!tpu.dma_semaphore, #tpu.memory_space<semaphore_mem>>)
      %dma_wait3A = tpu.memref_slice %arg10[%mul3A_2] : memref<10240xf32, #tpu.memory_space<vmem_shared>> -> memref<640xf32, #tpu.memory_space<vmem_shared>>
      %dma_wait3A_531 = tpu.memref_slice %arg4[%mul3A_0] : memref<10240xf32, #tpu.memory_space<hbm>> -> memref<640xf32, #tpu.memory_space<hbm>>
      tpu.wait_dma2 semaphore(%run_scoped3A : memref<!tpu.dma_semaphore, #tpu.memory_space<semaphore_mem>>) src(%dma_wait3A_531 : memref<640xf32, #tpu.memory_space<hbm>>) dst(%dma_wait3A : memref<640xf32, #tpu.memory_space<vmem_shared>>)
      tpu.yield
    }) : () -> ()
    %mul3A_3 = arith.constant 2 : i32
    %mul3A_4 = arith.muli %mul3A_3, %arg1 : i32
    "tpu.region"() ({
      %run_scoped3A = tpu.sem_alloc : memref<!tpu.dma_semaphore, #tpu.memory_space<semaphore_mem>>
      %dma_start3A = arith.constant 0 : i32
      %dma_start3A_530 = arith.constant 0 : i32
      %dma_start3A_531 = tpu.memref_slice %arg2[%mul3A_4, %dma_start3A, %dma_start3A_530] : memref<32x80x128xi32, #tpu.memory_space<hbm>> -> memref<2x80x128xi32, #tpu.memory_space<hbm>>
      %dma_start3A_532 = arith.constant 0 : i32
      %dma_start3A_533 = arith.constant 0 : i32
      %dma_start3A_534 = tpu.memref_slice %arg2[%mul3A_4, %dma_start3A_532, %dma_start3A_533] : memref<32x80x128xi32, #tpu.memory_space<hbm>> -> memref<2x80x128xi32, #tpu.memory_space<hbm>>
      tpu.enqueue_dma source(%dma_start3A_534 : memref<2x80x128xi32, #tpu.memory_space<hbm>>) target(%arg6 : memref<2x80x128xi32, #tpu.memory_space<vmem>>) target_semaphore(%run_scoped3A : memref<!tpu.dma_semaphore, #tpu.memory_space<semaphore_mem>>)
      %dma_wait3A = arith.constant 0 : i32
      %dma_wait3A_535 = arith.constant 0 : i32
      %dma_wait3A_536 = tpu.memref_slice %arg2[%mul3A_4, %dma_wait3A, %dma_wait3A_535] : memref<32x80x128xi32, #tpu.memory_space<hbm>> -> memref<2x80x128xi32, #tpu.memory_space<hbm>>
      %dma_wait3A_537 = arith.constant 0 : i32
      %dma_wait3A_538 = arith.constant 0 : i32
      %dma_wait3A_539 = tpu.memref_slice %arg2[%mul3A_4, %dma_wait3A_537, %dma_wait3A_538] : memref<32x80x128xi32, #tpu.memory_space<hbm>> -> memref<2x80x128xi32, #tpu.memory_space<hbm>>
      tpu.wait_dma2 semaphore(%run_scoped3A : memref<!tpu.dma_semaphore, #tpu.memory_space<semaphore_mem>>) src(%dma_wait3A_539 : memref<2x80x128xi32, #tpu.memory_space<hbm>>) dst(%arg6 : memref<2x80x128xi32, #tpu.memory_space<vmem>>)
      tpu.yield
    }) : () -> ()
    "tpu.region"() ({
      %run_scoped3A = tpu.sem_alloc : memref<!tpu.dma_semaphore, #tpu.memory_space<semaphore_mem>>
      tpu.enqueue_dma source(%arg3 : memref<128xf32, #tpu.memory_space<hbm>>) target(%arg7 : memref<128xf32, #tpu.memory_space<vmem>>) target_semaphore(%run_scoped3A : memref<!tpu.dma_semaphore, #tpu.memory_space<semaphore_mem>>)
      tpu.wait_dma2 semaphore(%run_scoped3A : memref<!tpu.dma_semaphore, #tpu.memory_space<semaphore_mem>>) src(%arg3 : memref<128xf32, #tpu.memory_space<hbm>>) dst(%arg7 : memref<128xf32, #tpu.memory_space<vmem>>)
      tpu.yield
    }) : () -> ()
    %barrier3A = arith.constant 0 : index
    tpu.barrier barrier_id(%barrier3A)
    %scan3A = arith.constant 0 : i32
    %scan3A_5 = arith.constant 160 : i32
    %scan3A_6 = arith.addi %scan3A, %scan3A_5 : i32
    %scan3A_7 = arith.constant 1 : i32
    scf.for %scan3A_530 = %scan3A to %scan3A_6 step %scan3A_7  : i32 {
      %mul3A_531 = arith.constant 1 : i32
      %mul3A_532 = arith.muli %scan3A_530, %mul3A_531 : i32
      %add3A = arith.constant 0 : i32
      %add3A_533 = arith.addi %add3A, %mul3A_532 : i32
      %jit3A = arith.constant 80 : i32
      %div3A_534 = arith.divsi %add3A_533, %jit3A : i32
      %sign3A = arith.constant 0 : i32
      %sign3A_535 = arith.cmpi sgt, %add3A_533, %sign3A : i32
      %sign3A_536 = arith.extui %sign3A_535 : i1 to i32
      %sign3A_537 = arith.constant 0 : i32
      %sign3A_538 = arith.cmpi slt, %add3A_533, %sign3A_537 : i32
      %sign3A_539 = arith.extui %sign3A_538 : i1 to i32
      %sign3A_540 = arith.subi %sign3A_536, %sign3A_539 : i32
      %sign3A_541 = arith.constant 0 : i32
      %sign3A_542 = arith.cmpi sgt, %jit3A, %sign3A_541 : i32
      %sign3A_543 = arith.extui %sign3A_542 : i1 to i32
      %sign3A_544 = arith.constant 0 : i32
      %sign3A_545 = arith.cmpi slt, %jit3A, %sign3A_544 : i32
      %sign3A_546 = arith.extui %sign3A_545 : i1 to i32
      %sign3A_547 = arith.subi %sign3A_543, %sign3A_546 : i32
      %ne3A = arith.cmpi ne, %sign3A_540, %sign3A_547 : i32
      %rem3A = arith.remsi %add3A_533, %jit3A : i32
      %ne3A_548 = arith.constant 0 : i32
      %ne3A_549 = arith.cmpi ne, %rem3A, %ne3A_548 : i32
      %and3A = arith.andi %ne3A, %ne3A_549 : i1
      %sub3A = arith.constant 1 : i32
      %sub3A_550 = arith.subi %div3A_534, %sub3A : i32
      %select_n3A = arith.select %and3A, %sub3A_550, %div3A_534 : i32
      %jit3A_551 = arith.constant 80 : i32
      %eq3A_552 = arith.constant 0 : i32
      %eq3A_553 = arith.cmpi eq, %jit3A_551, %eq3A_552 : i32
      %jit3A_554 = arith.constant 1 : i32
      %select_n3A_555 = arith.select %eq3A_553, %jit3A_554, %jit3A_551 : i32
      %rem3A_556 = arith.remsi %add3A_533, %select_n3A_555 : i32
      %ne3A_557 = arith.constant 0 : i32
      %ne3A_558 = arith.cmpi ne, %rem3A_556, %ne3A_557 : i32
      %lt3A = arith.constant 0 : i32
      %lt3A_559 = arith.cmpi slt, %rem3A_556, %lt3A : i32
      %lt3A_560 = arith.constant 0 : i32
      %lt3A_561 = arith.cmpi slt, %select_n3A_555, %lt3A_560 : i32
      %ne3A_562 = arith.xori %lt3A_559, %lt3A_561 : i1
      %and3A_563 = arith.andi %ne3A_562, %ne3A_558 : i1
      %add3A_564 = arith.addi %rem3A_556, %select_n3A_555 : i32
      %select_n3A_565 = arith.select %and3A_563, %add3A_564, %rem3A_556 : i32
      "tpu.region"() ({
        %run_scoped3A = tpu.sem_alloc : memref<!tpu.dma_semaphore, #tpu.memory_space<semaphore_mem>>
        %dma_start3A = arith.constant 0 : i32
        %dma_start3A_566 = tpu.memref_slice %arg6[%select_n3A, %select_n3A_565, %dma_start3A] : memref<2x80x128xi32, #tpu.memory_space<vmem>> -> memref<1x1x128xi32, #tpu.memory_space<vmem>>
        %dma_start3A_567 = tpu.memref_squeeze %dma_start3A_566 : memref<1x1x128xi32, #tpu.memory_space<vmem>> -> memref<128xi32, #tpu.memory_space<vmem>>
        %dma_start3A_568 = arith.constant 0 : i32
        %dma_start3A_569 = tpu.memref_slice %arg10[%dma_start3A_568] : memref<10240xf32, #tpu.memory_space<vmem_shared>> -> memref<10240xf32, #tpu.memory_space<vmem_shared>>
        tpu.enqueue_indirect_dma source(%arg7 : memref<128xf32, #tpu.memory_space<vmem>>) target(%dma_start3A_569 : memref<10240xf32, #tpu.memory_space<vmem_shared>>) offsets(%dma_start3A_567 : memref<128xi32, #tpu.memory_space<vmem>>) semaphore(%run_scoped3A : memref<!tpu.dma_semaphore, #tpu.memory_space<semaphore_mem>>) {add = true}
        %dma_wait3A = arith.constant 0 : i32
        %dma_wait3A_570 = tpu.memref_slice %arg6[%select_n3A, %select_n3A_565, %dma_wait3A] : memref<2x80x128xi32, #tpu.memory_space<vmem>> -> memref<1x1x128xi32, #tpu.memory_space<vmem>>
        %dma_wait3A_571 = tpu.memref_squeeze %dma_wait3A_570 : memref<1x1x128xi32, #tpu.memory_space<vmem>> -> memref<128xi32, #tpu.memory_space<vmem>>
        %dma_wait3A_572 = arith.constant 0 : i32
        %dma_wait3A_573 = tpu.memref_slice %arg10[%dma_wait3A_572] : memref<10240xf32, #tpu.memory_space<vmem_shared>> -> memref<10240xf32, #tpu.memory_space<vmem_shared>>
        tpu.wait_indirect_dma semaphore(%run_scoped3A : memref<!tpu.dma_semaphore, #tpu.memory_space<semaphore_mem>>) src(%arg7 : memref<128xf32, #tpu.memory_space<vmem>>) dst(%dma_wait3A_573 : memref<10240xf32, #tpu.memory_space<vmem_shared>>)
        tpu.yield
      }) : () -> ()
    }
    %scan3A_8 = arith.constant 160 : i32
    %barrier3A_9 = arith.constant 0 : index
    tpu.barrier barrier_id(%barrier3A_9)
    %mul3A_10 = arith.constant 640 : i32
    %mul3A_11 = arith.muli %arg1, %mul3A_10 : i32
    "tpu.region"() ({
      %run_scoped3A = tpu.sem_alloc : memref<!tpu.dma_semaphore, #tpu.memory_space<semaphore_mem>>
      %dma_start3A = tpu.memref_slice %arg10[%mul3A_11] : memref<10240xf32, #tpu.memory_space<vmem_shared>> -> memref<640xf32, #tpu.memory_space<vmem_shared>>
      %dma_start3A_530 = tpu.memref_slice %arg10[%mul3A_11] : memref<10240xf32, #tpu.memory_space<vmem_shared>> -> memref<640xf32, #tpu.memory_space<vmem_shared>>
      tpu.enqueue_dma source(%dma_start3A_530 : memref<640xf32, #tpu.memory_space<vmem_shared>>) target(%arg8 : memref<640xf32, #tpu.memory_space<vmem>>) target_semaphore(%run_scoped3A : memref<!tpu.dma_semaphore, #tpu.memory_space<semaphore_mem>>)
      %dma_wait3A = tpu.memref_slice %arg10[%mul3A_11] : memref<10240xf32, #tpu.memory_space<vmem_shared>> -> memref<640xf32, #tpu.memory_space<vmem_shared>>
      %dma_wait3A_531 = tpu.memref_slice %arg10[%mul3A_11] : memref<10240xf32, #tpu.memory_space<vmem_shared>> -> memref<640xf32, #tpu.memory_space<vmem_shared>>
      tpu.wait_dma2 semaphore(%run_scoped3A : memref<!tpu.dma_semaphore, #tpu.memory_space<semaphore_mem>>) src(%dma_wait3A_531 : memref<640xf32, #tpu.memory_space<vmem_shared>>) dst(%arg8 : memref<640xf32, #tpu.memory_space<vmem>>)
      tpu.yield
    }) : () -> ()
    %get3A = arith.constant 0 : index
    %get3A_12 = tpu.vector_load %arg8[%get3A] {strides = array<i32>} : memref<640xf32, #tpu.memory_space<vmem>>, vector<16xf32>,
    %get3A_13 = vector.shape_cast %get3A_12 : vector<16xf32> to vector<16xf32>
    %max3A = arith.constant 1.000000e+00 : f32
    %max3A_14 = vector.broadcast %max3A : f32 to vector<16xf32>
    %max3A_15 = arith.maximumf %get3A_13, %max3A_14 : vector<16xf32>
    %div3A = arith.constant 1.000000e+00 : f32
    %div3A_16 = vector.broadcast %div3A : f32 to vector<16xf32>
    %div3A_17 = arith.divf %div3A_16, %max3A_15 : vector<16xf32>
    %swap3A = arith.constant 0 : index
    %swap3A_18 = tpu.vector_load %arg9[%swap3A] {strides = array<i32>} : memref<640xf32, #tpu.memory_space<vmem>>, vector<16xf32>,
    %swap3A_19 = vector.shape_cast %swap3A_18 : vector<16xf32> to vector<16xf32>
    %swap3A_20 = vector.shape_cast %div3A_17 : vector<16xf32> to vector<16xf32>
    tpu.vector_store %arg9[%swap3A], %swap3A_20 {strides = array<i32>} : memref<640xf32, #tpu.memory_space<vmem>>, vector<16xf32>,
    %get3A_21 = arith.constant 16 : index
    %get3A_22 = tpu.vector_load %arg8[%get3A_21] {strides = array<i32>} : memref<640xf32, #tpu.memory_space<vmem>>, vector<16xf32>,
    %get3A_23 = vector.shape_cast %get3A_22 : vector<16xf32> to vector<16xf32>
    %max3A_24 = arith.constant 1.000000e+00 : f32
    %max3A_25 = vector.broadcast %max3A_24 : f32 to vector<16xf32>
    %max3A_26 = arith.maximumf %get3A_23, %max3A_25 : vector<16xf32>
    %div3A_27 = arith.constant 1.000000e+00 : f32
    %div3A_28 = vector.broadcast %div3A_27 : f32 to vector<16xf32>
    %div3A_29 = arith.divf %div3A_28, %max3A_26 : vector<16xf32>
    %swap3A_30 = arith.constant 16 : index
    %swap3A_31 = tpu.vector_load %arg9[%swap3A_30] {strides = array<i32>} : memref<640xf32, #tpu.memory_space<vmem>>, vector<16xf32>,
    %swap3A_32 = vector.shape_cast %swap3A_31 : vector<16xf32> to vector<16xf32>
    %swap3A_33 = vector.shape_cast %div3A_29 : vector<16xf32> to vector<16xf32>
    tpu.vector_store %arg9[%swap3A_30], %swap3A_33 {strides = array<i32>} : memref<640xf32, #tpu.memory_space<vmem>>, vector<16xf32>,
    %get3A_34 = arith.constant 32 : index
    %get3A_35 = tpu.vector_load %arg8[%get3A_34] {strides = array<i32>} : memref<640xf32, #tpu.memory_space<vmem>>, vector<16xf32>,
    %get3A_36 = vector.shape_cast %get3A_35 : vector<16xf32> to vector<16xf32>
    %max3A_37 = arith.constant 1.000000e+00 : f32
    %max3A_38 = vector.broadcast %max3A_37 : f32 to vector<16xf32>
    %max3A_39 = arith.maximumf %get3A_36, %max3A_38 : vector<16xf32>
    %div3A_40 = arith.constant 1.000000e+00 : f32
    %div3A_41 = vector.broadcast %div3A_40 : f32 to vector<16xf32>
    %div3A_42 = arith.divf %div3A_41, %max3A_39 : vector<16xf32>
    %swap3A_43 = arith.constant 32 : index
    %swap3A_44 = tpu.vector_load %arg9[%swap3A_43] {strides = array<i32>} : memref<640xf32, #tpu.memory_space<vmem>>, vector<16xf32>,
    %swap3A_45 = vector.shape_cast %swap3A_44 : vector<16xf32> to vector<16xf32>
    %swap3A_46 = vector.shape_cast %div3A_42 : vector<16xf32> to vector<16xf32>
    tpu.vector_store %arg9[%swap3A_43], %swap3A_46 {strides = array<i32>} : memref<640xf32, #tpu.memory_space<vmem>>, vector<16xf32>,
    %get3A_47 = arith.constant 48 : index
    %get3A_48 = tpu.vector_load %arg8[%get3A_47] {strides = array<i32>} : memref<640xf32, #tpu.memory_space<vmem>>, vector<16xf32>,
    %get3A_49 = vector.shape_cast %get3A_48 : vector<16xf32> to vector<16xf32>
    %max3A_50 = arith.constant 1.000000e+00 : f32
    %max3A_51 = vector.broadcast %max3A_50 : f32 to vector<16xf32>
    %max3A_52 = arith.maximumf %get3A_49, %max3A_51 : vector<16xf32>
    %div3A_53 = arith.constant 1.000000e+00 : f32
    %div3A_54 = vector.broadcast %div3A_53 : f32 to vector<16xf32>
    %div3A_55 = arith.divf %div3A_54, %max3A_52 : vector<16xf32>
    %swap3A_56 = arith.constant 48 : index
    %swap3A_57 = tpu.vector_load %arg9[%swap3A_56] {strides = array<i32>} : memref<640xf32, #tpu.memory_space<vmem>>, vector<16xf32>,
    %swap3A_58 = vector.shape_cast %swap3A_57 : vector<16xf32> to vector<16xf32>
    %swap3A_59 = vector.shape_cast %div3A_55 : vector<16xf32> to vector<16xf32>
    tpu.vector_store %arg9[%swap3A_56], %swap3A_59 {strides = array<i32>} : memref<640xf32, #tpu.memory_space<vmem>>, vector<16xf32>,
    %get3A_60 = arith.constant 64 : index
    %get3A_61 = tpu.vector_load %arg8[%get3A_60] {strides = array<i32>} : memref<640xf32, #tpu.memory_space<vmem>>, vector<16xf32>,
    %get3A_62 = vector.shape_cast %get3A_61 : vector<16xf32> to vector<16xf32>
    %max3A_63 = arith.constant 1.000000e+00 : f32
    %max3A_64 = vector.broadcast %max3A_63 : f32 to vector<16xf32>
    %max3A_65 = arith.maximumf %get3A_62, %max3A_64 : vector<16xf32>
    %div3A_66 = arith.constant 1.000000e+00 : f32
    %div3A_67 = vector.broadcast %div3A_66 : f32 to vector<16xf32>
    %div3A_68 = arith.divf %div3A_67, %max3A_65 : vector<16xf32>
    %swap3A_69 = arith.constant 64 : index
    %swap3A_70 = tpu.vector_load %arg9[%swap3A_69] {strides = array<i32>} : memref<640xf32, #tpu.memory_space<vmem>>, vector<16xf32>,
    %swap3A_71 = vector.shape_cast %swap3A_70 : vector<16xf32> to vector<16xf32>
    %swap3A_72 = vector.shape_cast %div3A_68 : vector<16xf32> to vector<16xf32>
    tpu.vector_store %arg9[%swap3A_69], %swap3A_72 {strides = array<i32>} : memref<640xf32, #tpu.memory_space<vmem>>, vector<16xf32>,
    %get3A_73 = arith.constant 80 : index
    %get3A_74 = tpu.vector_load %arg8[%get3A_73] {strides = array<i32>} : memref<640xf32, #tpu.memory_space<vmem>>, vector<16xf32>,
    %get3A_75 = vector.shape_cast %get3A_74 : vector<16xf32> to vector<16xf32>
    %max3A_76 = arith.constant 1.000000e+00 : f32
    %max3A_77 = vector.broadcast %max3A_76 : f32 to vector<16xf32>
    %max3A_78 = arith.maximumf %get3A_75, %max3A_77 : vector<16xf32>
    %div3A_79 = arith.constant 1.000000e+00 : f32
    %div3A_80 = vector.broadcast %div3A_79 : f32 to vector<16xf32>
    %div3A_81 = arith.divf %div3A_80, %max3A_78 : vector<16xf32>
    %swap3A_82 = arith.constant 80 : index
    %swap3A_83 = tpu.vector_load %arg9[%swap3A_82] {strides = array<i32>} : memref<640xf32, #tpu.memory_space<vmem>>, vector<16xf32>,
    %swap3A_84 = vector.shape_cast %swap3A_83 : vector<16xf32> to vector<16xf32>
    %swap3A_85 = vector.shape_cast %div3A_81 : vector<16xf32> to vector<16xf32>
    tpu.vector_store %arg9[%swap3A_82], %swap3A_85 {strides = array<i32>} : memref<640xf32, #tpu.memory_space<vmem>>, vector<16xf32>,
    %get3A_86 = arith.constant 96 : index
    %get3A_87 = tpu.vector_load %arg8[%get3A_86] {strides = array<i32>} : memref<640xf32, #tpu.memory_space<vmem>>, vector<16xf32>,
    %get3A_88 = vector.shape_cast %get3A_87 : vector<16xf32> to vector<16xf32>
    %max3A_89 = arith.constant 1.000000e+00 : f32
    %max3A_90 = vector.broadcast %max3A_89 : f32 to vector<16xf32>
    %max3A_91 = arith.maximumf %get3A_88, %max3A_90 : vector<16xf32>
    %div3A_92 = arith.constant 1.000000e+00 : f32
    %div3A_93 = vector.broadcast %div3A_92 : f32 to vector<16xf32>
    %div3A_94 = arith.divf %div3A_93, %max3A_91 : vector<16xf32>
    %swap3A_95 = arith.constant 96 : index
    %swap3A_96 = tpu.vector_load %arg9[%swap3A_95] {strides = array<i32>} : memref<640xf32, #tpu.memory_space<vmem>>, vector<16xf32>,
    %swap3A_97 = vector.shape_cast %swap3A_96 : vector<16xf32> to vector<16xf32>
    %swap3A_98 = vector.shape_cast %div3A_94 : vector<16xf32> to vector<16xf32>
    tpu.vector_store %arg9[%swap3A_95], %swap3A_98 {strides = array<i32>} : memref<640xf32, #tpu.memory_space<vmem>>, vector<16xf32>,
    %get3A_99 = arith.constant 112 : index
    %get3A_100 = tpu.vector_load %arg8[%get3A_99] {strides = array<i32>} : memref<640xf32, #tpu.memory_space<vmem>>, vector<16xf32>,
    %get3A_101 = vector.shape_cast %get3A_100 : vector<16xf32> to vector<16xf32>
    %max3A_102 = arith.constant 1.000000e+00 : f32
    %max3A_103 = vector.broadcast %max3A_102 : f32 to vector<16xf32>
    %max3A_104 = arith.maximumf %get3A_101, %max3A_103 : vector<16xf32>
    %div3A_105 = arith.constant 1.000000e+00 : f32
    %div3A_106 = vector.broadcast %div3A_105 : f32 to vector<16xf32>
    %div3A_107 = arith.divf %div3A_106, %max3A_104 : vector<16xf32>
    %swap3A_108 = arith.constant 112 : index
    %swap3A_109 = tpu.vector_load %arg9[%swap3A_108] {strides = array<i32>} : memref<640xf32, #tpu.memory_space<vmem>>, vector<16xf32>,
    %swap3A_110 = vector.shape_cast %swap3A_109 : vector<16xf32> to vector<16xf32>
    %swap3A_111 = vector.shape_cast %div3A_107 : vector<16xf32> to vector<16xf32>
    tpu.vector_store %arg9[%swap3A_108], %swap3A_111 {strides = array<i32>} : memref<640xf32, #tpu.memory_space<vmem>>, vector<16xf32>,
    %get3A_112 = arith.constant 128 : index
    %get3A_113 = tpu.vector_load %arg8[%get3A_112] {strides = array<i32>} : memref<640xf32, #tpu.memory_space<vmem>>, vector<16xf32>,
    %get3A_114 = vector.shape_cast %get3A_113 : vector<16xf32> to vector<16xf32>
    %max3A_115 = arith.constant 1.000000e+00 : f32
    %max3A_116 = vector.broadcast %max3A_115 : f32 to vector<16xf32>
    %max3A_117 = arith.maximumf %get3A_114, %max3A_116 : vector<16xf32>
    %div3A_118 = arith.constant 1.000000e+00 : f32
    %div3A_119 = vector.broadcast %div3A_118 : f32 to vector<16xf32>
    %div3A_120 = arith.divf %div3A_119, %max3A_117 : vector<16xf32>
    %swap3A_121 = arith.constant 128 : index
    %swap3A_122 = tpu.vector_load %arg9[%swap3A_121] {strides = array<i32>} : memref<640xf32, #tpu.memory_space<vmem>>, vector<16xf32>,
    %swap3A_123 = vector.shape_cast %swap3A_122 : vector<16xf32> to vector<16xf32>
    %swap3A_124 = vector.shape_cast %div3A_120 : vector<16xf32> to vector<16xf32>
    tpu.vector_store %arg9[%swap3A_121], %swap3A_124 {strides = array<i32>} : memref<640xf32, #tpu.memory_space<vmem>>, vector<16xf32>,
    %get3A_125 = arith.constant 144 : index
    %get3A_126 = tpu.vector_load %arg8[%get3A_125] {strides = array<i32>} : memref<640xf32, #tpu.memory_space<vmem>>, vector<16xf32>,
    %get3A_127 = vector.shape_cast %get3A_126 : vector<16xf32> to vector<16xf32>
    %max3A_128 = arith.constant 1.000000e+00 : f32
    %max3A_129 = vector.broadcast %max3A_128 : f32 to vector<16xf32>
    %max3A_130 = arith.maximumf %get3A_127, %max3A_129 : vector<16xf32>
    %div3A_131 = arith.constant 1.000000e+00 : f32
    %div3A_132 = vector.broadcast %div3A_131 : f32 to vector<16xf32>
    %div3A_133 = arith.divf %div3A_132, %max3A_130 : vector<16xf32>
    %swap3A_134 = arith.constant 144 : index
    %swap3A_135 = tpu.vector_load %arg9[%swap3A_134] {strides = array<i32>} : memref<640xf32, #tpu.memory_space<vmem>>, vector<16xf32>,
    %swap3A_136 = vector.shape_cast %swap3A_135 : vector<16xf32> to vector<16xf32>
    %swap3A_137 = vector.shape_cast %div3A_133 : vector<16xf32> to vector<16xf32>
    tpu.vector_store %arg9[%swap3A_134], %swap3A_137 {strides = array<i32>} : memref<640xf32, #tpu.memory_space<vmem>>, vector<16xf32>,
    %get3A_138 = arith.constant 160 : index
    %get3A_139 = tpu.vector_load %arg8[%get3A_138] {strides = array<i32>} : memref<640xf32, #tpu.memory_space<vmem>>, vector<16xf32>,
    %get3A_140 = vector.shape_cast %get3A_139 : vector<16xf32> to vector<16xf32>
    %max3A_141 = arith.constant 1.000000e+00 : f32
    %max3A_142 = vector.broadcast %max3A_141 : f32 to vector<16xf32>
    %max3A_143 = arith.maximumf %get3A_140, %max3A_142 : vector<16xf32>
    %div3A_144 = arith.constant 1.000000e+00 : f32
    %div3A_145 = vector.broadcast %div3A_144 : f32 to vector<16xf32>
    %div3A_146 = arith.divf %div3A_145, %max3A_143 : vector<16xf32>
    %swap3A_147 = arith.constant 160 : index
    %swap3A_148 = tpu.vector_load %arg9[%swap3A_147] {strides = array<i32>} : memref<640xf32, #tpu.memory_space<vmem>>, vector<16xf32>,
    %swap3A_149 = vector.shape_cast %swap3A_148 : vector<16xf32> to vector<16xf32>
    %swap3A_150 = vector.shape_cast %div3A_146 : vector<16xf32> to vector<16xf32>
    tpu.vector_store %arg9[%swap3A_147], %swap3A_150 {strides = array<i32>} : memref<640xf32, #tpu.memory_space<vmem>>, vector<16xf32>,
    %get3A_151 = arith.constant 176 : index
    %get3A_152 = tpu.vector_load %arg8[%get3A_151] {strides = array<i32>} : memref<640xf32, #tpu.memory_space<vmem>>, vector<16xf32>,
    %get3A_153 = vector.shape_cast %get3A_152 : vector<16xf32> to vector<16xf32>
    %max3A_154 = arith.constant 1.000000e+00 : f32
    %max3A_155 = vector.broadcast %max3A_154 : f32 to vector<16xf32>
    %max3A_156 = arith.maximumf %get3A_153, %max3A_155 : vector<16xf32>
    %div3A_157 = arith.constant 1.000000e+00 : f32
    %div3A_158 = vector.broadcast %div3A_157 : f32 to vector<16xf32>
    %div3A_159 = arith.divf %div3A_158, %max3A_156 : vector<16xf32>
    %swap3A_160 = arith.constant 176 : index
    %swap3A_161 = tpu.vector_load %arg9[%swap3A_160] {strides = array<i32>} : memref<640xf32, #tpu.memory_space<vmem>>, vector<16xf32>,
    %swap3A_162 = vector.shape_cast %swap3A_161 : vector<16xf32> to vector<16xf32>
    %swap3A_163 = vector.shape_cast %div3A_159 : vector<16xf32> to vector<16xf32>
    tpu.vector_store %arg9[%swap3A_160], %swap3A_163 {strides = array<i32>} : memref<640xf32, #tpu.memory_space<vmem>>, vector<16xf32>,
    %get3A_164 = arith.constant 192 : index
    %get3A_165 = tpu.vector_load %arg8[%get3A_164] {strides = array<i32>} : memref<640xf32, #tpu.memory_space<vmem>>, vector<16xf32>,
    %get3A_166 = vector.shape_cast %get3A_165 : vector<16xf32> to vector<16xf32>
    %max3A_167 = arith.constant 1.000000e+00 : f32
    %max3A_168 = vector.broadcast %max3A_167 : f32 to vector<16xf32>
    %max3A_169 = arith.maximumf %get3A_166, %max3A_168 : vector<16xf32>
    %div3A_170 = arith.constant 1.000000e+00 : f32
    %div3A_171 = vector.broadcast %div3A_170 : f32 to vector<16xf32>
    %div3A_172 = arith.divf %div3A_171, %max3A_169 : vector<16xf32>
    %swap3A_173 = arith.constant 192 : index
    %swap3A_174 = tpu.vector_load %arg9[%swap3A_173] {strides = array<i32>} : memref<640xf32, #tpu.memory_space<vmem>>, vector<16xf32>,
    %swap3A_175 = vector.shape_cast %swap3A_174 : vector<16xf32> to vector<16xf32>
    %swap3A_176 = vector.shape_cast %div3A_172 : vector<16xf32> to vector<16xf32>
    tpu.vector_store %arg9[%swap3A_173], %swap3A_176 {strides = array<i32>} : memref<640xf32, #tpu.memory_space<vmem>>, vector<16xf32>,
    %get3A_177 = arith.constant 208 : index
    %get3A_178 = tpu.vector_load %arg8[%get3A_177] {strides = array<i32>} : memref<640xf32, #tpu.memory_space<vmem>>, vector<16xf32>,
    %get3A_179 = vector.shape_cast %get3A_178 : vector<16xf32> to vector<16xf32>
    %max3A_180 = arith.constant 1.000000e+00 : f32
    %max3A_181 = vector.broadcast %max3A_180 : f32 to vector<16xf32>
    %max3A_182 = arith.maximumf %get3A_179, %max3A_181 : vector<16xf32>
    %div3A_183 = arith.constant 1.000000e+00 : f32
    %div3A_184 = vector.broadcast %div3A_183 : f32 to vector<16xf32>
    %div3A_185 = arith.divf %div3A_184, %max3A_182 : vector<16xf32>
    %swap3A_186 = arith.constant 208 : index
    %swap3A_187 = tpu.vector_load %arg9[%swap3A_186] {strides = array<i32>} : memref<640xf32, #tpu.memory_space<vmem>>, vector<16xf32>,
    %swap3A_188 = vector.shape_cast %swap3A_187 : vector<16xf32> to vector<16xf32>
    %swap3A_189 = vector.shape_cast %div3A_185 : vector<16xf32> to vector<16xf32>
    tpu.vector_store %arg9[%swap3A_186], %swap3A_189 {strides = array<i32>} : memref<640xf32, #tpu.memory_space<vmem>>, vector<16xf32>,
    %get3A_190 = arith.constant 224 : index
    %get3A_191 = tpu.vector_load %arg8[%get3A_190] {strides = array<i32>} : memref<640xf32, #tpu.memory_space<vmem>>, vector<16xf32>,
    %get3A_192 = vector.shape_cast %get3A_191 : vector<16xf32> to vector<16xf32>
    %max3A_193 = arith.constant 1.000000e+00 : f32
    %max3A_194 = vector.broadcast %max3A_193 : f32 to vector<16xf32>
    %max3A_195 = arith.maximumf %get3A_192, %max3A_194 : vector<16xf32>
    %div3A_196 = arith.constant 1.000000e+00 : f32
    %div3A_197 = vector.broadcast %div3A_196 : f32 to vector<16xf32>
    %div3A_198 = arith.divf %div3A_197, %max3A_195 : vector<16xf32>
    %swap3A_199 = arith.constant 224 : index
    %swap3A_200 = tpu.vector_load %arg9[%swap3A_199] {strides = array<i32>} : memref<640xf32, #tpu.memory_space<vmem>>, vector<16xf32>,
    %swap3A_201 = vector.shape_cast %swap3A_200 : vector<16xf32> to vector<16xf32>
    %swap3A_202 = vector.shape_cast %div3A_198 : vector<16xf32> to vector<16xf32>
    tpu.vector_store %arg9[%swap3A_199], %swap3A_202 {strides = array<i32>} : memref<640xf32, #tpu.memory_space<vmem>>, vector<16xf32>,
    %get3A_203 = arith.constant 240 : index
    %get3A_204 = tpu.vector_load %arg8[%get3A_203] {strides = array<i32>} : memref<640xf32, #tpu.memory_space<vmem>>, vector<16xf32>,
    %get3A_205 = vector.shape_cast %get3A_204 : vector<16xf32> to vector<16xf32>
    %max3A_206 = arith.constant 1.000000e+00 : f32
    %max3A_207 = vector.broadcast %max3A_206 : f32 to vector<16xf32>
    %max3A_208 = arith.maximumf %get3A_205, %max3A_207 : vector<16xf32>
    %div3A_209 = arith.constant 1.000000e+00 : f32
    %div3A_210 = vector.broadcast %div3A_209 : f32 to vector<16xf32>
    %div3A_211 = arith.divf %div3A_210, %max3A_208 : vector<16xf32>
    %swap3A_212 = arith.constant 240 : index
    %swap3A_213 = tpu.vector_load %arg9[%swap3A_212] {strides = array<i32>} : memref<640xf32, #tpu.memory_space<vmem>>, vector<16xf32>,
    %swap3A_214 = vector.shape_cast %swap3A_213 : vector<16xf32> to vector<16xf32>
    %swap3A_215 = vector.shape_cast %div3A_211 : vector<16xf32> to vector<16xf32>
    tpu.vector_store %arg9[%swap3A_212], %swap3A_215 {strides = array<i32>} : memref<640xf32, #tpu.memory_space<vmem>>, vector<16xf32>,
    %get3A_216 = arith.constant 256 : index
    %get3A_217 = tpu.vector_load %arg8[%get3A_216] {strides = array<i32>} : memref<640xf32, #tpu.memory_space<vmem>>, vector<16xf32>,
    %get3A_218 = vector.shape_cast %get3A_217 : vector<16xf32> to vector<16xf32>
    %max3A_219 = arith.constant 1.000000e+00 : f32
    %max3A_220 = vector.broadcast %max3A_219 : f32 to vector<16xf32>
    %max3A_221 = arith.maximumf %get3A_218, %max3A_220 : vector<16xf32>
    %div3A_222 = arith.constant 1.000000e+00 : f32
    %div3A_223 = vector.broadcast %div3A_222 : f32 to vector<16xf32>
    %div3A_224 = arith.divf %div3A_223, %max3A_221 : vector<16xf32>
    %swap3A_225 = arith.constant 256 : index
    %swap3A_226 = tpu.vector_load %arg9[%swap3A_225] {strides = array<i32>} : memref<640xf32, #tpu.memory_space<vmem>>, vector<16xf32>,
    %swap3A_227 = vector.shape_cast %swap3A_226 : vector<16xf32> to vector<16xf32>
    %swap3A_228 = vector.shape_cast %div3A_224 : vector<16xf32> to vector<16xf32>
    tpu.vector_store %arg9[%swap3A_225], %swap3A_228 {strides = array<i32>} : memref<640xf32, #tpu.memory_space<vmem>>, vector<16xf32>,
    %get3A_229 = arith.constant 272 : index
    %get3A_230 = tpu.vector_load %arg8[%get3A_229] {strides = array<i32>} : memref<640xf32, #tpu.memory_space<vmem>>, vector<16xf32>,
    %get3A_231 = vector.shape_cast %get3A_230 : vector<16xf32> to vector<16xf32>
    %max3A_232 = arith.constant 1.000000e+00 : f32
    %max3A_233 = vector.broadcast %max3A_232 : f32 to vector<16xf32>
    %max3A_234 = arith.maximumf %get3A_231, %max3A_233 : vector<16xf32>
    %div3A_235 = arith.constant 1.000000e+00 : f32
    %div3A_236 = vector.broadcast %div3A_235 : f32 to vector<16xf32>
    %div3A_237 = arith.divf %div3A_236, %max3A_234 : vector<16xf32>
    %swap3A_238 = arith.constant 272 : index
    %swap3A_239 = tpu.vector_load %arg9[%swap3A_238] {strides = array<i32>} : memref<640xf32, #tpu.memory_space<vmem>>, vector<16xf32>,
    %swap3A_240 = vector.shape_cast %swap3A_239 : vector<16xf32> to vector<16xf32>
    %swap3A_241 = vector.shape_cast %div3A_237 : vector<16xf32> to vector<16xf32>
    tpu.vector_store %arg9[%swap3A_238], %swap3A_241 {strides = array<i32>} : memref<640xf32, #tpu.memory_space<vmem>>, vector<16xf32>,
    %get3A_242 = arith.constant 288 : index
    %get3A_243 = tpu.vector_load %arg8[%get3A_242] {strides = array<i32>} : memref<640xf32, #tpu.memory_space<vmem>>, vector<16xf32>,
    %get3A_244 = vector.shape_cast %get3A_243 : vector<16xf32> to vector<16xf32>
    %max3A_245 = arith.constant 1.000000e+00 : f32
    %max3A_246 = vector.broadcast %max3A_245 : f32 to vector<16xf32>
    %max3A_247 = arith.maximumf %get3A_244, %max3A_246 : vector<16xf32>
    %div3A_248 = arith.constant 1.000000e+00 : f32
    %div3A_249 = vector.broadcast %div3A_248 : f32 to vector<16xf32>
    %div3A_250 = arith.divf %div3A_249, %max3A_247 : vector<16xf32>
    %swap3A_251 = arith.constant 288 : index
    %swap3A_252 = tpu.vector_load %arg9[%swap3A_251] {strides = array<i32>} : memref<640xf32, #tpu.memory_space<vmem>>, vector<16xf32>,
    %swap3A_253 = vector.shape_cast %swap3A_252 : vector<16xf32> to vector<16xf32>
    %swap3A_254 = vector.shape_cast %div3A_250 : vector<16xf32> to vector<16xf32>
    tpu.vector_store %arg9[%swap3A_251], %swap3A_254 {strides = array<i32>} : memref<640xf32, #tpu.memory_space<vmem>>, vector<16xf32>,
    %get3A_255 = arith.constant 304 : index
    %get3A_256 = tpu.vector_load %arg8[%get3A_255] {strides = array<i32>} : memref<640xf32, #tpu.memory_space<vmem>>, vector<16xf32>,
    %get3A_257 = vector.shape_cast %get3A_256 : vector<16xf32> to vector<16xf32>
    %max3A_258 = arith.constant 1.000000e+00 : f32
    %max3A_259 = vector.broadcast %max3A_258 : f32 to vector<16xf32>
    %max3A_260 = arith.maximumf %get3A_257, %max3A_259 : vector<16xf32>
    %div3A_261 = arith.constant 1.000000e+00 : f32
    %div3A_262 = vector.broadcast %div3A_261 : f32 to vector<16xf32>
    %div3A_263 = arith.divf %div3A_262, %max3A_260 : vector<16xf32>
    %swap3A_264 = arith.constant 304 : index
    %swap3A_265 = tpu.vector_load %arg9[%swap3A_264] {strides = array<i32>} : memref<640xf32, #tpu.memory_space<vmem>>, vector<16xf32>,
    %swap3A_266 = vector.shape_cast %swap3A_265 : vector<16xf32> to vector<16xf32>
    %swap3A_267 = vector.shape_cast %div3A_263 : vector<16xf32> to vector<16xf32>
    tpu.vector_store %arg9[%swap3A_264], %swap3A_267 {strides = array<i32>} : memref<640xf32, #tpu.memory_space<vmem>>, vector<16xf32>,
    %get3A_268 = arith.constant 320 : index
    %get3A_269 = tpu.vector_load %arg8[%get3A_268] {strides = array<i32>} : memref<640xf32, #tpu.memory_space<vmem>>, vector<16xf32>,
    %get3A_270 = vector.shape_cast %get3A_269 : vector<16xf32> to vector<16xf32>
    %max3A_271 = arith.constant 1.000000e+00 : f32
    %max3A_272 = vector.broadcast %max3A_271 : f32 to vector<16xf32>
    %max3A_273 = arith.maximumf %get3A_270, %max3A_272 : vector<16xf32>
    %div3A_274 = arith.constant 1.000000e+00 : f32
    %div3A_275 = vector.broadcast %div3A_274 : f32 to vector<16xf32>
    %div3A_276 = arith.divf %div3A_275, %max3A_273 : vector<16xf32>
    %swap3A_277 = arith.constant 320 : index
    %swap3A_278 = tpu.vector_load %arg9[%swap3A_277] {strides = array<i32>} : memref<640xf32, #tpu.memory_space<vmem>>, vector<16xf32>,
    %swap3A_279 = vector.shape_cast %swap3A_278 : vector<16xf32> to vector<16xf32>
    %swap3A_280 = vector.shape_cast %div3A_276 : vector<16xf32> to vector<16xf32>
    tpu.vector_store %arg9[%swap3A_277], %swap3A_280 {strides = array<i32>} : memref<640xf32, #tpu.memory_space<vmem>>, vector<16xf32>,
    %get3A_281 = arith.constant 336 : index
    %get3A_282 = tpu.vector_load %arg8[%get3A_281] {strides = array<i32>} : memref<640xf32, #tpu.memory_space<vmem>>, vector<16xf32>,
    %get3A_283 = vector.shape_cast %get3A_282 : vector<16xf32> to vector<16xf32>
    %max3A_284 = arith.constant 1.000000e+00 : f32
    %max3A_285 = vector.broadcast %max3A_284 : f32 to vector<16xf32>
    %max3A_286 = arith.maximumf %get3A_283, %max3A_285 : vector<16xf32>
    %div3A_287 = arith.constant 1.000000e+00 : f32
    %div3A_288 = vector.broadcast %div3A_287 : f32 to vector<16xf32>
    %div3A_289 = arith.divf %div3A_288, %max3A_286 : vector<16xf32>
    %swap3A_290 = arith.constant 336 : index
    %swap3A_291 = tpu.vector_load %arg9[%swap3A_290] {strides = array<i32>} : memref<640xf32, #tpu.memory_space<vmem>>, vector<16xf32>,
    %swap3A_292 = vector.shape_cast %swap3A_291 : vector<16xf32> to vector<16xf32>
    %swap3A_293 = vector.shape_cast %div3A_289 : vector<16xf32> to vector<16xf32>
    tpu.vector_store %arg9[%swap3A_290], %swap3A_293 {strides = array<i32>} : memref<640xf32, #tpu.memory_space<vmem>>, vector<16xf32>,
    %get3A_294 = arith.constant 352 : index
    %get3A_295 = tpu.vector_load %arg8[%get3A_294] {strides = array<i32>} : memref<640xf32, #tpu.memory_space<vmem>>, vector<16xf32>,
    %get3A_296 = vector.shape_cast %get3A_295 : vector<16xf32> to vector<16xf32>
    %max3A_297 = arith.constant 1.000000e+00 : f32
    %max3A_298 = vector.broadcast %max3A_297 : f32 to vector<16xf32>
    %max3A_299 = arith.maximumf %get3A_296, %max3A_298 : vector<16xf32>
    %div3A_300 = arith.constant 1.000000e+00 : f32
    %div3A_301 = vector.broadcast %div3A_300 : f32 to vector<16xf32>
    %div3A_302 = arith.divf %div3A_301, %max3A_299 : vector<16xf32>
    %swap3A_303 = arith.constant 352 : index
    %swap3A_304 = tpu.vector_load %arg9[%swap3A_303] {strides = array<i32>} : memref<640xf32, #tpu.memory_space<vmem>>, vector<16xf32>,
    %swap3A_305 = vector.shape_cast %swap3A_304 : vector<16xf32> to vector<16xf32>
    %swap3A_306 = vector.shape_cast %div3A_302 : vector<16xf32> to vector<16xf32>
    tpu.vector_store %arg9[%swap3A_303], %swap3A_306 {strides = array<i32>} : memref<640xf32, #tpu.memory_space<vmem>>, vector<16xf32>,
    %get3A_307 = arith.constant 368 : index
    %get3A_308 = tpu.vector_load %arg8[%get3A_307] {strides = array<i32>} : memref<640xf32, #tpu.memory_space<vmem>>, vector<16xf32>,
    %get3A_309 = vector.shape_cast %get3A_308 : vector<16xf32> to vector<16xf32>
    %max3A_310 = arith.constant 1.000000e+00 : f32
    %max3A_311 = vector.broadcast %max3A_310 : f32 to vector<16xf32>
    %max3A_312 = arith.maximumf %get3A_309, %max3A_311 : vector<16xf32>
    %div3A_313 = arith.constant 1.000000e+00 : f32
    %div3A_314 = vector.broadcast %div3A_313 : f32 to vector<16xf32>
    %div3A_315 = arith.divf %div3A_314, %max3A_312 : vector<16xf32>
    %swap3A_316 = arith.constant 368 : index
    %swap3A_317 = tpu.vector_load %arg9[%swap3A_316] {strides = array<i32>} : memref<640xf32, #tpu.memory_space<vmem>>, vector<16xf32>,
    %swap3A_318 = vector.shape_cast %swap3A_317 : vector<16xf32> to vector<16xf32>
    %swap3A_319 = vector.shape_cast %div3A_315 : vector<16xf32> to vector<16xf32>
    tpu.vector_store %arg9[%swap3A_316], %swap3A_319 {strides = array<i32>} : memref<640xf32, #tpu.memory_space<vmem>>, vector<16xf32>,
    %get3A_320 = arith.constant 384 : index
    %get3A_321 = tpu.vector_load %arg8[%get3A_320] {strides = array<i32>} : memref<640xf32, #tpu.memory_space<vmem>>, vector<16xf32>,
    %get3A_322 = vector.shape_cast %get3A_321 : vector<16xf32> to vector<16xf32>
    %max3A_323 = arith.constant 1.000000e+00 : f32
    %max3A_324 = vector.broadcast %max3A_323 : f32 to vector<16xf32>
    %max3A_325 = arith.maximumf %get3A_322, %max3A_324 : vector<16xf32>
    %div3A_326 = arith.constant 1.000000e+00 : f32
    %div3A_327 = vector.broadcast %div3A_326 : f32 to vector<16xf32>
    %div3A_328 = arith.divf %div3A_327, %max3A_325 : vector<16xf32>
    %swap3A_329 = arith.constant 384 : index
    %swap3A_330 = tpu.vector_load %arg9[%swap3A_329] {strides = array<i32>} : memref<640xf32, #tpu.memory_space<vmem>>, vector<16xf32>,
    %swap3A_331 = vector.shape_cast %swap3A_330 : vector<16xf32> to vector<16xf32>
    %swap3A_332 = vector.shape_cast %div3A_328 : vector<16xf32> to vector<16xf32>
    tpu.vector_store %arg9[%swap3A_329], %swap3A_332 {strides = array<i32>} : memref<640xf32, #tpu.memory_space<vmem>>, vector<16xf32>,
    %get3A_333 = arith.constant 400 : index
    %get3A_334 = tpu.vector_load %arg8[%get3A_333] {strides = array<i32>} : memref<640xf32, #tpu.memory_space<vmem>>, vector<16xf32>,
    %get3A_335 = vector.shape_cast %get3A_334 : vector<16xf32> to vector<16xf32>
    %max3A_336 = arith.constant 1.000000e+00 : f32
    %max3A_337 = vector.broadcast %max3A_336 : f32 to vector<16xf32>
    %max3A_338 = arith.maximumf %get3A_335, %max3A_337 : vector<16xf32>
    %div3A_339 = arith.constant 1.000000e+00 : f32
    %div3A_340 = vector.broadcast %div3A_339 : f32 to vector<16xf32>
    %div3A_341 = arith.divf %div3A_340, %max3A_338 : vector<16xf32>
    %swap3A_342 = arith.constant 400 : index
    %swap3A_343 = tpu.vector_load %arg9[%swap3A_342] {strides = array<i32>} : memref<640xf32, #tpu.memory_space<vmem>>, vector<16xf32>,
    %swap3A_344 = vector.shape_cast %swap3A_343 : vector<16xf32> to vector<16xf32>
    %swap3A_345 = vector.shape_cast %div3A_341 : vector<16xf32> to vector<16xf32>
    tpu.vector_store %arg9[%swap3A_342], %swap3A_345 {strides = array<i32>} : memref<640xf32, #tpu.memory_space<vmem>>, vector<16xf32>,
    %get3A_346 = arith.constant 416 : index
    %get3A_347 = tpu.vector_load %arg8[%get3A_346] {strides = array<i32>} : memref<640xf32, #tpu.memory_space<vmem>>, vector<16xf32>,
    %get3A_348 = vector.shape_cast %get3A_347 : vector<16xf32> to vector<16xf32>
    %max3A_349 = arith.constant 1.000000e+00 : f32
    %max3A_350 = vector.broadcast %max3A_349 : f32 to vector<16xf32>
    %max3A_351 = arith.maximumf %get3A_348, %max3A_350 : vector<16xf32>
    %div3A_352 = arith.constant 1.000000e+00 : f32
    %div3A_353 = vector.broadcast %div3A_352 : f32 to vector<16xf32>
    %div3A_354 = arith.divf %div3A_353, %max3A_351 : vector<16xf32>
    %swap3A_355 = arith.constant 416 : index
    %swap3A_356 = tpu.vector_load %arg9[%swap3A_355] {strides = array<i32>} : memref<640xf32, #tpu.memory_space<vmem>>, vector<16xf32>,
    %swap3A_357 = vector.shape_cast %swap3A_356 : vector<16xf32> to vector<16xf32>
    %swap3A_358 = vector.shape_cast %div3A_354 : vector<16xf32> to vector<16xf32>
    tpu.vector_store %arg9[%swap3A_355], %swap3A_358 {strides = array<i32>} : memref<640xf32, #tpu.memory_space<vmem>>, vector<16xf32>,
    %get3A_359 = arith.constant 432 : index
    %get3A_360 = tpu.vector_load %arg8[%get3A_359] {strides = array<i32>} : memref<640xf32, #tpu.memory_space<vmem>>, vector<16xf32>,
    %get3A_361 = vector.shape_cast %get3A_360 : vector<16xf32> to vector<16xf32>
    %max3A_362 = arith.constant 1.000000e+00 : f32
    %max3A_363 = vector.broadcast %max3A_362 : f32 to vector<16xf32>
    %max3A_364 = arith.maximumf %get3A_361, %max3A_363 : vector<16xf32>
    %div3A_365 = arith.constant 1.000000e+00 : f32
    %div3A_366 = vector.broadcast %div3A_365 : f32 to vector<16xf32>
    %div3A_367 = arith.divf %div3A_366, %max3A_364 : vector<16xf32>
    %swap3A_368 = arith.constant 432 : index
    %swap3A_369 = tpu.vector_load %arg9[%swap3A_368] {strides = array<i32>} : memref<640xf32, #tpu.memory_space<vmem>>, vector<16xf32>,
    %swap3A_370 = vector.shape_cast %swap3A_369 : vector<16xf32> to vector<16xf32>
    %swap3A_371 = vector.shape_cast %div3A_367 : vector<16xf32> to vector<16xf32>
    tpu.vector_store %arg9[%swap3A_368], %swap3A_371 {strides = array<i32>} : memref<640xf32, #tpu.memory_space<vmem>>, vector<16xf32>,
    %get3A_372 = arith.constant 448 : index
    %get3A_373 = tpu.vector_load %arg8[%get3A_372] {strides = array<i32>} : memref<640xf32, #tpu.memory_space<vmem>>, vector<16xf32>,
    %get3A_374 = vector.shape_cast %get3A_373 : vector<16xf32> to vector<16xf32>
    %max3A_375 = arith.constant 1.000000e+00 : f32
    %max3A_376 = vector.broadcast %max3A_375 : f32 to vector<16xf32>
    %max3A_377 = arith.maximumf %get3A_374, %max3A_376 : vector<16xf32>
    %div3A_378 = arith.constant 1.000000e+00 : f32
    %div3A_379 = vector.broadcast %div3A_378 : f32 to vector<16xf32>
    %div3A_380 = arith.divf %div3A_379, %max3A_377 : vector<16xf32>
    %swap3A_381 = arith.constant 448 : index
    %swap3A_382 = tpu.vector_load %arg9[%swap3A_381] {strides = array<i32>} : memref<640xf32, #tpu.memory_space<vmem>>, vector<16xf32>,
    %swap3A_383 = vector.shape_cast %swap3A_382 : vector<16xf32> to vector<16xf32>
    %swap3A_384 = vector.shape_cast %div3A_380 : vector<16xf32> to vector<16xf32>
    tpu.vector_store %arg9[%swap3A_381], %swap3A_384 {strides = array<i32>} : memref<640xf32, #tpu.memory_space<vmem>>, vector<16xf32>,
    %get3A_385 = arith.constant 464 : index
    %get3A_386 = tpu.vector_load %arg8[%get3A_385] {strides = array<i32>} : memref<640xf32, #tpu.memory_space<vmem>>, vector<16xf32>,
    %get3A_387 = vector.shape_cast %get3A_386 : vector<16xf32> to vector<16xf32>
    %max3A_388 = arith.constant 1.000000e+00 : f32
    %max3A_389 = vector.broadcast %max3A_388 : f32 to vector<16xf32>
    %max3A_390 = arith.maximumf %get3A_387, %max3A_389 : vector<16xf32>
    %div3A_391 = arith.constant 1.000000e+00 : f32
    %div3A_392 = vector.broadcast %div3A_391 : f32 to vector<16xf32>
    %div3A_393 = arith.divf %div3A_392, %max3A_390 : vector<16xf32>
    %swap3A_394 = arith.constant 464 : index
    %swap3A_395 = tpu.vector_load %arg9[%swap3A_394] {strides = array<i32>} : memref<640xf32, #tpu.memory_space<vmem>>, vector<16xf32>,
    %swap3A_396 = vector.shape_cast %swap3A_395 : vector<16xf32> to vector<16xf32>
    %swap3A_397 = vector.shape_cast %div3A_393 : vector<16xf32> to vector<16xf32>
    tpu.vector_store %arg9[%swap3A_394], %swap3A_397 {strides = array<i32>} : memref<640xf32, #tpu.memory_space<vmem>>, vector<16xf32>,
    %get3A_398 = arith.constant 480 : index
    %get3A_399 = tpu.vector_load %arg8[%get3A_398] {strides = array<i32>} : memref<640xf32, #tpu.memory_space<vmem>>, vector<16xf32>,
    %get3A_400 = vector.shape_cast %get3A_399 : vector<16xf32> to vector<16xf32>
    %max3A_401 = arith.constant 1.000000e+00 : f32
    %max3A_402 = vector.broadcast %max3A_401 : f32 to vector<16xf32>
    %max3A_403 = arith.maximumf %get3A_400, %max3A_402 : vector<16xf32>
    %div3A_404 = arith.constant 1.000000e+00 : f32
    %div3A_405 = vector.broadcast %div3A_404 : f32 to vector<16xf32>
    %div3A_406 = arith.divf %div3A_405, %max3A_403 : vector<16xf32>
    %swap3A_407 = arith.constant 480 : index
    %swap3A_408 = tpu.vector_load %arg9[%swap3A_407] {strides = array<i32>} : memref<640xf32, #tpu.memory_space<vmem>>, vector<16xf32>,
    %swap3A_409 = vector.shape_cast %swap3A_408 : vector<16xf32> to vector<16xf32>
    %swap3A_410 = vector.shape_cast %div3A_406 : vector<16xf32> to vector<16xf32>
    tpu.vector_store %arg9[%swap3A_407], %swap3A_410 {strides = array<i32>} : memref<640xf32, #tpu.memory_space<vmem>>, vector<16xf32>,
    %get3A_411 = arith.constant 496 : index
    %get3A_412 = tpu.vector_load %arg8[%get3A_411] {strides = array<i32>} : memref<640xf32, #tpu.memory_space<vmem>>, vector<16xf32>,
    %get3A_413 = vector.shape_cast %get3A_412 : vector<16xf32> to vector<16xf32>
    %max3A_414 = arith.constant 1.000000e+00 : f32
    %max3A_415 = vector.broadcast %max3A_414 : f32 to vector<16xf32>
    %max3A_416 = arith.maximumf %get3A_413, %max3A_415 : vector<16xf32>
    %div3A_417 = arith.constant 1.000000e+00 : f32
    %div3A_418 = vector.broadcast %div3A_417 : f32 to vector<16xf32>
    %div3A_419 = arith.divf %div3A_418, %max3A_416 : vector<16xf32>
    %swap3A_420 = arith.constant 496 : index
    %swap3A_421 = tpu.vector_load %arg9[%swap3A_420] {strides = array<i32>} : memref<640xf32, #tpu.memory_space<vmem>>, vector<16xf32>,
    %swap3A_422 = vector.shape_cast %swap3A_421 : vector<16xf32> to vector<16xf32>
    %swap3A_423 = vector.shape_cast %div3A_419 : vector<16xf32> to vector<16xf32>
    tpu.vector_store %arg9[%swap3A_420], %swap3A_423 {strides = array<i32>} : memref<640xf32, #tpu.memory_space<vmem>>, vector<16xf32>,
    %get3A_424 = arith.constant 512 : index
    %get3A_425 = tpu.vector_load %arg8[%get3A_424] {strides = array<i32>} : memref<640xf32, #tpu.memory_space<vmem>>, vector<16xf32>,
    %get3A_426 = vector.shape_cast %get3A_425 : vector<16xf32> to vector<16xf32>
    %max3A_427 = arith.constant 1.000000e+00 : f32
    %max3A_428 = vector.broadcast %max3A_427 : f32 to vector<16xf32>
    %max3A_429 = arith.maximumf %get3A_426, %max3A_428 : vector<16xf32>
    %div3A_430 = arith.constant 1.000000e+00 : f32
    %div3A_431 = vector.broadcast %div3A_430 : f32 to vector<16xf32>
    %div3A_432 = arith.divf %div3A_431, %max3A_429 : vector<16xf32>
    %swap3A_433 = arith.constant 512 : index
    %swap3A_434 = tpu.vector_load %arg9[%swap3A_433] {strides = array<i32>} : memref<640xf32, #tpu.memory_space<vmem>>, vector<16xf32>,
    %swap3A_435 = vector.shape_cast %swap3A_434 : vector<16xf32> to vector<16xf32>
    %swap3A_436 = vector.shape_cast %div3A_432 : vector<16xf32> to vector<16xf32>
    tpu.vector_store %arg9[%swap3A_433], %swap3A_436 {strides = array<i32>} : memref<640xf32, #tpu.memory_space<vmem>>, vector<16xf32>,
    %get3A_437 = arith.constant 528 : index
    %get3A_438 = tpu.vector_load %arg8[%get3A_437] {strides = array<i32>} : memref<640xf32, #tpu.memory_space<vmem>>, vector<16xf32>,
    %get3A_439 = vector.shape_cast %get3A_438 : vector<16xf32> to vector<16xf32>
    %max3A_440 = arith.constant 1.000000e+00 : f32
    %max3A_441 = vector.broadcast %max3A_440 : f32 to vector<16xf32>
    %max3A_442 = arith.maximumf %get3A_439, %max3A_441 : vector<16xf32>
    %div3A_443 = arith.constant 1.000000e+00 : f32
    %div3A_444 = vector.broadcast %div3A_443 : f32 to vector<16xf32>
    %div3A_445 = arith.divf %div3A_444, %max3A_442 : vector<16xf32>
    %swap3A_446 = arith.constant 528 : index
    %swap3A_447 = tpu.vector_load %arg9[%swap3A_446] {strides = array<i32>} : memref<640xf32, #tpu.memory_space<vmem>>, vector<16xf32>,
    %swap3A_448 = vector.shape_cast %swap3A_447 : vector<16xf32> to vector<16xf32>
    %swap3A_449 = vector.shape_cast %div3A_445 : vector<16xf32> to vector<16xf32>
    tpu.vector_store %arg9[%swap3A_446], %swap3A_449 {strides = array<i32>} : memref<640xf32, #tpu.memory_space<vmem>>, vector<16xf32>,
    %get3A_450 = arith.constant 544 : index
    %get3A_451 = tpu.vector_load %arg8[%get3A_450] {strides = array<i32>} : memref<640xf32, #tpu.memory_space<vmem>>, vector<16xf32>,
    %get3A_452 = vector.shape_cast %get3A_451 : vector<16xf32> to vector<16xf32>
    %max3A_453 = arith.constant 1.000000e+00 : f32
    %max3A_454 = vector.broadcast %max3A_453 : f32 to vector<16xf32>
    %max3A_455 = arith.maximumf %get3A_452, %max3A_454 : vector<16xf32>
    %div3A_456 = arith.constant 1.000000e+00 : f32
    %div3A_457 = vector.broadcast %div3A_456 : f32 to vector<16xf32>
    %div3A_458 = arith.divf %div3A_457, %max3A_455 : vector<16xf32>
    %swap3A_459 = arith.constant 544 : index
    %swap3A_460 = tpu.vector_load %arg9[%swap3A_459] {strides = array<i32>} : memref<640xf32, #tpu.memory_space<vmem>>, vector<16xf32>,
    %swap3A_461 = vector.shape_cast %swap3A_460 : vector<16xf32> to vector<16xf32>
    %swap3A_462 = vector.shape_cast %div3A_458 : vector<16xf32> to vector<16xf32>
    tpu.vector_store %arg9[%swap3A_459], %swap3A_462 {strides = array<i32>} : memref<640xf32, #tpu.memory_space<vmem>>, vector<16xf32>,
    %get3A_463 = arith.constant 560 : index
    %get3A_464 = tpu.vector_load %arg8[%get3A_463] {strides = array<i32>} : memref<640xf32, #tpu.memory_space<vmem>>, vector<16xf32>,
    %get3A_465 = vector.shape_cast %get3A_464 : vector<16xf32> to vector<16xf32>
    %max3A_466 = arith.constant 1.000000e+00 : f32
    %max3A_467 = vector.broadcast %max3A_466 : f32 to vector<16xf32>
    %max3A_468 = arith.maximumf %get3A_465, %max3A_467 : vector<16xf32>
    %div3A_469 = arith.constant 1.000000e+00 : f32
    %div3A_470 = vector.broadcast %div3A_469 : f32 to vector<16xf32>
    %div3A_471 = arith.divf %div3A_470, %max3A_468 : vector<16xf32>
    %swap3A_472 = arith.constant 560 : index
    %swap3A_473 = tpu.vector_load %arg9[%swap3A_472] {strides = array<i32>} : memref<640xf32, #tpu.memory_space<vmem>>, vector<16xf32>,
    %swap3A_474 = vector.shape_cast %swap3A_473 : vector<16xf32> to vector<16xf32>
    %swap3A_475 = vector.shape_cast %div3A_471 : vector<16xf32> to vector<16xf32>
    tpu.vector_store %arg9[%swap3A_472], %swap3A_475 {strides = array<i32>} : memref<640xf32, #tpu.memory_space<vmem>>, vector<16xf32>,
    %get3A_476 = arith.constant 576 : index
    %get3A_477 = tpu.vector_load %arg8[%get3A_476] {strides = array<i32>} : memref<640xf32, #tpu.memory_space<vmem>>, vector<16xf32>,
    %get3A_478 = vector.shape_cast %get3A_477 : vector<16xf32> to vector<16xf32>
    %max3A_479 = arith.constant 1.000000e+00 : f32
    %max3A_480 = vector.broadcast %max3A_479 : f32 to vector<16xf32>
    %max3A_481 = arith.maximumf %get3A_478, %max3A_480 : vector<16xf32>
    %div3A_482 = arith.constant 1.000000e+00 : f32
    %div3A_483 = vector.broadcast %div3A_482 : f32 to vector<16xf32>
    %div3A_484 = arith.divf %div3A_483, %max3A_481 : vector<16xf32>
    %swap3A_485 = arith.constant 576 : index
    %swap3A_486 = tpu.vector_load %arg9[%swap3A_485] {strides = array<i32>} : memref<640xf32, #tpu.memory_space<vmem>>, vector<16xf32>,
    %swap3A_487 = vector.shape_cast %swap3A_486 : vector<16xf32> to vector<16xf32>
    %swap3A_488 = vector.shape_cast %div3A_484 : vector<16xf32> to vector<16xf32>
    tpu.vector_store %arg9[%swap3A_485], %swap3A_488 {strides = array<i32>} : memref<640xf32, #tpu.memory_space<vmem>>, vector<16xf32>,
    %get3A_489 = arith.constant 592 : index
    %get3A_490 = tpu.vector_load %arg8[%get3A_489] {strides = array<i32>} : memref<640xf32, #tpu.memory_space<vmem>>, vector<16xf32>,
    %get3A_491 = vector.shape_cast %get3A_490 : vector<16xf32> to vector<16xf32>
    %max3A_492 = arith.constant 1.000000e+00 : f32
    %max3A_493 = vector.broadcast %max3A_492 : f32 to vector<16xf32>
    %max3A_494 = arith.maximumf %get3A_491, %max3A_493 : vector<16xf32>
    %div3A_495 = arith.constant 1.000000e+00 : f32
    %div3A_496 = vector.broadcast %div3A_495 : f32 to vector<16xf32>
    %div3A_497 = arith.divf %div3A_496, %max3A_494 : vector<16xf32>
    %swap3A_498 = arith.constant 592 : index
    %swap3A_499 = tpu.vector_load %arg9[%swap3A_498] {strides = array<i32>} : memref<640xf32, #tpu.memory_space<vmem>>, vector<16xf32>,
    %swap3A_500 = vector.shape_cast %swap3A_499 : vector<16xf32> to vector<16xf32>
    %swap3A_501 = vector.shape_cast %div3A_497 : vector<16xf32> to vector<16xf32>
    tpu.vector_store %arg9[%swap3A_498], %swap3A_501 {strides = array<i32>} : memref<640xf32, #tpu.memory_space<vmem>>, vector<16xf32>,
    %get3A_502 = arith.constant 608 : index
    %get3A_503 = tpu.vector_load %arg8[%get3A_502] {strides = array<i32>} : memref<640xf32, #tpu.memory_space<vmem>>, vector<16xf32>,
    %get3A_504 = vector.shape_cast %get3A_503 : vector<16xf32> to vector<16xf32>
    %max3A_505 = arith.constant 1.000000e+00 : f32
    %max3A_506 = vector.broadcast %max3A_505 : f32 to vector<16xf32>
    %max3A_507 = arith.maximumf %get3A_504, %max3A_506 : vector<16xf32>
    %div3A_508 = arith.constant 1.000000e+00 : f32
    %div3A_509 = vector.broadcast %div3A_508 : f32 to vector<16xf32>
    %div3A_510 = arith.divf %div3A_509, %max3A_507 : vector<16xf32>
    %swap3A_511 = arith.constant 608 : index
    %swap3A_512 = tpu.vector_load %arg9[%swap3A_511] {strides = array<i32>} : memref<640xf32, #tpu.memory_space<vmem>>, vector<16xf32>,
    %swap3A_513 = vector.shape_cast %swap3A_512 : vector<16xf32> to vector<16xf32>
    %swap3A_514 = vector.shape_cast %div3A_510 : vector<16xf32> to vector<16xf32>
    tpu.vector_store %arg9[%swap3A_511], %swap3A_514 {strides = array<i32>} : memref<640xf32, #tpu.memory_space<vmem>>, vector<16xf32>,
    %get3A_515 = arith.constant 624 : index
    %get3A_516 = tpu.vector_load %arg8[%get3A_515] {strides = array<i32>} : memref<640xf32, #tpu.memory_space<vmem>>, vector<16xf32>,
    %get3A_517 = vector.shape_cast %get3A_516 : vector<16xf32> to vector<16xf32>
    %max3A_518 = arith.constant 1.000000e+00 : f32
    %max3A_519 = vector.broadcast %max3A_518 : f32 to vector<16xf32>
    %max3A_520 = arith.maximumf %get3A_517, %max3A_519 : vector<16xf32>
    %div3A_521 = arith.constant 1.000000e+00 : f32
    %div3A_522 = vector.broadcast %div3A_521 : f32 to vector<16xf32>
    %div3A_523 = arith.divf %div3A_522, %max3A_520 : vector<16xf32>
    %swap3A_524 = arith.constant 624 : index
    %swap3A_525 = tpu.vector_load %arg9[%swap3A_524] {strides = array<i32>} : memref<640xf32, #tpu.memory_space<vmem>>, vector<16xf32>,
    %swap3A_526 = vector.shape_cast %swap3A_525 : vector<16xf32> to vector<16xf32>
    %swap3A_527 = vector.shape_cast %div3A_523 : vector<16xf32> to vector<16xf32>
    tpu.vector_store %arg9[%swap3A_524], %swap3A_527 {strides = array<i32>} : memref<640xf32, #tpu.memory_space<vmem>>, vector<16xf32>,
    %eq3A = arith.constant 0 : i32
    %eq3A_528 = arith.cmpi eq, %arg0, %eq3A : i32
    %convert_element_type3A = arith.extui %eq3A_528 : i1 to i32
    %cond3A = arith.constant 0 : i32
    %cond3A_529 = arith.cmpi ne, %convert_element_type3A, %cond3A : i32
    scf.if %cond3A_529 {
      %mul3A_530 = arith.constant 640 : i32
      %mul3A_531 = arith.muli %arg1, %mul3A_530 : i32
      "tpu.region"() ({
        %run_scoped3A = tpu.sem_alloc : memref<!tpu.dma_semaphore, #tpu.memory_space<semaphore_mem>>
        %dma_start3A = tpu.memref_slice %arg5[%mul3A_531] : memref<10240xf32, #tpu.memory_space<hbm>> -> memref<640xf32, #tpu.memory_space<hbm>>
        %dma_start3A_532 = tpu.memref_slice %arg5[%mul3A_531] : memref<10240xf32, #tpu.memory_space<hbm>> -> memref<640xf32, #tpu.memory_space<hbm>>
        tpu.enqueue_dma source(%arg9 : memref<640xf32, #tpu.memory_space<vmem>>) target(%dma_start3A_532 : memref<640xf32, #tpu.memory_space<hbm>>) target_semaphore(%run_scoped3A : memref<!tpu.dma_semaphore, #tpu.memory_space<semaphore_mem>>)
        %dma_wait3A = tpu.memref_slice %arg5[%mul3A_531] : memref<10240xf32, #tpu.memory_space<hbm>> -> memref<640xf32, #tpu.memory_space<hbm>>
        %dma_wait3A_533 = tpu.memref_slice %arg5[%mul3A_531] : memref<10240xf32, #tpu.memory_space<hbm>> -> memref<640xf32, #tpu.memory_space<hbm>>
        tpu.wait_dma2 semaphore(%run_scoped3A : memref<!tpu.dma_semaphore, #tpu.memory_space<semaphore_mem>>) src(%arg9 : memref<640xf32, #tpu.memory_space<vmem>>) dst(%dma_wait3A_533 : memref<640xf32, #tpu.memory_space<hbm>>)
        tpu.yield
      }) : () -> ()
    } else {
    }
    return
  }
}

module attributes {stable_mosaic.version = 14 : i64} {
  func.func @body(%arg0: i32, %arg1: memref<2000x128xf32, #tpu.memory_space<vmem>>, %arg2: memref<128x128xf32, #tpu.memory_space<vmem>>, %arg3: memref<1x128xf32, #tpu.memory_space<vmem>>, %arg4: memref<1x128xf32, #tpu.memory_space<vmem>>, %arg5: memref<2000x64xf32, #tpu.memory_space<vmem>>, %arg6: memref<2000x64xf32, #tpu.memory_space<vmem>>) attributes {dimension_semantics = [#tpu.dimension_semantics<arbitrary>], iteration_bounds = array<i64: 5>, scalar_prefetch = 0 : i64, scratch_operands = 0 : i64, tpu.core_type = #tpu.core_type<tc>, window_params = [{transform_indices = @transform_0, window_bounds = array<i64: 2000, 128>}, {pipeline_mode = #tpu.pipeline_mode<synchronous>, transform_indices = @transform_1, window_bounds = array<i64: 128, 128>}, {pipeline_mode = #tpu.pipeline_mode<synchronous>, transform_indices = @transform_2, window_bounds = array<i64: 1, 128>}, {pipeline_mode = #tpu.pipeline_mode<synchronous>, transform_indices = @transform_3, window_bounds = array<i64: 1, 128>}, {transform_indices = @transform_4, window_bounds = array<i64: 2000, 64>}, {transform_indices = @transform_5, window_bounds = array<i64: 2000, 64>}]} {
    %get3A = arith.constant 0 : index
    %get3A_0 = arith.constant 0 : index
    %get3A_1 = vector.load %arg3[%get3A, %get3A_0] : memref<1x128xf32, #tpu.memory_space<vmem>>, vector<1x128xf32>
    %get3A_2 = arith.constant 0 : index
    %get3A_3 = arith.constant 0 : index
    %get3A_4 = vector.load %arg4[%get3A_2, %get3A_3] : memref<1x128xf32, #tpu.memory_space<vmem>>, vector<1x128xf32>
    %add3A = arith.constant 9.99999974E-6 : f32
    %add3A_5 = vector.broadcast %add3A : f32 to vector<1x128xf32>
    %add3A_6 = arith.addf %get3A_4, %add3A_5 : vector<1x128xf32>
    %rsqrt3A = math.rsqrt %add3A_6 : vector<1x128xf32>
    %mul3A = arith.mulf %get3A_1, %rsqrt3A : vector<1x128xf32>
    %get3A_7 = arith.constant 0 : index
    %get3A_8 = arith.constant 0 : index
    %get3A_9 = vector.load %arg1[%get3A_7, %get3A_8] : memref<2000x128xf32, #tpu.memory_space<vmem>>, vector<2000x128xf32>
    %get3A_10 = arith.constant 0 : index
    %get3A_11 = arith.constant 0 : index
    %get3A_12 = vector.load %arg2[%get3A_10, %get3A_11] : memref<128x128xf32, #tpu.memory_space<vmem>>, vector<128x128xf32>
    %mul3A_13 = vector.broadcast %mul3A : vector<1x128xf32> to vector<128x128xf32>
    %mul3A_14 = arith.mulf %get3A_12, %mul3A_13 : vector<128x128xf32>
    %dot_general3A = arith.constant dense<0.000000e+00> : vector<2000x128xf32>
    %dot_general3A_15 = tpu.matmul %get3A_9, %mul3A_14, %dot_general3A {dimension_numbers = #tpu.dot_dimension_numbers<[1], [0], [0], [1], [0, 0, 1, 1], [], []>, transpose_lhs_hint = false} : vector<2000x128xf32>, vector<128x128xf32>, vector<2000x128xf32> -> vector<2000x128xf32>
    %slice3A = vector.extract_strided_slice %dot_general3A_15 {offsets = [0, 0], sizes = [2000, 64], strides = [1, 1]} : vector<2000x128xf32> to vector<2000x64xf32>
    %swap3A = arith.constant 0 : index
    %swap3A_16 = arith.constant 0 : index
    %swap3A_17 = vector.load %arg5[%swap3A, %swap3A_16] : memref<2000x64xf32, #tpu.memory_space<vmem>>, vector<2000x64xf32>
    tpu.vector_store %arg5[%swap3A, %swap3A_16], %slice3A {strides = array<i32>} : memref<2000x64xf32, #tpu.memory_space<vmem>>, vector<2000x64xf32>,
    %slice3A_18 = vector.extract_strided_slice %dot_general3A_15 {offsets = [0, 64], sizes = [2000, 64], strides = [1, 1]} : vector<2000x128xf32> to vector<2000x64xf32>
    %swap3A_19 = arith.constant 0 : index
    %swap3A_20 = arith.constant 0 : index
    %swap3A_21 = vector.load %arg6[%swap3A_19, %swap3A_20] : memref<2000x64xf32, #tpu.memory_space<vmem>>, vector<2000x64xf32>
    tpu.vector_store %arg6[%swap3A_19, %swap3A_20], %slice3A_18 {strides = array<i32>} : memref<2000x64xf32, #tpu.memory_space<vmem>>, vector<2000x64xf32>,
    return
  }
  func.func @transform_0(%arg0: i32) -> (i32, i32) {
    %c0_i32 = arith.constant 0 : i32
    %c0_i32_0 = arith.constant 0 : i32
    return %arg0, %c0_i32 : i32, i32
  }
  func.func @transform_1(%arg0: i32) -> (i32, i32) {
    %c0_i32 = arith.constant 0 : i32
    %c0_i32_0 = arith.constant 0 : i32
    %c0_i32_1 = arith.constant 0 : i32
    return %c0_i32, %c0_i32_0 : i32, i32
  }
  func.func @transform_2(%arg0: i32) -> (i32, i32) {
    %c0_i32 = arith.constant 0 : i32
    %c0_i32_0 = arith.constant 0 : i32
    %c0_i32_1 = arith.constant 0 : i32
    return %c0_i32, %c0_i32_0 : i32, i32
  }
  func.func @transform_3(%arg0: i32) -> (i32, i32) {
    %c0_i32 = arith.constant 0 : i32
    %c0_i32_0 = arith.constant 0 : i32
    %c0_i32_1 = arith.constant 0 : i32
    return %c0_i32, %c0_i32_0 : i32, i32
  }
  func.func @transform_4(%arg0: i32) -> (i32, i32) {
    %c0_i32 = arith.constant 0 : i32
    %c0_i32_0 = arith.constant 0 : i32
    return %arg0, %c0_i32 : i32, i32
  }
  func.func @transform_5(%arg0: i32) -> (i32, i32) {
    %c0_i32 = arith.constant 0 : i32
    %c0_i32_0 = arith.constant 0 : i32
    return %arg0, %c0_i32 : i32, i32
  }
}

module attributes {stable_mosaic.version = 14 : i64} {
  func.func @body(%arg0: i32, %arg1: memref<2000x64xf32, #tpu.memory_space<vmem>>, %arg2: memref<2000x64xf32, #tpu.memory_space<vmem>>, %arg3: memref<2000x64xf32, #tpu.memory_space<vmem>>, %arg4: memref<2000x64xf32, #tpu.memory_space<vmem>>, %arg5: memref<2000x1xf32, #tpu.memory_space<vmem>>, %arg6: memref<2000x128xf32, #tpu.memory_space<vmem>>, %arg7: memref<128x128xf32, #tpu.memory_space<vmem>>, %arg8: memref<1x128xf32, #tpu.memory_space<vmem>>, %arg9: memref<1x128xf32, #tpu.memory_space<vmem>>, %arg10: memref<1x128xf32, #tpu.memory_space<vmem>>, %arg11: memref<1x128xf32, #tpu.memory_space<vmem>>, %arg12: memref<1x128xf32, #tpu.memory_space<vmem>>, %arg13: memref<128x128xf32, #tpu.memory_space<vmem>>, %arg14: memref<1x128xf32, #tpu.memory_space<vmem>>, %arg15: memref<1x128xf32, #tpu.memory_space<vmem>>, %arg16: memref<2000x128xf32, #tpu.memory_space<vmem>>, %arg17: memref<2000x64xf32, #tpu.memory_space<vmem>>, %arg18: memref<2000x64xf32, #tpu.memory_space<vmem>>) attributes {dimension_semantics = [#tpu.dimension_semantics<arbitrary>], iteration_bounds = array<i64: 5>, scalar_prefetch = 0 : i64, scratch_operands = 0 : i64, tpu.core_type = #tpu.core_type<tc>, window_params = [{transform_indices = @transform_0, window_bounds = array<i64: 2000, 64>}, {transform_indices = @transform_1, window_bounds = array<i64: 2000, 64>}, {transform_indices = @transform_2, window_bounds = array<i64: 2000, 64>}, {transform_indices = @transform_3, window_bounds = array<i64: 2000, 64>}, {transform_indices = @transform_4, window_bounds = array<i64: 2000, 1>}, {transform_indices = @transform_5, window_bounds = array<i64: 2000, 128>}, {pipeline_mode = #tpu.pipeline_mode<synchronous>, transform_indices = @transform_6, window_bounds = array<i64: 128, 128>}, {pipeline_mode = #tpu.pipeline_mode<synchronous>, transform_indices = @transform_7, window_bounds = array<i64: 1, 128>}, {pipeline_mode = #tpu.pipeline_mode<synchronous>, transform_indices = @transform_8, window_bounds = array<i64: 1, 128>}, {pipeline_mode = #tpu.pipeline_mode<synchronous>, transform_indices = @transform_9, window_bounds = array<i64: 1, 128>}, {pipeline_mode = #tpu.pipeline_mode<synchronous>, transform_indices = @transform_10, window_bounds = array<i64: 1, 128>}, {pipeline_mode = #tpu.pipeline_mode<synchronous>, transform_indices = @transform_11, window_bounds = array<i64: 1, 128>}, {pipeline_mode = #tpu.pipeline_mode<synchronous>, transform_indices = @transform_12, window_bounds = array<i64: 128, 128>}, {pipeline_mode = #tpu.pipeline_mode<synchronous>, transform_indices = @transform_13, window_bounds = array<i64: 1, 128>}, {pipeline_mode = #tpu.pipeline_mode<synchronous>, transform_indices = @transform_14, window_bounds = array<i64: 1, 128>}, {transform_indices = @transform_15, window_bounds = array<i64: 2000, 128>}, {transform_indices = @transform_16, window_bounds = array<i64: 2000, 64>}, {transform_indices = @transform_17, window_bounds = array<i64: 2000, 64>}]} {
    %get3A = arith.constant 0 : index
    %get3A_0 = arith.constant 0 : index
    %get3A_1 = vector.load %arg9[%get3A, %get3A_0] : memref<1x128xf32, #tpu.memory_space<vmem>>, vector<1x128xf32>
    %get3A_2 = arith.constant 0 : index
    %get3A_3 = arith.constant 0 : index
    %get3A_4 = vector.load %arg12[%get3A_2, %get3A_3] : memref<1x128xf32, #tpu.memory_space<vmem>>, vector<1x128xf32>
    %add3A = arith.constant 9.99999974E-6 : f32
    %add3A_5 = vector.broadcast %add3A : f32 to vector<1x128xf32>
    %add3A_6 = arith.addf %get3A_4, %add3A_5 : vector<1x128xf32>
    %rsqrt3A = math.rsqrt %add3A_6 : vector<1x128xf32>
    %mul3A = arith.mulf %get3A_1, %rsqrt3A : vector<1x128xf32>
    %get3A_7 = arith.constant 0 : index
    %get3A_8 = arith.constant 0 : index
    %get3A_9 = vector.load %arg1[%get3A_7, %get3A_8] : memref<2000x64xf32, #tpu.memory_space<vmem>>, vector<2000x64xf32>
    %get3A_10 = arith.constant 0 : index
    %get3A_11 = arith.constant 0 : index
    %get3A_12 = vector.load %arg2[%get3A_10, %get3A_11] : memref<2000x64xf32, #tpu.memory_space<vmem>>, vector<2000x64xf32>
    %add3A_13 = arith.addf %get3A_9, %get3A_12 : vector<2000x64xf32>
    %get3A_14 = arith.constant 0 : index
    %get3A_15 = arith.constant 0 : index
    %get3A_16 = vector.load %arg5[%get3A_14, %get3A_15] : memref<2000x1xf32, #tpu.memory_space<vmem>>, vector<2000x1xf32>
    %mul3A_17 = vector.broadcast %get3A_16 : vector<2000x1xf32> to vector<2000x64xf32>
    %mul3A_18 = arith.mulf %add3A_13, %mul3A_17 : vector<2000x64xf32>
    %get3A_19 = arith.constant 0 : index
    %get3A_20 = arith.constant 0 : index
    %get3A_21 = vector.load %arg3[%get3A_19, %get3A_20] : memref<2000x64xf32, #tpu.memory_space<vmem>>, vector<2000x64xf32>
    %get3A_22 = arith.constant 0 : index
    %get3A_23 = arith.constant 0 : index
    %get3A_24 = vector.load %arg4[%get3A_22, %get3A_23] : memref<2000x64xf32, #tpu.memory_space<vmem>>, vector<2000x64xf32>
    %add3A_25 = arith.addf %get3A_21, %get3A_24 : vector<2000x64xf32>
    %get3A_26 = arith.constant 0 : index
    %get3A_27 = arith.constant 0 : index
    %get3A_28 = vector.load %arg5[%get3A_26, %get3A_27] : memref<2000x1xf32, #tpu.memory_space<vmem>>, vector<2000x1xf32>
    %mul3A_29 = vector.broadcast %get3A_28 : vector<2000x1xf32> to vector<2000x64xf32>
    %mul3A_30 = arith.mulf %add3A_25, %mul3A_29 : vector<2000x64xf32>
    %concatenate3A = tpu.concatenate %mul3A_18, %mul3A_30 in 1 : vector<2000x64xf32>, vector<2000x64xf32> -> vector<2000x128xf32>
    %get3A_31 = arith.constant 0 : index
    %get3A_32 = arith.constant 0 : index
    %get3A_33 = vector.load %arg6[%get3A_31, %get3A_32] : memref<2000x128xf32, #tpu.memory_space<vmem>>, vector<2000x128xf32>
    %get3A_34 = arith.constant 0 : index
    %get3A_35 = arith.constant 0 : index
    %get3A_36 = vector.load %arg7[%get3A_34, %get3A_35] : memref<128x128xf32, #tpu.memory_space<vmem>>, vector<128x128xf32>
    %mul3A_37 = vector.broadcast %mul3A : vector<1x128xf32> to vector<128x128xf32>
    %mul3A_38 = arith.mulf %get3A_36, %mul3A_37 : vector<128x128xf32>
    %dot_general3A = arith.constant dense<0.000000e+00> : vector<2000x128xf32>
    %dot_general3A_39 = tpu.matmul %get3A_33, %mul3A_38, %dot_general3A {dimension_numbers = #tpu.dot_dimension_numbers<[1], [0], [0], [1], [0, 0, 1, 1], [], []>, transpose_lhs_hint = false} : vector<2000x128xf32>, vector<128x128xf32>, vector<2000x128xf32> -> vector<2000x128xf32>
    %add3A_40 = arith.addf %concatenate3A, %dot_general3A_39 : vector<2000x128xf32>
    %get3A_41 = arith.constant 0 : index
    %get3A_42 = arith.constant 0 : index
    %get3A_43 = vector.load %arg8[%get3A_41, %get3A_42] : memref<1x128xf32, #tpu.memory_space<vmem>>, vector<1x128xf32>
    %get3A_44 = arith.constant 0 : index
    %get3A_45 = arith.constant 0 : index
    %get3A_46 = vector.load %arg11[%get3A_44, %get3A_45] : memref<1x128xf32, #tpu.memory_space<vmem>>, vector<1x128xf32>
    %sub3A = arith.subf %get3A_43, %get3A_46 : vector<1x128xf32>
    %mul3A_47 = arith.mulf %sub3A, %mul3A : vector<1x128xf32>
    %add3A_48 = vector.broadcast %mul3A_47 : vector<1x128xf32> to vector<2000x128xf32>
    %add3A_49 = arith.addf %add3A_40, %add3A_48 : vector<2000x128xf32>
    %get3A_50 = arith.constant 0 : index
    %get3A_51 = arith.constant 0 : index
    %get3A_52 = vector.load %arg10[%get3A_50, %get3A_51] : memref<1x128xf32, #tpu.memory_space<vmem>>, vector<1x128xf32>
    %add3A_53 = vector.broadcast %get3A_52 : vector<1x128xf32> to vector<2000x128xf32>
    %add3A_54 = arith.addf %add3A_49, %add3A_53 : vector<2000x128xf32>
    %max3A = arith.constant 0.000000e+00 : f32
    %max3A_55 = vector.broadcast %max3A : f32 to vector<2000x128xf32>
    %max3A_56 = arith.maximumf %add3A_54, %max3A_55 : vector<2000x128xf32>
    %swap3A = arith.constant 0 : index
    %swap3A_57 = arith.constant 0 : index
    %swap3A_58 = vector.load %arg16[%swap3A, %swap3A_57] : memref<2000x128xf32, #tpu.memory_space<vmem>>, vector<2000x128xf32>
    tpu.vector_store %arg16[%swap3A, %swap3A_57], %max3A_56 {strides = array<i32>} : memref<2000x128xf32, #tpu.memory_space<vmem>>, vector<2000x128xf32>,
    %get3A_59 = arith.constant 0 : index
    %get3A_60 = arith.constant 0 : index
    %get3A_61 = vector.load %arg14[%get3A_59, %get3A_60] : memref<1x128xf32, #tpu.memory_space<vmem>>, vector<1x128xf32>
    %get3A_62 = arith.constant 0 : index
    %get3A_63 = arith.constant 0 : index
    %get3A_64 = vector.load %arg15[%get3A_62, %get3A_63] : memref<1x128xf32, #tpu.memory_space<vmem>>, vector<1x128xf32>
    %add3A_65 = arith.constant 9.99999974E-6 : f32
    %add3A_66 = vector.broadcast %add3A_65 : f32 to vector<1x128xf32>
    %add3A_67 = arith.addf %get3A_64, %add3A_66 : vector<1x128xf32>
    %rsqrt3A_68 = math.rsqrt %add3A_67 : vector<1x128xf32>
    %mul3A_69 = arith.mulf %get3A_61, %rsqrt3A_68 : vector<1x128xf32>
    %get3A_70 = arith.constant 0 : index
    %get3A_71 = arith.constant 0 : index
    %get3A_72 = vector.load %arg13[%get3A_70, %get3A_71] : memref<128x128xf32, #tpu.memory_space<vmem>>, vector<128x128xf32>
    %mul3A_73 = vector.broadcast %mul3A_69 : vector<1x128xf32> to vector<128x128xf32>
    %mul3A_74 = arith.mulf %get3A_72, %mul3A_73 : vector<128x128xf32>
    %dot_general3A_75 = arith.constant dense<0.000000e+00> : vector<2000x128xf32>
    %dot_general3A_76 = tpu.matmul %max3A_56, %mul3A_74, %dot_general3A_75 {dimension_numbers = #tpu.dot_dimension_numbers<[1], [0], [0], [1], [0, 0, 1, 1], [], []>, transpose_lhs_hint = false} : vector<2000x128xf32>, vector<128x128xf32>, vector<2000x128xf32> -> vector<2000x128xf32>
    %slice3A = vector.extract_strided_slice %dot_general3A_76 {offsets = [0, 0], sizes = [2000, 64], strides = [1, 1]} : vector<2000x128xf32> to vector<2000x64xf32>
    %swap3A_77 = arith.constant 0 : index
    %swap3A_78 = arith.constant 0 : index
    %swap3A_79 = vector.load %arg17[%swap3A_77, %swap3A_78] : memref<2000x64xf32, #tpu.memory_space<vmem>>, vector<2000x64xf32>
    tpu.vector_store %arg17[%swap3A_77, %swap3A_78], %slice3A {strides = array<i32>} : memref<2000x64xf32, #tpu.memory_space<vmem>>, vector<2000x64xf32>,
    %slice3A_80 = vector.extract_strided_slice %dot_general3A_76 {offsets = [0, 64], sizes = [2000, 64], strides = [1, 1]} : vector<2000x128xf32> to vector<2000x64xf32>
    %swap3A_81 = arith.constant 0 : index
    %swap3A_82 = arith.constant 0 : index
    %swap3A_83 = vector.load %arg18[%swap3A_81, %swap3A_82] : memref<2000x64xf32, #tpu.memory_space<vmem>>, vector<2000x64xf32>
    tpu.vector_store %arg18[%swap3A_81, %swap3A_82], %slice3A_80 {strides = array<i32>} : memref<2000x64xf32, #tpu.memory_space<vmem>>, vector<2000x64xf32>,
    return
  }
  func.func @transform_0(%arg0: i32) -> (i32, i32) {
    %c0_i32 = arith.constant 0 : i32
    %c0_i32_0 = arith.constant 0 : i32
    return %arg0, %c0_i32 : i32, i32
  }
  func.func @transform_1(%arg0: i32) -> (i32, i32) {
    %c0_i32 = arith.constant 0 : i32
    %c0_i32_0 = arith.constant 0 : i32
    return %arg0, %c0_i32 : i32, i32
  }
  func.func @transform_2(%arg0: i32) -> (i32, i32) {
    %c0_i32 = arith.constant 0 : i32
    %c0_i32_0 = arith.constant 0 : i32
    return %arg0, %c0_i32 : i32, i32
  }
  func.func @transform_3(%arg0: i32) -> (i32, i32) {
    %c0_i32 = arith.constant 0 : i32
    %c0_i32_0 = arith.constant 0 : i32
    return %arg0, %c0_i32 : i32, i32
  }
  func.func @transform_4(%arg0: i32) -> (i32, i32) {
    %c0_i32 = arith.constant 0 : i32
    %c0_i32_0 = arith.constant 0 : i32
    return %arg0, %c0_i32 : i32, i32
  }
  func.func @transform_5(%arg0: i32) -> (i32, i32) {
    %c0_i32 = arith.constant 0 : i32
    %c0_i32_0 = arith.constant 0 : i32
    return %arg0, %c0_i32 : i32, i32
  }
  func.func @transform_6(%arg0: i32) -> (i32, i32) {
    %c0_i32 = arith.constant 0 : i32
    %c0_i32_0 = arith.constant 0 : i32
    %c0_i32_1 = arith.constant 0 : i32
    return %c0_i32, %c0_i32_0 : i32, i32
  }
  func.func @transform_7(%arg0: i32) -> (i32, i32) {
    %c0_i32 = arith.constant 0 : i32
    %c0_i32_0 = arith.constant 0 : i32
    %c0_i32_1 = arith.constant 0 : i32
    return %c0_i32, %c0_i32_0 : i32, i32
  }
  func.func @transform_8(%arg0: i32) -> (i32, i32) {
    %c0_i32 = arith.constant 0 : i32
    %c0_i32_0 = arith.constant 0 : i32
    %c0_i32_1 = arith.constant 0 : i32
    return %c0_i32, %c0_i32_0 : i32, i32
  }
  func.func @transform_9(%arg0: i32) -> (i32, i32) {
    %c0_i32 = arith.constant 0 : i32
    %c0_i32_0 = arith.constant 0 : i32
    %c0_i32_1 = arith.constant 0 : i32
    return %c0_i32, %c0_i32_0 : i32, i32
  }
  func.func @transform_10(%arg0: i32) -> (i32, i32) {
    %c0_i32 = arith.constant 0 : i32
    %c0_i32_0 = arith.constant 0 : i32
    %c0_i32_1 = arith.constant 0 : i32
    return %c0_i32, %c0_i32_0 : i32, i32
  }
  func.func @transform_11(%arg0: i32) -> (i32, i32) {
    %c0_i32 = arith.constant 0 : i32
    %c0_i32_0 = arith.constant 0 : i32
    %c0_i32_1 = arith.constant 0 : i32
    return %c0_i32, %c0_i32_0 : i32, i32
  }
  func.func @transform_12(%arg0: i32) -> (i32, i32) {
    %c0_i32 = arith.constant 0 : i32
    %c0_i32_0 = arith.constant 0 : i32
    %c0_i32_1 = arith.constant 0 : i32
    return %c0_i32, %c0_i32_0 : i32, i32
  }
  func.func @transform_13(%arg0: i32) -> (i32, i32) {
    %c0_i32 = arith.constant 0 : i32
    %c0_i32_0 = arith.constant 0 : i32
    %c0_i32_1 = arith.constant 0 : i32
    return %c0_i32, %c0_i32_0 : i32, i32
  }
  func.func @transform_14(%arg0: i32) -> (i32, i32) {
    %c0_i32 = arith.constant 0 : i32
    %c0_i32_0 = arith.constant 0 : i32
    %c0_i32_1 = arith.constant 0 : i32
    return %c0_i32, %c0_i32_0 : i32, i32
  }
  func.func @transform_15(%arg0: i32) -> (i32, i32) {
    %c0_i32 = arith.constant 0 : i32
    %c0_i32_0 = arith.constant 0 : i32
    return %arg0, %c0_i32 : i32, i32
  }
  func.func @transform_16(%arg0: i32) -> (i32, i32) {
    %c0_i32 = arith.constant 0 : i32
    %c0_i32_0 = arith.constant 0 : i32
    return %arg0, %c0_i32 : i32, i32
  }
  func.func @transform_17(%arg0: i32) -> (i32, i32) {
    %c0_i32 = arith.constant 0 : i32
    %c0_i32_0 = arith.constant 0 : i32
    return %arg0, %c0_i32 : i32, i32
  }
}

module attributes {stable_mosaic.version = 14 : i64} {
  func.func @body(%arg0: i32, %arg1: memref<2000x64xf32, #tpu.memory_space<vmem>>, %arg2: memref<2000x64xf32, #tpu.memory_space<vmem>>, %arg3: memref<2000x64xf32, #tpu.memory_space<vmem>>, %arg4: memref<2000x64xf32, #tpu.memory_space<vmem>>, %arg5: memref<2000x1xf32, #tpu.memory_space<vmem>>, %arg6: memref<2000x128xf32, #tpu.memory_space<vmem>>, %arg7: memref<128x128xf32, #tpu.memory_space<vmem>>, %arg8: memref<1x128xf32, #tpu.memory_space<vmem>>, %arg9: memref<1x128xf32, #tpu.memory_space<vmem>>, %arg10: memref<1x128xf32, #tpu.memory_space<vmem>>, %arg11: memref<1x128xf32, #tpu.memory_space<vmem>>, %arg12: memref<1x128xf32, #tpu.memory_space<vmem>>, %arg13: memref<2000x128xf32, #tpu.memory_space<vmem>>, %arg14: memref<128x64xf32, #tpu.memory_space<vmem>>, %arg15: memref<1x64xf32, #tpu.memory_space<vmem>>, %arg16: memref<1x64xf32, #tpu.memory_space<vmem>>, %arg17: memref<2000x128xf32, #tpu.memory_space<vmem>>, %arg18: memref<2000x64xf32, #tpu.memory_space<vmem>>) attributes {dimension_semantics = [#tpu.dimension_semantics<arbitrary>], iteration_bounds = array<i64: 5>, scalar_prefetch = 0 : i64, scratch_operands = 0 : i64, tpu.core_type = #tpu.core_type<tc>, window_params = [{transform_indices = @transform_0, window_bounds = array<i64: 2000, 64>}, {transform_indices = @transform_1, window_bounds = array<i64: 2000, 64>}, {transform_indices = @transform_2, window_bounds = array<i64: 2000, 64>}, {transform_indices = @transform_3, window_bounds = array<i64: 2000, 64>}, {transform_indices = @transform_4, window_bounds = array<i64: 2000, 1>}, {transform_indices = @transform_5, window_bounds = array<i64: 2000, 128>}, {pipeline_mode = #tpu.pipeline_mode<synchronous>, transform_indices = @transform_6, window_bounds = array<i64: 128, 128>}, {pipeline_mode = #tpu.pipeline_mode<synchronous>, transform_indices = @transform_7, window_bounds = array<i64: 1, 128>}, {pipeline_mode = #tpu.pipeline_mode<synchronous>, transform_indices = @transform_8, window_bounds = array<i64: 1, 128>}, {pipeline_mode = #tpu.pipeline_mode<synchronous>, transform_indices = @transform_9, window_bounds = array<i64: 1, 128>}, {pipeline_mode = #tpu.pipeline_mode<synchronous>, transform_indices = @transform_10, window_bounds = array<i64: 1, 128>}, {pipeline_mode = #tpu.pipeline_mode<synchronous>, transform_indices = @transform_11, window_bounds = array<i64: 1, 128>}, {transform_indices = @transform_12, window_bounds = array<i64: 2000, 128>}, {pipeline_mode = #tpu.pipeline_mode<synchronous>, transform_indices = @transform_13, window_bounds = array<i64: 128, 64>}, {pipeline_mode = #tpu.pipeline_mode<synchronous>, transform_indices = @transform_14, window_bounds = array<i64: 1, 64>}, {pipeline_mode = #tpu.pipeline_mode<synchronous>, transform_indices = @transform_15, window_bounds = array<i64: 1, 64>}, {transform_indices = @transform_16, window_bounds = array<i64: 2000, 128>}, {transform_indices = @transform_17, window_bounds = array<i64: 2000, 64>}]} {
    %get3A = arith.constant 0 : index
    %get3A_0 = arith.constant 0 : index
    %get3A_1 = vector.load %arg9[%get3A, %get3A_0] : memref<1x128xf32, #tpu.memory_space<vmem>>, vector<1x128xf32>
    %get3A_2 = arith.constant 0 : index
    %get3A_3 = arith.constant 0 : index
    %get3A_4 = vector.load %arg12[%get3A_2, %get3A_3] : memref<1x128xf32, #tpu.memory_space<vmem>>, vector<1x128xf32>
    %add3A = arith.constant 9.99999974E-6 : f32
    %add3A_5 = vector.broadcast %add3A : f32 to vector<1x128xf32>
    %add3A_6 = arith.addf %get3A_4, %add3A_5 : vector<1x128xf32>
    %rsqrt3A = math.rsqrt %add3A_6 : vector<1x128xf32>
    %mul3A = arith.mulf %get3A_1, %rsqrt3A : vector<1x128xf32>
    %get3A_7 = arith.constant 0 : index
    %get3A_8 = arith.constant 0 : index
    %get3A_9 = vector.load %arg1[%get3A_7, %get3A_8] : memref<2000x64xf32, #tpu.memory_space<vmem>>, vector<2000x64xf32>
    %get3A_10 = arith.constant 0 : index
    %get3A_11 = arith.constant 0 : index
    %get3A_12 = vector.load %arg2[%get3A_10, %get3A_11] : memref<2000x64xf32, #tpu.memory_space<vmem>>, vector<2000x64xf32>
    %add3A_13 = arith.addf %get3A_9, %get3A_12 : vector<2000x64xf32>
    %get3A_14 = arith.constant 0 : index
    %get3A_15 = arith.constant 0 : index
    %get3A_16 = vector.load %arg5[%get3A_14, %get3A_15] : memref<2000x1xf32, #tpu.memory_space<vmem>>, vector<2000x1xf32>
    %mul3A_17 = vector.broadcast %get3A_16 : vector<2000x1xf32> to vector<2000x64xf32>
    %mul3A_18 = arith.mulf %add3A_13, %mul3A_17 : vector<2000x64xf32>
    %get3A_19 = arith.constant 0 : index
    %get3A_20 = arith.constant 0 : index
    %get3A_21 = vector.load %arg3[%get3A_19, %get3A_20] : memref<2000x64xf32, #tpu.memory_space<vmem>>, vector<2000x64xf32>
    %get3A_22 = arith.constant 0 : index
    %get3A_23 = arith.constant 0 : index
    %get3A_24 = vector.load %arg4[%get3A_22, %get3A_23] : memref<2000x64xf32, #tpu.memory_space<vmem>>, vector<2000x64xf32>
    %add3A_25 = arith.addf %get3A_21, %get3A_24 : vector<2000x64xf32>
    %get3A_26 = arith.constant 0 : index
    %get3A_27 = arith.constant 0 : index
    %get3A_28 = vector.load %arg5[%get3A_26, %get3A_27] : memref<2000x1xf32, #tpu.memory_space<vmem>>, vector<2000x1xf32>
    %mul3A_29 = vector.broadcast %get3A_28 : vector<2000x1xf32> to vector<2000x64xf32>
    %mul3A_30 = arith.mulf %add3A_25, %mul3A_29 : vector<2000x64xf32>
    %concatenate3A = tpu.concatenate %mul3A_18, %mul3A_30 in 1 : vector<2000x64xf32>, vector<2000x64xf32> -> vector<2000x128xf32>
    %get3A_31 = arith.constant 0 : index
    %get3A_32 = arith.constant 0 : index
    %get3A_33 = vector.load %arg6[%get3A_31, %get3A_32] : memref<2000x128xf32, #tpu.memory_space<vmem>>, vector<2000x128xf32>
    %get3A_34 = arith.constant 0 : index
    %get3A_35 = arith.constant 0 : index
    %get3A_36 = vector.load %arg7[%get3A_34, %get3A_35] : memref<128x128xf32, #tpu.memory_space<vmem>>, vector<128x128xf32>
    %mul3A_37 = vector.broadcast %mul3A : vector<1x128xf32> to vector<128x128xf32>
    %mul3A_38 = arith.mulf %get3A_36, %mul3A_37 : vector<128x128xf32>
    %dot_general3A = arith.constant dense<0.000000e+00> : vector<2000x128xf32>
    %dot_general3A_39 = tpu.matmul %get3A_33, %mul3A_38, %dot_general3A {dimension_numbers = #tpu.dot_dimension_numbers<[1], [0], [0], [1], [0, 0, 1, 1], [], []>, transpose_lhs_hint = false} : vector<2000x128xf32>, vector<128x128xf32>, vector<2000x128xf32> -> vector<2000x128xf32>
    %add3A_40 = arith.addf %concatenate3A, %dot_general3A_39 : vector<2000x128xf32>
    %get3A_41 = arith.constant 0 : index
    %get3A_42 = arith.constant 0 : index
    %get3A_43 = vector.load %arg8[%get3A_41, %get3A_42] : memref<1x128xf32, #tpu.memory_space<vmem>>, vector<1x128xf32>
    %get3A_44 = arith.constant 0 : index
    %get3A_45 = arith.constant 0 : index
    %get3A_46 = vector.load %arg11[%get3A_44, %get3A_45] : memref<1x128xf32, #tpu.memory_space<vmem>>, vector<1x128xf32>
    %sub3A = arith.subf %get3A_43, %get3A_46 : vector<1x128xf32>
    %mul3A_47 = arith.mulf %sub3A, %mul3A : vector<1x128xf32>
    %add3A_48 = vector.broadcast %mul3A_47 : vector<1x128xf32> to vector<2000x128xf32>
    %add3A_49 = arith.addf %add3A_40, %add3A_48 : vector<2000x128xf32>
    %get3A_50 = arith.constant 0 : index
    %get3A_51 = arith.constant 0 : index
    %get3A_52 = vector.load %arg10[%get3A_50, %get3A_51] : memref<1x128xf32, #tpu.memory_space<vmem>>, vector<1x128xf32>
    %add3A_53 = vector.broadcast %get3A_52 : vector<1x128xf32> to vector<2000x128xf32>
    %add3A_54 = arith.addf %add3A_49, %add3A_53 : vector<2000x128xf32>
    %max3A = arith.constant 0.000000e+00 : f32
    %max3A_55 = vector.broadcast %max3A : f32 to vector<2000x128xf32>
    %max3A_56 = arith.maximumf %add3A_54, %max3A_55 : vector<2000x128xf32>
    %get3A_57 = arith.constant 0 : index
    %get3A_58 = arith.constant 0 : index
    %get3A_59 = vector.load %arg13[%get3A_57, %get3A_58] : memref<2000x128xf32, #tpu.memory_space<vmem>>, vector<2000x128xf32>
    %add3A_60 = arith.addf %max3A_56, %get3A_59 : vector<2000x128xf32>
    %swap3A = arith.constant 0 : index
    %swap3A_61 = arith.constant 0 : index
    %swap3A_62 = vector.load %arg17[%swap3A, %swap3A_61] : memref<2000x128xf32, #tpu.memory_space<vmem>>, vector<2000x128xf32>
    tpu.vector_store %arg17[%swap3A, %swap3A_61], %add3A_60 {strides = array<i32>} : memref<2000x128xf32, #tpu.memory_space<vmem>>, vector<2000x128xf32>,
    %get3A_63 = arith.constant 0 : index
    %get3A_64 = arith.constant 0 : index
    %get3A_65 = vector.load %arg15[%get3A_63, %get3A_64] : memref<1x64xf32, #tpu.memory_space<vmem>>, vector<1x64xf32>
    %get3A_66 = arith.constant 0 : index
    %get3A_67 = arith.constant 0 : index
    %get3A_68 = vector.load %arg16[%get3A_66, %get3A_67] : memref<1x64xf32, #tpu.memory_space<vmem>>, vector<1x64xf32>
    %add3A_69 = arith.constant 9.99999974E-6 : f32
    %add3A_70 = vector.broadcast %add3A_69 : f32 to vector<1x64xf32>
    %add3A_71 = arith.addf %get3A_68, %add3A_70 : vector<1x64xf32>
    %rsqrt3A_72 = math.rsqrt %add3A_71 : vector<1x64xf32>
    %mul3A_73 = arith.mulf %get3A_65, %rsqrt3A_72 : vector<1x64xf32>
    %get3A_74 = arith.constant 0 : index
    %get3A_75 = arith.constant 0 : index
    %get3A_76 = vector.load %arg14[%get3A_74, %get3A_75] : memref<128x64xf32, #tpu.memory_space<vmem>>, vector<128x64xf32>
    %mul3A_77 = vector.broadcast %mul3A_73 : vector<1x64xf32> to vector<128x64xf32>
    %mul3A_78 = arith.mulf %get3A_76, %mul3A_77 : vector<128x64xf32>
    %dot_general3A_79 = arith.constant dense<0.000000e+00> : vector<2000x64xf32>
    %dot_general3A_80 = tpu.matmul %add3A_60, %mul3A_78, %dot_general3A_79 {dimension_numbers = #tpu.dot_dimension_numbers<[1], [0], [0], [1], [0, 0, 1, 1], [], []>, transpose_lhs_hint = false} : vector<2000x128xf32>, vector<128x64xf32>, vector<2000x64xf32> -> vector<2000x64xf32>
    %swap3A_81 = arith.constant 0 : index
    %swap3A_82 = arith.constant 0 : index
    %swap3A_83 = vector.load %arg18[%swap3A_81, %swap3A_82] : memref<2000x64xf32, #tpu.memory_space<vmem>>, vector<2000x64xf32>
    tpu.vector_store %arg18[%swap3A_81, %swap3A_82], %dot_general3A_80 {strides = array<i32>} : memref<2000x64xf32, #tpu.memory_space<vmem>>, vector<2000x64xf32>,
    return
  }
  func.func @transform_0(%arg0: i32) -> (i32, i32) {
    %c0_i32 = arith.constant 0 : i32
    %c0_i32_0 = arith.constant 0 : i32
    return %arg0, %c0_i32 : i32, i32
  }
  func.func @transform_1(%arg0: i32) -> (i32, i32) {
    %c0_i32 = arith.constant 0 : i32
    %c0_i32_0 = arith.constant 0 : i32
    return %arg0, %c0_i32 : i32, i32
  }
  func.func @transform_2(%arg0: i32) -> (i32, i32) {
    %c0_i32 = arith.constant 0 : i32
    %c0_i32_0 = arith.constant 0 : i32
    return %arg0, %c0_i32 : i32, i32
  }
  func.func @transform_3(%arg0: i32) -> (i32, i32) {
    %c0_i32 = arith.constant 0 : i32
    %c0_i32_0 = arith.constant 0 : i32
    return %arg0, %c0_i32 : i32, i32
  }
  func.func @transform_4(%arg0: i32) -> (i32, i32) {
    %c0_i32 = arith.constant 0 : i32
    %c0_i32_0 = arith.constant 0 : i32
    return %arg0, %c0_i32 : i32, i32
  }
  func.func @transform_5(%arg0: i32) -> (i32, i32) {
    %c0_i32 = arith.constant 0 : i32
    %c0_i32_0 = arith.constant 0 : i32
    return %arg0, %c0_i32 : i32, i32
  }
  func.func @transform_6(%arg0: i32) -> (i32, i32) {
    %c0_i32 = arith.constant 0 : i32
    %c0_i32_0 = arith.constant 0 : i32
    %c0_i32_1 = arith.constant 0 : i32
    return %c0_i32, %c0_i32_0 : i32, i32
  }
  func.func @transform_7(%arg0: i32) -> (i32, i32) {
    %c0_i32 = arith.constant 0 : i32
    %c0_i32_0 = arith.constant 0 : i32
    %c0_i32_1 = arith.constant 0 : i32
    return %c0_i32, %c0_i32_0 : i32, i32
  }
  func.func @transform_8(%arg0: i32) -> (i32, i32) {
    %c0_i32 = arith.constant 0 : i32
    %c0_i32_0 = arith.constant 0 : i32
    %c0_i32_1 = arith.constant 0 : i32
    return %c0_i32, %c0_i32_0 : i32, i32
  }
  func.func @transform_9(%arg0: i32) -> (i32, i32) {
    %c0_i32 = arith.constant 0 : i32
    %c0_i32_0 = arith.constant 0 : i32
    %c0_i32_1 = arith.constant 0 : i32
    return %c0_i32, %c0_i32_0 : i32, i32
  }
  func.func @transform_10(%arg0: i32) -> (i32, i32) {
    %c0_i32 = arith.constant 0 : i32
    %c0_i32_0 = arith.constant 0 : i32
    %c0_i32_1 = arith.constant 0 : i32
    return %c0_i32, %c0_i32_0 : i32, i32
  }
  func.func @transform_11(%arg0: i32) -> (i32, i32) {
    %c0_i32 = arith.constant 0 : i32
    %c0_i32_0 = arith.constant 0 : i32
    %c0_i32_1 = arith.constant 0 : i32
    return %c0_i32, %c0_i32_0 : i32, i32
  }
  func.func @transform_12(%arg0: i32) -> (i32, i32) {
    %c0_i32 = arith.constant 0 : i32
    %c0_i32_0 = arith.constant 0 : i32
    return %arg0, %c0_i32 : i32, i32
  }
  func.func @transform_13(%arg0: i32) -> (i32, i32) {
    %c0_i32 = arith.constant 0 : i32
    %c0_i32_0 = arith.constant 0 : i32
    %c0_i32_1 = arith.constant 0 : i32
    return %c0_i32, %c0_i32_0 : i32, i32
  }
  func.func @transform_14(%arg0: i32) -> (i32, i32) {
    %c0_i32 = arith.constant 0 : i32
    %c0_i32_0 = arith.constant 0 : i32
    %c0_i32_1 = arith.constant 0 : i32
    return %c0_i32, %c0_i32_0 : i32, i32
  }
  func.func @transform_15(%arg0: i32) -> (i32, i32) {
    %c0_i32 = arith.constant 0 : i32
    %c0_i32_0 = arith.constant 0 : i32
    %c0_i32_1 = arith.constant 0 : i32
    return %c0_i32, %c0_i32_0 : i32, i32
  }
  func.func @transform_16(%arg0: i32) -> (i32, i32) {
    %c0_i32 = arith.constant 0 : i32
    %c0_i32_0 = arith.constant 0 : i32
    return %arg0, %c0_i32 : i32, i32
  }
  func.func @transform_17(%arg0: i32) -> (i32, i32) {
    %c0_i32 = arith.constant 0 : i32
    %c0_i32_0 = arith.constant 0 : i32
    return %arg0, %c0_i32 : i32, i32
  }
}

module attributes {stable_mosaic.version = 14 : i64} {
  func.func @body(%arg0: i32, %arg1: memref<2000x64xf32, #tpu.memory_space<vmem>>, %arg2: memref<2000x64xf32, #tpu.memory_space<vmem>>, %arg3: memref<2000x1xf32, #tpu.memory_space<vmem>>, %arg4: memref<2000x128xf32, #tpu.memory_space<vmem>>, %arg5: memref<128x64xf32, #tpu.memory_space<vmem>>, %arg6: memref<1x64xf32, #tpu.memory_space<vmem>>, %arg7: memref<1x64xf32, #tpu.memory_space<vmem>>, %arg8: memref<1x64xf32, #tpu.memory_space<vmem>>, %arg9: memref<1x64xf32, #tpu.memory_space<vmem>>, %arg10: memref<1x64xf32, #tpu.memory_space<vmem>>, %arg11: memref<64x1xf32, #tpu.memory_space<vmem>>, %arg12: memref<1x1xf32, #tpu.memory_space<smem>>, %arg13: memref<2000x1xf32, #tpu.memory_space<vmem>>) attributes {dimension_semantics = [#tpu.dimension_semantics<arbitrary>], iteration_bounds = array<i64: 5>, scalar_prefetch = 0 : i64, scratch_operands = 0 : i64, tpu.core_type = #tpu.core_type<tc>, window_params = [{transform_indices = @transform_0, window_bounds = array<i64: 2000, 64>}, {transform_indices = @transform_1, window_bounds = array<i64: 2000, 64>}, {transform_indices = @transform_2, window_bounds = array<i64: 2000, 1>}, {transform_indices = @transform_3, window_bounds = array<i64: 2000, 128>}, {pipeline_mode = #tpu.pipeline_mode<synchronous>, transform_indices = @transform_4, window_bounds = array<i64: 128, 64>}, {pipeline_mode = #tpu.pipeline_mode<synchronous>, transform_indices = @transform_5, window_bounds = array<i64: 1, 64>}, {pipeline_mode = #tpu.pipeline_mode<synchronous>, transform_indices = @transform_6, window_bounds = array<i64: 1, 64>}, {pipeline_mode = #tpu.pipeline_mode<synchronous>, transform_indices = @transform_7, window_bounds = array<i64: 1, 64>}, {pipeline_mode = #tpu.pipeline_mode<synchronous>, transform_indices = @transform_8, window_bounds = array<i64: 1, 64>}, {pipeline_mode = #tpu.pipeline_mode<synchronous>, transform_indices = @transform_9, window_bounds = array<i64: 1, 64>}, {pipeline_mode = #tpu.pipeline_mode<synchronous>, transform_indices = @transform_10, window_bounds = array<i64: 64, 1>}, {transform_indices = @transform_11, window_bounds = array<i64: 1, 1>}, {transform_indices = @transform_12, window_bounds = array<i64: 2000, 1>}]} {
    %get3A = arith.constant 0 : index
    %get3A_0 = arith.constant 0 : index
    %get3A_1 = vector.load %arg7[%get3A, %get3A_0] : memref<1x64xf32, #tpu.memory_space<vmem>>, vector<1x64xf32>
    %get3A_2 = arith.constant 0 : index
    %get3A_3 = arith.constant 0 : index
    %get3A_4 = vector.load %arg10[%get3A_2, %get3A_3] : memref<1x64xf32, #tpu.memory_space<vmem>>, vector<1x64xf32>
    %add3A = arith.constant 9.99999974E-6 : f32
    %add3A_5 = vector.broadcast %add3A : f32 to vector<1x64xf32>
    %add3A_6 = arith.addf %get3A_4, %add3A_5 : vector<1x64xf32>
    %rsqrt3A = math.rsqrt %add3A_6 : vector<1x64xf32>
    %mul3A = arith.mulf %get3A_1, %rsqrt3A : vector<1x64xf32>
    %get3A_7 = arith.constant 0 : index
    %get3A_8 = arith.constant 0 : index
    %get3A_9 = vector.load %arg1[%get3A_7, %get3A_8] : memref<2000x64xf32, #tpu.memory_space<vmem>>, vector<2000x64xf32>
    %get3A_10 = arith.constant 0 : index
    %get3A_11 = arith.constant 0 : index
    %get3A_12 = vector.load %arg2[%get3A_10, %get3A_11] : memref<2000x64xf32, #tpu.memory_space<vmem>>, vector<2000x64xf32>
    %add3A_13 = arith.addf %get3A_9, %get3A_12 : vector<2000x64xf32>
    %get3A_14 = arith.constant 0 : index
    %get3A_15 = arith.constant 0 : index
    %get3A_16 = vector.load %arg3[%get3A_14, %get3A_15] : memref<2000x1xf32, #tpu.memory_space<vmem>>, vector<2000x1xf32>
    %mul3A_17 = vector.broadcast %get3A_16 : vector<2000x1xf32> to vector<2000x64xf32>
    %mul3A_18 = arith.mulf %add3A_13, %mul3A_17 : vector<2000x64xf32>
    %get3A_19 = arith.constant 0 : index
    %get3A_20 = arith.constant 0 : index
    %get3A_21 = vector.load %arg4[%get3A_19, %get3A_20] : memref<2000x128xf32, #tpu.memory_space<vmem>>, vector<2000x128xf32>
    %get3A_22 = arith.constant 0 : index
    %get3A_23 = arith.constant 0 : index
    %get3A_24 = vector.load %arg5[%get3A_22, %get3A_23] : memref<128x64xf32, #tpu.memory_space<vmem>>, vector<128x64xf32>
    %mul3A_25 = vector.broadcast %mul3A : vector<1x64xf32> to vector<128x64xf32>
    %mul3A_26 = arith.mulf %get3A_24, %mul3A_25 : vector<128x64xf32>
    %dot_general3A = arith.constant dense<0.000000e+00> : vector<2000x64xf32>
    %dot_general3A_27 = tpu.matmul %get3A_21, %mul3A_26, %dot_general3A {dimension_numbers = #tpu.dot_dimension_numbers<[1], [0], [0], [1], [0, 0, 1, 1], [], []>, transpose_lhs_hint = false} : vector<2000x128xf32>, vector<128x64xf32>, vector<2000x64xf32> -> vector<2000x64xf32>
    %add3A_28 = arith.addf %mul3A_18, %dot_general3A_27 : vector<2000x64xf32>
    %get3A_29 = arith.constant 0 : index
    %get3A_30 = arith.constant 0 : index
    %get3A_31 = vector.load %arg6[%get3A_29, %get3A_30] : memref<1x64xf32, #tpu.memory_space<vmem>>, vector<1x64xf32>
    %get3A_32 = arith.constant 0 : index
    %get3A_33 = arith.constant 0 : index
    %get3A_34 = vector.load %arg9[%get3A_32, %get3A_33] : memref<1x64xf32, #tpu.memory_space<vmem>>, vector<1x64xf32>
    %sub3A = arith.subf %get3A_31, %get3A_34 : vector<1x64xf32>
    %mul3A_35 = arith.mulf %sub3A, %mul3A : vector<1x64xf32>
    %add3A_36 = vector.broadcast %mul3A_35 : vector<1x64xf32> to vector<2000x64xf32>
    %add3A_37 = arith.addf %add3A_28, %add3A_36 : vector<2000x64xf32>
    %get3A_38 = arith.constant 0 : index
    %get3A_39 = arith.constant 0 : index
    %get3A_40 = vector.load %arg8[%get3A_38, %get3A_39] : memref<1x64xf32, #tpu.memory_space<vmem>>, vector<1x64xf32>
    %add3A_41 = vector.broadcast %get3A_40 : vector<1x64xf32> to vector<2000x64xf32>
    %add3A_42 = arith.addf %add3A_37, %add3A_41 : vector<2000x64xf32>
    %max3A = arith.constant 0.000000e+00 : f32
    %max3A_43 = vector.broadcast %max3A : f32 to vector<2000x64xf32>
    %max3A_44 = arith.maximumf %add3A_42, %max3A_43 : vector<2000x64xf32>
    %get3A_45 = arith.constant 0 : index
    %get3A_46 = arith.constant 0 : index
    %get3A_47 = vector.load %arg11[%get3A_45, %get3A_46] : memref<64x1xf32, #tpu.memory_space<vmem>>, vector<64x1xf32>
    %dot_general3A_48 = arith.constant dense<0.000000e+00> : vector<2000x1xf32>
    %dot_general3A_49 = tpu.matmul %max3A_44, %get3A_47, %dot_general3A_48 {dimension_numbers = #tpu.dot_dimension_numbers<[1], [0], [0], [1], [0, 0, 1, 1], [], []>, transpose_lhs_hint = false} : vector<2000x64xf32>, vector<64x1xf32>, vector<2000x1xf32> -> vector<2000x1xf32>
    %get3A_50 = arith.constant 0 : index
    %get3A_51 = arith.constant 0 : index
    %get3A_52 = memref.load %arg12[%get3A_50, %get3A_51] : memref<1x1xf32, #tpu.memory_space<smem>>
    %add3A_53 = vector.broadcast %get3A_52 : f32 to vector<2000x1xf32>
    %add3A_54 = arith.addf %dot_general3A_49, %add3A_53 : vector<2000x1xf32>
    %swap3A = arith.constant 0 : index
    %swap3A_55 = arith.constant 0 : index
    %swap3A_56 = vector.load %arg13[%swap3A, %swap3A_55] : memref<2000x1xf32, #tpu.memory_space<vmem>>, vector<2000x1xf32>
    tpu.vector_store %arg13[%swap3A, %swap3A_55], %add3A_54 {strides = array<i32>} : memref<2000x1xf32, #tpu.memory_space<vmem>>, vector<2000x1xf32>,
    return
  }
  func.func @transform_0(%arg0: i32) -> (i32, i32) {
    %c0_i32 = arith.constant 0 : i32
    %c0_i32_0 = arith.constant 0 : i32
    return %arg0, %c0_i32 : i32, i32
  }
  func.func @transform_1(%arg0: i32) -> (i32, i32) {
    %c0_i32 = arith.constant 0 : i32
    %c0_i32_0 = arith.constant 0 : i32
    return %arg0, %c0_i32 : i32, i32
  }
  func.func @transform_2(%arg0: i32) -> (i32, i32) {
    %c0_i32 = arith.constant 0 : i32
    %c0_i32_0 = arith.constant 0 : i32
    return %arg0, %c0_i32 : i32, i32
  }
  func.func @transform_3(%arg0: i32) -> (i32, i32) {
    %c0_i32 = arith.constant 0 : i32
    %c0_i32_0 = arith.constant 0 : i32
    return %arg0, %c0_i32 : i32, i32
  }
  func.func @transform_4(%arg0: i32) -> (i32, i32) {
    %c0_i32 = arith.constant 0 : i32
    %c0_i32_0 = arith.constant 0 : i32
    %c0_i32_1 = arith.constant 0 : i32
    return %c0_i32, %c0_i32_0 : i32, i32
  }
  func.func @transform_5(%arg0: i32) -> (i32, i32) {
    %c0_i32 = arith.constant 0 : i32
    %c0_i32_0 = arith.constant 0 : i32
    %c0_i32_1 = arith.constant 0 : i32
    return %c0_i32, %c0_i32_0 : i32, i32
  }
  func.func @transform_6(%arg0: i32) -> (i32, i32) {
    %c0_i32 = arith.constant 0 : i32
    %c0_i32_0 = arith.constant 0 : i32
    %c0_i32_1 = arith.constant 0 : i32
    return %c0_i32, %c0_i32_0 : i32, i32
  }
  func.func @transform_7(%arg0: i32) -> (i32, i32) {
    %c0_i32 = arith.constant 0 : i32
    %c0_i32_0 = arith.constant 0 : i32
    %c0_i32_1 = arith.constant 0 : i32
    return %c0_i32, %c0_i32_0 : i32, i32
  }
  func.func @transform_8(%arg0: i32) -> (i32, i32) {
    %c0_i32 = arith.constant 0 : i32
    %c0_i32_0 = arith.constant 0 : i32
    %c0_i32_1 = arith.constant 0 : i32
    return %c0_i32, %c0_i32_0 : i32, i32
  }
  func.func @transform_9(%arg0: i32) -> (i32, i32) {
    %c0_i32 = arith.constant 0 : i32
    %c0_i32_0 = arith.constant 0 : i32
    %c0_i32_1 = arith.constant 0 : i32
    return %c0_i32, %c0_i32_0 : i32, i32
  }
  func.func @transform_10(%arg0: i32) -> (i32, i32) {
    %c0_i32 = arith.constant 0 : i32
    %c0_i32_0 = arith.constant 0 : i32
    %c0_i32_1 = arith.constant 0 : i32
    return %c0_i32, %c0_i32_0 : i32, i32
  }
  func.func @transform_11(%arg0: i32) -> (i32, i32) {
    %c0_i32 = arith.constant 0 : i32
    %c0_i32_0 = arith.constant 0 : i32
    %c0_i32_1 = arith.constant 0 : i32
    return %c0_i32, %c0_i32_0 : i32, i32
  }
  func.func @transform_12(%arg0: i32) -> (i32, i32) {
    %c0_i32 = arith.constant 0 : i32
    %c0_i32_0 = arith.constant 0 : i32
    return %arg0, %c0_i32 : i32, i32
  }
}

</mosaic_0001>

<sc_bundles>
// kernel: kernel.10.cloned.1.call-start
scs
__scs_entry_jumppad:
0x0: {  	(pc) =	sbr.rel $0x88, $3  }
0x1: {  	(tag) =	ssettag $0x0;
	lr =	simm.s32 $0x1  }
0x2: {  	[smem:$0x3F88] =	sst lr;
	_ =	strace $0xD0000000  }
0x3: {  	_ = 	snop  }
0x4: {  	_ = 	snop  }
0x5: {  	_ = 	snop  }
0x6: {  	_ = 	snop  }
0x7: {  	_ = 	snop  }
__scs_overlays_trampoline_lowered:
0x8: {  	[smem:$0x3F97] =	sst s0  }
0x9: {  	[smem:$0x3F98] =	sst s1  }
0xa: {  	[smem:$0x3F99] =	sst s2  }
0xb: {  	[smem:$0x3F9A] =	sst s3  }
0xc: {  	[smem:$0x3F9B] =	sst s4  }
0xd: {  	[smem:$0x3F9C] =	sst s5  }
0xe: {  	[smem:$0x3F9D] =	sst s6  }
0xf: {  	[smem:$0x3F9E] =	sst s7  }
0x10: {  	[smem:$0x3F9F] =	sst s8  }
0x11: {  	[smem:$0x3FA0] =	sst s9;
	s0 =	simm.s32 @!p0 $0x0  }
0x12: {  	s1 =	sld [smem:$0x3F86];
	s0 =	simm.s32 @p0 $0x1  }
0x13: {  	[smem:$0x3FA1] =	sst s0;
	s0 =	simm.s32 @!p1 $0x0  }
0x14: {  	s2 =	sld [smem:$0x3F85];
	s0 =	simm.s32 @p1 $0x1  }
0x15: {  	[smem:$0x3FA2] =	sst s0;
	s0 =	simm.s32 @!p2 $0x0  }
0x16: {  	s3 =	sld [smem:$0x3FDB];
	s0 =	simm.s32 @p2 $0x1  }
0x17: {  	s4 =	simm.s32 $0x1BF5;
	[smem:$0x3FA4] =	sst s0  }
0x18: {  	s0 =	sld [smem:$0x3F87];
	_ =	swait.ge [sflag:s4], $0x0  }
0x19: {  	s7 =	sld [smem:$0x3F88]  }
0x1a: {  	s8 =	sadd.s32 $0xFFFFE003, lr  }
0x1b: {  	s9 =	sadd.s32 $0xFFFFFEF7, lr;
	s5 =	simm.s32 $0xFFFFFFFF;
	p2 =	slt.u32 s8, $0xFFFFF086  }
0x1c: {  	p1 =	slt.u32 s9, $0xF7A;
	s5 =	simm.s32 @!p2 $0x0  }
0x1d: {  	s5 =	simm.s32 @p1 $0x1;
	p0 =	seq.s32 s7, s2  }
0x1e: {  	s7 =	smul.u32 @!p0 $0xF7A, s2;
	p2 =	seq.s32 @!p0 s5, $0x0  }
0x1f: {  	s9 =	smul.u32 $0xF7A, s1;
	s8 =	simm.s32 @!p0 $0x1BF5;
	p2 =	por !p2, p0  }
0x20: {  	[sflag:s8] =	ssyncset.s32 @!p0 $0xFFFFF086;
	s6 =	sadd.s32 @!p0 s3, s7;
	s7 =	simm.s32 @!p0 $0x108  }
0x21: {  	s3 =	sadd.s32 s3, s9;
	s6 =	sadd.s32 @!p0 $0x88, s6;
	s7 =	simm.s32 @p2 $0x1082  }
0x22: {  	[simem:s7], [sflag:s8] =	dma.local @!p0 [hbm:s6], $0xF7A  }
0x23: {  	s9 =	sor.u32 $0xD0000000, s2;
	s6 =	simm.s32 $0x108;
	_ =	swait.ge @!p0 [sflag:s8], $0x0  }
0x24: {  	s3 =	sadd.s32 $0x88, s3;
	s6 =	simm.s32 @!p1 $0x1082;
	[sflag:s4] =	ssyncset.s32 $0xFFFFF086  }
0x25: {  	[simem:s6], [sflag:s4] =	dma.local [hbm:s3], $0xF7A  }
0x26: {  	[smem:$0x3F88] =	sst s1;
	(tag) =	ssettag s2;
	_ =	strace s9  }
0x27: {  	s1 =	sld [smem:$0x3F98]  }
0x28: {  	s2 =	sld [smem:$0x3F99]  }
0x29: {  	s4 =	sld [smem:$0x3F9B]  }
0x2a: {  	p0 =	seq.s32 s5, $0x0;
	s5 =	sld [smem:$0x3F9C]  }
0x2b: {  	s6 =	sld [smem:$0x3F9D]  }
0x2c: {  	s7 =	sld [smem:$0x3F9E]  }
0x2d: {  	s3 =	simm.s32 $0x108;
	s8 =	sld [smem:$0x3F9F]  }
0x2e: {  	s3 =	simm.s32 @!p0 $0x1082;
	s9 =	sld [smem:$0x3FA0]  }
0x2f: {  	lr =	sadd.s32 s0, s3;
	s0 =	sld [smem:$0x3F97]  }
0x30: {  	s3 =	sld [smem:$0x3F9A]  }
0x31: {  	[smem:$0x3FA3] =	sst s10  }
0x32: {  	s10 =	sld [smem:$0x3FA1];
	_ =	sdelay $0x3  }
0x33: {  	p0 =	seq.s32 s10, $0x1;
	s10 =	sld [smem:$0x3FA3];
	_ =	sdelay $0x3  }
0x34: {  	[smem:$0x3FA3] =	sst s10  }
0x35: {  	s10 =	sld [smem:$0x3FA2];
	_ =	sdelay $0x3  }
0x36: {  	p1 =	seq.s32 s10, $0x1;
	s10 =	sld [smem:$0x3FA3];
	_ =	sdelay $0x3  }
0x37: {  	[smem:$0x3FA3] =	sst s10  }
0x38: {  	s10 =	sld [smem:$0x3FA4]  }
0x39: {  	_ = 	snop;
	(pc) =	sbr.ind lr, $3  }
0x3a: {  	_ = 	snop  }
0x3b: {  	_ = 	snop  }
0x3c: {  	p2 =	seq.s32 s10, $0x1;
	s10 =	sld [smem:$0x3FA3]  }
0x3d: {  	_ =	shalt  }
0x3e: {  	_ =	shalt  }
0x3f: {  	_ =	shalt  }
0x40: {  	_ =	shalt  }
0x41: {  	_ =	shalt  }
0x42: {  	_ =	shalt  }
0x43: {  	_ =	shalt  }
0x44: {  	_ =	shalt  }
0x45: {  	_ =	shalt  }
0x46: {  	_ =	shalt  }
0x47: {  	_ =	shalt  }
0x48: {  	_ =	shalt  }
0x49: {  	_ =	shalt  }
0x4a: {  	_ =	shalt  }
0x4b: {  	_ =	shalt  }
0x4c: {  	_ =	shalt  }
0x4d: {  	_ =	shalt  }
0x4e: {  	_ =	shalt  }
0x4f: {  	_ =	shalt  }
0x50: {  	_ =	shalt  }
0x51: {  	_ =	shalt  }
0x52: {  	_ =	shalt  }
0x53: {  	_ =	shalt  }
0x54: {  	_ =	shalt  }
0x55: {  	_ =	shalt  }
0x56: {  	_ =	shalt  }
0x57: {  	_ =	shalt  }
0x58: {  	_ =	shalt  }
0x59: {  	_ =	shalt  }
0x5a: {  	_ =	shalt  }
0x5b: {  	_ =	shalt  }
0x5c: {  	_ =	shalt  }
0x5d: {  	_ =	shalt  }
0x5e: {  	_ =	shalt  }
0x5f: {  	_ =	shalt  }
0x60: {  	_ =	shalt  }
0x61: {  	_ =	shalt  }
0x62: {  	_ =	shalt  }
0x63: {  	_ =	shalt  }
0x64: {  	_ =	shalt  }
0x65: {  	_ =	shalt  }
0x66: {  	_ =	shalt  }
0x67: {  	_ =	shalt  }
0x68: {  	_ =	shalt  }
0x69: {  	_ =	shalt  }
0x6a: {  	_ =	shalt  }
0x6b: {  	_ =	shalt  }
0x6c: {  	_ =	shalt  }
0x6d: {  	_ =	shalt  }
0x6e: {  	_ =	shalt  }
0x6f: {  	_ =	shalt  }
0x70: {  	_ =	shalt  }
0x71: {  	_ =	shalt  }
0x72: {  	_ =	shalt  }
0x73: {  	_ =	shalt  }
0x74: {  	_ =	shalt  }
0x75: {  	_ =	shalt  }
0x76: {  	_ =	shalt  }
0x77: {  	_ =	shalt  }
0x78: {  	_ =	shalt  }
0x79: {  	_ =	shalt  }
0x7a: {  	_ =	shalt  }
0x7b: {  	_ =	shalt  }
0x7c: {  	_ =	shalt  }
0x7d: {  	_ =	shalt  }
0x7e: {  	_ =	shalt  }
0x7f: {  	_ =	shalt  }
0x80: {  	_ =	shalt  }
0x81: {  	_ =	shalt  }
0x82: {  	_ =	shalt  }
0x83: {  	_ =	shalt  }
0x84: {  	_ =	shalt  }
0x85: {  	_ =	shalt  }
0x86: {  	_ =	shalt  }
0x87: {  	_ =	shalt  }
.Lfunc_end0:
.L_simem_size_0:
called_computation_lowered:
.L_overlay_start_0:
0x88: {  	s2 =	sld [smem:$0x3FD9]  }
0x89: {  	s3 =	sld [smem:$0x3FFE];
	_ =	sdelay $0x1  }
0x8a: {  	s1 =	srdreg.scid  }
0x8b: {  	s0 =	sand.u32 $0x1, s1  }
0x8c: {  	s17 =	sshll.u32 s0, $0xA;
	s2 =	sadd.s32 s3, s2  }
0x8d: {  	s2 =	sadd.s32 s2, s17  }
0x8e: {  	[smem:$0x3FAF] =	sst s2  }
0x8f: {  	_ = 	snop  }
0x90: {  	s18 =	sld [smem:$0x3FD0];
	(tm) =	ssettm $0x1  }
0x91: {  	s19 =	sld [smem:$0x3FFB];
	_ =	sdelay $0x3  }
0x92: {  	_ =	strace s19  }
0x93: {  	s2 =	sld [smem:$0x3FFC];
	_ =	sdelay $0x3  }
0x94: {  	_ =	strace s2  }
0x95: {  	s2 =	sld [smem:$0x3FFD];
	_ =	sdelay $0x3  }
0x96: {  	_ =	strace s2  }
0x97: {  	_ =	strace $0x8FFFFFFF  }
0x98: {  	s20 =	sld [smem:$0x3FDB];
	_ =	sdelay $0x1  }
0x99: {  	s4 =	simm.s32 $_scs_section_size  }
0x9a: {  	s5 =	simm.s32 $_size__tile_overlayer_lowered;
	s6 =	simm.s32 $_tile_overlayer_lowered  }
0x9b: {  	s7 =	simm.s32 $0x1BFF;
	s21 =	sshll.u32 s6, $0x1;
	s4 =	sadd.s32 s4, s20  }
0x9c: {  	s22 =	simm.s32 $0x0;
	s5 =	sshll.u32 s5, $0x1;
	s6 =	sadd.s32 s21, s4  }
0x9d: {  	[timem:s22], [sflag:s7] =	dma.local [hbm:s6], s5  }
0x9e: {  	_ =	swait.ge [sflag:s7], s5  }
0x9f: {  	s5 =	ssub.s32 $0x0, s5;
	[sflag:s7] =	ssyncset.done $0x0  }
0xa0: {  	[sflag:s7] =	ssyncadd.s32 s5;
	_ =	sdelay $0x1  }
0xa1: {  	s23 =	simm.s32 $0x1B8B  }
0xa2: {  	_ =	swait.ge [sflag:s23], $0x1  }
0xa3: {  	[sflag:s23] =	ssyncset.done $0x0  }
0xa4: {  	[sflag:s23] =	ssyncadd.s32 $0xFFFFFFFF  }
0xa5: {  	s5 =	sld [smem:$0x0]  }
0xa6: {  	s6 =	sand.u32 $0xFFFFFFFE, s1  }
0xa7: {  	p0 =	sne.s32 s1, s6  }
0xa8: {  	s6 =	sshll.u32 @p0 s6, $0xE  }
0xa9: {  	s6 =	sadd.s32 @p0 $0x11B8D, s6;
	s7 =	sshll.u32 @p0 s5, $0x11  }
0xaa: {  	s6 =	sor.u32 @p0 s7, s6  }
0xab: {  	[sflag:s6] =	ssyncadd.remote.s32 @p0 $0x1;
	_ =	sdelay $0x1  }
0xac: {  	s6 =	simm.s32 @p0 $0x1B8D  }
0xad: {  	_ =	swait.eq @p0 [sflag:s6], $0x1  }
0xae: {  	[sflag:s6] =	ssyncadd.s32 @p0 $0xFFFFFFFF  }
0xaf: {  	s7 =	sshll.u32 @!p0 s1, $0xE  }
0xb0: {  	s7 =	sor.u32 @!p0 $0x4000, s7;
	s6 =	simm.s32 @!p0 $0x1B8D  }
0xb1: {  	s5 =	sshll.u32 @!p0 s5, $0x11;
	s7 =	sadd.s32 @!p0 $0x11B8D, s7;
	_ =	swait.eq @!p0 [sflag:s6], $0x1  }
0xb2: {  	s5 =	sor.u32 @!p0 s5, s7;
	[sflag:s6] =	ssyncadd.s32 @!p0 $0xFFFFFFFF  }
0xb3: {  	s25 =	simm.s32 $0x1B8E;
	s24 =	sld [smem:$0x3FFE];
	[sflag:s5] =	ssyncadd.remote.s32 @!p0 $0x1  }
0xb4: {  	s26 =	simm.s32 $execute0_lowered;
	[smem:$0x3FD2] =	sst s25  }
0xb5: {  	s6 =	sshll.u32 s26, $0x1;
	_ =	strace $0x80000049;
	[dreg:$0x1] =	wrdreg $0xFFFFFFFF  }
0xb6: {  	s28 =	simm.s32 $_size_execute0_lowered;
	s4 =	sadd.s32 s4, s6;
	[dreg:$0x0] =	wrdreg $0x0  }
0xb7: {  	s6 =	sshll.u32 s28, $0x1;
	[dreg:$0x2] =	wrdreg s4  }
0xb8: {  	[dreg:$0x3] =	wrdreg s6  }
0xb9: {  	[dreg:$0x4] =	wrdreg $0xC0  }
0xba: {  	_ =	task [dreg:s22], $0x5FFFF  }
0xbb: {  	[dreg:$0x1] =	wrdreg $0xFFFFFFFF  }
0xbc: {  	[dreg:$0x0] =	wrdreg $0x60  }
0xbd: {  	[dreg:$0x2] =	wrdreg s24  }
0xbe: {  	[dreg:$0x3] =	wrdreg s18  }
0xbf: {  	[dreg:$0x4] =	wrdreg $0x55800  }
0xc0: {  	[dreg:$0x5] =	wrdreg $0x9  }
0xc1: {  	_ =	task.clear_ibuf [dreg:s22], $0x6FFFF;
	_ =	strace $0x90000049  }
0xc2: {  	s29 =	simm.s32 $0x9;
	_ =	strace $0x8000004B  }
0xc3: {  	_ =	swait.ge [sflag:s29], $0x1  }
0xc4: {  	[sflag:s29] =	ssyncadd.s32 $0xFFFFFFFF  }
0xc5: {  	_ =	strace $0x9000004B  }
0xc6: {  	_ =	sfence  }
0xc7: {  	s30 =	sld [smem:$0x0];
	_ =	sdelay $0x2  }
0xc8: {  	s31 =	sshll.u32 s1, $0xD;
	s1 =	sshrl.u32 s1, $0x2  }
0xc9: {  	s4 =	sand.u32 $0x4000, s31;
	s1 =	sadd.s32 s1, s30  }
0xca: {  	s0 =	sor.u32 s4, s0;
	s1 =	sshll.u32 s1, $0x11  }
0xcb: {  	s0 =	sor.u32 s1, s0  }
0xcc: {  	s0 =	sadd.s32 $0x8F2B, s0  }
0xcd: {  	[sflag:s0] =	ssyncadd.remote.s32 $0x1  }
0xce: {  	_ =	sfence.sel $0xFFFF  }
0xcf: {  	[dreg:$0x0] =	wrdreg $0xFFFFFFFF;
	(pc) =	sbr.abs _section_cstart, $3  }
0xd0: {  	[dreg:$0x1] =	wrdreg $0xFFFFFFFF  }
0xd1: {  	_ =	task.clear_ibuf [dreg:s22], $0x2FFFF;
	_ =	strace $0x9FFFFFFF  }
0xd2: {  	(tm) =	ssettm $0x7FFFFFFF  }
0xd3: {  	_ =	shalt  }
tec
execute0_lowered:
.L_overlay_start_1:
0x0: {  	(tag) =	ssettag $0x1  }
0x1: {  	s5 =	rddreg [dreg:$0x0]  }
0x2: {  	s6 =	rddreg [dreg:$0x1]  }
0x3: {  	s2 =	rddreg [dreg:$0x2]  }
0x4: {  	s0 =	rddreg [dreg:$0x3];
	s3 =	simm.s32 $0x0;
	s1 =	stileid.u32  }
0x5: {  	s8 =	srdreg.scid;
	s12 =	simm.s32 $0x1;
	s13 =	simm.s32 $0x5000  }
0x6: {  	s14 =	simm.s32 $0x80;
	s16 =	simm.s32 $0x0;
	s4 =	smul.u32 $0xA00, s1  }
0x7: {  	[smem:$0x7FF] =	sst s3;
	s7 =	smul.u32 $0x280, s1;
	s15 =	sand.u32 $0x1, s8  }
0x8: {  	s31 =	sshll.u32 s1, $0x6;
	_ =	strace $0x8000004A;
	s10 =	ssub.s32 $0x2, s15  }
0x9: {  	p0 =	sne.s32 s15, $0x0;
	s15 =	simm.s32 $0x5080;
	s29 =	sadd.s32 s4, s5  }
0xa: {  	s9 =	sshrl.u32 s7, $0x3;
	s4 =	sadd.s32 $0xA4A00, s5;
	s30 =	sshrl.u32 s10, $0x1  }
0xb: {  	s11 =	sadd.s32 s9, s5;
	s10 =	ssub.s32 s10, s30;
	s5 =	sadd.s32 s7, s2  }
0xc: {  	s6 =	sadd.s32 s6, s9;
	s7 =	sor.u32 $0x1C01, s31;
	s8 =	sadd.s32 $0x2CA00, s29  }
0xd: {  	s9 =	sadd.s32 $0xA4C00, s11;
	s10 =	smax.u32 s10, $0x1;
	s11 =	sshrl.u32 s5, $0x3  }
.LBB2_1:
0xe: {  	[spmem:s11], [sflag:s7] =	dma.local [hbm:s6], $0x50  }
0xf: {  	_ =	swait.ge [sflag:s12], $0x50  }
0x10: {  	[sflag:s12] =	ssyncset.done $0x0  }
0x11: {  	[sflag:s12] =	ssyncadd.s32 $0xFFFFFFB0  }
0x12: {  	[tilespmem:s3], [sflag:$0x1] =	stream.linear.gather [hbm4b:s8+s3], $0x5000, $0x38;
	[tilespmem:$0x5800] =	vst v63  }
0x13: {  	_ =	swait.ge [sflag:s12], $0x5000  }
0x14: {  	[sflag:s12] =	ssyncset.done $0x0  }
0x15: {  	p1 =	por $0x1, $0x1;
	[sflag:s12] =	ssyncadd.s32 $0xFFFFB000  }
0x16: {  	[tilespmem:s13], [sflag:$0x1] =	stream.linear.gather [hbm4b:s4+s3], $0x80, $0x38;
	[tilespmem:$0x5800] =	vst v63  }
0x17: {  	s17 =	simm.s32 $0xFFFF6000;
	p2 =	por $0x0, $0x0;
	_ =	swait.ge [sflag:s12], $0x80  }
0x18: {  	s18 =	simm.s32 $0x2800;
	s17 =	smov.u32 @p1 s3;
	[sflag:s12] =	ssyncset.done $0x0  }
0x19: {  	s18 =	simm.s32 @!p2 $0x0;
	s17 =	sshra.s32 s17, $0x2;
	[sflag:s12] =	ssyncadd.s32 $0xFFFFFF80  }
0x1a: {  	s17 =	sadd.s32 s17, s18;
	[bflag:$0x0] =	sbarrier.arrive $0xFFFF  }
0x1b: {  	[spmem:s2] =	stream.indirect.scatter.add.f32 [tilespmem:s13], [sflag:$0x1], $0x1, s17, s14, $0xb8;
	[tilespmem:$0x5800] =	vst v63  }
0x1c: {  	s18 =	simm.s32 $0x1;
	s17 =	simm.s32 $0x200  }
.LBB2_2:
0x1d: {  	p1 =	slt.u32 s18, $0x50;
	s19 =	sadd.s32 $0xFFFF6000, s17  }
0x1e: {  	s19 =	smov.u32 @p1 s17;
	p1 =	sne.s32 s18, $0x9F  }
.Ltmp0:
0x1f: {  	p2 =	sgt.u32 s18, $0x4F;
	s20 =	simm.s32 $0x2800;
	(pc) =	sbr.rel @p1 .LBB2_2-.Ltmp0, $4  }
0x20: {  	s20 =	simm.s32 @!p2 $0x0;
	s19 =	sshra.s32 s19, $0x2;
	_ =	swait.ge [sflag:s12], $0x80  }
0x21: {  	s17 =	sadd.s32 $0x200, s17;
	s19 =	sadd.s32 s19, s20;
	[sflag:s12] =	ssyncset.done $0x0  }
0x22: {  	s18 =	sadd.s32 $0x1, s18;
	[sflag:s12] =	ssyncadd.s32 $0xFFFFFF80  }
0x23: {  	[spmem:s2] =	stream.indirect.scatter.add.f32 [tilespmem:s13], [sflag:$0x1], $0x1, s19, s14, $0xb8;
	[tilespmem:$0x5800] =	vst v63  }
0x24: {  	_ =	swait.ge [sflag:s12], $0x80  }
0x25: {  	[sflag:s12] =	ssyncset.done $0x0  }
0x26: {  	[sflag:s12] =	ssyncadd.s32 $0xFFFFFF80  }
0x27: {  	[bflag:$0x0] =	sbarrier.arrive $0xFFFF  }
0x28: {  	[tilespmem:s15], [sflag:$0x1] =	stream.linear.gather [spmem:s5], $0x280, $0x38;
	[tilespmem:$0x5800] =	vst v63  }
0x29: {  	_ =	swait.ge [sflag:s12], $0x280  }
0x2a: {  	[sflag:s12] =	ssyncset.done $0x0  }
0x2b: {  	[sflag:s12] =	ssyncadd.s32 $0xFFFFFD80  }
0x2c: {  	v0 =	vld [tilespmem:$0x5080]  }
0x2d: {  	v1 =	vld [tilespmem:$0x5090]  }
0x2e: {  	v2 =	vld [tilespmem:$0x50A0]  }
0x2f: {  	v3 =	vld [tilespmem:$0x50B0]  }
0x30: {  	v4 =	vld [tilespmem:$0x50C0]  }
0x31: {  	v5 =	vld [tilespmem:$0x50D0];
	v0 =	vmax.f32 v0, $1.000000000e+00  }
0x32: {  	v8 =	vld [tilespmem:$0x50E0];
	v7 =	vmax.f32 v1, $1.000000000e+00;
	(erf) = vrcp.f32 v0  }
0x33: {  	v10 =	vld [tilespmem:$0x50F0];
	v9 =	vmax.f32 v2, $1.000000000e+00;
	(erf) = vrcp.f32 v7  }
0x34: {  	v12 =	vld [tilespmem:$0x5100];
	v11 =	vmax.f32 v3, $1.000000000e+00;
	(erf) = vrcp.f32 v9  }
0x35: {  	v14 =	vld [tilespmem:$0x5110];
	v13 =	vmax.f32 v4, $1.000000000e+00;
	(erf) = vrcp.f32 v11  }
0x36: {  	v16 =	vld [tilespmem:$0x5120];
	v15 =	vmax.f32 v5, $1.000000000e+00;
	(erf) = vrcp.f32 v13  }
0x37: {  	v18 =	vld [tilespmem:$0x5130];
	v17 =	vmax.f32 v8, $1.000000000e+00;
	(erf) = vrcp.f32 v15  }
0x38: {  	v20 =	vld [tilespmem:$0x5140];
	v19 =	vmax.f32 v10, $1.000000000e+00;
	(erf) = vrcp.f32 v17  }
0x39: {  	v22 =	vld [tilespmem:$0x5150];
	v21 =	vmax.f32 v12, $1.000000000e+00;
	(erf) = vrcp.f32 v19  }
0x3a: {  	v24 =	vld [tilespmem:$0x5160];
	v23 =	vmax.f32 v14, $1.000000000e+00;
	(erf) = vrcp.f32 v21  }
0x3b: {  	v26 =	vld [tilespmem:$0x5170];
	v25 =	vmax.f32 v16, $1.000000000e+00;
	v6 =	vpop (erf);
	(erf) = vrcp.f32 v23  }
0x3c: {  	v29 =	vld [tilespmem:$0x5180];
	v28 =	vmax.f32 v18, $1.000000000e+00;
	[tilespmem:$0x5300] =	vst v6;
	v27 =	vpop (erf);
	(erf) = vrcp.f32 v25  }
0x3d: {  	v32 =	vld [tilespmem:$0x5190];
	v31 =	vmax.f32 v20, $1.000000000e+00;
	[tilespmem:$0x5310] =	vst v27;
	v30 =	vpop (erf);
	(erf) = vrcp.f32 v28  }
0x3e: {  	v35 =	vld [tilespmem:$0x51A0];
	v34 =	vmax.f32 v22, $1.000000000e+00;
	[tilespmem:$0x5320] =	vst v30;
	v33 =	vpop (erf);
	(erf) = vrcp.f32 v31  }
0x3f: {  	v38 =	vld [tilespmem:$0x51B0];
	v37 =	vmax.f32 v24, $1.000000000e+00;
	[tilespmem:$0x5330] =	vst v33;
	v36 =	vpop (erf);
	(erf) = vrcp.f32 v34  }
0x40: {  	v41 =	vld [tilespmem:$0x51C0];
	v40 =	vmax.f32 v26, $1.000000000e+00;
	[tilespmem:$0x5340] =	vst v36;
	v39 =	vpop (erf);
	(erf) = vrcp.f32 v37  }
0x41: {  	v44 =	vld [tilespmem:$0x51D0];
	v43 =	vmax.f32 v29, $1.000000000e+00;
	[tilespmem:$0x5350] =	vst v39;
	v42 =	vpop (erf);
	(erf) = vrcp.f32 v40  }
0x42: {  	v47 =	vld [tilespmem:$0x51E0];
	v46 =	vmax.f32 v32, $1.000000000e+00;
	[tilespmem:$0x5360] =	vst v42;
	v45 =	vpop (erf);
	(erf) = vrcp.f32 v43  }
0x43: {  	v50 =	vld [tilespmem:$0x51F0];
	v49 =	vmax.f32 v35, $1.000000000e+00;
	[tilespmem:$0x5370] =	vst v45;
	v48 =	vpop (erf);
	(erf) = vrcp.f32 v46  }
0x44: {  	v53 =	vld [tilespmem:$0x5200];
	v52 =	vmax.f32 v38, $1.000000000e+00;
	[tilespmem:$0x5380] =	vst v48;
	v51 =	vpop (erf);
	(erf) = vrcp.f32 v49  }
0x45: {  	v56 =	vld [tilespmem:$0x5210];
	v55 =	vmax.f32 v41, $1.000000000e+00;
	[tilespmem:$0x5390] =	vst v51;
	v54 =	vpop (erf);
	(erf) = vrcp.f32 v52  }
0x46: {  	v59 =	vld [tilespmem:$0x5220];
	v58 =	vmax.f32 v44, $1.000000000e+00;
	[tilespmem:$0x53A0] =	vst v54;
	v57 =	vpop (erf);
	(erf) = vrcp.f32 v55  }
0x47: {  	v62 =	vld [tilespmem:$0x5230];
	v61 =	vmax.f32 v47, $1.000000000e+00;
	[tilespmem:$0x53B0] =	vst v57;
	v60 =	vpop (erf);
	(erf) = vrcp.f32 v58  }
0x48: {  	v10 =	vld [tilespmem:$0x5240];
	v9 =	vmax.f32 v50, $1.000000000e+00;
	[tilespmem:$0x53C0] =	vst v60;
	v63 =	vpop (erf);
	(erf) = vrcp.f32 v61  }
0x49: {  	v12 =	vmax.f32 v53, $1.000000000e+00;
	v13 =	vld [tilespmem:$0x5250];
	[tilespmem:$0x53D0] =	vst v63;
	v11 =	vpop (erf);
	(erf) = vrcp.f32 v9  }
0x4a: {  	v16 =	vld [tilespmem:$0x5260];
	v15 =	vmax.f32 v56, $1.000000000e+00;
	[tilespmem:$0x53E0] =	vst v11;
	v14 =	vpop (erf);
	(erf) = vrcp.f32 v12  }
0x4b: {  	v18 =	vmax.f32 v59, $1.000000000e+00;
	v19 =	vld [tilespmem:$0x5270];
	[tilespmem:$0x53F0] =	vst v14;
	v17 =	vpop (erf);
	(erf) = vrcp.f32 v15  }
0x4c: {  	v22 =	vld [tilespmem:$0x5280];
	v21 =	vmax.f32 v62, $1.000000000e+00;
	[tilespmem:$0x5400] =	vst v17;
	v20 =	vpop (erf);
	(erf) = vrcp.f32 v18  }
0x4d: {  	v24 =	vmax.f32 v10, $1.000000000e+00;
	v25 =	vld [tilespmem:$0x5290];
	[tilespmem:$0x5410] =	vst v20;
	v23 =	vpop (erf);
	(erf) = vrcp.f32 v21  }
0x4e: {  	v27 =	vmax.f32 v13, $1.000000000e+00;
	v28 =	vld [tilespmem:$0x52A0];
	[tilespmem:$0x5420] =	vst v23;
	v26 =	vpop (erf);
	(erf) = vrcp.f32 v24  }
0x4f: {  	v30 =	vmax.f32 v16, $1.000000000e+00;
	v31 =	vld [tilespmem:$0x52B0];
	[tilespmem:$0x5430] =	vst v26;
	v29 =	vpop (erf);
	(erf) = vrcp.f32 v27  }
0x50: {  	v33 =	vmax.f32 v19, $1.000000000e+00;
	v34 =	vld [tilespmem:$0x52C0];
	[tilespmem:$0x5440] =	vst v29;
	v32 =	vpop (erf);
	(erf) = vrcp.f32 v30  }
0x51: {  	v36 =	vmax.f32 v22, $1.000000000e+00;
	v37 =	vld [tilespmem:$0x52D0];
	[tilespmem:$0x5450] =	vst v32;
	v35 =	vpop (erf);
	(erf) = vrcp.f32 v33  }
0x52: {  	v39 =	vmax.f32 v25, $1.000000000e+00;
	v40 =	vld [tilespmem:$0x52E0];
	[tilespmem:$0x5460] =	vst v35;
	v38 =	vpop (erf);
	(erf) = vrcp.f32 v36  }
0x53: {  	v42 =	vmax.f32 v28, $1.000000000e+00;
	v43 =	vld [tilespmem:$0x52F0];
	[tilespmem:$0x5470] =	vst v38;
	v41 =	vpop (erf);
	(erf) = vrcp.f32 v39  }
0x54: {  	v45 =	vmax.f32 v31, $1.000000000e+00;
	[tilespmem:$0x5480] =	vst v41;
	v44 =	vpop (erf);
	(erf) = vrcp.f32 v42  }
0x55: {  	v47 =	vmax.f32 v34, $1.000000000e+00;
	[tilespmem:$0x5490] =	vst v44;
	v46 =	vpop (erf);
	(erf) = vrcp.f32 v45  }
0x56: {  	v49 =	vmax.f32 v37, $1.000000000e+00;
	[tilespmem:$0x54A0] =	vst v46;
	v48 =	vpop (erf);
	(erf) = vrcp.f32 v47  }
0x57: {  	v51 =	vmax.f32 v40, $1.000000000e+00;
	[tilespmem:$0x54B0] =	vst v48;
	v50 =	vpop (erf);
	(erf) = vrcp.f32 v49  }
0x58: {  	v53 =	vmax.f32 v43, $1.000000000e+00;
	[tilespmem:$0x54C0] =	vst v50;
	v52 =	vpop (erf);
	(erf) = vrcp.f32 v51  }
0x59: {  	[tilespmem:$0x54D0] =	vst v52;
	v54 =	vpop (erf);
	(erf) = vrcp.f32 v53  }
0x5a: {  	v55 =	vpop (erf);
	[tilespmem:$0x54E0] =	vst v54  }
0x5b: {  	v56 =	vpop (erf);
	[tilespmem:$0x54F0] =	vst v55  }
0x5c: {  	v57 =	vpop (erf);
	[tilespmem:$0x5500] =	vst v56  }
0x5d: {  	v58 =	vpop (erf);
	[tilespmem:$0x5510] =	vst v57  }
0x5e: {  	v59 =	vpop (erf);
	[tilespmem:$0x5520] =	vst v58  }
0x5f: {  	v60 =	vpop (erf);
	[tilespmem:$0x5530] =	vst v59  }
0x60: {  	v61 =	vpop (erf);
	[tilespmem:$0x5540] =	vst v60  }
0x61: {  	v62 =	vpop (erf);
	[tilespmem:$0x5550] =	vst v61  }
0x62: {  	s16 =	sadd.s32 $0x1, s16;
	[tilespmem:$0x5560] =	vst v62;
	v63 =	vpop (erf)  }
0x63: {  	s17 =	simm.s32 @!p0 $0x0;
	s18 =	simm.s32 @!p0 $0x5300;
	p1 =	sne.s32 s16, s10;
	[tilespmem:$0x5570] =	vst v63  }
0x64: {  	[hbm4b:s9+s17] =	stream.linear.scatter @!p0 [tilespmem:s18], [sflag:$0x1], $0x280, $0x38;
	[tilespmem:$0x5800] =	vst v63  }
.Ltmp1:
0x65: {  	_ = 	snop;
	(pc) =	sbr.rel @p1 .LBB2_1-.Ltmp1, $4  }
0x66: {  	s17 =	simm.s32 @!p0 $0x1  }
0x67: {  	_ =	swait.ge @!p0 [sflag:s17], $0x280  }
0x68: {  	[sflag:s17] =	ssyncset.done @!p0 $0x0  }
0x69: {  	[sflag:s17] =	ssyncadd.s32 @!p0 $0xFFFFFD80  }
0x6a: {  	_ =	sfence.sel $0x180000  }
0x6b: {  	[bflag:$0x0] =	sbarrier.arrive $0xFFFF  }
0x6c: {  	p0 =	sne.s32 s1, $0x0;
	_ =	strace $0x9000004A  }
0x6d: {  	s0 =	sadd.s32 @!p0 $0x100000, s0;
	[bflag:$0x2] =	sbarrier.arrive $0xFFFF  }
0x6e: {  	[sflag:s0] =	ssyncadd.tile.s32 @!p0 $0x1;
	_ =	shalt  }
.Lfunc_end2:
_tile_overlayer_lowered:
.L_overlay_start_2:
0x6f: {  	(tag) =	ssettag $0x2  }
0x70: {  	s0 =	rddreg [dreg:$0x0];
	s2 =	stileid.u32  }
0x71: {  	s1 =	rddreg [dreg:$0x1];
	p0 =	sne.s32 s2, $0x0  }
0x72: {  	s3 =	rddreg [dreg:$0x2];
	[bflag:$0x3] =	sbarrier.arrive $0xFFFF;
	s2 =	simm.s32 @!p0 $0x1C01  }
0x73: {  	[timem:s3], [sflag:s2] =	dma.local @!p0 [hbm:s0], s1  }
0x74: {  	s0 =	simm.s32 @!p0 $0x1  }
0x75: {  	_ =	swait.ge @!p0 [sflag:s0], s1  }
0x76: {  	s1 =	ssub.s32 @!p0 $0x0, s1;
	[sflag:s0] =	ssyncset.done @!p0 $0x0  }
0x77: {  	[sflag:s0] =	ssyncadd.s32 @!p0 s1  }
0x78: {  	[bflag:$0x3] =	sbarrier.arrive $0xFFFF  }
0x79: {  	_ =	shalt  }

// kernel: kernel.13.cloned.1.call-start
scs
__scs_entry_jumppad:
0x0: {  	(pc) =	sbr.rel $0x88, $3  }
0x1: {  	(tag) =	ssettag $0x0;
	lr =	simm.s32 $0x1  }
0x2: {  	[smem:$0x3F88] =	sst lr;
	_ =	strace $0xD0000000  }
0x3: {  	_ = 	snop  }
0x4: {  	_ = 	snop  }
0x5: {  	_ = 	snop  }
0x6: {  	_ = 	snop  }
0x7: {  	_ = 	snop  }
__scs_overlays_trampoline_lowered:
0x8: {  	[smem:$0x3F97] =	sst s0  }
0x9: {  	[smem:$0x3F98] =	sst s1  }
0xa: {  	[smem:$0x3F99] =	sst s2  }
0xb: {  	[smem:$0x3F9A] =	sst s3  }
0xc: {  	[smem:$0x3F9B] =	sst s4  }
0xd: {  	[smem:$0x3F9C] =	sst s5  }
0xe: {  	[smem:$0x3F9D] =	sst s6  }
0xf: {  	[smem:$0x3F9E] =	sst s7  }
0x10: {  	[smem:$0x3F9F] =	sst s8  }
0x11: {  	[smem:$0x3FA0] =	sst s9;
	s0 =	simm.s32 @!p0 $0x0  }
0x12: {  	s1 =	sld [smem:$0x3F86];
	s0 =	simm.s32 @p0 $0x1  }
0x13: {  	[smem:$0x3FA1] =	sst s0;
	s0 =	simm.s32 @!p1 $0x0  }
0x14: {  	s2 =	sld [smem:$0x3F85];
	s0 =	simm.s32 @p1 $0x1  }
0x15: {  	[smem:$0x3FA2] =	sst s0;
	s0 =	simm.s32 @!p2 $0x0  }
0x16: {  	s3 =	sld [smem:$0x3FDB];
	s0 =	simm.s32 @p2 $0x1  }
0x17: {  	s4 =	simm.s32 $0x1BF5;
	[smem:$0x3FA4] =	sst s0  }
0x18: {  	s0 =	sld [smem:$0x3F87];
	_ =	swait.ge [sflag:s4], $0x0  }
0x19: {  	s7 =	sld [smem:$0x3F88]  }
0x1a: {  	s8 =	sadd.s32 $0xFFFFE003, lr  }
0x1b: {  	s9 =	sadd.s32 $0xFFFFFEF7, lr;
	s5 =	simm.s32 $0xFFFFFFFF;
	p2 =	slt.u32 s8, $0xFFFFF086  }
0x1c: {  	p1 =	slt.u32 s9, $0xF7A;
	s5 =	simm.s32 @!p2 $0x0  }
0x1d: {  	s5 =	simm.s32 @p1 $0x1;
	p0 =	seq.s32 s7, s2  }
0x1e: {  	s7 =	smul.u32 @!p0 $0xF7A, s2;
	p2 =	seq.s32 @!p0 s5, $0x0  }
0x1f: {  	s9 =	smul.u32 $0xF7A, s1;
	s8 =	simm.s32 @!p0 $0x1BF5;
	p2 =	por !p2, p0  }
0x20: {  	[sflag:s8] =	ssyncset.s32 @!p0 $0xFFFFF086;
	s6 =	sadd.s32 @!p0 s3, s7;
	s7 =	simm.s32 @!p0 $0x108  }
0x21: {  	s3 =	sadd.s32 s3, s9;
	s6 =	sadd.s32 @!p0 $0x88, s6;
	s7 =	simm.s32 @p2 $0x1082  }
0x22: {  	[simem:s7], [sflag:s8] =	dma.local @!p0 [hbm:s6], $0xF7A  }
0x23: {  	s9 =	sor.u32 $0xD0000000, s2;
	s6 =	simm.s32 $0x108;
	_ =	swait.ge @!p0 [sflag:s8], $0x0  }
0x24: {  	s3 =	sadd.s32 $0x88, s3;
	s6 =	simm.s32 @!p1 $0x1082;
	[sflag:s4] =	ssyncset.s32 $0xFFFFF086  }
0x25: {  	[simem:s6], [sflag:s4] =	dma.local [hbm:s3], $0xF7A  }
0x26: {  	[smem:$0x3F88] =	sst s1;
	(tag) =	ssettag s2;
	_ =	strace s9  }
0x27: {  	s1 =	sld [smem:$0x3F98]  }
0x28: {  	s2 =	sld [smem:$0x3F99]  }
0x29: {  	s4 =	sld [smem:$0x3F9B]  }
0x2a: {  	p0 =	seq.s32 s5, $0x0;
	s5 =	sld [smem:$0x3F9C]  }
0x2b: {  	s6 =	sld [smem:$0x3F9D]  }
0x2c: {  	s7 =	sld [smem:$0x3F9E]  }
0x2d: {  	s3 =	simm.s32 $0x108;
	s8 =	sld [smem:$0x3F9F]  }
0x2e: {  	s3 =	simm.s32 @!p0 $0x1082;
	s9 =	sld [smem:$0x3FA0]  }
0x2f: {  	lr =	sadd.s32 s0, s3;
	s0 =	sld [smem:$0x3F97]  }
0x30: {  	s3 =	sld [smem:$0x3F9A]  }
0x31: {  	[smem:$0x3FA3] =	sst s10  }
0x32: {  	s10 =	sld [smem:$0x3FA1];
	_ =	sdelay $0x3  }
0x33: {  	p0 =	seq.s32 s10, $0x1;
	s10 =	sld [smem:$0x3FA3];
	_ =	sdelay $0x3  }
0x34: {  	[smem:$0x3FA3] =	sst s10  }
0x35: {  	s10 =	sld [smem:$0x3FA2];
	_ =	sdelay $0x3  }
0x36: {  	p1 =	seq.s32 s10, $0x1;
	s10 =	sld [smem:$0x3FA3];
	_ =	sdelay $0x3  }
0x37: {  	[smem:$0x3FA3] =	sst s10  }
0x38: {  	s10 =	sld [smem:$0x3FA4]  }
0x39: {  	_ = 	snop;
	(pc) =	sbr.ind lr, $3  }
0x3a: {  	_ = 	snop  }
0x3b: {  	_ = 	snop  }
0x3c: {  	p2 =	seq.s32 s10, $0x1;
	s10 =	sld [smem:$0x3FA3]  }
0x3d: {  	_ =	shalt  }
0x3e: {  	_ =	shalt  }
0x3f: {  	_ =	shalt  }
0x40: {  	_ =	shalt  }
0x41: {  	_ =	shalt  }
0x42: {  	_ =	shalt  }
0x43: {  	_ =	shalt  }
0x44: {  	_ =	shalt  }
0x45: {  	_ =	shalt  }
0x46: {  	_ =	shalt  }
0x47: {  	_ =	shalt  }
0x48: {  	_ =	shalt  }
0x49: {  	_ =	shalt  }
0x4a: {  	_ =	shalt  }
0x4b: {  	_ =	shalt  }
0x4c: {  	_ =	shalt  }
0x4d: {  	_ =	shalt  }
0x4e: {  	_ =	shalt  }
0x4f: {  	_ =	shalt  }
0x50: {  	_ =	shalt  }
0x51: {  	_ =	shalt  }
0x52: {  	_ =	shalt  }
0x53: {  	_ =	shalt  }
0x54: {  	_ =	shalt  }
0x55: {  	_ =	shalt  }
0x56: {  	_ =	shalt  }
0x57: {  	_ =	shalt  }
0x58: {  	_ =	shalt  }
0x59: {  	_ =	shalt  }
0x5a: {  	_ =	shalt  }
0x5b: {  	_ =	shalt  }
0x5c: {  	_ =	shalt  }
0x5d: {  	_ =	shalt  }
0x5e: {  	_ =	shalt  }
0x5f: {  	_ =	shalt  }
0x60: {  	_ =	shalt  }
0x61: {  	_ =	shalt  }
0x62: {  	_ =	shalt  }
0x63: {  	_ =	shalt  }
0x64: {  	_ =	shalt  }
0x65: {  	_ =	shalt  }
0x66: {  	_ =	shalt  }
0x67: {  	_ =	shalt  }
0x68: {  	_ =	shalt  }
0x69: {  	_ =	shalt  }
0x6a: {  	_ =	shalt  }
0x6b: {  	_ =	shalt  }
0x6c: {  	_ =	shalt  }
0x6d: {  	_ =	shalt  }
0x6e: {  	_ =	shalt  }
0x6f: {  	_ =	shalt  }
0x70: {  	_ =	shalt  }
0x71: {  	_ =	shalt  }
0x72: {  	_ =	shalt  }
0x73: {  	_ =	shalt  }
0x74: {  	_ =	shalt  }
0x75: {  	_ =	shalt  }
0x76: {  	_ =	shalt  }
0x77: {  	_ =	shalt  }
0x78: {  	_ =	shalt  }
0x79: {  	_ =	shalt  }
0x7a: {  	_ =	shalt  }
0x7b: {  	_ =	shalt  }
0x7c: {  	_ =	shalt  }
0x7d: {  	_ =	shalt  }
0x7e: {  	_ =	shalt  }
0x7f: {  	_ =	shalt  }
0x80: {  	_ =	shalt  }
0x81: {  	_ =	shalt  }
0x82: {  	_ =	shalt  }
0x83: {  	_ =	shalt  }
0x84: {  	_ =	shalt  }
0x85: {  	_ =	shalt  }
0x86: {  	_ =	shalt  }
0x87: {  	_ =	shalt  }
.Lfunc_end0:
.L_simem_size_0:
called_computation.1_lowered:
.L_overlay_start_0:
0x88: {  	s2 =	sld [smem:$0x3FD9]  }
0x89: {  	s3 =	sld [smem:$0x3FFE];
	_ =	sdelay $0x1  }
0x8a: {  	s1 =	srdreg.scid  }
0x8b: {  	s0 =	sand.u32 $0x1, s1  }
0x8c: {  	s16 =	sshll.u32 s0, $0xA;
	s2 =	sadd.s32 s3, s2  }
0x8d: {  	s2 =	sadd.s32 s2, s16  }
0x8e: {  	[smem:$0x3FAF] =	sst s2  }
0x8f: {  	_ = 	snop  }
0x90: {  	(tm) =	ssettm $0x1  }
0x91: {  	s17 =	sld [smem:$0x3FFB];
	_ =	sdelay $0x3  }
0x92: {  	_ =	strace s17  }
0x93: {  	s2 =	sld [smem:$0x3FFC];
	_ =	sdelay $0x3  }
0x94: {  	_ =	strace s2  }
0x95: {  	s2 =	sld [smem:$0x3FFD];
	_ =	sdelay $0x3  }
0x96: {  	_ =	strace s2  }
0x97: {  	_ =	strace $0x8FFFFFFF  }
0x98: {  	s18 =	sld [smem:$0x3FDB];
	_ =	sdelay $0x1  }
0x99: {  	s19 =	simm.s32 $_scs_section_size  }
0x9a: {  	s4 =	simm.s32 $_size__tile_overlayer_lowered;
	s5 =	simm.s32 $_tile_overlayer_lowered  }
0x9b: {  	s22 =	simm.s32 $0x1BFF;
	s21 =	sshll.u32 s5, $0x1;
	s2 =	sadd.s32 s19, s18  }
0x9c: {  	s6 =	simm.s32 $0x0;
	s20 =	sshll.u32 s4, $0x1;
	s4 =	sadd.s32 s21, s2  }
0x9d: {  	[timem:s6], [sflag:s22] =	dma.local [hbm:s4], s20  }
0x9e: {  	_ =	swait.ge [sflag:s22], s20  }
0x9f: {  	s3 =	ssub.s32 $0x0, s20;
	[sflag:s22] =	ssyncset.done $0x0  }
0xa0: {  	[sflag:s22] =	ssyncadd.s32 s3;
	_ =	sdelay $0x1  }
0xa1: {  	s23 =	simm.s32 $0x1B8B  }
0xa2: {  	_ =	swait.ge [sflag:s23], $0x1  }
0xa3: {  	[sflag:s23] =	ssyncset.done $0x0  }
0xa4: {  	s25 =	simm.s32 $0x1B8E;
	s24 =	sld [smem:$0x3FFE];
	[sflag:s23] =	ssyncadd.s32 $0xFFFFFFFF  }
0xa5: {  	s26 =	simm.s32 $execute0_lowered;
	[smem:$0x3FD2] =	sst s25  }
0xa6: {  	s4 =	sshll.u32 s26, $0x1;
	_ =	strace $0x80000046;
	[dreg:$0x1] =	wrdreg $0xFFFFFFFF  }
0xa7: {  	s28 =	simm.s32 $_size_execute0_lowered;
	s2 =	sadd.s32 s2, s4;
	[dreg:$0x0] =	wrdreg $0x0  }
0xa8: {  	s4 =	sshll.u32 s28, $0x1;
	[dreg:$0x2] =	wrdreg s2  }
0xa9: {  	[dreg:$0x3] =	wrdreg s4  }
0xaa: {  	[dreg:$0x4] =	wrdreg $0xC0  }
0xab: {  	_ =	task [dreg:s6], $0x5FFFF  }
0xac: {  	[dreg:$0x1] =	wrdreg $0xFFFFFFFF  }
0xad: {  	[dreg:$0x0] =	wrdreg $0x60  }
0xae: {  	[dreg:$0x2] =	wrdreg s24  }
0xaf: {  	[dreg:$0x3] =	wrdreg $0x90000  }
0xb0: {  	[dreg:$0x4] =	wrdreg $0xA  }
0xb1: {  	_ =	task.clear_ibuf [dreg:s6], $0x5FFFF;
	_ =	strace $0x90000046  }
0xb2: {  	s29 =	simm.s32 $0xA;
	_ =	strace $0x80000048  }
0xb3: {  	_ =	swait.ge [sflag:s29], $0x1  }
0xb4: {  	[sflag:s29] =	ssyncadd.s32 $0xFFFFFFFF  }
0xb5: {  	_ =	strace $0x90000048  }
0xb6: {  	_ =	sfence  }
0xb7: {  	s30 =	sld [smem:$0x0];
	_ =	sdelay $0x2  }
0xb8: {  	s31 =	sshll.u32 s1, $0xD;
	s1 =	sshrl.u32 s1, $0x2  }
0xb9: {  	s3 =	sand.u32 $0x4000, s31;
	s1 =	sadd.s32 s1, s30  }
0xba: {  	s0 =	sor.u32 s3, s0;
	s1 =	sshll.u32 s1, $0x11  }
0xbb: {  	s0 =	sor.u32 s1, s0  }
0xbc: {  	s0 =	sadd.s32 $0x8F2B, s0  }
0xbd: {  	[sflag:s0] =	ssyncadd.remote.s32 $0x1  }
0xbe: {  	_ =	sfence.sel $0xFFFF  }
0xbf: {  	[dreg:$0x0] =	wrdreg $0xFFFFFFFF;
	(pc) =	sbr.abs _section_cstart, $3  }
0xc0: {  	[dreg:$0x1] =	wrdreg $0xFFFFFFFF  }
0xc1: {  	_ =	task.clear_ibuf [dreg:s6], $0x2FFFF;
	_ =	strace $0x9FFFFFFF  }
0xc2: {  	(tm) =	ssettm $0x7FFFFFFF  }
0xc3: {  	_ =	shalt  }
tec
execute0_lowered:
.L_overlay_start_1:
0x0: {  	(tag) =	ssettag $0x1  }
0x1: {  	s7 =	rddreg [dreg:$0x0]  }
0x2: {  	s0 =	srdreg.scid;
	s2 =	rddreg [dreg:$0x1];
	s3 =	simm.s32 $0x0  }
0x3: {  	s13 =	simm.s32 $0x2800;
	s16 =	simm.s32 $0x80;
	s17 =	simm.s32 $0x5000  }
0x4: {  	s18 =	simm.s32 $0x7000;
	s19 =	simm.s32 $0x1;
	s20 =	simm.s32 $0x2  }
0x5: {  	s21 =	simm.s32 $0x2780;
	s22 =	simm.s32 $0x4F00;
	s23 =	simm.s32 $0x4F80  }
0x6: {  	s24 =	simm.s32 $0x0;
	s6 =	sand.u32 $0x1, s0;
	s0 =	stileid.u32  }
0x7: {  	[smem:$0x7FF] =	sst s3;
	s4 =	sadd.s32 $0x19000, s7;
	s9 =	smul.u32 $0xA000, s0  }
0x8: {  	s5 =	sadd.s32 $0x5600, s7;
	s1 =	sshll.u32 s6, $0x4;
	s10 =	smul.u32 $0xA0000, s6  }
0x9: {  	s6 =	ssub.s32 $0x2, s6;
	s14 =	sshll.u32 s0, $0x6;
	s1 =	sor.u32 s0, s1  }
0xa: {  	s12 =	sshrl.u32 s6, $0x1;
	s14 =	sor.u32 $0x1C03, s14;
	s8 =	smul.u32 $0x500, s1  }
0xb: {  	s1 =	rddreg [dreg:$0x2];
	_ =	strace $0x80000047;
	s10 =	sadd.s32 s9, s10  }
0xc: {  	s11 =	sshrl.u32 s9, $0x3;
	s12 =	ssub.s32 s6, s12;
	s15 =	sadd.s32 s9, s2  }
0xd: {  	s10 =	sshrl.u32 s10, $0x3;
	s11 =	sadd.s32 s11, s7;
	s8 =	sadd.s32 s8, s7  }
0xe: {  	s15 =	sshrl.u32 s15, $0x3;
	s10 =	sadd.s32 s10, s7;
	s6 =	sadd.s32 $0x36A00, s8  }
0xf: {  	s7 =	sadd.s32 $0x2CA00, s8;
	s8 =	sadd.s32 $0x40A00, s11;
	s9 =	sadd.s32 $0x7CA00, s10  }
0x10: {  	s10 =	sadd.s32 $0x54A00, s10;
	s11 =	smax.u32 s12, $0x1;
	s12 =	simm.s32 $0x3  }
.LBB2_1:
0x11: {  	[tilespmem:s3], [sflag:$0x3] =	stream.linear.gather [hbm4b:s6+s3], $0x2800, $0x38;
	[tilespmem:$0x13000] =	vst v63  }
0x12: {  	_ =	swait.ge [sflag:s12], $0x2800  }
0x13: {  	[sflag:s12] =	ssyncset.done $0x0  }
0x14: {  	[sflag:s12] =	ssyncadd.s32 $0xFFFFD800  }
0x15: {  	[tilespmem:s13], [sflag:$0x3] =	stream.linear.gather [hbm4b:s7+s3], $0x2800, $0x38;
	[tilespmem:$0x13000] =	vst v63  }
0x16: {  	_ =	swait.ge [sflag:s12], $0x2800  }
0x17: {  	[sflag:s12] =	ssyncset.done $0x0  }
0x18: {  	[sflag:s12] =	ssyncadd.s32 $0xFFFFD800  }
0x19: {  	[spmem:s15], [sflag:s14] =	dma.local [hbm:s8], $0x1400  }
0x1a: {  	_ =	swait.ge [sflag:s12], $0x1400  }
0x1b: {  	[sflag:s12] =	ssyncset.done $0x0  }
0x1c: {  	[sflag:s12] =	ssyncadd.s32 $0xFFFFEC00  }
0x1d: {  	[bflag:$0x0] =	sbarrier.arrive $0xFFFF  }
0x1e: {  	[tilespmem:s17], [sflag:$0x1] =	stream.indirect.gather [hbm4b:s4+s16], $0x40, s3, s16, $0xb8;
	[tilespmem:$0x13000] =	vst v63  }
0x1f: {  	s25 =	simm.s32 $0x80  }
0x20: {  	[tilespmem:s18], [sflag:$0x2] =	stream.indirect.gather [hbm4b:s4+s16], $0x40, s25, s16, $0xb8;
	[tilespmem:$0x13000] =	vst v63  }
0x21: {  	_ =	swait.ge [sflag:s19], $0x2000  }
0x22: {  	[sflag:s19] =	ssyncset.done $0x0  }
0x23: {  	s29 =	simm.s32 $0x2800;
	[sflag:s19] =	ssyncadd.s32 $0xFFFFE000  }
0x24: {  	[spmem:s2] =	stream.indirect.scatter.add.f32 [tilespmem:s17], [sflag:$0x3], $0x40, s29, s16, $0xb8;
	[tilespmem:$0x13000] =	vst v63  }
0x25: {  	_ =	swait.ge [sflag:s12], $0x2000  }
0x26: {  	[sflag:s12] =	ssyncset.done $0x0  }
0x27: {  	s30 =	simm.s32 $0x100;
	[sflag:s12] =	ssyncadd.s32 $0xFFFFE000  }
0x28: {  	[tilespmem:s17], [sflag:$0x1] =	stream.indirect.gather [hbm4b:s4+s16], $0x40, s30, s16, $0xb8;
	[tilespmem:$0x13000] =	vst v63  }
0x29: {  	_ =	swait.ge [sflag:s20], $0x2000  }
0x2a: {  	[sflag:s20] =	ssyncset.done $0x0  }
0x2b: {  	s31 =	simm.s32 $0x2880;
	[sflag:s20] =	ssyncadd.s32 $0xFFFFE000  }
0x2c: {  	[spmem:s2] =	stream.indirect.scatter.add.f32 [tilespmem:s18], [sflag:$0x3], $0x40, s31, s16, $0xb8;
	[tilespmem:$0x13000] =	vst v63  }
0x2d: {  	_ =	swait.ge [sflag:s12], $0x2000  }
0x2e: {  	s26 =	simm.s32 $0x800;
	s25 =	simm.s32 $0x100;
	[sflag:s12] =	ssyncset.done $0x0  }
.LBB2_2:
0x2f: {  	s28 =	sadd.s32 $0x80, s25  }
0x30: {  	[sflag:s12] =	ssyncadd.s32 $0xFFFFE000;
	s29 =	smov.u32 s26;
	s30 =	sadd.s32 $0x400, s26  }
0x31: {  	[tilespmem:s18], [sflag:$0x2] =	stream.indirect.gather [hbm4b:s4+s16], $0x40, s28, s16, $0xb8;
	[tilespmem:$0x13000] =	vst v63  }
0x32: {  	p0 =	sne.s32 s26, $0x9800;
	_ =	swait.ge [sflag:s19], $0x2000  }
0x33: {  	[sflag:s19] =	ssyncset.done $0x0  }
0x34: {  	s26 =	sadd.s32 $0x2800, s25;
	[sflag:s19] =	ssyncadd.s32 $0xFFFFE000  }
0x35: {  	[spmem:s2] =	stream.indirect.scatter.add.f32 [tilespmem:s17], [sflag:$0x3], $0x40, s26, s16, $0xb8;
	[tilespmem:$0x13000] =	vst v63  }
0x36: {  	_ =	swait.ge [sflag:s12], $0x2000  }
0x37: {  	[sflag:s12] =	ssyncset.done $0x0  }
0x38: {  	s26 =	sadd.s32 $0x100, s25;
	[sflag:s12] =	ssyncadd.s32 $0xFFFFE000  }
0x39: {  	[tilespmem:s17], [sflag:$0x1] =	stream.indirect.gather [hbm4b:s4+s16], $0x40, s26, s16, $0xb8;
	[tilespmem:$0x13000] =	vst v63  }
0x3a: {  	_ =	swait.ge [sflag:s20], $0x2000  }
.Ltmp0:
0x3b: {  	[sflag:s20] =	ssyncset.done $0x0;
	(pc) =	sbr.rel @p0 .LBB2_2-.Ltmp0, $4  }
0x3c: {  	s25 =	sadd.s32 $0x2880, s25;
	[sflag:s20] =	ssyncadd.s32 $0xFFFFE000  }
0x3d: {  	[spmem:s2] =	stream.indirect.scatter.add.f32 [tilespmem:s18], [sflag:$0x3], $0x40, s25, s16, $0xb8;
	[tilespmem:$0x13000] =	vst v63  }
0x3e: {  	_ =	swait.ge [sflag:s12], $0x2000  }
0x3f: {  	s26 =	smov.u32 s30;
	s25 =	sshra.s32 s29, $0x2;
	[sflag:s12] =	ssyncset.done $0x0  }
0x40: {  	s26 =	sadd.s32 $0x80, s25;
	[sflag:s12] =	ssyncadd.s32 $0xFFFFE000  }
0x41: {  	[tilespmem:s18], [sflag:$0x2] =	stream.indirect.gather [hbm4b:s4+s16], $0x40, s26, s16, $0xb8;
	[tilespmem:$0x13000] =	vst v63  }
0x42: {  	_ =	swait.ge [sflag:s19], $0x2000  }
0x43: {  	[sflag:s19] =	ssyncset.done $0x0  }
0x44: {  	s29 =	sadd.s32 $0x2800, s25;
	[sflag:s19] =	ssyncadd.s32 $0xFFFFE000  }
0x45: {  	[spmem:s2] =	stream.indirect.scatter.add.f32 [tilespmem:s17], [sflag:$0x3], $0x40, s29, s16, $0xb8;
	[tilespmem:$0x13000] =	vst v63  }
0x46: {  	_ =	swait.ge [sflag:s12], $0x2000  }
0x47: {  	[sflag:s12] =	ssyncset.done $0x0  }
0x48: {  	s30 =	sadd.s32 $0x100, s25;
	[sflag:s12] =	ssyncadd.s32 $0xFFFFE000  }
0x49: {  	[tilespmem:s17], [sflag:$0x1] =	stream.indirect.gather [hbm4b:s4+s16], $0x40, s30, s16, $0xb8;
	[tilespmem:$0x13000] =	vst v63  }
0x4a: {  	_ =	swait.ge [sflag:s20], $0x2000  }
0x4b: {  	[sflag:s20] =	ssyncset.done $0x0  }
0x4c: {  	s31 =	sadd.s32 $0x2880, s25;
	[sflag:s20] =	ssyncadd.s32 $0xFFFFE000  }
0x4d: {  	[spmem:s2] =	stream.indirect.scatter.add.f32 [tilespmem:s18], [sflag:$0x3], $0x40, s31, s16, $0xb8;
	[tilespmem:$0x13000] =	vst v63  }
0x4e: {  	_ =	swait.ge [sflag:s12], $0x2000  }
0x4f: {  	[sflag:s12] =	ssyncset.done $0x0  }
0x50: {  	[sflag:s12] =	ssyncadd.s32 $0xFFFFE000  }
0x51: {  	[tilespmem:s18], [sflag:$0x2] =	stream.indirect.gather [hbm4b:s4+s16], $0x40, s21, s16, $0xb8;
	[tilespmem:$0x13000] =	vst v63  }
0x52: {  	_ =	swait.ge [sflag:s19], $0x2000  }
0x53: {  	[sflag:s19] =	ssyncset.done $0x0  }
0x54: {  	[sflag:s19] =	ssyncadd.s32 $0xFFFFE000  }
0x55: {  	[spmem:s2] =	stream.indirect.scatter.add.f32 [tilespmem:s17], [sflag:$0x3], $0x40, s22, s16, $0xb8;
	[tilespmem:$0x13000] =	vst v63  }
0x56: {  	_ =	swait.ge [sflag:s12], $0x2000  }
0x57: {  	[sflag:s12] =	ssyncset.done $0x0  }
0x58: {  	[sflag:s12] =	ssyncadd.s32 $0xFFFFE000  }
0x59: {  	_ =	swait.ge [sflag:s20], $0x2000  }
0x5a: {  	[sflag:s20] =	ssyncset.done $0x0  }
0x5b: {  	[sflag:s20] =	ssyncadd.s32 $0xFFFFE000  }
0x5c: {  	[spmem:s2] =	stream.indirect.scatter.add.f32 [tilespmem:s18], [sflag:$0x3], $0x40, s23, s16, $0xb8;
	[tilespmem:$0x13000] =	vst v63  }
0x5d: {  	_ =	swait.ge [sflag:s12], $0x2000  }
0x5e: {  	[sflag:s12] =	ssyncset.done $0x0  }
0x5f: {  	[sflag:s12] =	ssyncadd.s32 $0xFFFFE000  }
0x60: {  	[bflag:$0x0] =	sbarrier.arrive $0xFFFF  }
0x61: {  	[hbm:s9], [sflag:s14] =	dma.local [spmem:s15], $0x1400  }
0x62: {  	_ =	swait.ge [sflag:s12], $0x1400  }
0x63: {  	[sflag:s12] =	ssyncset.done $0x0  }
0x64: {  	[sflag:s12] =	ssyncadd.s32 $0xFFFFEC00  }
0x65: {  	[spmem:s15], [sflag:s14] =	dma.local [hbm:s8], $0x1400  }
0x66: {  	_ =	swait.ge [sflag:s12], $0x1400  }
0x67: {  	[sflag:s12] =	ssyncset.done $0x0  }
0x68: {  	[sflag:s12] =	ssyncadd.s32 $0xFFFFEC00  }
0x69: {  	s26 =	simm.s32 $0x0;
	[bflag:$0x0] =	sbarrier.arrive $0xFFFF  }
0x6a: {  	[tilespmem:s17], [sflag:$0x1] =	stream.indirect.gather [hbm4b:s5+s16], $0x40, s26, s16, $0xb8;
	[tilespmem:$0x13000] =	vst v63  }
0x6b: {  	s28 =	simm.s32 $0x80  }
0x6c: {  	[tilespmem:s18], [sflag:$0x2] =	stream.indirect.gather [hbm4b:s5+s16], $0x40, s28, s16, $0xb8;
	[tilespmem:$0x13000] =	vst v63  }
0x6d: {  	_ =	swait.ge [sflag:s19], $0x2000  }
0x6e: {  	[sflag:s19] =	ssyncset.done $0x0  }
0x6f: {  	s29 =	simm.s32 $0x2800;
	[sflag:s19] =	ssyncadd.s32 $0xFFFFE000  }
0x70: {  	[spmem:s2] =	stream.indirect.scatter.add.f32 [tilespmem:s17], [sflag:$0x3], $0x40, s29, s16, $0xb8;
	[tilespmem:$0x13000] =	vst v63  }
0x71: {  	_ =	swait.ge [sflag:s12], $0x2000  }
0x72: {  	[sflag:s12] =	ssyncset.done $0x0  }
0x73: {  	s30 =	simm.s32 $0x100;
	[sflag:s12] =	ssyncadd.s32 $0xFFFFE000  }
0x74: {  	[tilespmem:s17], [sflag:$0x1] =	stream.indirect.gather [hbm4b:s5+s16], $0x40, s30, s16, $0xb8;
	[tilespmem:$0x13000] =	vst v63  }
0x75: {  	_ =	swait.ge [sflag:s20], $0x2000  }
0x76: {  	[sflag:s20] =	ssyncset.done $0x0  }
0x77: {  	s31 =	simm.s32 $0x2880;
	[sflag:s20] =	ssyncadd.s32 $0xFFFFE000  }
0x78: {  	[spmem:s2] =	stream.indirect.scatter.add.f32 [tilespmem:s18], [sflag:$0x3], $0x40, s31, s16, $0xb8;
	[tilespmem:$0x13000] =	vst v63  }
0x79: {  	_ =	swait.ge [sflag:s12], $0x2000  }
0x7a: {  	s25 =	simm.s32 $0x100;
	s26 =	simm.s32 $0x800;
	[sflag:s12] =	ssyncset.done $0x0  }
.LBB2_4:
0x7b: {  	s28 =	sadd.s32 $0x80, s25  }
0x7c: {  	[sflag:s12] =	ssyncadd.s32 $0xFFFFE000;
	s29 =	smov.u32 s26;
	s30 =	sadd.s32 $0x400, s26  }
0x7d: {  	[tilespmem:s18], [sflag:$0x2] =	stream.indirect.gather [hbm4b:s5+s16], $0x40, s28, s16, $0xb8;
	[tilespmem:$0x13000] =	vst v63  }
0x7e: {  	p0 =	sne.s32 s26, $0x9800;
	_ =	swait.ge [sflag:s19], $0x2000  }
0x7f: {  	[sflag:s19] =	ssyncset.done $0x0  }
0x80: {  	s26 =	sadd.s32 $0x2800, s25;
	[sflag:s19] =	ssyncadd.s32 $0xFFFFE000  }
0x81: {  	[spmem:s2] =	stream.indirect.scatter.add.f32 [tilespmem:s17], [sflag:$0x3], $0x40, s26, s16, $0xb8;
	[tilespmem:$0x13000] =	vst v63  }
0x82: {  	_ =	swait.ge [sflag:s12], $0x2000  }
0x83: {  	[sflag:s12] =	ssyncset.done $0x0  }
0x84: {  	s26 =	sadd.s32 $0x100, s25;
	[sflag:s12] =	ssyncadd.s32 $0xFFFFE000  }
0x85: {  	[tilespmem:s17], [sflag:$0x1] =	stream.indirect.gather [hbm4b:s5+s16], $0x40, s26, s16, $0xb8;
	[tilespmem:$0x13000] =	vst v63  }
0x86: {  	_ =	swait.ge [sflag:s20], $0x2000  }
.Ltmp1:
0x87: {  	[sflag:s20] =	ssyncset.done $0x0;
	(pc) =	sbr.rel @p0 .LBB2_4-.Ltmp1, $4  }
0x88: {  	s25 =	sadd.s32 $0x2880, s25;
	[sflag:s20] =	ssyncadd.s32 $0xFFFFE000  }
0x89: {  	[spmem:s2] =	stream.indirect.scatter.add.f32 [tilespmem:s18], [sflag:$0x3], $0x40, s25, s16, $0xb8;
	[tilespmem:$0x13000] =	vst v63  }
0x8a: {  	_ =	swait.ge [sflag:s12], $0x2000  }
0x8b: {  	s26 =	smov.u32 s30;
	s25 =	sshra.s32 s29, $0x2;
	[sflag:s12] =	ssyncset.done $0x0  }
0x8c: {  	s26 =	sadd.s32 $0x80, s25;
	[sflag:s12] =	ssyncadd.s32 $0xFFFFE000  }
0x8d: {  	[tilespmem:s18], [sflag:$0x2] =	stream.indirect.gather [hbm4b:s5+s16], $0x40, s26, s16, $0xb8;
	[tilespmem:$0x13000] =	vst v63  }
0x8e: {  	_ =	swait.ge [sflag:s19], $0x2000  }
0x8f: {  	[sflag:s19] =	ssyncset.done $0x0  }
0x90: {  	s29 =	sadd.s32 $0x2800, s25;
	[sflag:s19] =	ssyncadd.s32 $0xFFFFE000  }
0x91: {  	[spmem:s2] =	stream.indirect.scatter.add.f32 [tilespmem:s17], [sflag:$0x3], $0x40, s29, s16, $0xb8;
	[tilespmem:$0x13000] =	vst v63  }
0x92: {  	_ =	swait.ge [sflag:s12], $0x2000  }
0x93: {  	[sflag:s12] =	ssyncset.done $0x0  }
0x94: {  	s30 =	sadd.s32 $0x100, s25;
	[sflag:s12] =	ssyncadd.s32 $0xFFFFE000  }
0x95: {  	[tilespmem:s17], [sflag:$0x1] =	stream.indirect.gather [hbm4b:s5+s16], $0x40, s30, s16, $0xb8;
	[tilespmem:$0x13000] =	vst v63  }
0x96: {  	_ =	swait.ge [sflag:s20], $0x2000  }
0x97: {  	[sflag:s20] =	ssyncset.done $0x0  }
0x98: {  	s31 =	sadd.s32 $0x2880, s25;
	[sflag:s20] =	ssyncadd.s32 $0xFFFFE000  }
0x99: {  	[spmem:s2] =	stream.indirect.scatter.add.f32 [tilespmem:s18], [sflag:$0x3], $0x40, s31, s16, $0xb8;
	[tilespmem:$0x13000] =	vst v63  }
0x9a: {  	_ =	swait.ge [sflag:s12], $0x2000  }
0x9b: {  	[sflag:s12] =	ssyncset.done $0x0  }
0x9c: {  	[sflag:s12] =	ssyncadd.s32 $0xFFFFE000  }
0x9d: {  	[tilespmem:s18], [sflag:$0x2] =	stream.indirect.gather [hbm4b:s5+s16], $0x40, s21, s16, $0xb8;
	[tilespmem:$0x13000] =	vst v63  }
0x9e: {  	_ =	swait.ge [sflag:s19], $0x2000  }
0x9f: {  	[sflag:s19] =	ssyncset.done $0x0  }
0xa0: {  	[sflag:s19] =	ssyncadd.s32 $0xFFFFE000  }
0xa1: {  	[spmem:s2] =	stream.indirect.scatter.add.f32 [tilespmem:s17], [sflag:$0x3], $0x40, s22, s16, $0xb8;
	[tilespmem:$0x13000] =	vst v63  }
0xa2: {  	_ =	swait.ge [sflag:s12], $0x2000  }
0xa3: {  	[sflag:s12] =	ssyncset.done $0x0  }
0xa4: {  	[sflag:s12] =	ssyncadd.s32 $0xFFFFE000  }
0xa5: {  	_ =	swait.ge [sflag:s20], $0x2000  }
0xa6: {  	[sflag:s20] =	ssyncset.done $0x0  }
0xa7: {  	[sflag:s20] =	ssyncadd.s32 $0xFFFFE000  }
0xa8: {  	[spmem:s2] =	stream.indirect.scatter.add.f32 [tilespmem:s18], [sflag:$0x3], $0x40, s23, s16, $0xb8;
	[tilespmem:$0x13000] =	vst v63  }
0xa9: {  	_ =	swait.ge [sflag:s12], $0x2000  }
0xaa: {  	s24 =	sadd.s32 $0x1, s24;
	[sflag:s12] =	ssyncset.done $0x0  }
0xab: {  	p0 =	sne.s32 s24, s11;
	[sflag:s12] =	ssyncadd.s32 $0xFFFFE000  }
.Ltmp2:
0xac: {  	[bflag:$0x0] =	sbarrier.arrive $0xFFFF;
	(pc) =	sbr.rel @p0 .LBB2_1-.Ltmp2, $4  }
0xad: {  	[hbm:s10], [sflag:s14] =	dma.local [spmem:s15], $0x1400  }
0xae: {  	_ =	swait.ge [sflag:s12], $0x1400  }
0xaf: {  	[sflag:s12] =	ssyncset.done $0x0  }
0xb0: {  	[sflag:s12] =	ssyncadd.s32 $0xFFFFEC00  }
0xb1: {  	_ =	sfence.sel $0x180000  }
0xb2: {  	[bflag:$0x0] =	sbarrier.arrive $0xFFFF  }
0xb3: {  	p0 =	sne.s32 s0, $0x0;
	_ =	strace $0x90000047  }
0xb4: {  	s0 =	sadd.s32 @!p0 $0x100000, s1;
	[bflag:$0x2] =	sbarrier.arrive $0xFFFF  }
0xb5: {  	[sflag:s0] =	ssyncadd.tile.s32 @!p0 $0x1;
	_ =	shalt  }
.Lfunc_end2:
_tile_overlayer_lowered:
.L_overlay_start_2:
0xb6: {  	(tag) =	ssettag $0x2  }
0xb7: {  	s0 =	rddreg [dreg:$0x0];
	s2 =	stileid.u32  }
0xb8: {  	s1 =	rddreg [dreg:$0x1];
	p0 =	sne.s32 s2, $0x0  }
0xb9: {  	s3 =	rddreg [dreg:$0x2];
	[bflag:$0x3] =	sbarrier.arrive $0xFFFF;
	s2 =	simm.s32 @!p0 $0x1C03  }
0xba: {  	[timem:s3], [sflag:s2] =	dma.local @!p0 [hbm:s0], s1  }
0xbb: {  	s0 =	simm.s32 @!p0 $0x3  }
0xbc: {  	_ =	swait.ge @!p0 [sflag:s0], s1  }
0xbd: {  	s1 =	ssub.s32 @!p0 $0x0, s1;
	[sflag:s0] =	ssyncset.done @!p0 $0x0  }
0xbe: {  	[sflag:s0] =	ssyncadd.s32 @!p0 s1  }
0xbf: {  	[bflag:$0x3] =	sbarrier.arrive $0xFFFF  }
0xc0: {  	_ =	shalt  }

// kernel: kernel.16.cloned.1.call-start
scs
__scs_entry_jumppad:
0x0: {  	(pc) =	sbr.rel $0x88, $3  }
0x1: {  	(tag) =	ssettag $0x0;
	lr =	simm.s32 $0x1  }
0x2: {  	[smem:$0x3F88] =	sst lr;
	_ =	strace $0xD0000000  }
0x3: {  	_ = 	snop  }
0x4: {  	_ = 	snop  }
0x5: {  	_ = 	snop  }
0x6: {  	_ = 	snop  }
0x7: {  	_ = 	snop  }
__scs_overlays_trampoline_lowered:
0x8: {  	[smem:$0x3F97] =	sst s0  }
0x9: {  	[smem:$0x3F98] =	sst s1  }
0xa: {  	[smem:$0x3F99] =	sst s2  }
0xb: {  	[smem:$0x3F9A] =	sst s3  }
0xc: {  	[smem:$0x3F9B] =	sst s4  }
0xd: {  	[smem:$0x3F9C] =	sst s5  }
0xe: {  	[smem:$0x3F9D] =	sst s6  }
0xf: {  	[smem:$0x3F9E] =	sst s7  }
0x10: {  	[smem:$0x3F9F] =	sst s8  }
0x11: {  	[smem:$0x3FA0] =	sst s9;
	s0 =	simm.s32 @!p0 $0x0  }
0x12: {  	s1 =	sld [smem:$0x3F86];
	s0 =	simm.s32 @p0 $0x1  }
0x13: {  	[smem:$0x3FA1] =	sst s0;
	s0 =	simm.s32 @!p1 $0x0  }
0x14: {  	s2 =	sld [smem:$0x3F85];
	s0 =	simm.s32 @p1 $0x1  }
0x15: {  	[smem:$0x3FA2] =	sst s0;
	s0 =	simm.s32 @!p2 $0x0  }
0x16: {  	s3 =	sld [smem:$0x3FDB];
	s0 =	simm.s32 @p2 $0x1  }
0x17: {  	s4 =	simm.s32 $0x1BF5;
	[smem:$0x3FA4] =	sst s0  }
0x18: {  	s0 =	sld [smem:$0x3F87];
	_ =	swait.ge [sflag:s4], $0x0  }
0x19: {  	s7 =	sld [smem:$0x3F88]  }
0x1a: {  	s8 =	sadd.s32 $0xFFFFE003, lr  }
0x1b: {  	s9 =	sadd.s32 $0xFFFFFEF7, lr;
	s5 =	simm.s32 $0xFFFFFFFF;
	p2 =	slt.u32 s8, $0xFFFFF086  }
0x1c: {  	p1 =	slt.u32 s9, $0xF7A;
	s5 =	simm.s32 @!p2 $0x0  }
0x1d: {  	s5 =	simm.s32 @p1 $0x1;
	p0 =	seq.s32 s7, s2  }
0x1e: {  	s7 =	smul.u32 @!p0 $0xF7A, s2;
	p2 =	seq.s32 @!p0 s5, $0x0  }
0x1f: {  	s9 =	smul.u32 $0xF7A, s1;
	s8 =	simm.s32 @!p0 $0x1BF5;
	p2 =	por !p2, p0  }
0x20: {  	[sflag:s8] =	ssyncset.s32 @!p0 $0xFFFFF086;
	s6 =	sadd.s32 @!p0 s3, s7;
	s7 =	simm.s32 @!p0 $0x108  }
0x21: {  	s3 =	sadd.s32 s3, s9;
	s6 =	sadd.s32 @!p0 $0x88, s6;
	s7 =	simm.s32 @p2 $0x1082  }
0x22: {  	[simem:s7], [sflag:s8] =	dma.local @!p0 [hbm:s6], $0xF7A  }
0x23: {  	s9 =	sor.u32 $0xD0000000, s2;
	s6 =	simm.s32 $0x108;
	_ =	swait.ge @!p0 [sflag:s8], $0x0  }
0x24: {  	s3 =	sadd.s32 $0x88, s3;
	s6 =	simm.s32 @!p1 $0x1082;
	[sflag:s4] =	ssyncset.s32 $0xFFFFF086  }
0x25: {  	[simem:s6], [sflag:s4] =	dma.local [hbm:s3], $0xF7A  }
0x26: {  	[smem:$0x3F88] =	sst s1;
	(tag) =	ssettag s2;
	_ =	strace s9  }
0x27: {  	s1 =	sld [smem:$0x3F98]  }
0x28: {  	s2 =	sld [smem:$0x3F99]  }
0x29: {  	s4 =	sld [smem:$0x3F9B]  }
0x2a: {  	p0 =	seq.s32 s5, $0x0;
	s5 =	sld [smem:$0x3F9C]  }
0x2b: {  	s6 =	sld [smem:$0x3F9D]  }
0x2c: {  	s7 =	sld [smem:$0x3F9E]  }
0x2d: {  	s3 =	simm.s32 $0x108;
	s8 =	sld [smem:$0x3F9F]  }
0x2e: {  	s3 =	simm.s32 @!p0 $0x1082;
	s9 =	sld [smem:$0x3FA0]  }
0x2f: {  	lr =	sadd.s32 s0, s3;
	s0 =	sld [smem:$0x3F97]  }
0x30: {  	s3 =	sld [smem:$0x3F9A]  }
0x31: {  	[smem:$0x3FA3] =	sst s10  }
0x32: {  	s10 =	sld [smem:$0x3FA1];
	_ =	sdelay $0x3  }
0x33: {  	p0 =	seq.s32 s10, $0x1;
	s10 =	sld [smem:$0x3FA3];
	_ =	sdelay $0x3  }
0x34: {  	[smem:$0x3FA3] =	sst s10  }
0x35: {  	s10 =	sld [smem:$0x3FA2];
	_ =	sdelay $0x3  }
0x36: {  	p1 =	seq.s32 s10, $0x1;
	s10 =	sld [smem:$0x3FA3];
	_ =	sdelay $0x3  }
0x37: {  	[smem:$0x3FA3] =	sst s10  }
0x38: {  	s10 =	sld [smem:$0x3FA4]  }
0x39: {  	_ = 	snop;
	(pc) =	sbr.ind lr, $3  }
0x3a: {  	_ = 	snop  }
0x3b: {  	_ = 	snop  }
0x3c: {  	p2 =	seq.s32 s10, $0x1;
	s10 =	sld [smem:$0x3FA3]  }
0x3d: {  	_ =	shalt  }
0x3e: {  	_ =	shalt  }
0x3f: {  	_ =	shalt  }
0x40: {  	_ =	shalt  }
0x41: {  	_ =	shalt  }
0x42: {  	_ =	shalt  }
0x43: {  	_ =	shalt  }
0x44: {  	_ =	shalt  }
0x45: {  	_ =	shalt  }
0x46: {  	_ =	shalt  }
0x47: {  	_ =	shalt  }
0x48: {  	_ =	shalt  }
0x49: {  	_ =	shalt  }
0x4a: {  	_ =	shalt  }
0x4b: {  	_ =	shalt  }
0x4c: {  	_ =	shalt  }
0x4d: {  	_ =	shalt  }
0x4e: {  	_ =	shalt  }
0x4f: {  	_ =	shalt  }
0x50: {  	_ =	shalt  }
0x51: {  	_ =	shalt  }
0x52: {  	_ =	shalt  }
0x53: {  	_ =	shalt  }
0x54: {  	_ =	shalt  }
0x55: {  	_ =	shalt  }
0x56: {  	_ =	shalt  }
0x57: {  	_ =	shalt  }
0x58: {  	_ =	shalt  }
0x59: {  	_ =	shalt  }
0x5a: {  	_ =	shalt  }
0x5b: {  	_ =	shalt  }
0x5c: {  	_ =	shalt  }
0x5d: {  	_ =	shalt  }
0x5e: {  	_ =	shalt  }
0x5f: {  	_ =	shalt  }
0x60: {  	_ =	shalt  }
0x61: {  	_ =	shalt  }
0x62: {  	_ =	shalt  }
0x63: {  	_ =	shalt  }
0x64: {  	_ =	shalt  }
0x65: {  	_ =	shalt  }
0x66: {  	_ =	shalt  }
0x67: {  	_ =	shalt  }
0x68: {  	_ =	shalt  }
0x69: {  	_ =	shalt  }
0x6a: {  	_ =	shalt  }
0x6b: {  	_ =	shalt  }
0x6c: {  	_ =	shalt  }
0x6d: {  	_ =	shalt  }
0x6e: {  	_ =	shalt  }
0x6f: {  	_ =	shalt  }
0x70: {  	_ =	shalt  }
0x71: {  	_ =	shalt  }
0x72: {  	_ =	shalt  }
0x73: {  	_ =	shalt  }
0x74: {  	_ =	shalt  }
0x75: {  	_ =	shalt  }
0x76: {  	_ =	shalt  }
0x77: {  	_ =	shalt  }
0x78: {  	_ =	shalt  }
0x79: {  	_ =	shalt  }
0x7a: {  	_ =	shalt  }
0x7b: {  	_ =	shalt  }
0x7c: {  	_ =	shalt  }
0x7d: {  	_ =	shalt  }
0x7e: {  	_ =	shalt  }
0x7f: {  	_ =	shalt  }
0x80: {  	_ =	shalt  }
0x81: {  	_ =	shalt  }
0x82: {  	_ =	shalt  }
0x83: {  	_ =	shalt  }
0x84: {  	_ =	shalt  }
0x85: {  	_ =	shalt  }
0x86: {  	_ =	shalt  }
0x87: {  	_ =	shalt  }
.Lfunc_end0:
.L_simem_size_0:
called_computation.2_lowered:
.L_overlay_start_0:
0x88: {  	s2 =	sld [smem:$0x3FD9]  }
0x89: {  	s3 =	sld [smem:$0x3FFE];
	_ =	sdelay $0x1  }
0x8a: {  	s1 =	srdreg.scid  }
0x8b: {  	s0 =	sand.u32 $0x1, s1  }
0x8c: {  	s16 =	sshll.u32 s0, $0xA;
	s2 =	sadd.s32 s3, s2  }
0x8d: {  	s2 =	sadd.s32 s2, s16  }
0x8e: {  	[smem:$0x3FAF] =	sst s2  }
0x8f: {  	_ = 	snop  }
0x90: {  	(tm) =	ssettm $0x1  }
0x91: {  	s17 =	sld [smem:$0x3FFB];
	_ =	sdelay $0x3  }
0x92: {  	_ =	strace s17  }
0x93: {  	s2 =	sld [smem:$0x3FFC];
	_ =	sdelay $0x3  }
0x94: {  	_ =	strace s2  }
0x95: {  	s2 =	sld [smem:$0x3FFD];
	_ =	sdelay $0x3  }
0x96: {  	_ =	strace s2  }
0x97: {  	_ =	strace $0x8FFFFFFF  }
0x98: {  	s18 =	sld [smem:$0x3FDB];
	_ =	sdelay $0x1  }
0x99: {  	s19 =	simm.s32 $_scs_section_size  }
0x9a: {  	s4 =	simm.s32 $_size__tile_overlayer_lowered;
	s5 =	simm.s32 $_tile_overlayer_lowered  }
0x9b: {  	s22 =	simm.s32 $0x1BFF;
	s21 =	sshll.u32 s5, $0x1;
	s2 =	sadd.s32 s19, s18  }
0x9c: {  	s6 =	simm.s32 $0x0;
	s20 =	sshll.u32 s4, $0x1;
	s4 =	sadd.s32 s21, s2  }
0x9d: {  	[timem:s6], [sflag:s22] =	dma.local [hbm:s4], s20  }
0x9e: {  	_ =	swait.ge [sflag:s22], s20  }
0x9f: {  	s3 =	ssub.s32 $0x0, s20;
	[sflag:s22] =	ssyncset.done $0x0  }
0xa0: {  	[sflag:s22] =	ssyncadd.s32 s3;
	_ =	sdelay $0x1  }
0xa1: {  	s23 =	simm.s32 $0x1B8B  }
0xa2: {  	_ =	swait.ge [sflag:s23], $0x1  }
0xa3: {  	[sflag:s23] =	ssyncset.done $0x0  }
0xa4: {  	s25 =	simm.s32 $0x1B8E;
	s24 =	sld [smem:$0x3FFE];
	[sflag:s23] =	ssyncadd.s32 $0xFFFFFFFF  }
0xa5: {  	s26 =	simm.s32 $execute0_lowered;
	[smem:$0x3FD2] =	sst s25  }
0xa6: {  	s4 =	sshll.u32 s26, $0x1;
	_ =	strace $0x8000004C;
	[dreg:$0x1] =	wrdreg $0xFFFFFFFF  }
0xa7: {  	s28 =	simm.s32 $_size_execute0_lowered;
	s2 =	sadd.s32 s2, s4;
	[dreg:$0x0] =	wrdreg $0x0  }
0xa8: {  	s4 =	sshll.u32 s28, $0x1;
	[dreg:$0x2] =	wrdreg s2  }
0xa9: {  	[dreg:$0x3] =	wrdreg s4  }
0xaa: {  	[dreg:$0x4] =	wrdreg $0xC0  }
0xab: {  	_ =	task [dreg:s6], $0x5FFFF  }
0xac: {  	[dreg:$0x1] =	wrdreg $0xFFFFFFFF  }
0xad: {  	[dreg:$0x0] =	wrdreg $0x60  }
0xae: {  	[dreg:$0x2] =	wrdreg s24  }
0xaf: {  	[dreg:$0x3] =	wrdreg $0x90000  }
0xb0: {  	[dreg:$0x4] =	wrdreg $0x9  }
0xb1: {  	_ =	task.clear_ibuf [dreg:s6], $0x5FFFF;
	_ =	strace $0x9000004C  }
0xb2: {  	s29 =	simm.s32 $0x9;
	_ =	strace $0x8000004E  }
0xb3: {  	_ =	swait.ge [sflag:s29], $0x1  }
0xb4: {  	[sflag:s29] =	ssyncadd.s32 $0xFFFFFFFF  }
0xb5: {  	_ =	strace $0x9000004E  }
0xb6: {  	_ =	sfence  }
0xb7: {  	s30 =	sld [smem:$0x0];
	_ =	sdelay $0x2  }
0xb8: {  	s31 =	sshll.u32 s1, $0xD;
	s1 =	sshrl.u32 s1, $0x2  }
0xb9: {  	s3 =	sand.u32 $0x4000, s31;
	s1 =	sadd.s32 s1, s30  }
0xba: {  	s0 =	sor.u32 s3, s0;
	s1 =	sshll.u32 s1, $0x11  }
0xbb: {  	s0 =	sor.u32 s1, s0  }
0xbc: {  	s0 =	sadd.s32 $0x8F2B, s0  }
0xbd: {  	[sflag:s0] =	ssyncadd.remote.s32 $0x1  }
0xbe: {  	_ =	sfence.sel $0xFFFF  }
0xbf: {  	[dreg:$0x0] =	wrdreg $0xFFFFFFFF;
	(pc) =	sbr.abs _section_cstart, $3  }
0xc0: {  	[dreg:$0x1] =	wrdreg $0xFFFFFFFF  }
0xc1: {  	_ =	task.clear_ibuf [dreg:s6], $0x2FFFF;
	_ =	strace $0x9FFFFFFF  }
0xc2: {  	(tm) =	ssettm $0x7FFFFFFF  }
0xc3: {  	_ =	shalt  }
tec
execute0_lowered:
.L_overlay_start_1:
0x0: {  	(tag) =	ssettag $0x1  }
0x1: {  	s7 =	rddreg [dreg:$0x0]  }
0x2: {  	s0 =	srdreg.scid;
	s2 =	rddreg [dreg:$0x1];
	s3 =	simm.s32 $0x0  }
0x3: {  	s13 =	simm.s32 $0x2800;
	s16 =	simm.s32 $0x80;
	s17 =	simm.s32 $0x5000  }
0x4: {  	s18 =	simm.s32 $0x7000;
	s19 =	simm.s32 $0x1;
	s20 =	simm.s32 $0x2  }
0x5: {  	s21 =	simm.s32 $0x2780;
	s22 =	simm.s32 $0x4F00;
	s23 =	simm.s32 $0x4F80  }
0x6: {  	s24 =	simm.s32 $0x0;
	s6 =	sand.u32 $0x1, s0;
	s0 =	stileid.u32  }
0x7: {  	[smem:$0x7FF] =	sst s3;
	s4 =	sadd.s32 $0x8F600, s7;
	s9 =	smul.u32 $0xA000, s0  }
0x8: {  	s5 =	sadd.s32 $0x7BC00, s7;
	s1 =	sshll.u32 s6, $0x4;
	s10 =	smul.u32 $0xA0000, s6  }
0x9: {  	s6 =	ssub.s32 $0x2, s6;
	s14 =	sshll.u32 s0, $0x6;
	s1 =	sor.u32 s0, s1  }
0xa: {  	s12 =	sshrl.u32 s6, $0x1;
	s14 =	sor.u32 $0x1C03, s14;
	s8 =	smul.u32 $0x500, s1  }
0xb: {  	s1 =	rddreg [dreg:$0x2];
	_ =	strace $0x8000004D;
	s10 =	sadd.s32 s9, s10  }
0xc: {  	s11 =	sshrl.u32 s9, $0x3;
	s12 =	ssub.s32 s6, s12;
	s15 =	sadd.s32 s9, s2  }
0xd: {  	s10 =	sshrl.u32 s10, $0x3;
	s11 =	sadd.s32 s11, s7;
	s8 =	sadd.s32 s8, s7  }
0xe: {  	s15 =	sshrl.u32 s15, $0x3;
	s10 =	sadd.s32 s10, s7;
	s6 =	sadd.s32 $0x36A00, s8  }
0xf: {  	s7 =	sadd.s32 $0x2CA00, s8;
	s8 =	sadd.s32 $0x40A00, s11;
	s9 =	sadd.s32 $0xCB000, s10  }
0x10: {  	s10 =	sadd.s32 $0xA3000, s10;
	s11 =	smax.u32 s12, $0x1;
	s12 =	simm.s32 $0x3  }
.LBB2_1:
0x11: {  	[tilespmem:s3], [sflag:$0x3] =	stream.linear.gather [hbm4b:s6+s3], $0x2800, $0x38;
	[tilespmem:$0x13000] =	vst v63  }
0x12: {  	_ =	swait.ge [sflag:s12], $0x2800  }
0x13: {  	[sflag:s12] =	ssyncset.done $0x0  }
0x14: {  	[sflag:s12] =	ssyncadd.s32 $0xFFFFD800  }
0x15: {  	[tilespmem:s13], [sflag:$0x3] =	stream.linear.gather [hbm4b:s7+s3], $0x2800, $0x38;
	[tilespmem:$0x13000] =	vst v63  }
0x16: {  	_ =	swait.ge [sflag:s12], $0x2800  }
0x17: {  	[sflag:s12] =	ssyncset.done $0x0  }
0x18: {  	[sflag:s12] =	ssyncadd.s32 $0xFFFFD800  }
0x19: {  	[spmem:s15], [sflag:s14] =	dma.local [hbm:s8], $0x1400  }
0x1a: {  	_ =	swait.ge [sflag:s12], $0x1400  }
0x1b: {  	[sflag:s12] =	ssyncset.done $0x0  }
0x1c: {  	[sflag:s12] =	ssyncadd.s32 $0xFFFFEC00  }
0x1d: {  	[bflag:$0x0] =	sbarrier.arrive $0xFFFF  }
0x1e: {  	[tilespmem:s17], [sflag:$0x1] =	stream.indirect.gather [hbm4b:s4+s16], $0x40, s3, s16, $0xb8;
	[tilespmem:$0x13000] =	vst v63  }
0x1f: {  	s25 =	simm.s32 $0x80  }
0x20: {  	[tilespmem:s18], [sflag:$0x2] =	stream.indirect.gather [hbm4b:s4+s16], $0x40, s25, s16, $0xb8;
	[tilespmem:$0x13000] =	vst v63  }
0x21: {  	_ =	swait.ge [sflag:s19], $0x2000  }
0x22: {  	[sflag:s19] =	ssyncset.done $0x0  }
0x23: {  	s29 =	simm.s32 $0x2800;
	[sflag:s19] =	ssyncadd.s32 $0xFFFFE000  }
0x24: {  	[spmem:s2] =	stream.indirect.scatter.add.f32 [tilespmem:s17], [sflag:$0x3], $0x40, s29, s16, $0xb8;
	[tilespmem:$0x13000] =	vst v63  }
0x25: {  	_ =	swait.ge [sflag:s12], $0x2000  }
0x26: {  	[sflag:s12] =	ssyncset.done $0x0  }
0x27: {  	s30 =	simm.s32 $0x100;
	[sflag:s12] =	ssyncadd.s32 $0xFFFFE000  }
0x28: {  	[tilespmem:s17], [sflag:$0x1] =	stream.indirect.gather [hbm4b:s4+s16], $0x40, s30, s16, $0xb8;
	[tilespmem:$0x13000] =	vst v63  }
0x29: {  	_ =	swait.ge [sflag:s20], $0x2000  }
0x2a: {  	[sflag:s20] =	ssyncset.done $0x0  }
0x2b: {  	s31 =	simm.s32 $0x2880;
	[sflag:s20] =	ssyncadd.s32 $0xFFFFE000  }
0x2c: {  	[spmem:s2] =	stream.indirect.scatter.add.f32 [tilespmem:s18], [sflag:$0x3], $0x40, s31, s16, $0xb8;
	[tilespmem:$0x13000] =	vst v63  }
0x2d: {  	_ =	swait.ge [sflag:s12], $0x2000  }
0x2e: {  	s26 =	simm.s32 $0x800;
	s25 =	simm.s32 $0x100;
	[sflag:s12] =	ssyncset.done $0x0  }
.LBB2_2:
0x2f: {  	s28 =	sadd.s32 $0x80, s25  }
0x30: {  	[sflag:s12] =	ssyncadd.s32 $0xFFFFE000;
	s29 =	smov.u32 s26;
	s30 =	sadd.s32 $0x400, s26  }
0x31: {  	[tilespmem:s18], [sflag:$0x2] =	stream.indirect.gather [hbm4b:s4+s16], $0x40, s28, s16, $0xb8;
	[tilespmem:$0x13000] =	vst v63  }
0x32: {  	p0 =	sne.s32 s26, $0x9800;
	_ =	swait.ge [sflag:s19], $0x2000  }
0x33: {  	[sflag:s19] =	ssyncset.done $0x0  }
0x34: {  	s26 =	sadd.s32 $0x2800, s25;
	[sflag:s19] =	ssyncadd.s32 $0xFFFFE000  }
0x35: {  	[spmem:s2] =	stream.indirect.scatter.add.f32 [tilespmem:s17], [sflag:$0x3], $0x40, s26, s16, $0xb8;
	[tilespmem:$0x13000] =	vst v63  }
0x36: {  	_ =	swait.ge [sflag:s12], $0x2000  }
0x37: {  	[sflag:s12] =	ssyncset.done $0x0  }
0x38: {  	s26 =	sadd.s32 $0x100, s25;
	[sflag:s12] =	ssyncadd.s32 $0xFFFFE000  }
0x39: {  	[tilespmem:s17], [sflag:$0x1] =	stream.indirect.gather [hbm4b:s4+s16], $0x40, s26, s16, $0xb8;
	[tilespmem:$0x13000] =	vst v63  }
0x3a: {  	_ =	swait.ge [sflag:s20], $0x2000  }
.Ltmp0:
0x3b: {  	[sflag:s20] =	ssyncset.done $0x0;
	(pc) =	sbr.rel @p0 .LBB2_2-.Ltmp0, $4  }
0x3c: {  	s25 =	sadd.s32 $0x2880, s25;
	[sflag:s20] =	ssyncadd.s32 $0xFFFFE000  }
0x3d: {  	[spmem:s2] =	stream.indirect.scatter.add.f32 [tilespmem:s18], [sflag:$0x3], $0x40, s25, s16, $0xb8;
	[tilespmem:$0x13000] =	vst v63  }
0x3e: {  	_ =	swait.ge [sflag:s12], $0x2000  }
0x3f: {  	s26 =	smov.u32 s30;
	s25 =	sshra.s32 s29, $0x2;
	[sflag:s12] =	ssyncset.done $0x0  }
0x40: {  	s26 =	sadd.s32 $0x80, s25;
	[sflag:s12] =	ssyncadd.s32 $0xFFFFE000  }
0x41: {  	[tilespmem:s18], [sflag:$0x2] =	stream.indirect.gather [hbm4b:s4+s16], $0x40, s26, s16, $0xb8;
	[tilespmem:$0x13000] =	vst v63  }
0x42: {  	_ =	swait.ge [sflag:s19], $0x2000  }
0x43: {  	[sflag:s19] =	ssyncset.done $0x0  }
0x44: {  	s29 =	sadd.s32 $0x2800, s25;
	[sflag:s19] =	ssyncadd.s32 $0xFFFFE000  }
0x45: {  	[spmem:s2] =	stream.indirect.scatter.add.f32 [tilespmem:s17], [sflag:$0x3], $0x40, s29, s16, $0xb8;
	[tilespmem:$0x13000] =	vst v63  }
0x46: {  	_ =	swait.ge [sflag:s12], $0x2000  }
0x47: {  	[sflag:s12] =	ssyncset.done $0x0  }
0x48: {  	s30 =	sadd.s32 $0x100, s25;
	[sflag:s12] =	ssyncadd.s32 $0xFFFFE000  }
0x49: {  	[tilespmem:s17], [sflag:$0x1] =	stream.indirect.gather [hbm4b:s4+s16], $0x40, s30, s16, $0xb8;
	[tilespmem:$0x13000] =	vst v63  }
0x4a: {  	_ =	swait.ge [sflag:s20], $0x2000  }
0x4b: {  	[sflag:s20] =	ssyncset.done $0x0  }
0x4c: {  	s31 =	sadd.s32 $0x2880, s25;
	[sflag:s20] =	ssyncadd.s32 $0xFFFFE000  }
0x4d: {  	[spmem:s2] =	stream.indirect.scatter.add.f32 [tilespmem:s18], [sflag:$0x3], $0x40, s31, s16, $0xb8;
	[tilespmem:$0x13000] =	vst v63  }
0x4e: {  	_ =	swait.ge [sflag:s12], $0x2000  }
0x4f: {  	[sflag:s12] =	ssyncset.done $0x0  }
0x50: {  	[sflag:s12] =	ssyncadd.s32 $0xFFFFE000  }
0x51: {  	[tilespmem:s18], [sflag:$0x2] =	stream.indirect.gather [hbm4b:s4+s16], $0x40, s21, s16, $0xb8;
	[tilespmem:$0x13000] =	vst v63  }
0x52: {  	_ =	swait.ge [sflag:s19], $0x2000  }
0x53: {  	[sflag:s19] =	ssyncset.done $0x0  }
0x54: {  	[sflag:s19] =	ssyncadd.s32 $0xFFFFE000  }
0x55: {  	[spmem:s2] =	stream.indirect.scatter.add.f32 [tilespmem:s17], [sflag:$0x3], $0x40, s22, s16, $0xb8;
	[tilespmem:$0x13000] =	vst v63  }
0x56: {  	_ =	swait.ge [sflag:s12], $0x2000  }
0x57: {  	[sflag:s12] =	ssyncset.done $0x0  }
0x58: {  	[sflag:s12] =	ssyncadd.s32 $0xFFFFE000  }
0x59: {  	_ =	swait.ge [sflag:s20], $0x2000  }
0x5a: {  	[sflag:s20] =	ssyncset.done $0x0  }
0x5b: {  	[sflag:s20] =	ssyncadd.s32 $0xFFFFE000  }
0x5c: {  	[spmem:s2] =	stream.indirect.scatter.add.f32 [tilespmem:s18], [sflag:$0x3], $0x40, s23, s16, $0xb8;
	[tilespmem:$0x13000] =	vst v63  }
0x5d: {  	_ =	swait.ge [sflag:s12], $0x2000  }
0x5e: {  	[sflag:s12] =	ssyncset.done $0x0  }
0x5f: {  	[sflag:s12] =	ssyncadd.s32 $0xFFFFE000  }
0x60: {  	[bflag:$0x0] =	sbarrier.arrive $0xFFFF  }
0x61: {  	[hbm:s9], [sflag:s14] =	dma.local [spmem:s15], $0x1400  }
0x62: {  	_ =	swait.ge [sflag:s12], $0x1400  }
0x63: {  	[sflag:s12] =	ssyncset.done $0x0  }
0x64: {  	[sflag:s12] =	ssyncadd.s32 $0xFFFFEC00  }
0x65: {  	[spmem:s15], [sflag:s14] =	dma.local [hbm:s8], $0x1400  }
0x66: {  	_ =	swait.ge [sflag:s12], $0x1400  }
0x67: {  	[sflag:s12] =	ssyncset.done $0x0  }
0x68: {  	[sflag:s12] =	ssyncadd.s32 $0xFFFFEC00  }
0x69: {  	s26 =	simm.s32 $0x0;
	[bflag:$0x0] =	sbarrier.arrive $0xFFFF  }
0x6a: {  	[tilespmem:s17], [sflag:$0x1] =	stream.indirect.gather [hbm4b:s5+s16], $0x40, s26, s16, $0xb8;
	[tilespmem:$0x13000] =	vst v63  }
0x6b: {  	s28 =	simm.s32 $0x80  }
0x6c: {  	[tilespmem:s18], [sflag:$0x2] =	stream.indirect.gather [hbm4b:s5+s16], $0x40, s28, s16, $0xb8;
	[tilespmem:$0x13000] =	vst v63  }
0x6d: {  	_ =	swait.ge [sflag:s19], $0x2000  }
0x6e: {  	[sflag:s19] =	ssyncset.done $0x0  }
0x6f: {  	s29 =	simm.s32 $0x2800;
	[sflag:s19] =	ssyncadd.s32 $0xFFFFE000  }
0x70: {  	[spmem:s2] =	stream.indirect.scatter.add.f32 [tilespmem:s17], [sflag:$0x3], $0x40, s29, s16, $0xb8;
	[tilespmem:$0x13000] =	vst v63  }
0x71: {  	_ =	swait.ge [sflag:s12], $0x2000  }
0x72: {  	[sflag:s12] =	ssyncset.done $0x0  }
0x73: {  	s30 =	simm.s32 $0x100;
	[sflag:s12] =	ssyncadd.s32 $0xFFFFE000  }
0x74: {  	[tilespmem:s17], [sflag:$0x1] =	stream.indirect.gather [hbm4b:s5+s16], $0x40, s30, s16, $0xb8;
	[tilespmem:$0x13000] =	vst v63  }
0x75: {  	_ =	swait.ge [sflag:s20], $0x2000  }
0x76: {  	[sflag:s20] =	ssyncset.done $0x0  }
0x77: {  	s31 =	simm.s32 $0x2880;
	[sflag:s20] =	ssyncadd.s32 $0xFFFFE000  }
0x78: {  	[spmem:s2] =	stream.indirect.scatter.add.f32 [tilespmem:s18], [sflag:$0x3], $0x40, s31, s16, $0xb8;
	[tilespmem:$0x13000] =	vst v63  }
0x79: {  	_ =	swait.ge [sflag:s12], $0x2000  }
0x7a: {  	s25 =	simm.s32 $0x100;
	s26 =	simm.s32 $0x800;
	[sflag:s12] =	ssyncset.done $0x0  }
.LBB2_4:
0x7b: {  	s28 =	sadd.s32 $0x80, s25  }
0x7c: {  	[sflag:s12] =	ssyncadd.s32 $0xFFFFE000;
	s29 =	smov.u32 s26;
	s30 =	sadd.s32 $0x400, s26  }
0x7d: {  	[tilespmem:s18], [sflag:$0x2] =	stream.indirect.gather [hbm4b:s5+s16], $0x40, s28, s16, $0xb8;
	[tilespmem:$0x13000] =	vst v63  }
0x7e: {  	p0 =	sne.s32 s26, $0x9800;
	_ =	swait.ge [sflag:s19], $0x2000  }
0x7f: {  	[sflag:s19] =	ssyncset.done $0x0  }
0x80: {  	s26 =	sadd.s32 $0x2800, s25;
	[sflag:s19] =	ssyncadd.s32 $0xFFFFE000  }
0x81: {  	[spmem:s2] =	stream.indirect.scatter.add.f32 [tilespmem:s17], [sflag:$0x3], $0x40, s26, s16, $0xb8;
	[tilespmem:$0x13000] =	vst v63  }
0x82: {  	_ =	swait.ge [sflag:s12], $0x2000  }
0x83: {  	[sflag:s12] =	ssyncset.done $0x0  }
0x84: {  	s26 =	sadd.s32 $0x100, s25;
	[sflag:s12] =	ssyncadd.s32 $0xFFFFE000  }
0x85: {  	[tilespmem:s17], [sflag:$0x1] =	stream.indirect.gather [hbm4b:s5+s16], $0x40, s26, s16, $0xb8;
	[tilespmem:$0x13000] =	vst v63  }
0x86: {  	_ =	swait.ge [sflag:s20], $0x2000  }
.Ltmp1:
0x87: {  	[sflag:s20] =	ssyncset.done $0x0;
	(pc) =	sbr.rel @p0 .LBB2_4-.Ltmp1, $4  }
0x88: {  	s25 =	sadd.s32 $0x2880, s25;
	[sflag:s20] =	ssyncadd.s32 $0xFFFFE000  }
0x89: {  	[spmem:s2] =	stream.indirect.scatter.add.f32 [tilespmem:s18], [sflag:$0x3], $0x40, s25, s16, $0xb8;
	[tilespmem:$0x13000] =	vst v63  }
0x8a: {  	_ =	swait.ge [sflag:s12], $0x2000  }
0x8b: {  	s26 =	smov.u32 s30;
	s25 =	sshra.s32 s29, $0x2;
	[sflag:s12] =	ssyncset.done $0x0  }
0x8c: {  	s26 =	sadd.s32 $0x80, s25;
	[sflag:s12] =	ssyncadd.s32 $0xFFFFE000  }
0x8d: {  	[tilespmem:s18], [sflag:$0x2] =	stream.indirect.gather [hbm4b:s5+s16], $0x40, s26, s16, $0xb8;
	[tilespmem:$0x13000] =	vst v63  }
0x8e: {  	_ =	swait.ge [sflag:s19], $0x2000  }
0x8f: {  	[sflag:s19] =	ssyncset.done $0x0  }
0x90: {  	s29 =	sadd.s32 $0x2800, s25;
	[sflag:s19] =	ssyncadd.s32 $0xFFFFE000  }
0x91: {  	[spmem:s2] =	stream.indirect.scatter.add.f32 [tilespmem:s17], [sflag:$0x3], $0x40, s29, s16, $0xb8;
	[tilespmem:$0x13000] =	vst v63  }
0x92: {  	_ =	swait.ge [sflag:s12], $0x2000  }
0x93: {  	[sflag:s12] =	ssyncset.done $0x0  }
0x94: {  	s30 =	sadd.s32 $0x100, s25;
	[sflag:s12] =	ssyncadd.s32 $0xFFFFE000  }
0x95: {  	[tilespmem:s17], [sflag:$0x1] =	stream.indirect.gather [hbm4b:s5+s16], $0x40, s30, s16, $0xb8;
	[tilespmem:$0x13000] =	vst v63  }
0x96: {  	_ =	swait.ge [sflag:s20], $0x2000  }
0x97: {  	[sflag:s20] =	ssyncset.done $0x0  }
0x98: {  	s31 =	sadd.s32 $0x2880, s25;
	[sflag:s20] =	ssyncadd.s32 $0xFFFFE000  }
0x99: {  	[spmem:s2] =	stream.indirect.scatter.add.f32 [tilespmem:s18], [sflag:$0x3], $0x40, s31, s16, $0xb8;
	[tilespmem:$0x13000] =	vst v63  }
0x9a: {  	_ =	swait.ge [sflag:s12], $0x2000  }
0x9b: {  	[sflag:s12] =	ssyncset.done $0x0  }
0x9c: {  	[sflag:s12] =	ssyncadd.s32 $0xFFFFE000  }
0x9d: {  	[tilespmem:s18], [sflag:$0x2] =	stream.indirect.gather [hbm4b:s5+s16], $0x40, s21, s16, $0xb8;
	[tilespmem:$0x13000] =	vst v63  }
0x9e: {  	_ =	swait.ge [sflag:s19], $0x2000  }
0x9f: {  	[sflag:s19] =	ssyncset.done $0x0  }
0xa0: {  	[sflag:s19] =	ssyncadd.s32 $0xFFFFE000  }
0xa1: {  	[spmem:s2] =	stream.indirect.scatter.add.f32 [tilespmem:s17], [sflag:$0x3], $0x40, s22, s16, $0xb8;
	[tilespmem:$0x13000] =	vst v63  }
0xa2: {  	_ =	swait.ge [sflag:s12], $0x2000  }
0xa3: {  	[sflag:s12] =	ssyncset.done $0x0  }
0xa4: {  	[sflag:s12] =	ssyncadd.s32 $0xFFFFE000  }
0xa5: {  	_ =	swait.ge [sflag:s20], $0x2000  }
0xa6: {  	[sflag:s20] =	ssyncset.done $0x0  }
0xa7: {  	[sflag:s20] =	ssyncadd.s32 $0xFFFFE000  }
0xa8: {  	[spmem:s2] =	stream.indirect.scatter.add.f32 [tilespmem:s18], [sflag:$0x3], $0x40, s23, s16, $0xb8;
	[tilespmem:$0x13000] =	vst v63  }
0xa9: {  	_ =	swait.ge [sflag:s12], $0x2000  }
0xaa: {  	s24 =	sadd.s32 $0x1, s24;
	[sflag:s12] =	ssyncset.done $0x0  }
0xab: {  	p0 =	sne.s32 s24, s11;
	[sflag:s12] =	ssyncadd.s32 $0xFFFFE000  }
.Ltmp2:
0xac: {  	[bflag:$0x0] =	sbarrier.arrive $0xFFFF;
	(pc) =	sbr.rel @p0 .LBB2_1-.Ltmp2, $4  }
0xad: {  	[hbm:s10], [sflag:s14] =	dma.local [spmem:s15], $0x1400  }
0xae: {  	_ =	swait.ge [sflag:s12], $0x1400  }
0xaf: {  	[sflag:s12] =	ssyncset.done $0x0  }
0xb0: {  	[sflag:s12] =	ssyncadd.s32 $0xFFFFEC00  }
0xb1: {  	_ =	sfence.sel $0x180000  }
0xb2: {  	[bflag:$0x0] =	sbarrier.arrive $0xFFFF  }
0xb3: {  	p0 =	sne.s32 s0, $0x0;
	_ =	strace $0x9000004D  }
0xb4: {  	s0 =	sadd.s32 @!p0 $0x100000, s1;
	[bflag:$0x2] =	sbarrier.arrive $0xFFFF  }
0xb5: {  	[sflag:s0] =	ssyncadd.tile.s32 @!p0 $0x1;
	_ =	shalt  }
.Lfunc_end2:
_tile_overlayer_lowered:
.L_overlay_start_2:
0xb6: {  	(tag) =	ssettag $0x2  }
0xb7: {  	s0 =	rddreg [dreg:$0x0];
	s2 =	stileid.u32  }
0xb8: {  	s1 =	rddreg [dreg:$0x1];
	p0 =	sne.s32 s2, $0x0  }
0xb9: {  	s3 =	rddreg [dreg:$0x2];
	[bflag:$0x3] =	sbarrier.arrive $0xFFFF;
	s2 =	simm.s32 @!p0 $0x1C03  }
0xba: {  	[timem:s3], [sflag:s2] =	dma.local @!p0 [hbm:s0], s1  }
0xbb: {  	s0 =	simm.s32 @!p0 $0x3  }
0xbc: {  	_ =	swait.ge @!p0 [sflag:s0], s1  }
0xbd: {  	s1 =	ssub.s32 @!p0 $0x0, s1;
	[sflag:s0] =	ssyncset.done @!p0 $0x0  }
0xbe: {  	[sflag:s0] =	ssyncadd.s32 @!p0 s1  }
0xbf: {  	[bflag:$0x3] =	sbarrier.arrive $0xFFFF  }
0xc0: {  	_ =	shalt  }

// kernel: kernel.19.cloned.1.call-start
scs
__scs_entry_jumppad:
0x0: {  	(pc) =	sbr.rel $0x88, $3  }
0x1: {  	(tag) =	ssettag $0x0;
	lr =	simm.s32 $0x1  }
0x2: {  	[smem:$0x3F88] =	sst lr;
	_ =	strace $0xD0000000  }
0x3: {  	_ = 	snop  }
0x4: {  	_ = 	snop  }
0x5: {  	_ = 	snop  }
0x6: {  	_ = 	snop  }
0x7: {  	_ = 	snop  }
__scs_overlays_trampoline_lowered:
0x8: {  	[smem:$0x3F97] =	sst s0  }
0x9: {  	[smem:$0x3F98] =	sst s1  }
0xa: {  	[smem:$0x3F99] =	sst s2  }
0xb: {  	[smem:$0x3F9A] =	sst s3  }
0xc: {  	[smem:$0x3F9B] =	sst s4  }
0xd: {  	[smem:$0x3F9C] =	sst s5  }
0xe: {  	[smem:$0x3F9D] =	sst s6  }
0xf: {  	[smem:$0x3F9E] =	sst s7  }
0x10: {  	[smem:$0x3F9F] =	sst s8  }
0x11: {  	[smem:$0x3FA0] =	sst s9;
	s0 =	simm.s32 @!p0 $0x0  }
0x12: {  	s1 =	sld [smem:$0x3F86];
	s0 =	simm.s32 @p0 $0x1  }
0x13: {  	[smem:$0x3FA1] =	sst s0;
	s0 =	simm.s32 @!p1 $0x0  }
0x14: {  	s2 =	sld [smem:$0x3F85];
	s0 =	simm.s32 @p1 $0x1  }
0x15: {  	[smem:$0x3FA2] =	sst s0;
	s0 =	simm.s32 @!p2 $0x0  }
0x16: {  	s3 =	sld [smem:$0x3FDB];
	s0 =	simm.s32 @p2 $0x1  }
0x17: {  	s4 =	simm.s32 $0x1BF5;
	[smem:$0x3FA4] =	sst s0  }
0x18: {  	s0 =	sld [smem:$0x3F87];
	_ =	swait.ge [sflag:s4], $0x0  }
0x19: {  	s7 =	sld [smem:$0x3F88]  }
0x1a: {  	s8 =	sadd.s32 $0xFFFFE003, lr  }
0x1b: {  	s9 =	sadd.s32 $0xFFFFFEF7, lr;
	s5 =	simm.s32 $0xFFFFFFFF;
	p2 =	slt.u32 s8, $0xFFFFF086  }
0x1c: {  	p1 =	slt.u32 s9, $0xF7A;
	s5 =	simm.s32 @!p2 $0x0  }
0x1d: {  	s5 =	simm.s32 @p1 $0x1;
	p0 =	seq.s32 s7, s2  }
0x1e: {  	s7 =	smul.u32 @!p0 $0xF7A, s2;
	p2 =	seq.s32 @!p0 s5, $0x0  }
0x1f: {  	s9 =	smul.u32 $0xF7A, s1;
	s8 =	simm.s32 @!p0 $0x1BF5;
	p2 =	por !p2, p0  }
0x20: {  	[sflag:s8] =	ssyncset.s32 @!p0 $0xFFFFF086;
	s6 =	sadd.s32 @!p0 s3, s7;
	s7 =	simm.s32 @!p0 $0x108  }
0x21: {  	s3 =	sadd.s32 s3, s9;
	s6 =	sadd.s32 @!p0 $0x88, s6;
	s7 =	simm.s32 @p2 $0x1082  }
0x22: {  	[simem:s7], [sflag:s8] =	dma.local @!p0 [hbm:s6], $0xF7A  }
0x23: {  	s9 =	sor.u32 $0xD0000000, s2;
	s6 =	simm.s32 $0x108;
	_ =	swait.ge @!p0 [sflag:s8], $0x0  }
0x24: {  	s3 =	sadd.s32 $0x88, s3;
	s6 =	simm.s32 @!p1 $0x1082;
	[sflag:s4] =	ssyncset.s32 $0xFFFFF086  }
0x25: {  	[simem:s6], [sflag:s4] =	dma.local [hbm:s3], $0xF7A  }
0x26: {  	[smem:$0x3F88] =	sst s1;
	(tag) =	ssettag s2;
	_ =	strace s9  }
0x27: {  	s1 =	sld [smem:$0x3F98]  }
0x28: {  	s2 =	sld [smem:$0x3F99]  }
0x29: {  	s4 =	sld [smem:$0x3F9B]  }
0x2a: {  	p0 =	seq.s32 s5, $0x0;
	s5 =	sld [smem:$0x3F9C]  }
0x2b: {  	s6 =	sld [smem:$0x3F9D]  }
0x2c: {  	s7 =	sld [smem:$0x3F9E]  }
0x2d: {  	s3 =	simm.s32 $0x108;
	s8 =	sld [smem:$0x3F9F]  }
0x2e: {  	s3 =	simm.s32 @!p0 $0x1082;
	s9 =	sld [smem:$0x3FA0]  }
0x2f: {  	lr =	sadd.s32 s0, s3;
	s0 =	sld [smem:$0x3F97]  }
0x30: {  	s3 =	sld [smem:$0x3F9A]  }
0x31: {  	[smem:$0x3FA3] =	sst s10  }
0x32: {  	s10 =	sld [smem:$0x3FA1];
	_ =	sdelay $0x3  }
0x33: {  	p0 =	seq.s32 s10, $0x1;
	s10 =	sld [smem:$0x3FA3];
	_ =	sdelay $0x3  }
0x34: {  	[smem:$0x3FA3] =	sst s10  }
0x35: {  	s10 =	sld [smem:$0x3FA2];
	_ =	sdelay $0x3  }
0x36: {  	p1 =	seq.s32 s10, $0x1;
	s10 =	sld [smem:$0x3FA3];
	_ =	sdelay $0x3  }
0x37: {  	[smem:$0x3FA3] =	sst s10  }
0x38: {  	s10 =	sld [smem:$0x3FA4]  }
0x39: {  	_ = 	snop;
	(pc) =	sbr.ind lr, $3  }
0x3a: {  	_ = 	snop  }
0x3b: {  	_ = 	snop  }
0x3c: {  	p2 =	seq.s32 s10, $0x1;
	s10 =	sld [smem:$0x3FA3]  }
0x3d: {  	_ =	shalt  }
0x3e: {  	_ =	shalt  }
0x3f: {  	_ =	shalt  }
0x40: {  	_ =	shalt  }
0x41: {  	_ =	shalt  }
0x42: {  	_ =	shalt  }
0x43: {  	_ =	shalt  }
0x44: {  	_ =	shalt  }
0x45: {  	_ =	shalt  }
0x46: {  	_ =	shalt  }
0x47: {  	_ =	shalt  }
0x48: {  	_ =	shalt  }
0x49: {  	_ =	shalt  }
0x4a: {  	_ =	shalt  }
0x4b: {  	_ =	shalt  }
0x4c: {  	_ =	shalt  }
0x4d: {  	_ =	shalt  }
0x4e: {  	_ =	shalt  }
0x4f: {  	_ =	shalt  }
0x50: {  	_ =	shalt  }
0x51: {  	_ =	shalt  }
0x52: {  	_ =	shalt  }
0x53: {  	_ =	shalt  }
0x54: {  	_ =	shalt  }
0x55: {  	_ =	shalt  }
0x56: {  	_ =	shalt  }
0x57: {  	_ =	shalt  }
0x58: {  	_ =	shalt  }
0x59: {  	_ =	shalt  }
0x5a: {  	_ =	shalt  }
0x5b: {  	_ =	shalt  }
0x5c: {  	_ =	shalt  }
0x5d: {  	_ =	shalt  }
0x5e: {  	_ =	shalt  }
0x5f: {  	_ =	shalt  }
0x60: {  	_ =	shalt  }
0x61: {  	_ =	shalt  }
0x62: {  	_ =	shalt  }
0x63: {  	_ =	shalt  }
0x64: {  	_ =	shalt  }
0x65: {  	_ =	shalt  }
0x66: {  	_ =	shalt  }
0x67: {  	_ =	shalt  }
0x68: {  	_ =	shalt  }
0x69: {  	_ =	shalt  }
0x6a: {  	_ =	shalt  }
0x6b: {  	_ =	shalt  }
0x6c: {  	_ =	shalt  }
0x6d: {  	_ =	shalt  }
0x6e: {  	_ =	shalt  }
0x6f: {  	_ =	shalt  }
0x70: {  	_ =	shalt  }
0x71: {  	_ =	shalt  }
0x72: {  	_ =	shalt  }
0x73: {  	_ =	shalt  }
0x74: {  	_ =	shalt  }
0x75: {  	_ =	shalt  }
0x76: {  	_ =	shalt  }
0x77: {  	_ =	shalt  }
0x78: {  	_ =	shalt  }
0x79: {  	_ =	shalt  }
0x7a: {  	_ =	shalt  }
0x7b: {  	_ =	shalt  }
0x7c: {  	_ =	shalt  }
0x7d: {  	_ =	shalt  }
0x7e: {  	_ =	shalt  }
0x7f: {  	_ =	shalt  }
0x80: {  	_ =	shalt  }
0x81: {  	_ =	shalt  }
0x82: {  	_ =	shalt  }
0x83: {  	_ =	shalt  }
0x84: {  	_ =	shalt  }
0x85: {  	_ =	shalt  }
0x86: {  	_ =	shalt  }
0x87: {  	_ =	shalt  }
.Lfunc_end0:
.L_simem_size_0:
called_computation.3_lowered:
.L_overlay_start_0:
0x88: {  	s2 =	sld [smem:$0x3FD9]  }
0x89: {  	s3 =	sld [smem:$0x3FFE];
	_ =	sdelay $0x1  }
0x8a: {  	s1 =	srdreg.scid  }
0x8b: {  	s0 =	sand.u32 $0x1, s1  }
0x8c: {  	s16 =	sshll.u32 s0, $0xA;
	s2 =	sadd.s32 s3, s2  }
0x8d: {  	s2 =	sadd.s32 s2, s16  }
0x8e: {  	[smem:$0x3FAF] =	sst s2  }
0x8f: {  	_ = 	snop  }
0x90: {  	(tm) =	ssettm $0x1  }
0x91: {  	s17 =	sld [smem:$0x3FFB];
	_ =	sdelay $0x3  }
0x92: {  	_ =	strace s17  }
0x93: {  	s2 =	sld [smem:$0x3FFC];
	_ =	sdelay $0x3  }
0x94: {  	_ =	strace s2  }
0x95: {  	s2 =	sld [smem:$0x3FFD];
	_ =	sdelay $0x3  }
0x96: {  	_ =	strace s2  }
0x97: {  	_ =	strace $0x8FFFFFFF  }
0x98: {  	s18 =	sld [smem:$0x3FDB];
	_ =	sdelay $0x1  }
0x99: {  	s19 =	simm.s32 $_scs_section_size  }
0x9a: {  	s4 =	simm.s32 $_size__tile_overlayer_lowered;
	s5 =	simm.s32 $_tile_overlayer_lowered  }
0x9b: {  	s22 =	simm.s32 $0x1BFF;
	s21 =	sshll.u32 s5, $0x1;
	s2 =	sadd.s32 s19, s18  }
0x9c: {  	s6 =	simm.s32 $0x0;
	s20 =	sshll.u32 s4, $0x1;
	s4 =	sadd.s32 s21, s2  }
0x9d: {  	[timem:s6], [sflag:s22] =	dma.local [hbm:s4], s20  }
0x9e: {  	_ =	swait.ge [sflag:s22], s20  }
0x9f: {  	s3 =	ssub.s32 $0x0, s20;
	[sflag:s22] =	ssyncset.done $0x0  }
0xa0: {  	[sflag:s22] =	ssyncadd.s32 s3;
	_ =	sdelay $0x1  }
0xa1: {  	s23 =	simm.s32 $0x1B8B  }
0xa2: {  	_ =	swait.ge [sflag:s23], $0x1  }
0xa3: {  	[sflag:s23] =	ssyncset.done $0x0  }
0xa4: {  	s25 =	simm.s32 $0x1B8E;
	s24 =	sld [smem:$0x3FFE];
	[sflag:s23] =	ssyncadd.s32 $0xFFFFFFFF  }
0xa5: {  	s26 =	simm.s32 $execute0_lowered;
	[smem:$0x3FD2] =	sst s25  }
0xa6: {  	s4 =	sshll.u32 s26, $0x1;
	_ =	strace $0x8000004F;
	[dreg:$0x1] =	wrdreg $0xFFFFFFFF  }
0xa7: {  	s28 =	simm.s32 $_size_execute0_lowered;
	s2 =	sadd.s32 s2, s4;
	[dreg:$0x0] =	wrdreg $0x0  }
0xa8: {  	s4 =	sshll.u32 s28, $0x1;
	[dreg:$0x2] =	wrdreg s2  }
0xa9: {  	[dreg:$0x3] =	wrdreg s4  }
0xaa: {  	[dreg:$0x4] =	wrdreg $0xC0  }
0xab: {  	_ =	task [dreg:s6], $0x5FFFF  }
0xac: {  	[dreg:$0x1] =	wrdreg $0xFFFFFFFF  }
0xad: {  	[dreg:$0x0] =	wrdreg $0x60  }
0xae: {  	[dreg:$0x2] =	wrdreg s24  }
0xaf: {  	[dreg:$0x3] =	wrdreg $0x90000  }
0xb0: {  	[dreg:$0x4] =	wrdreg $0x9  }
0xb1: {  	_ =	task.clear_ibuf [dreg:s6], $0x5FFFF;
	_ =	strace $0x9000004F  }
0xb2: {  	s29 =	simm.s32 $0x9;
	_ =	strace $0x80000051  }
0xb3: {  	_ =	swait.ge [sflag:s29], $0x1  }
0xb4: {  	[sflag:s29] =	ssyncadd.s32 $0xFFFFFFFF  }
0xb5: {  	_ =	strace $0x90000051  }
0xb6: {  	_ =	sfence  }
0xb7: {  	s30 =	sld [smem:$0x0];
	_ =	sdelay $0x2  }
0xb8: {  	s31 =	sshll.u32 s1, $0xD;
	s1 =	sshrl.u32 s1, $0x2  }
0xb9: {  	s3 =	sand.u32 $0x4000, s31;
	s1 =	sadd.s32 s1, s30  }
0xba: {  	s0 =	sor.u32 s3, s0;
	s1 =	sshll.u32 s1, $0x11  }
0xbb: {  	s0 =	sor.u32 s1, s0  }
0xbc: {  	s0 =	sadd.s32 $0x8F2B, s0  }
0xbd: {  	[sflag:s0] =	ssyncadd.remote.s32 $0x1  }
0xbe: {  	_ =	sfence.sel $0xFFFF  }
0xbf: {  	[dreg:$0x0] =	wrdreg $0xFFFFFFFF;
	(pc) =	sbr.abs _section_cstart, $3  }
0xc0: {  	[dreg:$0x1] =	wrdreg $0xFFFFFFFF  }
0xc1: {  	_ =	task.clear_ibuf [dreg:s6], $0x2FFFF;
	_ =	strace $0x9FFFFFFF  }
0xc2: {  	(tm) =	ssettm $0x7FFFFFFF  }
0xc3: {  	_ =	shalt  }
tec
execute0_lowered:
.L_overlay_start_1:
0x0: {  	(tag) =	ssettag $0x1  }
0x1: {  	s0 =	srdreg.scid;
	s6 =	rddreg [dreg:$0x0]  }
0x2: {  	s2 =	rddreg [dreg:$0x1];
	s3 =	simm.s32 $0x0;
	s14 =	simm.s32 $0x80  }
0x3: {  	s15 =	simm.s32 $0x5000;
	s16 =	simm.s32 $0x7000;
	s17 =	simm.s32 $0x1  }
0x4: {  	s18 =	simm.s32 $0x2;
	s19 =	simm.s32 $0x2780;
	s20 =	simm.s32 $0x4F00  }
0x5: {  	s21 =	simm.s32 $0x4F80;
	s5 =	sand.u32 $0x1, s0;
	s0 =	stileid.u32  }
0x6: {  	s22 =	simm.s32 $0x0;
	[smem:$0x7FF] =	sst s3;
	s8 =	smul.u32 $0xA000, s0  }
0x7: {  	s4 =	sadd.s32 $0x7BC00, s6;
	s1 =	sshll.u32 s5, $0x4;
	s9 =	smul.u32 $0xA0000, s5  }
0x8: {  	s5 =	ssub.s32 $0x2, s5;
	s12 =	sshll.u32 s0, $0x6;
	s1 =	sor.u32 s0, s1  }
0x9: {  	s31 =	sshrl.u32 s5, $0x1;
	s12 =	sor.u32 $0x1C03, s12;
	s7 =	smul.u32 $0x500, s1  }
0xa: {  	s1 =	rddreg [dreg:$0x2];
	_ =	strace $0x80000050;
	s9 =	sadd.s32 s8, s9  }
0xb: {  	s10 =	sshrl.u32 s8, $0x3;
	s11 =	ssub.s32 s5, s31;
	s13 =	sadd.s32 s8, s2  }
0xc: {  	s9 =	sshrl.u32 s9, $0x3;
	s10 =	sadd.s32 s10, s6;
	s7 =	sadd.s32 s7, s6  }
0xd: {  	s13 =	sshrl.u32 s13, $0x3;
	s9 =	sadd.s32 s9, s6;
	s5 =	sadd.s32 $0x36A00, s7  }
0xe: {  	s6 =	sadd.s32 $0x2CA00, s7;
	s7 =	sadd.s32 $0x40A00, s10;
	s8 =	sadd.s32 $0x8F600, s9  }
0xf: {  	s9 =	smax.u32 s11, $0x1;
	s10 =	simm.s32 $0x3;
	s11 =	simm.s32 $0x2800  }
.LBB2_1:
0x10: {  	[tilespmem:s3], [sflag:$0x3] =	stream.linear.gather [hbm4b:s5+s3], $0x2800, $0x38;
	[tilespmem:$0x13000] =	vst v63  }
0x11: {  	_ =	swait.ge [sflag:s10], $0x2800  }
0x12: {  	[sflag:s10] =	ssyncset.done $0x0  }
0x13: {  	[sflag:s10] =	ssyncadd.s32 $0xFFFFD800  }
0x14: {  	[tilespmem:s11], [sflag:$0x3] =	stream.linear.gather [hbm4b:s6+s3], $0x2800, $0x38;
	[tilespmem:$0x13000] =	vst v63  }
0x15: {  	_ =	swait.ge [sflag:s10], $0x2800  }
0x16: {  	[sflag:s10] =	ssyncset.done $0x0  }
0x17: {  	[sflag:s10] =	ssyncadd.s32 $0xFFFFD800  }
0x18: {  	[spmem:s13], [sflag:s12] =	dma.local [hbm:s7], $0x1400  }
0x19: {  	_ =	swait.ge [sflag:s10], $0x1400  }
0x1a: {  	[sflag:s10] =	ssyncset.done $0x0  }
0x1b: {  	[sflag:s10] =	ssyncadd.s32 $0xFFFFEC00  }
0x1c: {  	[bflag:$0x0] =	sbarrier.arrive $0xFFFF  }
0x1d: {  	[tilespmem:s15], [sflag:$0x1] =	stream.indirect.gather [hbm4b:s4+s14], $0x40, s3, s14, $0xb8;
	[tilespmem:$0x13000] =	vst v63  }
0x1e: {  	s23 =	simm.s32 $0x80  }
0x1f: {  	[tilespmem:s16], [sflag:$0x2] =	stream.indirect.gather [hbm4b:s4+s14], $0x40, s23, s14, $0xb8;
	[tilespmem:$0x13000] =	vst v63  }
0x20: {  	_ =	swait.ge [sflag:s17], $0x2000  }
0x21: {  	[sflag:s17] =	ssyncset.done $0x0  }
0x22: {  	s29 =	simm.s32 $0x2800;
	[sflag:s17] =	ssyncadd.s32 $0xFFFFE000  }
0x23: {  	[spmem:s2] =	stream.indirect.scatter.add.f32 [tilespmem:s15], [sflag:$0x3], $0x40, s29, s14, $0xb8;
	[tilespmem:$0x13000] =	vst v63  }
0x24: {  	_ =	swait.ge [sflag:s10], $0x2000  }
0x25: {  	[sflag:s10] =	ssyncset.done $0x0  }
0x26: {  	s30 =	simm.s32 $0x100;
	[sflag:s10] =	ssyncadd.s32 $0xFFFFE000  }
0x27: {  	[tilespmem:s15], [sflag:$0x1] =	stream.indirect.gather [hbm4b:s4+s14], $0x40, s30, s14, $0xb8;
	[tilespmem:$0x13000] =	vst v63  }
0x28: {  	_ =	swait.ge [sflag:s18], $0x2000  }
0x29: {  	[sflag:s18] =	ssyncset.done $0x0  }
0x2a: {  	s31 =	simm.s32 $0x2880;
	[sflag:s18] =	ssyncadd.s32 $0xFFFFE000  }
0x2b: {  	[spmem:s2] =	stream.indirect.scatter.add.f32 [tilespmem:s16], [sflag:$0x3], $0x40, s31, s14, $0xb8;
	[tilespmem:$0x13000] =	vst v63  }
0x2c: {  	_ =	swait.ge [sflag:s10], $0x2000  }
0x2d: {  	s24 =	simm.s32 $0x800;
	s23 =	simm.s32 $0x100;
	[sflag:s10] =	ssyncset.done $0x0  }
.LBB2_2:
0x2e: {  	s25 =	sadd.s32 $0x80, s23  }
0x2f: {  	[sflag:s10] =	ssyncadd.s32 $0xFFFFE000;
	s26 =	smov.u32 s24;
	s28 =	sadd.s32 $0x400, s24  }
0x30: {  	[tilespmem:s16], [sflag:$0x2] =	stream.indirect.gather [hbm4b:s4+s14], $0x40, s25, s14, $0xb8;
	[tilespmem:$0x13000] =	vst v63  }
0x31: {  	p0 =	sne.s32 s24, $0x9800;
	_ =	swait.ge [sflag:s17], $0x2000  }
0x32: {  	[sflag:s17] =	ssyncset.done $0x0  }
0x33: {  	s24 =	sadd.s32 $0x2800, s23;
	[sflag:s17] =	ssyncadd.s32 $0xFFFFE000  }
0x34: {  	[spmem:s2] =	stream.indirect.scatter.add.f32 [tilespmem:s15], [sflag:$0x3], $0x40, s24, s14, $0xb8;
	[tilespmem:$0x13000] =	vst v63  }
0x35: {  	_ =	swait.ge [sflag:s10], $0x2000  }
0x36: {  	[sflag:s10] =	ssyncset.done $0x0  }
0x37: {  	s24 =	sadd.s32 $0x100, s23;
	[sflag:s10] =	ssyncadd.s32 $0xFFFFE000  }
0x38: {  	[tilespmem:s15], [sflag:$0x1] =	stream.indirect.gather [hbm4b:s4+s14], $0x40, s24, s14, $0xb8;
	[tilespmem:$0x13000] =	vst v63  }
0x39: {  	_ =	swait.ge [sflag:s18], $0x2000  }
.Ltmp0:
0x3a: {  	[sflag:s18] =	ssyncset.done $0x0;
	(pc) =	sbr.rel @p0 .LBB2_2-.Ltmp0, $4  }
0x3b: {  	s23 =	sadd.s32 $0x2880, s23;
	[sflag:s18] =	ssyncadd.s32 $0xFFFFE000  }
0x3c: {  	[spmem:s2] =	stream.indirect.scatter.add.f32 [tilespmem:s16], [sflag:$0x3], $0x40, s23, s14, $0xb8;
	[tilespmem:$0x13000] =	vst v63  }
0x3d: {  	_ =	swait.ge [sflag:s10], $0x2000  }
0x3e: {  	s24 =	smov.u32 s28;
	s23 =	sshra.s32 s26, $0x2;
	[sflag:s10] =	ssyncset.done $0x0  }
0x3f: {  	s24 =	sadd.s32 $0x80, s23;
	[sflag:s10] =	ssyncadd.s32 $0xFFFFE000  }
0x40: {  	[tilespmem:s16], [sflag:$0x2] =	stream.indirect.gather [hbm4b:s4+s14], $0x40, s24, s14, $0xb8;
	[tilespmem:$0x13000] =	vst v63  }
0x41: {  	_ =	swait.ge [sflag:s17], $0x2000  }
0x42: {  	[sflag:s17] =	ssyncset.done $0x0  }
0x43: {  	s29 =	sadd.s32 $0x2800, s23;
	[sflag:s17] =	ssyncadd.s32 $0xFFFFE000  }
0x44: {  	[spmem:s2] =	stream.indirect.scatter.add.f32 [tilespmem:s15], [sflag:$0x3], $0x40, s29, s14, $0xb8;
	[tilespmem:$0x13000] =	vst v63  }
0x45: {  	_ =	swait.ge [sflag:s10], $0x2000  }
0x46: {  	[sflag:s10] =	ssyncset.done $0x0  }
0x47: {  	s30 =	sadd.s32 $0x100, s23;
	[sflag:s10] =	ssyncadd.s32 $0xFFFFE000  }
0x48: {  	[tilespmem:s15], [sflag:$0x1] =	stream.indirect.gather [hbm4b:s4+s14], $0x40, s30, s14, $0xb8;
	[tilespmem:$0x13000] =	vst v63  }
0x49: {  	_ =	swait.ge [sflag:s18], $0x2000  }
0x4a: {  	[sflag:s18] =	ssyncset.done $0x0  }
0x4b: {  	s31 =	sadd.s32 $0x2880, s23;
	[sflag:s18] =	ssyncadd.s32 $0xFFFFE000  }
0x4c: {  	[spmem:s2] =	stream.indirect.scatter.add.f32 [tilespmem:s16], [sflag:$0x3], $0x40, s31, s14, $0xb8;
	[tilespmem:$0x13000] =	vst v63  }
0x4d: {  	_ =	swait.ge [sflag:s10], $0x2000  }
0x4e: {  	[sflag:s10] =	ssyncset.done $0x0  }
0x4f: {  	[sflag:s10] =	ssyncadd.s32 $0xFFFFE000  }
0x50: {  	[tilespmem:s16], [sflag:$0x2] =	stream.indirect.gather [hbm4b:s4+s14], $0x40, s19, s14, $0xb8;
	[tilespmem:$0x13000] =	vst v63  }
0x51: {  	_ =	swait.ge [sflag:s17], $0x2000  }
0x52: {  	[sflag:s17] =	ssyncset.done $0x0  }
0x53: {  	[sflag:s17] =	ssyncadd.s32 $0xFFFFE000  }
0x54: {  	[spmem:s2] =	stream.indirect.scatter.add.f32 [tilespmem:s15], [sflag:$0x3], $0x40, s20, s14, $0xb8;
	[tilespmem:$0x13000] =	vst v63  }
0x55: {  	_ =	swait.ge [sflag:s10], $0x2000  }
0x56: {  	[sflag:s10] =	ssyncset.done $0x0  }
0x57: {  	[sflag:s10] =	ssyncadd.s32 $0xFFFFE000  }
0x58: {  	_ =	swait.ge [sflag:s18], $0x2000  }
0x59: {  	[sflag:s18] =	ssyncset.done $0x0  }
0x5a: {  	[sflag:s18] =	ssyncadd.s32 $0xFFFFE000  }
0x5b: {  	[spmem:s2] =	stream.indirect.scatter.add.f32 [tilespmem:s16], [sflag:$0x3], $0x40, s21, s14, $0xb8;
	[tilespmem:$0x13000] =	vst v63  }
0x5c: {  	_ =	swait.ge [sflag:s10], $0x2000  }
0x5d: {  	s22 =	sadd.s32 $0x1, s22;
	[sflag:s10] =	ssyncset.done $0x0  }
0x5e: {  	p0 =	sne.s32 s22, s9;
	[sflag:s10] =	ssyncadd.s32 $0xFFFFE000  }
.Ltmp1:
0x5f: {  	[bflag:$0x0] =	sbarrier.arrive $0xFFFF;
	(pc) =	sbr.rel @p0 .LBB2_1-.Ltmp1, $4  }
0x60: {  	[hbm:s8], [sflag:s12] =	dma.local [spmem:s13], $0x1400  }
0x61: {  	_ =	swait.ge [sflag:s10], $0x1400  }
0x62: {  	[sflag:s10] =	ssyncset.done $0x0  }
0x63: {  	[sflag:s10] =	ssyncadd.s32 $0xFFFFEC00  }
0x64: {  	_ =	sfence.sel $0x180000  }
0x65: {  	[bflag:$0x0] =	sbarrier.arrive $0xFFFF  }
0x66: {  	p0 =	sne.s32 s0, $0x0;
	_ =	strace $0x90000050  }
0x67: {  	s0 =	sadd.s32 @!p0 $0x100000, s1;
	[bflag:$0x2] =	sbarrier.arrive $0xFFFF  }
0x68: {  	[sflag:s0] =	ssyncadd.tile.s32 @!p0 $0x1;
	_ =	shalt  }
.Lfunc_end2:
_tile_overlayer_lowered:
.L_overlay_start_2:
0x69: {  	(tag) =	ssettag $0x2  }
0x6a: {  	s0 =	rddreg [dreg:$0x0];
	s2 =	stileid.u32  }
0x6b: {  	s1 =	rddreg [dreg:$0x1];
	p0 =	sne.s32 s2, $0x0  }
0x6c: {  	s3 =	rddreg [dreg:$0x2];
	[bflag:$0x3] =	sbarrier.arrive $0xFFFF;
	s2 =	simm.s32 @!p0 $0x1C03  }
0x6d: {  	[timem:s3], [sflag:s2] =	dma.local @!p0 [hbm:s0], s1  }
0x6e: {  	s0 =	simm.s32 @!p0 $0x3  }
0x6f: {  	_ =	swait.ge @!p0 [sflag:s0], s1  }
0x70: {  	s1 =	ssub.s32 @!p0 $0x0, s1;
	[sflag:s0] =	ssyncset.done @!p0 $0x0  }
0x71: {  	[sflag:s0] =	ssyncadd.s32 @!p0 s1  }
0x72: {  	[bflag:$0x3] =	sbarrier.arrive $0xFFFF  }
0x73: {  	_ =	shalt  }

</sc_bundles>
